<compile_context>
chip_gen: v7x
topology: tpu7x:2x2x1
jax: 0.10.2.dev20260603
libtpu: 0.0.44.dev20260713+nightly
codegen_flags: <defaults>
</compile_context>

<pallas_src>
import functools

import jax
import jax.numpy as jnp
from jax import lax
from jax.experimental import pallas as pl
from jax.experimental.pallas import tpu as pltpu
from jax.experimental.pallas import tpu_sc as plsc

_CHUNK_ROWS = 16


def _make_sc_copy(bsz: int, seq_len: int, emb_dim: int):
    info = plsc.get_sparse_core_info()
    nc, ns = info.num_cores, info.num_subcores
    nw = nc * ns
    assert seq_len % (nw * _CHUNK_ROWS) == 0
    rows_per_w = seq_len // nw
    nchunks = rows_per_w // _CHUNK_ROWS

    mesh = plsc.VectorSubcoreMesh(core_axis_name="c", subcore_axis_name="s")

    @functools.partial(
        pl.kernel,
        mesh=mesh,
        out_type=jax.ShapeDtypeStruct((bsz, seq_len, emb_dim), jnp.float32),
        scratch_types=[
            pltpu.VMEM((2, _CHUNK_ROWS, emb_dim), jnp.float32),
            pltpu.SemaphoreType.DMA,
            pltpu.SemaphoreType.DMA,
            pltpu.SemaphoreType.DMA,
            pltpu.SemaphoreType.DMA,
        ],
    )
    def sc_copy(weight_hbm, out_hbm, buf, rs0, rs1, ws0, ws1):
        wid = lax.axis_index("s") * nc + lax.axis_index("c")
        base = wid * rows_per_w
        rsem = (rs0, rs1)
        wsem = (ws0, ws1)

        def read_copy(i):
            return pltpu.make_async_copy(
                weight_hbm.at[pl.ds(base + i * _CHUNK_ROWS, _CHUNK_ROWS)],
                buf.at[i % 2],
                rsem[i % 2],
            )

        def write_copies(i):
            return [
                pltpu.make_async_copy(
                    buf.at[i % 2],
                    out_hbm.at[b, pl.ds(base + i * _CHUNK_ROWS, _CHUNK_ROWS)],
                    wsem[i % 2],
                )
                for b in range(bsz)
            ]

        read_copy(0).start()
        pending = {}
        for i in range(nchunks):
            if i + 1 < nchunks:
                if i >= 1:
                    for c in pending.pop(i - 1):
                        c.wait()
                read_copy(i + 1).start()
            read_copy(i).wait()
            ws = write_copies(i)
            for c in ws:
                c.start()
            pending[i] = ws
        for i in sorted(pending):
            for c in pending[i]:
                c.wait()

    return sc_copy


def kernel(input_ids, weight):
    bsz, seq_len = input_ids.shape
    emb_dim = weight.shape[1]
    return _make_sc_copy(bsz, seq_len, emb_dim)(weight)

# --- scband reference (transcript-rebuilt; emitter-appended) ---
"""Pipeline reference for scband-positional-embedding-33801392619991 (READ-ONLY COPY).

The authoritative reference and input builder live on the scoring server;
editing this copy changes nothing except your own understanding.
"""

import jax, jax.numpy as jnp
import numpy as np

NUM_EMBEDDINGS = 8192
EMBEDDING_DIM = 2048
PADDING_IDX = 0
BATCH = 4
SEQ_LEN = 8192


def setup_inputs(seed: int = 0) -> dict:
    key = jax.random.key(seed)
    k1, k2 = jax.random.split(key)
    input_ids = jax.random.randint(k1, (BATCH, SEQ_LEN), 0, NUM_EMBEDDINGS, dtype=jnp.int64 if jax.config.jax_enable_x64 else jnp.int32)
    # learned=True -> nn.Embedding weight, with padding_idx row zeroed at init
    weight = jax.random.normal(k2, (NUM_EMBEDDINGS, EMBEDDING_DIM), dtype=jnp.float32)
    weight = weight.at[PADDING_IDX].set(0.0)
    return {"input_ids": input_ids, "weight": weight}


def reference(input_ids, weight):
    # positions = arange(seq_len) broadcast over batch
    bsz, seq_len = input_ids.shape
    positions = jnp.arange(seq_len, dtype=jnp.int32)
    positions = jnp.broadcast_to(positions[None, :], (bsz, seq_len))
    # embedding gather: pos_emb[b, s, :] = weight[positions[b, s], :]
    pos_emb = jnp.take(weight, positions, axis=0)
    return pos_emb

if __name__ == "__main__":
    import jax
    _d = setup_inputs()
    print(jax.jit(kernel)(*tuple(_d.values())))

</pallas_src>

<mosaic_0001>
#map = affine_map<(d0, d1) -> (0, 0)>
#map1 = affine_map<(d0, d1) -> (0, 0, 0)>
module attributes {stable_mosaic.version = 14 : i64} {
  func.func @sc_copy(%arg0: i32, %arg1: i32, %arg2: memref<8192x2048xf32, #tpu.memory_space<hbm>>, %arg3: memref<4x8192x2048xf32, #tpu.memory_space<hbm>>, %arg4: memref<2x16x2048xf32, #tpu.memory_space<vmem>>, %arg5: memref<!tpu.dma_semaphore, #tpu.memory_space<semaphore_mem>>, %arg6: memref<!tpu.dma_semaphore, #tpu.memory_space<semaphore_mem>>, %arg7: memref<!tpu.dma_semaphore, #tpu.memory_space<semaphore_mem>>, %arg8: memref<!tpu.dma_semaphore, #tpu.memory_space<semaphore_mem>>) attributes {dimension_semantics = [#tpu.dimension_semantics<core_parallel>, #tpu.dimension_semantics<subcore_parallel>], iteration_bounds = array<i64: 2, 16>, scalar_prefetch = 0 : i64, scratch_operands = 5 : i64, tpu.core_type = #tpu.core_type<sc_vector_subcore>, window_params = [{transform_indices = #map}, {transform_indices = #map1}]} {
    %mul3A = arith.constant 2 : i32
    %mul3A_0 = arith.muli %arg1, %mul3A : i32
    %add3A = arith.addi %mul3A_0, %arg0 : i32
    %mul3A_1 = arith.constant 256 : i32
    %mul3A_2 = arith.muli %add3A, %mul3A_1 : i32
    %add3A_3 = arith.constant 0 : i32
    %add3A_4 = arith.addi %mul3A_2, %add3A_3 : i32
    %dma_start3A = arith.constant 0 : i32
    %dma_start3A_5 = arith.constant 0 : i32
    %dma_start3A_6 = arith.constant 0 : i32
    %dma_start3A_7 = tpu.memref_slice %arg4[%dma_start3A, %dma_start3A_5, %dma_start3A_6] : memref<2x16x2048xf32, #tpu.memory_space<vmem>> -> memref<1x16x2048xf32, #tpu.memory_space<vmem>>
    %dma_start3A_8 = tpu.memref_squeeze %dma_start3A_7 : memref<1x16x2048xf32, #tpu.memory_space<vmem>> -> memref<16x2048xf32, #tpu.memory_space<vmem>>
    %dma_start3A_9 = arith.constant 0 : i32
    %dma_start3A_10 = tpu.memref_slice %arg2[%add3A_4, %dma_start3A_9] : memref<8192x2048xf32, #tpu.memory_space<hbm>> -> memref<16x2048xf32, #tpu.memory_space<hbm>>
    %dma_start3A_11 = arith.constant 0 : i32
    %dma_start3A_12 = arith.constant 0 : i32
    %dma_start3A_13 = tpu.memref_slice %arg4[%dma_start3A, %dma_start3A_11, %dma_start3A_12] : memref<2x16x2048xf32, #tpu.memory_space<vmem>> -> memref<1x16x2048xf32, #tpu.memory_space<vmem>>
    %dma_start3A_14 = tpu.memref_squeeze %dma_start3A_13 : memref<1x16x2048xf32, #tpu.memory_space<vmem>> -> memref<16x2048xf32, #tpu.memory_space<vmem>>
    %dma_start3A_15 = arith.constant 0 : i32
    %dma_start3A_16 = tpu.memref_slice %arg2[%add3A_4, %dma_start3A_15] : memref<8192x2048xf32, #tpu.memory_space<hbm>> -> memref<16x2048xf32, #tpu.memory_space<hbm>>
    tpu.enqueue_dma source(%dma_start3A_16 : memref<16x2048xf32, #tpu.memory_space<hbm>>) target(%dma_start3A_14 : memref<16x2048xf32, #tpu.memory_space<vmem>>) target_semaphore(%arg5 : memref<!tpu.dma_semaphore, #tpu.memory_space<semaphore_mem>>)
    %add3A_17 = arith.constant 16 : i32
    %add3A_18 = arith.addi %mul3A_2, %add3A_17 : i32
    %dma_start3A_19 = arith.constant 1 : i32
    %dma_start3A_20 = arith.constant 0 : i32
    %dma_start3A_21 = arith.constant 0 : i32
    %dma_start3A_22 = tpu.memref_slice %arg4[%dma_start3A_19, %dma_start3A_20, %dma_start3A_21] : memref<2x16x2048xf32, #tpu.memory_space<vmem>> -> memref<1x16x2048xf32, #tpu.memory_space<vmem>>
    %dma_start3A_23 = tpu.memref_squeeze %dma_start3A_22 : memref<1x16x2048xf32, #tpu.memory_space<vmem>> -> memref<16x2048xf32, #tpu.memory_space<vmem>>
    %dma_start3A_24 = arith.constant 0 : i32
    %dma_start3A_25 = tpu.memref_slice %arg2[%add3A_18, %dma_start3A_24] : memref<8192x2048xf32, #tpu.memory_space<hbm>> -> memref<16x2048xf32, #tpu.memory_space<hbm>>
    %dma_start3A_26 = arith.constant 0 : i32
    %dma_start3A_27 = arith.constant 0 : i32
    %dma_start3A_28 = tpu.memref_slice %arg4[%dma_start3A_19, %dma_start3A_26, %dma_start3A_27] : memref<2x16x2048xf32, #tpu.memory_space<vmem>> -> memref<1x16x2048xf32, #tpu.memory_space<vmem>>
    %dma_start3A_29 = tpu.memref_squeeze %dma_start3A_28 : memref<1x16x2048xf32, #tpu.memory_space<vmem>> -> memref<16x2048xf32, #tpu.memory_space<vmem>>
    %dma_start3A_30 = arith.constant 0 : i32
    %dma_start3A_31 = tpu.memref_slice %arg2[%add3A_18, %dma_start3A_30] : memref<8192x2048xf32, #tpu.memory_space<hbm>> -> memref<16x2048xf32, #tpu.memory_space<hbm>>
    tpu.enqueue_dma source(%dma_start3A_31 : memref<16x2048xf32, #tpu.memory_space<hbm>>) target(%dma_start3A_29 : memref<16x2048xf32, #tpu.memory_space<vmem>>) target_semaphore(%arg6 : memref<!tpu.dma_semaphore, #tpu.memory_space<semaphore_mem>>)
    %add3A_32 = arith.constant 0 : i32
    %add3A_33 = arith.addi %mul3A_2, %add3A_32 : i32
    %dma_wait3A = arith.constant 0 : i32
    %dma_wait3A_34 = arith.constant 0 : i32
    %dma_wait3A_35 = arith.constant 0 : i32
    %dma_wait3A_36 = tpu.memref_slice %arg4[%dma_wait3A, %dma_wait3A_34, %dma_wait3A_35] : memref<2x16x2048xf32, #tpu.memory_space<vmem>> -> memref<1x16x2048xf32, #tpu.memory_space<vmem>>
    %dma_wait3A_37 = tpu.memref_squeeze %dma_wait3A_36 : memref<1x16x2048xf32, #tpu.memory_space<vmem>> -> memref<16x2048xf32, #tpu.memory_space<vmem>>
    %dma_wait3A_38 = arith.constant 0 : i32
    %dma_wait3A_39 = tpu.memref_slice %arg2[%add3A_33, %dma_wait3A_38] : memref<8192x2048xf32, #tpu.memory_space<hbm>> -> memref<16x2048xf32, #tpu.memory_space<hbm>>
    %dma_wait3A_40 = arith.constant 0 : i32
    %dma_wait3A_41 = arith.constant 0 : i32
    %dma_wait3A_42 = tpu.memref_slice %arg4[%dma_wait3A, %dma_wait3A_40, %dma_wait3A_41] : memref<2x16x2048xf32, #tpu.memory_space<vmem>> -> memref<1x16x2048xf32, #tpu.memory_space<vmem>>
    %dma_wait3A_43 = tpu.memref_squeeze %dma_wait3A_42 : memref<1x16x2048xf32, #tpu.memory_space<vmem>> -> memref<16x2048xf32, #tpu.memory_space<vmem>>
    %dma_wait3A_44 = arith.constant 0 : i32
    %dma_wait3A_45 = tpu.memref_slice %arg2[%add3A_33, %dma_wait3A_44] : memref<8192x2048xf32, #tpu.memory_space<hbm>> -> memref<16x2048xf32, #tpu.memory_space<hbm>>
    tpu.wait_dma2 semaphore(%arg5 : memref<!tpu.dma_semaphore, #tpu.memory_space<semaphore_mem>>) src(%dma_wait3A_45 : memref<16x2048xf32, #tpu.memory_space<hbm>>) dst(%dma_wait3A_43 : memref<16x2048xf32, #tpu.memory_space<vmem>>)
    %add3A_46 = arith.constant 0 : i32
    %add3A_47 = arith.addi %mul3A_2, %add3A_46 : i32
    %add3A_48 = arith.constant 0 : i32
    %add3A_49 = arith.addi %mul3A_2, %add3A_48 : i32
    %add3A_50 = arith.constant 0 : i32
    %add3A_51 = arith.addi %mul3A_2, %add3A_50 : i32
    %add3A_52 = arith.constant 0 : i32
    %add3A_53 = arith.addi %mul3A_2, %add3A_52 : i32
    %dma_start3A_54 = arith.constant 0 : i32
    %dma_start3A_55 = arith.constant 0 : i32
    %dma_start3A_56 = arith.constant 0 : i32
    %dma_start3A_57 = arith.constant 0 : i32
    %dma_start3A_58 = tpu.memref_slice %arg4[%dma_start3A_54, %dma_start3A_56, %dma_start3A_57] : memref<2x16x2048xf32, #tpu.memory_space<vmem>> -> memref<1x16x2048xf32, #tpu.memory_space<vmem>>
    %dma_start3A_59 = tpu.memref_squeeze %dma_start3A_58 : memref<1x16x2048xf32, #tpu.memory_space<vmem>> -> memref<16x2048xf32, #tpu.memory_space<vmem>>
    %dma_start3A_60 = arith.constant 0 : i32
    %dma_start3A_61 = tpu.memref_slice %arg3[%dma_start3A_55, %add3A_47, %dma_start3A_60] : memref<4x8192x2048xf32, #tpu.memory_space<hbm>> -> memref<1x16x2048xf32, #tpu.memory_space<hbm>>
    %dma_start3A_62 = tpu.memref_squeeze %dma_start3A_61 : memref<1x16x2048xf32, #tpu.memory_space<hbm>> -> memref<16x2048xf32, #tpu.memory_space<hbm>>
    %dma_start3A_63 = arith.constant 0 : i32
    %dma_start3A_64 = tpu.memref_slice %arg3[%dma_start3A_55, %add3A_47, %dma_start3A_63] : memref<4x8192x2048xf32, #tpu.memory_space<hbm>> -> memref<1x16x2048xf32, #tpu.memory_space<hbm>>
    %dma_start3A_65 = tpu.memref_squeeze %dma_start3A_64 : memref<1x16x2048xf32, #tpu.memory_space<hbm>> -> memref<16x2048xf32, #tpu.memory_space<hbm>>
    %dma_start3A_66 = arith.constant 0 : i32
    %dma_start3A_67 = arith.constant 0 : i32
    %dma_start3A_68 = tpu.memref_slice %arg4[%dma_start3A_54, %dma_start3A_66, %dma_start3A_67] : memref<2x16x2048xf32, #tpu.memory_space<vmem>> -> memref<1x16x2048xf32, #tpu.memory_space<vmem>>
    %dma_start3A_69 = tpu.memref_squeeze %dma_start3A_68 : memref<1x16x2048xf32, #tpu.memory_space<vmem>> -> memref<16x2048xf32, #tpu.memory_space<vmem>>
    tpu.enqueue_dma source(%dma_start3A_69 : memref<16x2048xf32, #tpu.memory_space<vmem>>) target(%dma_start3A_65 : memref<16x2048xf32, #tpu.memory_space<hbm>>) target_semaphore(%arg7 : memref<!tpu.dma_semaphore, #tpu.memory_space<semaphore_mem>>)
    %dma_start3A_70 = arith.constant 0 : i32
    %dma_start3A_71 = arith.constant 1 : i32
    %dma_start3A_72 = arith.constant 0 : i32
    %dma_start3A_73 = arith.constant 0 : i32
    %dma_start3A_74 = tpu.memref_slice %arg4[%dma_start3A_70, %dma_start3A_72, %dma_start3A_73] : memref<2x16x2048xf32, #tpu.memory_space<vmem>> -> memref<1x16x2048xf32, #tpu.memory_space<vmem>>
    %dma_start3A_75 = tpu.memref_squeeze %dma_start3A_74 : memref<1x16x2048xf32, #tpu.memory_space<vmem>> -> memref<16x2048xf32, #tpu.memory_space<vmem>>
    %dma_start3A_76 = arith.constant 0 : i32
    %dma_start3A_77 = tpu.memref_slice %arg3[%dma_start3A_71, %add3A_49, %dma_start3A_76] : memref<4x8192x2048xf32, #tpu.memory_space<hbm>> -> memref<1x16x2048xf32, #tpu.memory_space<hbm>>
    %dma_start3A_78 = tpu.memref_squeeze %dma_start3A_77 : memref<1x16x2048xf32, #tpu.memory_space<hbm>> -> memref<16x2048xf32, #tpu.memory_space<hbm>>
    %dma_start3A_79 = arith.constant 0 : i32
    %dma_start3A_80 = tpu.memref_slice %arg3[%dma_start3A_71, %add3A_49, %dma_start3A_79] : memref<4x8192x2048xf32, #tpu.memory_space<hbm>> -> memref<1x16x2048xf32, #tpu.memory_space<hbm>>
    %dma_start3A_81 = tpu.memref_squeeze %dma_start3A_80 : memref<1x16x2048xf32, #tpu.memory_space<hbm>> -> memref<16x2048xf32, #tpu.memory_space<hbm>>
    %dma_start3A_82 = arith.constant 0 : i32
    %dma_start3A_83 = arith.constant 0 : i32
    %dma_start3A_84 = tpu.memref_slice %arg4[%dma_start3A_70, %dma_start3A_82, %dma_start3A_83] : memref<2x16x2048xf32, #tpu.memory_space<vmem>> -> memref<1x16x2048xf32, #tpu.memory_space<vmem>>
    %dma_start3A_85 = tpu.memref_squeeze %dma_start3A_84 : memref<1x16x2048xf32, #tpu.memory_space<vmem>> -> memref<16x2048xf32, #tpu.memory_space<vmem>>
    tpu.enqueue_dma source(%dma_start3A_85 : memref<16x2048xf32, #tpu.memory_space<vmem>>) target(%dma_start3A_81 : memref<16x2048xf32, #tpu.memory_space<hbm>>) target_semaphore(%arg7 : memref<!tpu.dma_semaphore, #tpu.memory_space<semaphore_mem>>)
    %dma_start3A_86 = arith.constant 0 : i32
    %dma_start3A_87 = arith.constant 2 : i32
    %dma_start3A_88 = arith.constant 0 : i32
    %dma_start3A_89 = arith.constant 0 : i32
    %dma_start3A_90 = tpu.memref_slice %arg4[%dma_start3A_86, %dma_start3A_88, %dma_start3A_89] : memref<2x16x2048xf32, #tpu.memory_space<vmem>> -> memref<1x16x2048xf32, #tpu.memory_space<vmem>>
    %dma_start3A_91 = tpu.memref_squeeze %dma_start3A_90 : memref<1x16x2048xf32, #tpu.memory_space<vmem>> -> memref<16x2048xf32, #tpu.memory_space<vmem>>
    %dma_start3A_92 = arith.constant 0 : i32
    %dma_start3A_93 = tpu.memref_slice %arg3[%dma_start3A_87, %add3A_51, %dma_start3A_92] : memref<4x8192x2048xf32, #tpu.memory_space<hbm>> -> memref<1x16x2048xf32, #tpu.memory_space<hbm>>
    %dma_start3A_94 = tpu.memref_squeeze %dma_start3A_93 : memref<1x16x2048xf32, #tpu.memory_space<hbm>> -> memref<16x2048xf32, #tpu.memory_space<hbm>>
    %dma_start3A_95 = arith.constant 0 : i32
    %dma_start3A_96 = tpu.memref_slice %arg3[%dma_start3A_87, %add3A_51, %dma_start3A_95] : memref<4x8192x2048xf32, #tpu.memory_space<hbm>> -> memref<1x16x2048xf32, #tpu.memory_space<hbm>>
    %dma_start3A_97 = tpu.memref_squeeze %dma_start3A_96 : memref<1x16x2048xf32, #tpu.memory_space<hbm>> -> memref<16x2048xf32, #tpu.memory_space<hbm>>
    %dma_start3A_98 = arith.constant 0 : i32
    %dma_start3A_99 = arith.constant 0 : i32
    %dma_start3A_100 = tpu.memref_slice %arg4[%dma_start3A_86, %dma_start3A_98, %dma_start3A_99] : memref<2x16x2048xf32, #tpu.memory_space<vmem>> -> memref<1x16x2048xf32, #tpu.memory_space<vmem>>
    %dma_start3A_101 = tpu.memref_squeeze %dma_start3A_100 : memref<1x16x2048xf32, #tpu.memory_space<vmem>> -> memref<16x2048xf32, #tpu.memory_space<vmem>>
    tpu.enqueue_dma source(%dma_start3A_101 : memref<16x2048xf32, #tpu.memory_space<vmem>>) target(%dma_start3A_97 : memref<16x2048xf32, #tpu.memory_space<hbm>>) target_semaphore(%arg7 : memref<!tpu.dma_semaphore, #tpu.memory_space<semaphore_mem>>)
    %dma_start3A_102 = arith.constant 0 : i32
    %dma_start3A_103 = arith.constant 3 : i32
    %dma_start3A_104 = arith.constant 0 : i32
    %dma_start3A_105 = arith.constant 0 : i32
    %dma_start3A_106 = tpu.memref_slice %arg4[%dma_start3A_102, %dma_start3A_104, %dma_start3A_105] : memref<2x16x2048xf32, #tpu.memory_space<vmem>> -> memref<1x16x2048xf32, #tpu.memory_space<vmem>>
    %dma_start3A_107 = tpu.memref_squeeze %dma_start3A_106 : memref<1x16x2048xf32, #tpu.memory_space<vmem>> -> memref<16x2048xf32, #tpu.memory_space<vmem>>
    %dma_start3A_108 = arith.constant 0 : i32
    %dma_start3A_109 = tpu.memref_slice %arg3[%dma_start3A_103, %add3A_53, %dma_start3A_108] : memref<4x8192x2048xf32, #tpu.memory_space<hbm>> -> memref<1x16x2048xf32, #tpu.memory_space<hbm>>
    %dma_start3A_110 = tpu.memref_squeeze %dma_start3A_109 : memref<1x16x2048xf32, #tpu.memory_space<hbm>> -> memref<16x2048xf32, #tpu.memory_space<hbm>>
    %dma_start3A_111 = arith.constant 0 : i32
    %dma_start3A_112 = tpu.memref_slice %arg3[%dma_start3A_103, %add3A_53, %dma_start3A_111] : memref<4x8192x2048xf32, #tpu.memory_space<hbm>> -> memref<1x16x2048xf32, #tpu.memory_space<hbm>>
    %dma_start3A_113 = tpu.memref_squeeze %dma_start3A_112 : memref<1x16x2048xf32, #tpu.memory_space<hbm>> -> memref<16x2048xf32, #tpu.memory_space<hbm>>
    %dma_start3A_114 = arith.constant 0 : i32
    %dma_start3A_115 = arith.constant 0 : i32
    %dma_start3A_116 = tpu.memref_slice %arg4[%dma_start3A_102, %dma_start3A_114, %dma_start3A_115] : memref<2x16x2048xf32, #tpu.memory_space<vmem>> -> memref<1x16x2048xf32, #tpu.memory_space<vmem>>
    %dma_start3A_117 = tpu.memref_squeeze %dma_start3A_116 : memref<1x16x2048xf32, #tpu.memory_space<vmem>> -> memref<16x2048xf32, #tpu.memory_space<vmem>>
    tpu.enqueue_dma source(%dma_start3A_117 : memref<16x2048xf32, #tpu.memory_space<vmem>>) target(%dma_start3A_113 : memref<16x2048xf32, #tpu.memory_space<hbm>>) target_semaphore(%arg7 : memref<!tpu.dma_semaphore, #tpu.memory_space<semaphore_mem>>)
    %dma_wait3A_118 = arith.constant 0 : i32
    %dma_wait3A_119 = arith.constant 0 : i32
    %dma_wait3A_120 = arith.constant 0 : i32
    %dma_wait3A_121 = arith.constant 0 : i32
    %dma_wait3A_122 = tpu.memref_slice %arg4[%dma_wait3A_118, %dma_wait3A_120, %dma_wait3A_121] : memref<2x16x2048xf32, #tpu.memory_space<vmem>> -> memref<1x16x2048xf32, #tpu.memory_space<vmem>>
    %dma_wait3A_123 = tpu.memref_squeeze %dma_wait3A_122 : memref<1x16x2048xf32, #tpu.memory_space<vmem>> -> memref<16x2048xf32, #tpu.memory_space<vmem>>
    %dma_wait3A_124 = arith.constant 0 : i32
    %dma_wait3A_125 = tpu.memref_slice %arg3[%dma_wait3A_119, %add3A_47, %dma_wait3A_124] : memref<4x8192x2048xf32, #tpu.memory_space<hbm>> -> memref<1x16x2048xf32, #tpu.memory_space<hbm>>
    %dma_wait3A_126 = tpu.memref_squeeze %dma_wait3A_125 : memref<1x16x2048xf32, #tpu.memory_space<hbm>> -> memref<16x2048xf32, #tpu.memory_space<hbm>>
    %dma_wait3A_127 = arith.constant 0 : i32
    %dma_wait3A_128 = tpu.memref_slice %arg3[%dma_wait3A_119, %add3A_47, %dma_wait3A_127] : memref<4x8192x2048xf32, #tpu.memory_space<hbm>> -> memref<1x16x2048xf32, #tpu.memory_space<hbm>>
    %dma_wait3A_129 = tpu.memref_squeeze %dma_wait3A_128 : memref<1x16x2048xf32, #tpu.memory_space<hbm>> -> memref<16x2048xf32, #tpu.memory_space<hbm>>
    %dma_wait3A_130 = arith.constant 0 : i32
    %dma_wait3A_131 = arith.constant 0 : i32
    %dma_wait3A_132 = tpu.memref_slice %arg4[%dma_wait3A_118, %dma_wait3A_130, %dma_wait3A_131] : memref<2x16x2048xf32, #tpu.memory_space<vmem>> -> memref<1x16x2048xf32, #tpu.memory_space<vmem>>
    %dma_wait3A_133 = tpu.memref_squeeze %dma_wait3A_132 : memref<1x16x2048xf32, #tpu.memory_space<vmem>> -> memref<16x2048xf32, #tpu.memory_space<vmem>>
    tpu.wait_dma2 semaphore(%arg7 : memref<!tpu.dma_semaphore, #tpu.memory_space<semaphore_mem>>) src(%dma_wait3A_133 : memref<16x2048xf32, #tpu.memory_space<vmem>>) dst(%dma_wait3A_129 : memref<16x2048xf32, #tpu.memory_space<hbm>>)
    %dma_wait3A_134 = arith.constant 0 : i32
    %dma_wait3A_135 = arith.constant 1 : i32
    %dma_wait3A_136 = arith.constant 0 : i32
    %dma_wait3A_137 = arith.constant 0 : i32
    %dma_wait3A_138 = tpu.memref_slice %arg4[%dma_wait3A_134, %dma_wait3A_136, %dma_wait3A_137] : memref<2x16x2048xf32, #tpu.memory_space<vmem>> -> memref<1x16x2048xf32, #tpu.memory_space<vmem>>
    %dma_wait3A_139 = tpu.memref_squeeze %dma_wait3A_138 : memref<1x16x2048xf32, #tpu.memory_space<vmem>> -> memref<16x2048xf32, #tpu.memory_space<vmem>>
    %dma_wait3A_140 = arith.constant 0 : i32
    %dma_wait3A_141 = tpu.memref_slice %arg3[%dma_wait3A_135, %add3A_49, %dma_wait3A_140] : memref<4x8192x2048xf32, #tpu.memory_space<hbm>> -> memref<1x16x2048xf32, #tpu.memory_space<hbm>>
    %dma_wait3A_142 = tpu.memref_squeeze %dma_wait3A_141 : memref<1x16x2048xf32, #tpu.memory_space<hbm>> -> memref<16x2048xf32, #tpu.memory_space<hbm>>
    %dma_wait3A_143 = arith.constant 0 : i32
    %dma_wait3A_144 = tpu.memref_slice %arg3[%dma_wait3A_135, %add3A_49, %dma_wait3A_143] : memref<4x8192x2048xf32, #tpu.memory_space<hbm>> -> memref<1x16x2048xf32, #tpu.memory_space<hbm>>
    %dma_wait3A_145 = tpu.memref_squeeze %dma_wait3A_144 : memref<1x16x2048xf32, #tpu.memory_space<hbm>> -> memref<16x2048xf32, #tpu.memory_space<hbm>>
    %dma_wait3A_146 = arith.constant 0 : i32
    %dma_wait3A_147 = arith.constant 0 : i32
    %dma_wait3A_148 = tpu.memref_slice %arg4[%dma_wait3A_134, %dma_wait3A_146, %dma_wait3A_147] : memref<2x16x2048xf32, #tpu.memory_space<vmem>> -> memref<1x16x2048xf32, #tpu.memory_space<vmem>>
    %dma_wait3A_149 = tpu.memref_squeeze %dma_wait3A_148 : memref<1x16x2048xf32, #tpu.memory_space<vmem>> -> memref<16x2048xf32, #tpu.memory_space<vmem>>
    tpu.wait_dma2 semaphore(%arg7 : memref<!tpu.dma_semaphore, #tpu.memory_space<semaphore_mem>>) src(%dma_wait3A_149 : memref<16x2048xf32, #tpu.memory_space<vmem>>) dst(%dma_wait3A_145 : memref<16x2048xf32, #tpu.memory_space<hbm>>)
    %dma_wait3A_150 = arith.constant 0 : i32
    %dma_wait3A_151 = arith.constant 2 : i32
    %dma_wait3A_152 = arith.constant 0 : i32
    %dma_wait3A_153 = arith.constant 0 : i32
    %dma_wait3A_154 = tpu.memref_slice %arg4[%dma_wait3A_150, %dma_wait3A_152, %dma_wait3A_153] : memref<2x16x2048xf32, #tpu.memory_space<vmem>> -> memref<1x16x2048xf32, #tpu.memory_space<vmem>>
    %dma_wait3A_155 = tpu.memref_squeeze %dma_wait3A_154 : memref<1x16x2048xf32, #tpu.memory_space<vmem>> -> memref<16x2048xf32, #tpu.memory_space<vmem>>
    %dma_wait3A_156 = arith.constant 0 : i32
    %dma_wait3A_157 = tpu.memref_slice %arg3[%dma_wait3A_151, %add3A_51, %dma_wait3A_156] : memref<4x8192x2048xf32, #tpu.memory_space<hbm>> -> memref<1x16x2048xf32, #tpu.memory_space<hbm>>
    %dma_wait3A_158 = tpu.memref_squeeze %dma_wait3A_157 : memref<1x16x2048xf32, #tpu.memory_space<hbm>> -> memref<16x2048xf32, #tpu.memory_space<hbm>>
    %dma_wait3A_159 = arith.constant 0 : i32
    %dma_wait3A_160 = tpu.memref_slice %arg3[%dma_wait3A_151, %add3A_51, %dma_wait3A_159] : memref<4x8192x2048xf32, #tpu.memory_space<hbm>> -> memref<1x16x2048xf32, #tpu.memory_space<hbm>>
    %dma_wait3A_161 = tpu.memref_squeeze %dma_wait3A_160 : memref<1x16x2048xf32, #tpu.memory_space<hbm>> -> memref<16x2048xf32, #tpu.memory_space<hbm>>
    %dma_wait3A_162 = arith.constant 0 : i32
    %dma_wait3A_163 = arith.constant 0 : i32
    %dma_wait3A_164 = tpu.memref_slice %arg4[%dma_wait3A_150, %dma_wait3A_162, %dma_wait3A_163] : memref<2x16x2048xf32, #tpu.memory_space<vmem>> -> memref<1x16x2048xf32, #tpu.memory_space<vmem>>
    %dma_wait3A_165 = tpu.memref_squeeze %dma_wait3A_164 : memref<1x16x2048xf32, #tpu.memory_space<vmem>> -> memref<16x2048xf32, #tpu.memory_space<vmem>>
    tpu.wait_dma2 semaphore(%arg7 : memref<!tpu.dma_semaphore, #tpu.memory_space<semaphore_mem>>) src(%dma_wait3A_165 : memref<16x2048xf32, #tpu.memory_space<vmem>>) dst(%dma_wait3A_161 : memref<16x2048xf32, #tpu.memory_space<hbm>>)
    %dma_wait3A_166 = arith.constant 0 : i32
    %dma_wait3A_167 = arith.constant 3 : i32
    %dma_wait3A_168 = arith.constant 0 : i32
    %dma_wait3A_169 = arith.constant 0 : i32
    %dma_wait3A_170 = tpu.memref_slice %arg4[%dma_wait3A_166, %dma_wait3A_168, %dma_wait3A_169] : memref<2x16x2048xf32, #tpu.memory_space<vmem>> -> memref<1x16x2048xf32, #tpu.memory_space<vmem>>
    %dma_wait3A_171 = tpu.memref_squeeze %dma_wait3A_170 : memref<1x16x2048xf32, #tpu.memory_space<vmem>> -> memref<16x2048xf32, #tpu.memory_space<vmem>>
    %dma_wait3A_172 = arith.constant 0 : i32
    %dma_wait3A_173 = tpu.memref_slice %arg3[%dma_wait3A_167, %add3A_53, %dma_wait3A_172] : memref<4x8192x2048xf32, #tpu.memory_space<hbm>> -> memref<1x16x2048xf32, #tpu.memory_space<hbm>>
    %dma_wait3A_174 = tpu.memref_squeeze %dma_wait3A_173 : memref<1x16x2048xf32, #tpu.memory_space<hbm>> -> memref<16x2048xf32, #tpu.memory_space<hbm>>
    %dma_wait3A_175 = arith.constant 0 : i32
    %dma_wait3A_176 = tpu.memref_slice %arg3[%dma_wait3A_167, %add3A_53, %dma_wait3A_175] : memref<4x8192x2048xf32, #tpu.memory_space<hbm>> -> memref<1x16x2048xf32, #tpu.memory_space<hbm>>
    %dma_wait3A_177 = tpu.memref_squeeze %dma_wait3A_176 : memref<1x16x2048xf32, #tpu.memory_space<hbm>> -> memref<16x2048xf32, #tpu.memory_space<hbm>>
    %dma_wait3A_178 = arith.constant 0 : i32
    %dma_wait3A_179 = arith.constant 0 : i32
    %dma_wait3A_180 = tpu.memref_slice %arg4[%dma_wait3A_166, %dma_wait3A_178, %dma_wait3A_179] : memref<2x16x2048xf32, #tpu.memory_space<vmem>> -> memref<1x16x2048xf32, #tpu.memory_space<vmem>>
    %dma_wait3A_181 = tpu.memref_squeeze %dma_wait3A_180 : memref<1x16x2048xf32, #tpu.memory_space<vmem>> -> memref<16x2048xf32, #tpu.memory_space<vmem>>
    tpu.wait_dma2 semaphore(%arg7 : memref<!tpu.dma_semaphore, #tpu.memory_space<semaphore_mem>>) src(%dma_wait3A_181 : memref<16x2048xf32, #tpu.memory_space<vmem>>) dst(%dma_wait3A_177 : memref<16x2048xf32, #tpu.memory_space<hbm>>)
    %add3A_182 = arith.constant 32 : i32
    %add3A_183 = arith.addi %mul3A_2, %add3A_182 : i32
    %dma_start3A_184 = arith.constant 0 : i32
    %dma_start3A_185 = arith.constant 0 : i32
    %dma_start3A_186 = arith.constant 0 : i32
    %dma_start3A_187 = tpu.memref_slice %arg4[%dma_start3A_184, %dma_start3A_185, %dma_start3A_186] : memref<2x16x2048xf32, #tpu.memory_space<vmem>> -> memref<1x16x2048xf32, #tpu.memory_space<vmem>>
    %dma_start3A_188 = tpu.memref_squeeze %dma_start3A_187 : memref<1x16x2048xf32, #tpu.memory_space<vmem>> -> memref<16x2048xf32, #tpu.memory_space<vmem>>
    %dma_start3A_189 = arith.constant 0 : i32
    %dma_start3A_190 = tpu.memref_slice %arg2[%add3A_183, %dma_start3A_189] : memref<8192x2048xf32, #tpu.memory_space<hbm>> -> memref<16x2048xf32, #tpu.memory_space<hbm>>
    %dma_start3A_191 = arith.constant 0 : i32
    %dma_start3A_192 = arith.constant 0 : i32
    %dma_start3A_193 = tpu.memref_slice %arg4[%dma_start3A_184, %dma_start3A_191, %dma_start3A_192] : memref<2x16x2048xf32, #tpu.memory_space<vmem>> -> memref<1x16x2048xf32, #tpu.memory_space<vmem>>
    %dma_start3A_194 = tpu.memref_squeeze %dma_start3A_193 : memref<1x16x2048xf32, #tpu.memory_space<vmem>> -> memref<16x2048xf32, #tpu.memory_space<vmem>>
    %dma_start3A_195 = arith.constant 0 : i32
    %dma_start3A_196 = tpu.memref_slice %arg2[%add3A_183, %dma_start3A_195] : memref<8192x2048xf32, #tpu.memory_space<hbm>> -> memref<16x2048xf32, #tpu.memory_space<hbm>>
    tpu.enqueue_dma source(%dma_start3A_196 : memref<16x2048xf32, #tpu.memory_space<hbm>>) target(%dma_start3A_194 : memref<16x2048xf32, #tpu.memory_space<vmem>>) target_semaphore(%arg5 : memref<!tpu.dma_semaphore, #tpu.memory_space<semaphore_mem>>)
    %add3A_197 = arith.constant 16 : i32
    %add3A_198 = arith.addi %mul3A_2, %add3A_197 : i32
    %dma_wait3A_199 = arith.constant 1 : i32
    %dma_wait3A_200 = arith.constant 0 : i32
    %dma_wait3A_201 = arith.constant 0 : i32
    %dma_wait3A_202 = tpu.memref_slice %arg4[%dma_wait3A_199, %dma_wait3A_200, %dma_wait3A_201] : memref<2x16x2048xf32, #tpu.memory_space<vmem>> -> memref<1x16x2048xf32, #tpu.memory_space<vmem>>
    %dma_wait3A_203 = tpu.memref_squeeze %dma_wait3A_202 : memref<1x16x2048xf32, #tpu.memory_space<vmem>> -> memref<16x2048xf32, #tpu.memory_space<vmem>>
    %dma_wait3A_204 = arith.constant 0 : i32
    %dma_wait3A_205 = tpu.memref_slice %arg2[%add3A_198, %dma_wait3A_204] : memref<8192x2048xf32, #tpu.memory_space<hbm>> -> memref<16x2048xf32, #tpu.memory_space<hbm>>
    %dma_wait3A_206 = arith.constant 0 : i32
    %dma_wait3A_207 = arith.constant 0 : i32
    %dma_wait3A_208 = tpu.memref_slice %arg4[%dma_wait3A_199, %dma_wait3A_206, %dma_wait3A_207] : memref<2x16x2048xf32, #tpu.memory_space<vmem>> -> memref<1x16x2048xf32, #tpu.memory_space<vmem>>
    %dma_wait3A_209 = tpu.memref_squeeze %dma_wait3A_208 : memref<1x16x2048xf32, #tpu.memory_space<vmem>> -> memref<16x2048xf32, #tpu.memory_space<vmem>>
    %dma_wait3A_210 = arith.constant 0 : i32
    %dma_wait3A_211 = tpu.memref_slice %arg2[%add3A_198, %dma_wait3A_210] : memref<8192x2048xf32, #tpu.memory_space<hbm>> -> memref<16x2048xf32, #tpu.memory_space<hbm>>
    tpu.wait_dma2 semaphore(%arg6 : memref<!tpu.dma_semaphore, #tpu.memory_space<semaphore_mem>>) src(%dma_wait3A_211 : memref<16x2048xf32, #tpu.memory_space<hbm>>) dst(%dma_wait3A_209 : memref<16x2048xf32, #tpu.memory_space<vmem>>)
    %add3A_212 = arith.constant 16 : i32
    %add3A_213 = arith.addi %mul3A_2, %add3A_212 : i32
    %add3A_214 = arith.constant 16 : i32
    %add3A_215 = arith.addi %mul3A_2, %add3A_214 : i32
    %add3A_216 = arith.constant 16 : i32
    %add3A_217 = arith.addi %mul3A_2, %add3A_216 : i32
    %add3A_218 = arith.constant 16 : i32
    %add3A_219 = arith.addi %mul3A_2, %add3A_218 : i32
    %dma_start3A_220 = arith.constant 1 : i32
    %dma_start3A_221 = arith.constant 0 : i32
    %dma_start3A_222 = arith.constant 0 : i32
    %dma_start3A_223 = arith.constant 0 : i32
    %dma_start3A_224 = tpu.memref_slice %arg4[%dma_start3A_220, %dma_start3A_222, %dma_start3A_223] : memref<2x16x2048xf32, #tpu.memory_space<vmem>> -> memref<1x16x2048xf32, #tpu.memory_space<vmem>>
    %dma_start3A_225 = tpu.memref_squeeze %dma_start3A_224 : memref<1x16x2048xf32, #tpu.memory_space<vmem>> -> memref<16x2048xf32, #tpu.memory_space<vmem>>
    %dma_start3A_226 = arith.constant 0 : i32
    %dma_start3A_227 = tpu.memref_slice %arg3[%dma_start3A_221, %add3A_213, %dma_start3A_226] : memref<4x8192x2048xf32, #tpu.memory_space<hbm>> -> memref<1x16x2048xf32, #tpu.memory_space<hbm>>
    %dma_start3A_228 = tpu.memref_squeeze %dma_start3A_227 : memref<1x16x2048xf32, #tpu.memory_space<hbm>> -> memref<16x2048xf32, #tpu.memory_space<hbm>>
    %dma_start3A_229 = arith.constant 0 : i32
    %dma_start3A_230 = tpu.memref_slice %arg3[%dma_start3A_221, %add3A_213, %dma_start3A_229] : memref<4x8192x2048xf32, #tpu.memory_space<hbm>> -> memref<1x16x2048xf32, #tpu.memory_space<hbm>>
    %dma_start3A_231 = tpu.memref_squeeze %dma_start3A_230 : memref<1x16x2048xf32, #tpu.memory_space<hbm>> -> memref<16x2048xf32, #tpu.memory_space<hbm>>
    %dma_start3A_232 = arith.constant 0 : i32
    %dma_start3A_233 = arith.constant 0 : i32
    %dma_start3A_234 = tpu.memref_slice %arg4[%dma_start3A_220, %dma_start3A_232, %dma_start3A_233] : memref<2x16x2048xf32, #tpu.memory_space<vmem>> -> memref<1x16x2048xf32, #tpu.memory_space<vmem>>
    %dma_start3A_235 = tpu.memref_squeeze %dma_start3A_234 : memref<1x16x2048xf32, #tpu.memory_space<vmem>> -> memref<16x2048xf32, #tpu.memory_space<vmem>>
    tpu.enqueue_dma source(%dma_start3A_235 : memref<16x2048xf32, #tpu.memory_space<vmem>>) target(%dma_start3A_231 : memref<16x2048xf32, #tpu.memory_space<hbm>>) target_semaphore(%arg8 : memref<!tpu.dma_semaphore, #tpu.memory_space<semaphore_mem>>)
    %dma_start3A_236 = arith.constant 1 : i32
    %dma_start3A_237 = arith.constant 1 : i32
    %dma_start3A_238 = arith.constant 0 : i32
    %dma_start3A_239 = arith.constant 0 : i32
    %dma_start3A_240 = tpu.memref_slice %arg4[%dma_start3A_236, %dma_start3A_238, %dma_start3A_239] : memref<2x16x2048xf32, #tpu.memory_space<vmem>> -> memref<1x16x2048xf32, #tpu.memory_space<vmem>>
    %dma_start3A_241 = tpu.memref_squeeze %dma_start3A_240 : memref<1x16x2048xf32, #tpu.memory_space<vmem>> -> memref<16x2048xf32, #tpu.memory_space<vmem>>
    %dma_start3A_242 = arith.constant 0 : i32
    %dma_start3A_243 = tpu.memref_slice %arg3[%dma_start3A_237, %add3A_215, %dma_start3A_242] : memref<4x8192x2048xf32, #tpu.memory_space<hbm>> -> memref<1x16x2048xf32, #tpu.memory_space<hbm>>
    %dma_start3A_244 = tpu.memref_squeeze %dma_start3A_243 : memref<1x16x2048xf32, #tpu.memory_space<hbm>> -> memref<16x2048xf32, #tpu.memory_space<hbm>>
    %dma_start3A_245 = arith.constant 0 : i32
    %dma_start3A_246 = tpu.memref_slice %arg3[%dma_start3A_237, %add3A_215, %dma_start3A_245] : memref<4x8192x2048xf32, #tpu.memory_space<hbm>> -> memref<1x16x2048xf32, #tpu.memory_space<hbm>>
    %dma_start3A_247 = tpu.memref_squeeze %dma_start3A_246 : memref<1x16x2048xf32, #tpu.memory_space<hbm>> -> memref<16x2048xf32, #tpu.memory_space<hbm>>
    %dma_start3A_248 = arith.constant 0 : i32
    %dma_start3A_249 = arith.constant 0 : i32
    %dma_start3A_250 = tpu.memref_slice %arg4[%dma_start3A_236, %dma_start3A_248, %dma_start3A_249] : memref<2x16x2048xf32, #tpu.memory_space<vmem>> -> memref<1x16x2048xf32, #tpu.memory_space<vmem>>
    %dma_start3A_251 = tpu.memref_squeeze %dma_start3A_250 : memref<1x16x2048xf32, #tpu.memory_space<vmem>> -> memref<16x2048xf32, #tpu.memory_space<vmem>>
    tpu.enqueue_dma source(%dma_start3A_251 : memref<16x2048xf32, #tpu.memory_space<vmem>>) target(%dma_start3A_247 : memref<16x2048xf32, #tpu.memory_space<hbm>>) target_semaphore(%arg8 : memref<!tpu.dma_semaphore, #tpu.memory_space<semaphore_mem>>)
    %dma_start3A_252 = arith.constant 1 : i32
    %dma_start3A_253 = arith.constant 2 : i32
    %dma_start3A_254 = arith.constant 0 : i32
    %dma_start3A_255 = arith.constant 0 : i32
    %dma_start3A_256 = tpu.memref_slice %arg4[%dma_start3A_252, %dma_start3A_254, %dma_start3A_255] : memref<2x16x2048xf32, #tpu.memory_space<vmem>> -> memref<1x16x2048xf32, #tpu.memory_space<vmem>>
    %dma_start3A_257 = tpu.memref_squeeze %dma_start3A_256 : memref<1x16x2048xf32, #tpu.memory_space<vmem>> -> memref<16x2048xf32, #tpu.memory_space<vmem>>
    %dma_start3A_258 = arith.constant 0 : i32
    %dma_start3A_259 = tpu.memref_slice %arg3[%dma_start3A_253, %add3A_217, %dma_start3A_258] : memref<4x8192x2048xf32, #tpu.memory_space<hbm>> -> memref<1x16x2048xf32, #tpu.memory_space<hbm>>
    %dma_start3A_260 = tpu.memref_squeeze %dma_start3A_259 : memref<1x16x2048xf32, #tpu.memory_space<hbm>> -> memref<16x2048xf32, #tpu.memory_space<hbm>>
    %dma_start3A_261 = arith.constant 0 : i32
    %dma_start3A_262 = tpu.memref_slice %arg3[%dma_start3A_253, %add3A_217, %dma_start3A_261] : memref<4x8192x2048xf32, #tpu.memory_space<hbm>> -> memref<1x16x2048xf32, #tpu.memory_space<hbm>>
    %dma_start3A_263 = tpu.memref_squeeze %dma_start3A_262 : memref<1x16x2048xf32, #tpu.memory_space<hbm>> -> memref<16x2048xf32, #tpu.memory_space<hbm>>
    %dma_start3A_264 = arith.constant 0 : i32
    %dma_start3A_265 = arith.constant 0 : i32
    %dma_start3A_266 = tpu.memref_slice %arg4[%dma_start3A_252, %dma_start3A_264, %dma_start3A_265] : memref<2x16x2048xf32, #tpu.memory_space<vmem>> -> memref<1x16x2048xf32, #tpu.memory_space<vmem>>
    %dma_start3A_267 = tpu.memref_squeeze %dma_start3A_266 : memref<1x16x2048xf32, #tpu.memory_space<vmem>> -> memref<16x2048xf32, #tpu.memory_space<vmem>>
    tpu.enqueue_dma source(%dma_start3A_267 : memref<16x2048xf32, #tpu.memory_space<vmem>>) target(%dma_start3A_263 : memref<16x2048xf32, #tpu.memory_space<hbm>>) target_semaphore(%arg8 : memref<!tpu.dma_semaphore, #tpu.memory_space<semaphore_mem>>)
    %dma_start3A_268 = arith.constant 1 : i32
    %dma_start3A_269 = arith.constant 3 : i32
    %dma_start3A_270 = arith.constant 0 : i32
    %dma_start3A_271 = arith.constant 0 : i32
    %dma_start3A_272 = tpu.memref_slice %arg4[%dma_start3A_268, %dma_start3A_270, %dma_start3A_271] : memref<2x16x2048xf32, #tpu.memory_space<vmem>> -> memref<1x16x2048xf32, #tpu.memory_space<vmem>>
    %dma_start3A_273 = tpu.memref_squeeze %dma_start3A_272 : memref<1x16x2048xf32, #tpu.memory_space<vmem>> -> memref<16x2048xf32, #tpu.memory_space<vmem>>
    %dma_start3A_274 = arith.constant 0 : i32
    %dma_start3A_275 = tpu.memref_slice %arg3[%dma_start3A_269, %add3A_219, %dma_start3A_274] : memref<4x8192x2048xf32, #tpu.memory_space<hbm>> -> memref<1x16x2048xf32, #tpu.memory_space<hbm>>
    %dma_start3A_276 = tpu.memref_squeeze %dma_start3A_275 : memref<1x16x2048xf32, #tpu.memory_space<hbm>> -> memref<16x2048xf32, #tpu.memory_space<hbm>>
    %dma_start3A_277 = arith.constant 0 : i32
    %dma_start3A_278 = tpu.memref_slice %arg3[%dma_start3A_269, %add3A_219, %dma_start3A_277] : memref<4x8192x2048xf32, #tpu.memory_space<hbm>> -> memref<1x16x2048xf32, #tpu.memory_space<hbm>>
    %dma_start3A_279 = tpu.memref_squeeze %dma_start3A_278 : memref<1x16x2048xf32, #tpu.memory_space<hbm>> -> memref<16x2048xf32, #tpu.memory_space<hbm>>
    %dma_start3A_280 = arith.constant 0 : i32
    %dma_start3A_281 = arith.constant 0 : i32
    %dma_start3A_282 = tpu.memref_slice %arg4[%dma_start3A_268, %dma_start3A_280, %dma_start3A_281] : memref<2x16x2048xf32, #tpu.memory_space<vmem>> -> memref<1x16x2048xf32, #tpu.memory_space<vmem>>
    %dma_start3A_283 = tpu.memref_squeeze %dma_start3A_282 : memref<1x16x2048xf32, #tpu.memory_space<vmem>> -> memref<16x2048xf32, #tpu.memory_space<vmem>>
    tpu.enqueue_dma source(%dma_start3A_283 : memref<16x2048xf32, #tpu.memory_space<vmem>>) target(%dma_start3A_279 : memref<16x2048xf32, #tpu.memory_space<hbm>>) target_semaphore(%arg8 : memref<!tpu.dma_semaphore, #tpu.memory_space<semaphore_mem>>)
    %dma_wait3A_284 = arith.constant 1 : i32
    %dma_wait3A_285 = arith.constant 0 : i32
    %dma_wait3A_286 = arith.constant 0 : i32
    %dma_wait3A_287 = arith.constant 0 : i32
    %dma_wait3A_288 = tpu.memref_slice %arg4[%dma_wait3A_284, %dma_wait3A_286, %dma_wait3A_287] : memref<2x16x2048xf32, #tpu.memory_space<vmem>> -> memref<1x16x2048xf32, #tpu.memory_space<vmem>>
    %dma_wait3A_289 = tpu.memref_squeeze %dma_wait3A_288 : memref<1x16x2048xf32, #tpu.memory_space<vmem>> -> memref<16x2048xf32, #tpu.memory_space<vmem>>
    %dma_wait3A_290 = arith.constant 0 : i32
    %dma_wait3A_291 = tpu.memref_slice %arg3[%dma_wait3A_285, %add3A_213, %dma_wait3A_290] : memref<4x8192x2048xf32, #tpu.memory_space<hbm>> -> memref<1x16x2048xf32, #tpu.memory_space<hbm>>
    %dma_wait3A_292 = tpu.memref_squeeze %dma_wait3A_291 : memref<1x16x2048xf32, #tpu.memory_space<hbm>> -> memref<16x2048xf32, #tpu.memory_space<hbm>>
    %dma_wait3A_293 = arith.constant 0 : i32
    %dma_wait3A_294 = tpu.memref_slice %arg3[%dma_wait3A_285, %add3A_213, %dma_wait3A_293] : memref<4x8192x2048xf32, #tpu.memory_space<hbm>> -> memref<1x16x2048xf32, #tpu.memory_space<hbm>>
    %dma_wait3A_295 = tpu.memref_squeeze %dma_wait3A_294 : memref<1x16x2048xf32, #tpu.memory_space<hbm>> -> memref<16x2048xf32, #tpu.memory_space<hbm>>
    %dma_wait3A_296 = arith.constant 0 : i32
    %dma_wait3A_297 = arith.constant 0 : i32
    %dma_wait3A_298 = tpu.memref_slice %arg4[%dma_wait3A_284, %dma_wait3A_296, %dma_wait3A_297] : memref<2x16x2048xf32, #tpu.memory_space<vmem>> -> memref<1x16x2048xf32, #tpu.memory_space<vmem>>
    %dma_wait3A_299 = tpu.memref_squeeze %dma_wait3A_298 : memref<1x16x2048xf32, #tpu.memory_space<vmem>> -> memref<16x2048xf32, #tpu.memory_space<vmem>>
    tpu.wait_dma2 semaphore(%arg8 : memref<!tpu.dma_semaphore, #tpu.memory_space<semaphore_mem>>) src(%dma_wait3A_299 : memref<16x2048xf32, #tpu.memory_space<vmem>>) dst(%dma_wait3A_295 : memref<16x2048xf32, #tpu.memory_space<hbm>>)
    %dma_wait3A_300 = arith.constant 1 : i32
    %dma_wait3A_301 = arith.constant 1 : i32
    %dma_wait3A_302 = arith.constant 0 : i32
    %dma_wait3A_303 = arith.constant 0 : i32
    %dma_wait3A_304 = tpu.memref_slice %arg4[%dma_wait3A_300, %dma_wait3A_302, %dma_wait3A_303] : memref<2x16x2048xf32, #tpu.memory_space<vmem>> -> memref<1x16x2048xf32, #tpu.memory_space<vmem>>
    %dma_wait3A_305 = tpu.memref_squeeze %dma_wait3A_304 : memref<1x16x2048xf32, #tpu.memory_space<vmem>> -> memref<16x2048xf32, #tpu.memory_space<vmem>>
    %dma_wait3A_306 = arith.constant 0 : i32
    %dma_wait3A_307 = tpu.memref_slice %arg3[%dma_wait3A_301, %add3A_215, %dma_wait3A_306] : memref<4x8192x2048xf32, #tpu.memory_space<hbm>> -> memref<1x16x2048xf32, #tpu.memory_space<hbm>>
    %dma_wait3A_308 = tpu.memref_squeeze %dma_wait3A_307 : memref<1x16x2048xf32, #tpu.memory_space<hbm>> -> memref<16x2048xf32, #tpu.memory_space<hbm>>
    %dma_wait3A_309 = arith.constant 0 : i32
    %dma_wait3A_310 = tpu.memref_slice %arg3[%dma_wait3A_301, %add3A_215, %dma_wait3A_309] : memref<4x8192x2048xf32, #tpu.memory_space<hbm>> -> memref<1x16x2048xf32, #tpu.memory_space<hbm>>
    %dma_wait3A_311 = tpu.memref_squeeze %dma_wait3A_310 : memref<1x16x2048xf32, #tpu.memory_space<hbm>> -> memref<16x2048xf32, #tpu.memory_space<hbm>>
    %dma_wait3A_312 = arith.constant 0 : i32
    %dma_wait3A_313 = arith.constant 0 : i32
    %dma_wait3A_314 = tpu.memref_slice %arg4[%dma_wait3A_300, %dma_wait3A_312, %dma_wait3A_313] : memref<2x16x2048xf32, #tpu.memory_space<vmem>> -> memref<1x16x2048xf32, #tpu.memory_space<vmem>>
    %dma_wait3A_315 = tpu.memref_squeeze %dma_wait3A_314 : memref<1x16x2048xf32, #tpu.memory_space<vmem>> -> memref<16x2048xf32, #tpu.memory_space<vmem>>
    tpu.wait_dma2 semaphore(%arg8 : memref<!tpu.dma_semaphore, #tpu.memory_space<semaphore_mem>>) src(%dma_wait3A_315 : memref<16x2048xf32, #tpu.memory_space<vmem>>) dst(%dma_wait3A_311 : memref<16x2048xf32, #tpu.memory_space<hbm>>)
    %dma_wait3A_316 = arith.constant 1 : i32
    %dma_wait3A_317 = arith.constant 2 : i32
    %dma_wait3A_318 = arith.constant 0 : i32
    %dma_wait3A_319 = arith.constant 0 : i32
    %dma_wait3A_320 = tpu.memref_slice %arg4[%dma_wait3A_316, %dma_wait3A_318, %dma_wait3A_319] : memref<2x16x2048xf32, #tpu.memory_space<vmem>> -> memref<1x16x2048xf32, #tpu.memory_space<vmem>>
    %dma_wait3A_321 = tpu.memref_squeeze %dma_wait3A_320 : memref<1x16x2048xf32, #tpu.memory_space<vmem>> -> memref<16x2048xf32, #tpu.memory_space<vmem>>
    %dma_wait3A_322 = arith.constant 0 : i32
    %dma_wait3A_323 = tpu.memref_slice %arg3[%dma_wait3A_317, %add3A_217, %dma_wait3A_322] : memref<4x8192x2048xf32, #tpu.memory_space<hbm>> -> memref<1x16x2048xf32, #tpu.memory_space<hbm>>
    %dma_wait3A_324 = tpu.memref_squeeze %dma_wait3A_323 : memref<1x16x2048xf32, #tpu.memory_space<hbm>> -> memref<16x2048xf32, #tpu.memory_space<hbm>>
    %dma_wait3A_325 = arith.constant 0 : i32
    %dma_wait3A_326 = tpu.memref_slice %arg3[%dma_wait3A_317, %add3A_217, %dma_wait3A_325] : memref<4x8192x2048xf32, #tpu.memory_space<hbm>> -> memref<1x16x2048xf32, #tpu.memory_space<hbm>>
    %dma_wait3A_327 = tpu.memref_squeeze %dma_wait3A_326 : memref<1x16x2048xf32, #tpu.memory_space<hbm>> -> memref<16x2048xf32, #tpu.memory_space<hbm>>
    %dma_wait3A_328 = arith.constant 0 : i32
    %dma_wait3A_329 = arith.constant 0 : i32
    %dma_wait3A_330 = tpu.memref_slice %arg4[%dma_wait3A_316, %dma_wait3A_328, %dma_wait3A_329] : memref<2x16x2048xf32, #tpu.memory_space<vmem>> -> memref<1x16x2048xf32, #tpu.memory_space<vmem>>
    %dma_wait3A_331 = tpu.memref_squeeze %dma_wait3A_330 : memref<1x16x2048xf32, #tpu.memory_space<vmem>> -> memref<16x2048xf32, #tpu.memory_space<vmem>>
    tpu.wait_dma2 semaphore(%arg8 : memref<!tpu.dma_semaphore, #tpu.memory_space<semaphore_mem>>) src(%dma_wait3A_331 : memref<16x2048xf32, #tpu.memory_space<vmem>>) dst(%dma_wait3A_327 : memref<16x2048xf32, #tpu.memory_space<hbm>>)
    %dma_wait3A_332 = arith.constant 1 : i32
    %dma_wait3A_333 = arith.constant 3 : i32
    %dma_wait3A_334 = arith.constant 0 : i32
    %dma_wait3A_335 = arith.constant 0 : i32
    %dma_wait3A_336 = tpu.memref_slice %arg4[%dma_wait3A_332, %dma_wait3A_334, %dma_wait3A_335] : memref<2x16x2048xf32, #tpu.memory_space<vmem>> -> memref<1x16x2048xf32, #tpu.memory_space<vmem>>
    %dma_wait3A_337 = tpu.memref_squeeze %dma_wait3A_336 : memref<1x16x2048xf32, #tpu.memory_space<vmem>> -> memref<16x2048xf32, #tpu.memory_space<vmem>>
    %dma_wait3A_338 = arith.constant 0 : i32
    %dma_wait3A_339 = tpu.memref_slice %arg3[%dma_wait3A_333, %add3A_219, %dma_wait3A_338] : memref<4x8192x2048xf32, #tpu.memory_space<hbm>> -> memref<1x16x2048xf32, #tpu.memory_space<hbm>>
    %dma_wait3A_340 = tpu.memref_squeeze %dma_wait3A_339 : memref<1x16x2048xf32, #tpu.memory_space<hbm>> -> memref<16x2048xf32, #tpu.memory_space<hbm>>
    %dma_wait3A_341 = arith.constant 0 : i32
    %dma_wait3A_342 = tpu.memref_slice %arg3[%dma_wait3A_333, %add3A_219, %dma_wait3A_341] : memref<4x8192x2048xf32, #tpu.memory_space<hbm>> -> memref<1x16x2048xf32, #tpu.memory_space<hbm>>
    %dma_wait3A_343 = tpu.memref_squeeze %dma_wait3A_342 : memref<1x16x2048xf32, #tpu.memory_space<hbm>> -> memref<16x2048xf32, #tpu.memory_space<hbm>>
    %dma_wait3A_344 = arith.constant 0 : i32
    %dma_wait3A_345 = arith.constant 0 : i32
    %dma_wait3A_346 = tpu.memref_slice %arg4[%dma_wait3A_332, %dma_wait3A_344, %dma_wait3A_345] : memref<2x16x2048xf32, #tpu.memory_space<vmem>> -> memref<1x16x2048xf32, #tpu.memory_space<vmem>>
    %dma_wait3A_347 = tpu.memref_squeeze %dma_wait3A_346 : memref<1x16x2048xf32, #tpu.memory_space<vmem>> -> memref<16x2048xf32, #tpu.memory_space<vmem>>
    tpu.wait_dma2 semaphore(%arg8 : memref<!tpu.dma_semaphore, #tpu.memory_space<semaphore_mem>>) src(%dma_wait3A_347 : memref<16x2048xf32, #tpu.memory_space<vmem>>) dst(%dma_wait3A_343 : memref<16x2048xf32, #tpu.memory_space<hbm>>)
    %add3A_348 = arith.constant 48 : i32
    %add3A_349 = arith.addi %mul3A_2, %add3A_348 : i32
    %dma_start3A_350 = arith.constant 1 : i32
    %dma_start3A_351 = arith.constant 0 : i32
    %dma_start3A_352 = arith.constant 0 : i32
    %dma_start3A_353 = tpu.memref_slice %arg4[%dma_start3A_350, %dma_start3A_351, %dma_start3A_352] : memref<2x16x2048xf32, #tpu.memory_space<vmem>> -> memref<1x16x2048xf32, #tpu.memory_space<vmem>>
    %dma_start3A_354 = tpu.memref_squeeze %dma_start3A_353 : memref<1x16x2048xf32, #tpu.memory_space<vmem>> -> memref<16x2048xf32, #tpu.memory_space<vmem>>
    %dma_start3A_355 = arith.constant 0 : i32
    %dma_start3A_356 = tpu.memref_slice %arg2[%add3A_349, %dma_start3A_355] : memref<8192x2048xf32, #tpu.memory_space<hbm>> -> memref<16x2048xf32, #tpu.memory_space<hbm>>
    %dma_start3A_357 = arith.constant 0 : i32
    %dma_start3A_358 = arith.constant 0 : i32
    %dma_start3A_359 = tpu.memref_slice %arg4[%dma_start3A_350, %dma_start3A_357, %dma_start3A_358] : memref<2x16x2048xf32, #tpu.memory_space<vmem>> -> memref<1x16x2048xf32, #tpu.memory_space<vmem>>
    %dma_start3A_360 = tpu.memref_squeeze %dma_start3A_359 : memref<1x16x2048xf32, #tpu.memory_space<vmem>> -> memref<16x2048xf32, #tpu.memory_space<vmem>>
    %dma_start3A_361 = arith.constant 0 : i32
    %dma_start3A_362 = tpu.memref_slice %arg2[%add3A_349, %dma_start3A_361] : memref<8192x2048xf32, #tpu.memory_space<hbm>> -> memref<16x2048xf32, #tpu.memory_space<hbm>>
    tpu.enqueue_dma source(%dma_start3A_362 : memref<16x2048xf32, #tpu.memory_space<hbm>>) target(%dma_start3A_360 : memref<16x2048xf32, #tpu.memory_space<vmem>>) target_semaphore(%arg6 : memref<!tpu.dma_semaphore, #tpu.memory_space<semaphore_mem>>)
    %add3A_363 = arith.constant 32 : i32
    %add3A_364 = arith.addi %mul3A_2, %add3A_363 : i32
    %dma_wait3A_365 = arith.constant 0 : i32
    %dma_wait3A_366 = arith.constant 0 : i32
    %dma_wait3A_367 = arith.constant 0 : i32
    %dma_wait3A_368 = tpu.memref_slice %arg4[%dma_wait3A_365, %dma_wait3A_366, %dma_wait3A_367] : memref<2x16x2048xf32, #tpu.memory_space<vmem>> -> memref<1x16x2048xf32, #tpu.memory_space<vmem>>
    %dma_wait3A_369 = tpu.memref_squeeze %dma_wait3A_368 : memref<1x16x2048xf32, #tpu.memory_space<vmem>> -> memref<16x2048xf32, #tpu.memory_space<vmem>>
    %dma_wait3A_370 = arith.constant 0 : i32
    %dma_wait3A_371 = tpu.memref_slice %arg2[%add3A_364, %dma_wait3A_370] : memref<8192x2048xf32, #tpu.memory_space<hbm>> -> memref<16x2048xf32, #tpu.memory_space<hbm>>
    %dma_wait3A_372 = arith.constant 0 : i32
    %dma_wait3A_373 = arith.constant 0 : i32
    %dma_wait3A_374 = tpu.memref_slice %arg4[%dma_wait3A_365, %dma_wait3A_372, %dma_wait3A_373] : memref<2x16x2048xf32, #tpu.memory_space<vmem>> -> memref<1x16x2048xf32, #tpu.memory_space<vmem>>
    %dma_wait3A_375 = tpu.memref_squeeze %dma_wait3A_374 : memref<1x16x2048xf32, #tpu.memory_space<vmem>> -> memref<16x2048xf32, #tpu.memory_space<vmem>>
    %dma_wait3A_376 = arith.constant 0 : i32
    %dma_wait3A_377 = tpu.memref_slice %arg2[%add3A_364, %dma_wait3A_376] : memref<8192x2048xf32, #tpu.memory_space<hbm>> -> memref<16x2048xf32, #tpu.memory_space<hbm>>
    tpu.wait_dma2 semaphore(%arg5 : memref<!tpu.dma_semaphore, #tpu.memory_space<semaphore_mem>>) src(%dma_wait3A_377 : memref<16x2048xf32, #tpu.memory_space<hbm>>) dst(%dma_wait3A_375 : memref<16x2048xf32, #tpu.memory_space<vmem>>)
    %add3A_378 = arith.constant 32 : i32
    %add3A_379 = arith.addi %mul3A_2, %add3A_378 : i32
    %add3A_380 = arith.constant 32 : i32
    %add3A_381 = arith.addi %mul3A_2, %add3A_380 : i32
    %add3A_382 = arith.constant 32 : i32
    %add3A_383 = arith.addi %mul3A_2, %add3A_382 : i32
    %add3A_384 = arith.constant 32 : i32
    %add3A_385 = arith.addi %mul3A_2, %add3A_384 : i32
    %dma_start3A_386 = arith.constant 0 : i32
    %dma_start3A_387 = arith.constant 0 : i32
    %dma_start3A_388 = arith.constant 0 : i32
    %dma_start3A_389 = arith.constant 0 : i32
    %dma_start3A_390 = tpu.memref_slice %arg4[%dma_start3A_386, %dma_start3A_388, %dma_start3A_389] : memref<2x16x2048xf32, #tpu.memory_space<vmem>> -> memref<1x16x2048xf32, #tpu.memory_space<vmem>>
    %dma_start3A_391 = tpu.memref_squeeze %dma_start3A_390 : memref<1x16x2048xf32, #tpu.memory_space<vmem>> -> memref<16x2048xf32, #tpu.memory_space<vmem>>
    %dma_start3A_392 = arith.constant 0 : i32
    %dma_start3A_393 = tpu.memref_slice %arg3[%dma_start3A_387, %add3A_379, %dma_start3A_392] : memref<4x8192x2048xf32, #tpu.memory_space<hbm>> -> memref<1x16x2048xf32, #tpu.memory_space<hbm>>
    %dma_start3A_394 = tpu.memref_squeeze %dma_start3A_393 : memref<1x16x2048xf32, #tpu.memory_space<hbm>> -> memref<16x2048xf32, #tpu.memory_space<hbm>>
    %dma_start3A_395 = arith.constant 0 : i32
    %dma_start3A_396 = tpu.memref_slice %arg3[%dma_start3A_387, %add3A_379, %dma_start3A_395] : memref<4x8192x2048xf32, #tpu.memory_space<hbm>> -> memref<1x16x2048xf32, #tpu.memory_space<hbm>>
    %dma_start3A_397 = tpu.memref_squeeze %dma_start3A_396 : memref<1x16x2048xf32, #tpu.memory_space<hbm>> -> memref<16x2048xf32, #tpu.memory_space<hbm>>
    %dma_start3A_398 = arith.constant 0 : i32
    %dma_start3A_399 = arith.constant 0 : i32
    %dma_start3A_400 = tpu.memref_slice %arg4[%dma_start3A_386, %dma_start3A_398, %dma_start3A_399] : memref<2x16x2048xf32, #tpu.memory_space<vmem>> -> memref<1x16x2048xf32, #tpu.memory_space<vmem>>
    %dma_start3A_401 = tpu.memref_squeeze %dma_start3A_400 : memref<1x16x2048xf32, #tpu.memory_space<vmem>> -> memref<16x2048xf32, #tpu.memory_space<vmem>>
    tpu.enqueue_dma source(%dma_start3A_401 : memref<16x2048xf32, #tpu.memory_space<vmem>>) target(%dma_start3A_397 : memref<16x2048xf32, #tpu.memory_space<hbm>>) target_semaphore(%arg7 : memref<!tpu.dma_semaphore, #tpu.memory_space<semaphore_mem>>)
    %dma_start3A_402 = arith.constant 0 : i32
    %dma_start3A_403 = arith.constant 1 : i32
    %dma_start3A_404 = arith.constant 0 : i32
    %dma_start3A_405 = arith.constant 0 : i32
    %dma_start3A_406 = tpu.memref_slice %arg4[%dma_start3A_402, %dma_start3A_404, %dma_start3A_405] : memref<2x16x2048xf32, #tpu.memory_space<vmem>> -> memref<1x16x2048xf32, #tpu.memory_space<vmem>>
    %dma_start3A_407 = tpu.memref_squeeze %dma_start3A_406 : memref<1x16x2048xf32, #tpu.memory_space<vmem>> -> memref<16x2048xf32, #tpu.memory_space<vmem>>
    %dma_start3A_408 = arith.constant 0 : i32
    %dma_start3A_409 = tpu.memref_slice %arg3[%dma_start3A_403, %add3A_381, %dma_start3A_408] : memref<4x8192x2048xf32, #tpu.memory_space<hbm>> -> memref<1x16x2048xf32, #tpu.memory_space<hbm>>
    %dma_start3A_410 = tpu.memref_squeeze %dma_start3A_409 : memref<1x16x2048xf32, #tpu.memory_space<hbm>> -> memref<16x2048xf32, #tpu.memory_space<hbm>>
    %dma_start3A_411 = arith.constant 0 : i32
    %dma_start3A_412 = tpu.memref_slice %arg3[%dma_start3A_403, %add3A_381, %dma_start3A_411] : memref<4x8192x2048xf32, #tpu.memory_space<hbm>> -> memref<1x16x2048xf32, #tpu.memory_space<hbm>>
    %dma_start3A_413 = tpu.memref_squeeze %dma_start3A_412 : memref<1x16x2048xf32, #tpu.memory_space<hbm>> -> memref<16x2048xf32, #tpu.memory_space<hbm>>
    %dma_start3A_414 = arith.constant 0 : i32
    %dma_start3A_415 = arith.constant 0 : i32
    %dma_start3A_416 = tpu.memref_slice %arg4[%dma_start3A_402, %dma_start3A_414, %dma_start3A_415] : memref<2x16x2048xf32, #tpu.memory_space<vmem>> -> memref<1x16x2048xf32, #tpu.memory_space<vmem>>
    %dma_start3A_417 = tpu.memref_squeeze %dma_start3A_416 : memref<1x16x2048xf32, #tpu.memory_space<vmem>> -> memref<16x2048xf32, #tpu.memory_space<vmem>>
    tpu.enqueue_dma source(%dma_start3A_417 : memref<16x2048xf32, #tpu.memory_space<vmem>>) target(%dma_start3A_413 : memref<16x2048xf32, #tpu.memory_space<hbm>>) target_semaphore(%arg7 : memref<!tpu.dma_semaphore, #tpu.memory_space<semaphore_mem>>)
    %dma_start3A_418 = arith.constant 0 : i32
    %dma_start3A_419 = arith.constant 2 : i32
    %dma_start3A_420 = arith.constant 0 : i32
    %dma_start3A_421 = arith.constant 0 : i32
    %dma_start3A_422 = tpu.memref_slice %arg4[%dma_start3A_418, %dma_start3A_420, %dma_start3A_421] : memref<2x16x2048xf32, #tpu.memory_space<vmem>> -> memref<1x16x2048xf32, #tpu.memory_space<vmem>>
    %dma_start3A_423 = tpu.memref_squeeze %dma_start3A_422 : memref<1x16x2048xf32, #tpu.memory_space<vmem>> -> memref<16x2048xf32, #tpu.memory_space<vmem>>
    %dma_start3A_424 = arith.constant 0 : i32
    %dma_start3A_425 = tpu.memref_slice %arg3[%dma_start3A_419, %add3A_383, %dma_start3A_424] : memref<4x8192x2048xf32, #tpu.memory_space<hbm>> -> memref<1x16x2048xf32, #tpu.memory_space<hbm>>
    %dma_start3A_426 = tpu.memref_squeeze %dma_start3A_425 : memref<1x16x2048xf32, #tpu.memory_space<hbm>> -> memref<16x2048xf32, #tpu.memory_space<hbm>>
    %dma_start3A_427 = arith.constant 0 : i32
    %dma_start3A_428 = tpu.memref_slice %arg3[%dma_start3A_419, %add3A_383, %dma_start3A_427] : memref<4x8192x2048xf32, #tpu.memory_space<hbm>> -> memref<1x16x2048xf32, #tpu.memory_space<hbm>>
    %dma_start3A_429 = tpu.memref_squeeze %dma_start3A_428 : memref<1x16x2048xf32, #tpu.memory_space<hbm>> -> memref<16x2048xf32, #tpu.memory_space<hbm>>
    %dma_start3A_430 = arith.constant 0 : i32
    %dma_start3A_431 = arith.constant 0 : i32
    %dma_start3A_432 = tpu.memref_slice %arg4[%dma_start3A_418, %dma_start3A_430, %dma_start3A_431] : memref<2x16x2048xf32, #tpu.memory_space<vmem>> -> memref<1x16x2048xf32, #tpu.memory_space<vmem>>
    %dma_start3A_433 = tpu.memref_squeeze %dma_start3A_432 : memref<1x16x2048xf32, #tpu.memory_space<vmem>> -> memref<16x2048xf32, #tpu.memory_space<vmem>>
    tpu.enqueue_dma source(%dma_start3A_433 : memref<16x2048xf32, #tpu.memory_space<vmem>>) target(%dma_start3A_429 : memref<16x2048xf32, #tpu.memory_space<hbm>>) target_semaphore(%arg7 : memref<!tpu.dma_semaphore, #tpu.memory_space<semaphore_mem>>)
    %dma_start3A_434 = arith.constant 0 : i32
    %dma_start3A_435 = arith.constant 3 : i32
    %dma_start3A_436 = arith.constant 0 : i32
    %dma_start3A_437 = arith.constant 0 : i32
    %dma_start3A_438 = tpu.memref_slice %arg4[%dma_start3A_434, %dma_start3A_436, %dma_start3A_437] : memref<2x16x2048xf32, #tpu.memory_space<vmem>> -> memref<1x16x2048xf32, #tpu.memory_space<vmem>>
    %dma_start3A_439 = tpu.memref_squeeze %dma_start3A_438 : memref<1x16x2048xf32, #tpu.memory_space<vmem>> -> memref<16x2048xf32, #tpu.memory_space<vmem>>
    %dma_start3A_440 = arith.constant 0 : i32
    %dma_start3A_441 = tpu.memref_slice %arg3[%dma_start3A_435, %add3A_385, %dma_start3A_440] : memref<4x8192x2048xf32, #tpu.memory_space<hbm>> -> memref<1x16x2048xf32, #tpu.memory_space<hbm>>
    %dma_start3A_442 = tpu.memref_squeeze %dma_start3A_441 : memref<1x16x2048xf32, #tpu.memory_space<hbm>> -> memref<16x2048xf32, #tpu.memory_space<hbm>>
    %dma_start3A_443 = arith.constant 0 : i32
    %dma_start3A_444 = tpu.memref_slice %arg3[%dma_start3A_435, %add3A_385, %dma_start3A_443] : memref<4x8192x2048xf32, #tpu.memory_space<hbm>> -> memref<1x16x2048xf32, #tpu.memory_space<hbm>>
    %dma_start3A_445 = tpu.memref_squeeze %dma_start3A_444 : memref<1x16x2048xf32, #tpu.memory_space<hbm>> -> memref<16x2048xf32, #tpu.memory_space<hbm>>
    %dma_start3A_446 = arith.constant 0 : i32
    %dma_start3A_447 = arith.constant 0 : i32
    %dma_start3A_448 = tpu.memref_slice %arg4[%dma_start3A_434, %dma_start3A_446, %dma_start3A_447] : memref<2x16x2048xf32, #tpu.memory_space<vmem>> -> memref<1x16x2048xf32, #tpu.memory_space<vmem>>
    %dma_start3A_449 = tpu.memref_squeeze %dma_start3A_448 : memref<1x16x2048xf32, #tpu.memory_space<vmem>> -> memref<16x2048xf32, #tpu.memory_space<vmem>>
    tpu.enqueue_dma source(%dma_start3A_449 : memref<16x2048xf32, #tpu.memory_space<vmem>>) target(%dma_start3A_445 : memref<16x2048xf32, #tpu.memory_space<hbm>>) target_semaphore(%arg7 : memref<!tpu.dma_semaphore, #tpu.memory_space<semaphore_mem>>)
    %dma_wait3A_450 = arith.constant 0 : i32
    %dma_wait3A_451 = arith.constant 0 : i32
    %dma_wait3A_452 = arith.constant 0 : i32
    %dma_wait3A_453 = arith.constant 0 : i32
    %dma_wait3A_454 = tpu.memref_slice %arg4[%dma_wait3A_450, %dma_wait3A_452, %dma_wait3A_453] : memref<2x16x2048xf32, #tpu.memory_space<vmem>> -> memref<1x16x2048xf32, #tpu.memory_space<vmem>>
    %dma_wait3A_455 = tpu.memref_squeeze %dma_wait3A_454 : memref<1x16x2048xf32, #tpu.memory_space<vmem>> -> memref<16x2048xf32, #tpu.memory_space<vmem>>
    %dma_wait3A_456 = arith.constant 0 : i32
    %dma_wait3A_457 = tpu.memref_slice %arg3[%dma_wait3A_451, %add3A_379, %dma_wait3A_456] : memref<4x8192x2048xf32, #tpu.memory_space<hbm>> -> memref<1x16x2048xf32, #tpu.memory_space<hbm>>
    %dma_wait3A_458 = tpu.memref_squeeze %dma_wait3A_457 : memref<1x16x2048xf32, #tpu.memory_space<hbm>> -> memref<16x2048xf32, #tpu.memory_space<hbm>>
    %dma_wait3A_459 = arith.constant 0 : i32
    %dma_wait3A_460 = tpu.memref_slice %arg3[%dma_wait3A_451, %add3A_379, %dma_wait3A_459] : memref<4x8192x2048xf32, #tpu.memory_space<hbm>> -> memref<1x16x2048xf32, #tpu.memory_space<hbm>>
    %dma_wait3A_461 = tpu.memref_squeeze %dma_wait3A_460 : memref<1x16x2048xf32, #tpu.memory_space<hbm>> -> memref<16x2048xf32, #tpu.memory_space<hbm>>
    %dma_wait3A_462 = arith.constant 0 : i32
    %dma_wait3A_463 = arith.constant 0 : i32
    %dma_wait3A_464 = tpu.memref_slice %arg4[%dma_wait3A_450, %dma_wait3A_462, %dma_wait3A_463] : memref<2x16x2048xf32, #tpu.memory_space<vmem>> -> memref<1x16x2048xf32, #tpu.memory_space<vmem>>
    %dma_wait3A_465 = tpu.memref_squeeze %dma_wait3A_464 : memref<1x16x2048xf32, #tpu.memory_space<vmem>> -> memref<16x2048xf32, #tpu.memory_space<vmem>>
    tpu.wait_dma2 semaphore(%arg7 : memref<!tpu.dma_semaphore, #tpu.memory_space<semaphore_mem>>) src(%dma_wait3A_465 : memref<16x2048xf32, #tpu.memory_space<vmem>>) dst(%dma_wait3A_461 : memref<16x2048xf32, #tpu.memory_space<hbm>>)
    %dma_wait3A_466 = arith.constant 0 : i32
    %dma_wait3A_467 = arith.constant 1 : i32
    %dma_wait3A_468 = arith.constant 0 : i32
    %dma_wait3A_469 = arith.constant 0 : i32
    %dma_wait3A_470 = tpu.memref_slice %arg4[%dma_wait3A_466, %dma_wait3A_468, %dma_wait3A_469] : memref<2x16x2048xf32, #tpu.memory_space<vmem>> -> memref<1x16x2048xf32, #tpu.memory_space<vmem>>
    %dma_wait3A_471 = tpu.memref_squeeze %dma_wait3A_470 : memref<1x16x2048xf32, #tpu.memory_space<vmem>> -> memref<16x2048xf32, #tpu.memory_space<vmem>>
    %dma_wait3A_472 = arith.constant 0 : i32
    %dma_wait3A_473 = tpu.memref_slice %arg3[%dma_wait3A_467, %add3A_381, %dma_wait3A_472] : memref<4x8192x2048xf32, #tpu.memory_space<hbm>> -> memref<1x16x2048xf32, #tpu.memory_space<hbm>>
    %dma_wait3A_474 = tpu.memref_squeeze %dma_wait3A_473 : memref<1x16x2048xf32, #tpu.memory_space<hbm>> -> memref<16x2048xf32, #tpu.memory_space<hbm>>
    %dma_wait3A_475 = arith.constant 0 : i32
    %dma_wait3A_476 = tpu.memref_slice %arg3[%dma_wait3A_467, %add3A_381, %dma_wait3A_475] : memref<4x8192x2048xf32, #tpu.memory_space<hbm>> -> memref<1x16x2048xf32, #tpu.memory_space<hbm>>
    %dma_wait3A_477 = tpu.memref_squeeze %dma_wait3A_476 : memref<1x16x2048xf32, #tpu.memory_space<hbm>> -> memref<16x2048xf32, #tpu.memory_space<hbm>>
    %dma_wait3A_478 = arith.constant 0 : i32
    %dma_wait3A_479 = arith.constant 0 : i32
    %dma_wait3A_480 = tpu.memref_slice %arg4[%dma_wait3A_466, %dma_wait3A_478, %dma_wait3A_479] : memref<2x16x2048xf32, #tpu.memory_space<vmem>> -> memref<1x16x2048xf32, #tpu.memory_space<vmem>>
    %dma_wait3A_481 = tpu.memref_squeeze %dma_wait3A_480 : memref<1x16x2048xf32, #tpu.memory_space<vmem>> -> memref<16x2048xf32, #tpu.memory_space<vmem>>
    tpu.wait_dma2 semaphore(%arg7 : memref<!tpu.dma_semaphore, #tpu.memory_space<semaphore_mem>>) src(%dma_wait3A_481 : memref<16x2048xf32, #tpu.memory_space<vmem>>) dst(%dma_wait3A_477 : memref<16x2048xf32, #tpu.memory_space<hbm>>)
    %dma_wait3A_482 = arith.constant 0 : i32
    %dma_wait3A_483 = arith.constant 2 : i32
    %dma_wait3A_484 = arith.constant 0 : i32
    %dma_wait3A_485 = arith.constant 0 : i32
    %dma_wait3A_486 = tpu.memref_slice %arg4[%dma_wait3A_482, %dma_wait3A_484, %dma_wait3A_485] : memref<2x16x2048xf32, #tpu.memory_space<vmem>> -> memref<1x16x2048xf32, #tpu.memory_space<vmem>>
    %dma_wait3A_487 = tpu.memref_squeeze %dma_wait3A_486 : memref<1x16x2048xf32, #tpu.memory_space<vmem>> -> memref<16x2048xf32, #tpu.memory_space<vmem>>
    %dma_wait3A_488 = arith.constant 0 : i32
    %dma_wait3A_489 = tpu.memref_slice %arg3[%dma_wait3A_483, %add3A_383, %dma_wait3A_488] : memref<4x8192x2048xf32, #tpu.memory_space<hbm>> -> memref<1x16x2048xf32, #tpu.memory_space<hbm>>
    %dma_wait3A_490 = tpu.memref_squeeze %dma_wait3A_489 : memref<1x16x2048xf32, #tpu.memory_space<hbm>> -> memref<16x2048xf32, #tpu.memory_space<hbm>>
    %dma_wait3A_491 = arith.constant 0 : i32
    %dma_wait3A_492 = tpu.memref_slice %arg3[%dma_wait3A_483, %add3A_383, %dma_wait3A_491] : memref<4x8192x2048xf32, #tpu.memory_space<hbm>> -> memref<1x16x2048xf32, #tpu.memory_space<hbm>>
    %dma_wait3A_493 = tpu.memref_squeeze %dma_wait3A_492 : memref<1x16x2048xf32, #tpu.memory_space<hbm>> -> memref<16x2048xf32, #tpu.memory_space<hbm>>
    %dma_wait3A_494 = arith.constant 0 : i32
    %dma_wait3A_495 = arith.constant 0 : i32
    %dma_wait3A_496 = tpu.memref_slice %arg4[%dma_wait3A_482, %dma_wait3A_494, %dma_wait3A_495] : memref<2x16x2048xf32, #tpu.memory_space<vmem>> -> memref<1x16x2048xf32, #tpu.memory_space<vmem>>
    %dma_wait3A_497 = tpu.memref_squeeze %dma_wait3A_496 : memref<1x16x2048xf32, #tpu.memory_space<vmem>> -> memref<16x2048xf32, #tpu.memory_space<vmem>>
    tpu.wait_dma2 semaphore(%arg7 : memref<!tpu.dma_semaphore, #tpu.memory_space<semaphore_mem>>) src(%dma_wait3A_497 : memref<16x2048xf32, #tpu.memory_space<vmem>>) dst(%dma_wait3A_493 : memref<16x2048xf32, #tpu.memory_space<hbm>>)
    %dma_wait3A_498 = arith.constant 0 : i32
    %dma_wait3A_499 = arith.constant 3 : i32
    %dma_wait3A_500 = arith.constant 0 : i32
    %dma_wait3A_501 = arith.constant 0 : i32
    %dma_wait3A_502 = tpu.memref_slice %arg4[%dma_wait3A_498, %dma_wait3A_500, %dma_wait3A_501] : memref<2x16x2048xf32, #tpu.memory_space<vmem>> -> memref<1x16x2048xf32, #tpu.memory_space<vmem>>
    %dma_wait3A_503 = tpu.memref_squeeze %dma_wait3A_502 : memref<1x16x2048xf32, #tpu.memory_space<vmem>> -> memref<16x2048xf32, #tpu.memory_space<vmem>>
    %dma_wait3A_504 = arith.constant 0 : i32
    %dma_wait3A_505 = tpu.memref_slice %arg3[%dma_wait3A_499, %add3A_385, %dma_wait3A_504] : memref<4x8192x2048xf32, #tpu.memory_space<hbm>> -> memref<1x16x2048xf32, #tpu.memory_space<hbm>>
    %dma_wait3A_506 = tpu.memref_squeeze %dma_wait3A_505 : memref<1x16x2048xf32, #tpu.memory_space<hbm>> -> memref<16x2048xf32, #tpu.memory_space<hbm>>
    %dma_wait3A_507 = arith.constant 0 : i32
    %dma_wait3A_508 = tpu.memref_slice %arg3[%dma_wait3A_499, %add3A_385, %dma_wait3A_507] : memref<4x8192x2048xf32, #tpu.memory_space<hbm>> -> memref<1x16x2048xf32, #tpu.memory_space<hbm>>
    %dma_wait3A_509 = tpu.memref_squeeze %dma_wait3A_508 : memref<1x16x2048xf32, #tpu.memory_space<hbm>> -> memref<16x2048xf32, #tpu.memory_space<hbm>>
    %dma_wait3A_510 = arith.constant 0 : i32
    %dma_wait3A_511 = arith.constant 0 : i32
    %dma_wait3A_512 = tpu.memref_slice %arg4[%dma_wait3A_498, %dma_wait3A_510, %dma_wait3A_511] : memref<2x16x2048xf32, #tpu.memory_space<vmem>> -> memref<1x16x2048xf32, #tpu.memory_space<vmem>>
    %dma_wait3A_513 = tpu.memref_squeeze %dma_wait3A_512 : memref<1x16x2048xf32, #tpu.memory_space<vmem>> -> memref<16x2048xf32, #tpu.memory_space<vmem>>
    tpu.wait_dma2 semaphore(%arg7 : memref<!tpu.dma_semaphore, #tpu.memory_space<semaphore_mem>>) src(%dma_wait3A_513 : memref<16x2048xf32, #tpu.memory_space<vmem>>) dst(%dma_wait3A_509 : memref<16x2048xf32, #tpu.memory_space<hbm>>)
    %add3A_514 = arith.constant 64 : i32
    %add3A_515 = arith.addi %mul3A_2, %add3A_514 : i32
    %dma_start3A_516 = arith.constant 0 : i32
    %dma_start3A_517 = arith.constant 0 : i32
    %dma_start3A_518 = arith.constant 0 : i32
    %dma_start3A_519 = tpu.memref_slice %arg4[%dma_start3A_516, %dma_start3A_517, %dma_start3A_518] : memref<2x16x2048xf32, #tpu.memory_space<vmem>> -> memref<1x16x2048xf32, #tpu.memory_space<vmem>>
    %dma_start3A_520 = tpu.memref_squeeze %dma_start3A_519 : memref<1x16x2048xf32, #tpu.memory_space<vmem>> -> memref<16x2048xf32, #tpu.memory_space<vmem>>
    %dma_start3A_521 = arith.constant 0 : i32
    %dma_start3A_522 = tpu.memref_slice %arg2[%add3A_515, %dma_start3A_521] : memref<8192x2048xf32, #tpu.memory_space<hbm>> -> memref<16x2048xf32, #tpu.memory_space<hbm>>
    %dma_start3A_523 = arith.constant 0 : i32
    %dma_start3A_524 = arith.constant 0 : i32
    %dma_start3A_525 = tpu.memref_slice %arg4[%dma_start3A_516, %dma_start3A_523, %dma_start3A_524] : memref<2x16x2048xf32, #tpu.memory_space<vmem>> -> memref<1x16x2048xf32, #tpu.memory_space<vmem>>
    %dma_start3A_526 = tpu.memref_squeeze %dma_start3A_525 : memref<1x16x2048xf32, #tpu.memory_space<vmem>> -> memref<16x2048xf32, #tpu.memory_space<vmem>>
    %dma_start3A_527 = arith.constant 0 : i32
    %dma_start3A_528 = tpu.memref_slice %arg2[%add3A_515, %dma_start3A_527] : memref<8192x2048xf32, #tpu.memory_space<hbm>> -> memref<16x2048xf32, #tpu.memory_space<hbm>>
    tpu.enqueue_dma source(%dma_start3A_528 : memref<16x2048xf32, #tpu.memory_space<hbm>>) target(%dma_start3A_526 : memref<16x2048xf32, #tpu.memory_space<vmem>>) target_semaphore(%arg5 : memref<!tpu.dma_semaphore, #tpu.memory_space<semaphore_mem>>)
    %add3A_529 = arith.constant 48 : i32
    %add3A_530 = arith.addi %mul3A_2, %add3A_529 : i32
    %dma_wait3A_531 = arith.constant 1 : i32
    %dma_wait3A_532 = arith.constant 0 : i32
    %dma_wait3A_533 = arith.constant 0 : i32
    %dma_wait3A_534 = tpu.memref_slice %arg4[%dma_wait3A_531, %dma_wait3A_532, %dma_wait3A_533] : memref<2x16x2048xf32, #tpu.memory_space<vmem>> -> memref<1x16x2048xf32, #tpu.memory_space<vmem>>
    %dma_wait3A_535 = tpu.memref_squeeze %dma_wait3A_534 : memref<1x16x2048xf32, #tpu.memory_space<vmem>> -> memref<16x2048xf32, #tpu.memory_space<vmem>>
    %dma_wait3A_536 = arith.constant 0 : i32
    %dma_wait3A_537 = tpu.memref_slice %arg2[%add3A_530, %dma_wait3A_536] : memref<8192x2048xf32, #tpu.memory_space<hbm>> -> memref<16x2048xf32, #tpu.memory_space<hbm>>
    %dma_wait3A_538 = arith.constant 0 : i32
    %dma_wait3A_539 = arith.constant 0 : i32
    %dma_wait3A_540 = tpu.memref_slice %arg4[%dma_wait3A_531, %dma_wait3A_538, %dma_wait3A_539] : memref<2x16x2048xf32, #tpu.memory_space<vmem>> -> memref<1x16x2048xf32, #tpu.memory_space<vmem>>
    %dma_wait3A_541 = tpu.memref_squeeze %dma_wait3A_540 : memref<1x16x2048xf32, #tpu.memory_space<vmem>> -> memref<16x2048xf32, #tpu.memory_space<vmem>>
    %dma_wait3A_542 = arith.constant 0 : i32
    %dma_wait3A_543 = tpu.memref_slice %arg2[%add3A_530, %dma_wait3A_542] : memref<8192x2048xf32, #tpu.memory_space<hbm>> -> memref<16x2048xf32, #tpu.memory_space<hbm>>
    tpu.wait_dma2 semaphore(%arg6 : memref<!tpu.dma_semaphore, #tpu.memory_space<semaphore_mem>>) src(%dma_wait3A_543 : memref<16x2048xf32, #tpu.memory_space<hbm>>) dst(%dma_wait3A_541 : memref<16x2048xf32, #tpu.memory_space<vmem>>)
    %add3A_544 = arith.constant 48 : i32
    %add3A_545 = arith.addi %mul3A_2, %add3A_544 : i32
    %add3A_546 = arith.constant 48 : i32
    %add3A_547 = arith.addi %mul3A_2, %add3A_546 : i32
    %add3A_548 = arith.constant 48 : i32
    %add3A_549 = arith.addi %mul3A_2, %add3A_548 : i32
    %add3A_550 = arith.constant 48 : i32
    %add3A_551 = arith.addi %mul3A_2, %add3A_550 : i32
    %dma_start3A_552 = arith.constant 1 : i32
    %dma_start3A_553 = arith.constant 0 : i32
    %dma_start3A_554 = arith.constant 0 : i32
    %dma_start3A_555 = arith.constant 0 : i32
    %dma_start3A_556 = tpu.memref_slice %arg4[%dma_start3A_552, %dma_start3A_554, %dma_start3A_555] : memref<2x16x2048xf32, #tpu.memory_space<vmem>> -> memref<1x16x2048xf32, #tpu.memory_space<vmem>>
    %dma_start3A_557 = tpu.memref_squeeze %dma_start3A_556 : memref<1x16x2048xf32, #tpu.memory_space<vmem>> -> memref<16x2048xf32, #tpu.memory_space<vmem>>
    %dma_start3A_558 = arith.constant 0 : i32
    %dma_start3A_559 = tpu.memref_slice %arg3[%dma_start3A_553, %add3A_545, %dma_start3A_558] : memref<4x8192x2048xf32, #tpu.memory_space<hbm>> -> memref<1x16x2048xf32, #tpu.memory_space<hbm>>
    %dma_start3A_560 = tpu.memref_squeeze %dma_start3A_559 : memref<1x16x2048xf32, #tpu.memory_space<hbm>> -> memref<16x2048xf32, #tpu.memory_space<hbm>>
    %dma_start3A_561 = arith.constant 0 : i32
    %dma_start3A_562 = tpu.memref_slice %arg3[%dma_start3A_553, %add3A_545, %dma_start3A_561] : memref<4x8192x2048xf32, #tpu.memory_space<hbm>> -> memref<1x16x2048xf32, #tpu.memory_space<hbm>>
    %dma_start3A_563 = tpu.memref_squeeze %dma_start3A_562 : memref<1x16x2048xf32, #tpu.memory_space<hbm>> -> memref<16x2048xf32, #tpu.memory_space<hbm>>
    %dma_start3A_564 = arith.constant 0 : i32
    %dma_start3A_565 = arith.constant 0 : i32
    %dma_start3A_566 = tpu.memref_slice %arg4[%dma_start3A_552, %dma_start3A_564, %dma_start3A_565] : memref<2x16x2048xf32, #tpu.memory_space<vmem>> -> memref<1x16x2048xf32, #tpu.memory_space<vmem>>
    %dma_start3A_567 = tpu.memref_squeeze %dma_start3A_566 : memref<1x16x2048xf32, #tpu.memory_space<vmem>> -> memref<16x2048xf32, #tpu.memory_space<vmem>>
    tpu.enqueue_dma source(%dma_start3A_567 : memref<16x2048xf32, #tpu.memory_space<vmem>>) target(%dma_start3A_563 : memref<16x2048xf32, #tpu.memory_space<hbm>>) target_semaphore(%arg8 : memref<!tpu.dma_semaphore, #tpu.memory_space<semaphore_mem>>)
    %dma_start3A_568 = arith.constant 1 : i32
    %dma_start3A_569 = arith.constant 1 : i32
    %dma_start3A_570 = arith.constant 0 : i32
    %dma_start3A_571 = arith.constant 0 : i32
    %dma_start3A_572 = tpu.memref_slice %arg4[%dma_start3A_568, %dma_start3A_570, %dma_start3A_571] : memref<2x16x2048xf32, #tpu.memory_space<vmem>> -> memref<1x16x2048xf32, #tpu.memory_space<vmem>>
    %dma_start3A_573 = tpu.memref_squeeze %dma_start3A_572 : memref<1x16x2048xf32, #tpu.memory_space<vmem>> -> memref<16x2048xf32, #tpu.memory_space<vmem>>
    %dma_start3A_574 = arith.constant 0 : i32
    %dma_start3A_575 = tpu.memref_slice %arg3[%dma_start3A_569, %add3A_547, %dma_start3A_574] : memref<4x8192x2048xf32, #tpu.memory_space<hbm>> -> memref<1x16x2048xf32, #tpu.memory_space<hbm>>
    %dma_start3A_576 = tpu.memref_squeeze %dma_start3A_575 : memref<1x16x2048xf32, #tpu.memory_space<hbm>> -> memref<16x2048xf32, #tpu.memory_space<hbm>>
    %dma_start3A_577 = arith.constant 0 : i32
    %dma_start3A_578 = tpu.memref_slice %arg3[%dma_start3A_569, %add3A_547, %dma_start3A_577] : memref<4x8192x2048xf32, #tpu.memory_space<hbm>> -> memref<1x16x2048xf32, #tpu.memory_space<hbm>>
    %dma_start3A_579 = tpu.memref_squeeze %dma_start3A_578 : memref<1x16x2048xf32, #tpu.memory_space<hbm>> -> memref<16x2048xf32, #tpu.memory_space<hbm>>
    %dma_start3A_580 = arith.constant 0 : i32
    %dma_start3A_581 = arith.constant 0 : i32
    %dma_start3A_582 = tpu.memref_slice %arg4[%dma_start3A_568, %dma_start3A_580, %dma_start3A_581] : memref<2x16x2048xf32, #tpu.memory_space<vmem>> -> memref<1x16x2048xf32, #tpu.memory_space<vmem>>
    %dma_start3A_583 = tpu.memref_squeeze %dma_start3A_582 : memref<1x16x2048xf32, #tpu.memory_space<vmem>> -> memref<16x2048xf32, #tpu.memory_space<vmem>>
    tpu.enqueue_dma source(%dma_start3A_583 : memref<16x2048xf32, #tpu.memory_space<vmem>>) target(%dma_start3A_579 : memref<16x2048xf32, #tpu.memory_space<hbm>>) target_semaphore(%arg8 : memref<!tpu.dma_semaphore, #tpu.memory_space<semaphore_mem>>)
    %dma_start3A_584 = arith.constant 1 : i32
    %dma_start3A_585 = arith.constant 2 : i32
    %dma_start3A_586 = arith.constant 0 : i32
    %dma_start3A_587 = arith.constant 0 : i32
    %dma_start3A_588 = tpu.memref_slice %arg4[%dma_start3A_584, %dma_start3A_586, %dma_start3A_587] : memref<2x16x2048xf32, #tpu.memory_space<vmem>> -> memref<1x16x2048xf32, #tpu.memory_space<vmem>>
    %dma_start3A_589 = tpu.memref_squeeze %dma_start3A_588 : memref<1x16x2048xf32, #tpu.memory_space<vmem>> -> memref<16x2048xf32, #tpu.memory_space<vmem>>
    %dma_start3A_590 = arith.constant 0 : i32
    %dma_start3A_591 = tpu.memref_slice %arg3[%dma_start3A_585, %add3A_549, %dma_start3A_590] : memref<4x8192x2048xf32, #tpu.memory_space<hbm>> -> memref<1x16x2048xf32, #tpu.memory_space<hbm>>
    %dma_start3A_592 = tpu.memref_squeeze %dma_start3A_591 : memref<1x16x2048xf32, #tpu.memory_space<hbm>> -> memref<16x2048xf32, #tpu.memory_space<hbm>>
    %dma_start3A_593 = arith.constant 0 : i32
    %dma_start3A_594 = tpu.memref_slice %arg3[%dma_start3A_585, %add3A_549, %dma_start3A_593] : memref<4x8192x2048xf32, #tpu.memory_space<hbm>> -> memref<1x16x2048xf32, #tpu.memory_space<hbm>>
    %dma_start3A_595 = tpu.memref_squeeze %dma_start3A_594 : memref<1x16x2048xf32, #tpu.memory_space<hbm>> -> memref<16x2048xf32, #tpu.memory_space<hbm>>
    %dma_start3A_596 = arith.constant 0 : i32
    %dma_start3A_597 = arith.constant 0 : i32
    %dma_start3A_598 = tpu.memref_slice %arg4[%dma_start3A_584, %dma_start3A_596, %dma_start3A_597] : memref<2x16x2048xf32, #tpu.memory_space<vmem>> -> memref<1x16x2048xf32, #tpu.memory_space<vmem>>
    %dma_start3A_599 = tpu.memref_squeeze %dma_start3A_598 : memref<1x16x2048xf32, #tpu.memory_space<vmem>> -> memref<16x2048xf32, #tpu.memory_space<vmem>>
    tpu.enqueue_dma source(%dma_start3A_599 : memref<16x2048xf32, #tpu.memory_space<vmem>>) target(%dma_start3A_595 : memref<16x2048xf32, #tpu.memory_space<hbm>>) target_semaphore(%arg8 : memref<!tpu.dma_semaphore, #tpu.memory_space<semaphore_mem>>)
    %dma_start3A_600 = arith.constant 1 : i32
    %dma_start3A_601 = arith.constant 3 : i32
    %dma_start3A_602 = arith.constant 0 : i32
    %dma_start3A_603 = arith.constant 0 : i32
    %dma_start3A_604 = tpu.memref_slice %arg4[%dma_start3A_600, %dma_start3A_602, %dma_start3A_603] : memref<2x16x2048xf32, #tpu.memory_space<vmem>> -> memref<1x16x2048xf32, #tpu.memory_space<vmem>>
    %dma_start3A_605 = tpu.memref_squeeze %dma_start3A_604 : memref<1x16x2048xf32, #tpu.memory_space<vmem>> -> memref<16x2048xf32, #tpu.memory_space<vmem>>
    %dma_start3A_606 = arith.constant 0 : i32
    %dma_start3A_607 = tpu.memref_slice %arg3[%dma_start3A_601, %add3A_551, %dma_start3A_606] : memref<4x8192x2048xf32, #tpu.memory_space<hbm>> -> memref<1x16x2048xf32, #tpu.memory_space<hbm>>
    %dma_start3A_608 = tpu.memref_squeeze %dma_start3A_607 : memref<1x16x2048xf32, #tpu.memory_space<hbm>> -> memref<16x2048xf32, #tpu.memory_space<hbm>>
    %dma_start3A_609 = arith.constant 0 : i32
    %dma_start3A_610 = tpu.memref_slice %arg3[%dma_start3A_601, %add3A_551, %dma_start3A_609] : memref<4x8192x2048xf32, #tpu.memory_space<hbm>> -> memref<1x16x2048xf32, #tpu.memory_space<hbm>>
    %dma_start3A_611 = tpu.memref_squeeze %dma_start3A_610 : memref<1x16x2048xf32, #tpu.memory_space<hbm>> -> memref<16x2048xf32, #tpu.memory_space<hbm>>
    %dma_start3A_612 = arith.constant 0 : i32
    %dma_start3A_613 = arith.constant 0 : i32
    %dma_start3A_614 = tpu.memref_slice %arg4[%dma_start3A_600, %dma_start3A_612, %dma_start3A_613] : memref<2x16x2048xf32, #tpu.memory_space<vmem>> -> memref<1x16x2048xf32, #tpu.memory_space<vmem>>
    %dma_start3A_615 = tpu.memref_squeeze %dma_start3A_614 : memref<1x16x2048xf32, #tpu.memory_space<vmem>> -> memref<16x2048xf32, #tpu.memory_space<vmem>>
    tpu.enqueue_dma source(%dma_start3A_615 : memref<16x2048xf32, #tpu.memory_space<vmem>>) target(%dma_start3A_611 : memref<16x2048xf32, #tpu.memory_space<hbm>>) target_semaphore(%arg8 : memref<!tpu.dma_semaphore, #tpu.memory_space<semaphore_mem>>)
    %dma_wait3A_616 = arith.constant 1 : i32
    %dma_wait3A_617 = arith.constant 0 : i32
    %dma_wait3A_618 = arith.constant 0 : i32
    %dma_wait3A_619 = arith.constant 0 : i32
    %dma_wait3A_620 = tpu.memref_slice %arg4[%dma_wait3A_616, %dma_wait3A_618, %dma_wait3A_619] : memref<2x16x2048xf32, #tpu.memory_space<vmem>> -> memref<1x16x2048xf32, #tpu.memory_space<vmem>>
    %dma_wait3A_621 = tpu.memref_squeeze %dma_wait3A_620 : memref<1x16x2048xf32, #tpu.memory_space<vmem>> -> memref<16x2048xf32, #tpu.memory_space<vmem>>
    %dma_wait3A_622 = arith.constant 0 : i32
    %dma_wait3A_623 = tpu.memref_slice %arg3[%dma_wait3A_617, %add3A_545, %dma_wait3A_622] : memref<4x8192x2048xf32, #tpu.memory_space<hbm>> -> memref<1x16x2048xf32, #tpu.memory_space<hbm>>
    %dma_wait3A_624 = tpu.memref_squeeze %dma_wait3A_623 : memref<1x16x2048xf32, #tpu.memory_space<hbm>> -> memref<16x2048xf32, #tpu.memory_space<hbm>>
    %dma_wait3A_625 = arith.constant 0 : i32
    %dma_wait3A_626 = tpu.memref_slice %arg3[%dma_wait3A_617, %add3A_545, %dma_wait3A_625] : memref<4x8192x2048xf32, #tpu.memory_space<hbm>> -> memref<1x16x2048xf32, #tpu.memory_space<hbm>>
    %dma_wait3A_627 = tpu.memref_squeeze %dma_wait3A_626 : memref<1x16x2048xf32, #tpu.memory_space<hbm>> -> memref<16x2048xf32, #tpu.memory_space<hbm>>
    %dma_wait3A_628 = arith.constant 0 : i32
    %dma_wait3A_629 = arith.constant 0 : i32
    %dma_wait3A_630 = tpu.memref_slice %arg4[%dma_wait3A_616, %dma_wait3A_628, %dma_wait3A_629] : memref<2x16x2048xf32, #tpu.memory_space<vmem>> -> memref<1x16x2048xf32, #tpu.memory_space<vmem>>
    %dma_wait3A_631 = tpu.memref_squeeze %dma_wait3A_630 : memref<1x16x2048xf32, #tpu.memory_space<vmem>> -> memref<16x2048xf32, #tpu.memory_space<vmem>>
    tpu.wait_dma2 semaphore(%arg8 : memref<!tpu.dma_semaphore, #tpu.memory_space<semaphore_mem>>) src(%dma_wait3A_631 : memref<16x2048xf32, #tpu.memory_space<vmem>>) dst(%dma_wait3A_627 : memref<16x2048xf32, #tpu.memory_space<hbm>>)
    %dma_wait3A_632 = arith.constant 1 : i32
    %dma_wait3A_633 = arith.constant 1 : i32
    %dma_wait3A_634 = arith.constant 0 : i32
    %dma_wait3A_635 = arith.constant 0 : i32
    %dma_wait3A_636 = tpu.memref_slice %arg4[%dma_wait3A_632, %dma_wait3A_634, %dma_wait3A_635] : memref<2x16x2048xf32, #tpu.memory_space<vmem>> -> memref<1x16x2048xf32, #tpu.memory_space<vmem>>
    %dma_wait3A_637 = tpu.memref_squeeze %dma_wait3A_636 : memref<1x16x2048xf32, #tpu.memory_space<vmem>> -> memref<16x2048xf32, #tpu.memory_space<vmem>>
    %dma_wait3A_638 = arith.constant 0 : i32
    %dma_wait3A_639 = tpu.memref_slice %arg3[%dma_wait3A_633, %add3A_547, %dma_wait3A_638] : memref<4x8192x2048xf32, #tpu.memory_space<hbm>> -> memref<1x16x2048xf32, #tpu.memory_space<hbm>>
    %dma_wait3A_640 = tpu.memref_squeeze %dma_wait3A_639 : memref<1x16x2048xf32, #tpu.memory_space<hbm>> -> memref<16x2048xf32, #tpu.memory_space<hbm>>
    %dma_wait3A_641 = arith.constant 0 : i32
    %dma_wait3A_642 = tpu.memref_slice %arg3[%dma_wait3A_633, %add3A_547, %dma_wait3A_641] : memref<4x8192x2048xf32, #tpu.memory_space<hbm>> -> memref<1x16x2048xf32, #tpu.memory_space<hbm>>
    %dma_wait3A_643 = tpu.memref_squeeze %dma_wait3A_642 : memref<1x16x2048xf32, #tpu.memory_space<hbm>> -> memref<16x2048xf32, #tpu.memory_space<hbm>>
    %dma_wait3A_644 = arith.constant 0 : i32
    %dma_wait3A_645 = arith.constant 0 : i32
    %dma_wait3A_646 = tpu.memref_slice %arg4[%dma_wait3A_632, %dma_wait3A_644, %dma_wait3A_645] : memref<2x16x2048xf32, #tpu.memory_space<vmem>> -> memref<1x16x2048xf32, #tpu.memory_space<vmem>>
    %dma_wait3A_647 = tpu.memref_squeeze %dma_wait3A_646 : memref<1x16x2048xf32, #tpu.memory_space<vmem>> -> memref<16x2048xf32, #tpu.memory_space<vmem>>
    tpu.wait_dma2 semaphore(%arg8 : memref<!tpu.dma_semaphore, #tpu.memory_space<semaphore_mem>>) src(%dma_wait3A_647 : memref<16x2048xf32, #tpu.memory_space<vmem>>) dst(%dma_wait3A_643 : memref<16x2048xf32, #tpu.memory_space<hbm>>)
    %dma_wait3A_648 = arith.constant 1 : i32
    %dma_wait3A_649 = arith.constant 2 : i32
    %dma_wait3A_650 = arith.constant 0 : i32
    %dma_wait3A_651 = arith.constant 0 : i32
    %dma_wait3A_652 = tpu.memref_slice %arg4[%dma_wait3A_648, %dma_wait3A_650, %dma_wait3A_651] : memref<2x16x2048xf32, #tpu.memory_space<vmem>> -> memref<1x16x2048xf32, #tpu.memory_space<vmem>>
    %dma_wait3A_653 = tpu.memref_squeeze %dma_wait3A_652 : memref<1x16x2048xf32, #tpu.memory_space<vmem>> -> memref<16x2048xf32, #tpu.memory_space<vmem>>
    %dma_wait3A_654 = arith.constant 0 : i32
    %dma_wait3A_655 = tpu.memref_slice %arg3[%dma_wait3A_649, %add3A_549, %dma_wait3A_654] : memref<4x8192x2048xf32, #tpu.memory_space<hbm>> -> memref<1x16x2048xf32, #tpu.memory_space<hbm>>
    %dma_wait3A_656 = tpu.memref_squeeze %dma_wait3A_655 : memref<1x16x2048xf32, #tpu.memory_space<hbm>> -> memref<16x2048xf32, #tpu.memory_space<hbm>>
    %dma_wait3A_657 = arith.constant 0 : i32
    %dma_wait3A_658 = tpu.memref_slice %arg3[%dma_wait3A_649, %add3A_549, %dma_wait3A_657] : memref<4x8192x2048xf32, #tpu.memory_space<hbm>> -> memref<1x16x2048xf32, #tpu.memory_space<hbm>>
    %dma_wait3A_659 = tpu.memref_squeeze %dma_wait3A_658 : memref<1x16x2048xf32, #tpu.memory_space<hbm>> -> memref<16x2048xf32, #tpu.memory_space<hbm>>
    %dma_wait3A_660 = arith.constant 0 : i32
    %dma_wait3A_661 = arith.constant 0 : i32
    %dma_wait3A_662 = tpu.memref_slice %arg4[%dma_wait3A_648, %dma_wait3A_660, %dma_wait3A_661] : memref<2x16x2048xf32, #tpu.memory_space<vmem>> -> memref<1x16x2048xf32, #tpu.memory_space<vmem>>
    %dma_wait3A_663 = tpu.memref_squeeze %dma_wait3A_662 : memref<1x16x2048xf32, #tpu.memory_space<vmem>> -> memref<16x2048xf32, #tpu.memory_space<vmem>>
    tpu.wait_dma2 semaphore(%arg8 : memref<!tpu.dma_semaphore, #tpu.memory_space<semaphore_mem>>) src(%dma_wait3A_663 : memref<16x2048xf32, #tpu.memory_space<vmem>>) dst(%dma_wait3A_659 : memref<16x2048xf32, #tpu.memory_space<hbm>>)
    %dma_wait3A_664 = arith.constant 1 : i32
    %dma_wait3A_665 = arith.constant 3 : i32
    %dma_wait3A_666 = arith.constant 0 : i32
    %dma_wait3A_667 = arith.constant 0 : i32
    %dma_wait3A_668 = tpu.memref_slice %arg4[%dma_wait3A_664, %dma_wait3A_666, %dma_wait3A_667] : memref<2x16x2048xf32, #tpu.memory_space<vmem>> -> memref<1x16x2048xf32, #tpu.memory_space<vmem>>
    %dma_wait3A_669 = tpu.memref_squeeze %dma_wait3A_668 : memref<1x16x2048xf32, #tpu.memory_space<vmem>> -> memref<16x2048xf32, #tpu.memory_space<vmem>>
    %dma_wait3A_670 = arith.constant 0 : i32
    %dma_wait3A_671 = tpu.memref_slice %arg3[%dma_wait3A_665, %add3A_551, %dma_wait3A_670] : memref<4x8192x2048xf32, #tpu.memory_space<hbm>> -> memref<1x16x2048xf32, #tpu.memory_space<hbm>>
    %dma_wait3A_672 = tpu.memref_squeeze %dma_wait3A_671 : memref<1x16x2048xf32, #tpu.memory_space<hbm>> -> memref<16x2048xf32, #tpu.memory_space<hbm>>
    %dma_wait3A_673 = arith.constant 0 : i32
    %dma_wait3A_674 = tpu.memref_slice %arg3[%dma_wait3A_665, %add3A_551, %dma_wait3A_673] : memref<4x8192x2048xf32, #tpu.memory_space<hbm>> -> memref<1x16x2048xf32, #tpu.memory_space<hbm>>
    %dma_wait3A_675 = tpu.memref_squeeze %dma_wait3A_674 : memref<1x16x2048xf32, #tpu.memory_space<hbm>> -> memref<16x2048xf32, #tpu.memory_space<hbm>>
    %dma_wait3A_676 = arith.constant 0 : i32
    %dma_wait3A_677 = arith.constant 0 : i32
    %dma_wait3A_678 = tpu.memref_slice %arg4[%dma_wait3A_664, %dma_wait3A_676, %dma_wait3A_677] : memref<2x16x2048xf32, #tpu.memory_space<vmem>> -> memref<1x16x2048xf32, #tpu.memory_space<vmem>>
    %dma_wait3A_679 = tpu.memref_squeeze %dma_wait3A_678 : memref<1x16x2048xf32, #tpu.memory_space<vmem>> -> memref<16x2048xf32, #tpu.memory_space<vmem>>
    tpu.wait_dma2 semaphore(%arg8 : memref<!tpu.dma_semaphore, #tpu.memory_space<semaphore_mem>>) src(%dma_wait3A_679 : memref<16x2048xf32, #tpu.memory_space<vmem>>) dst(%dma_wait3A_675 : memref<16x2048xf32, #tpu.memory_space<hbm>>)
    %add3A_680 = arith.constant 80 : i32
    %add3A_681 = arith.addi %mul3A_2, %add3A_680 : i32
    %dma_start3A_682 = arith.constant 1 : i32
    %dma_start3A_683 = arith.constant 0 : i32
    %dma_start3A_684 = arith.constant 0 : i32
    %dma_start3A_685 = tpu.memref_slice %arg4[%dma_start3A_682, %dma_start3A_683, %dma_start3A_684] : memref<2x16x2048xf32, #tpu.memory_space<vmem>> -> memref<1x16x2048xf32, #tpu.memory_space<vmem>>
    %dma_start3A_686 = tpu.memref_squeeze %dma_start3A_685 : memref<1x16x2048xf32, #tpu.memory_space<vmem>> -> memref<16x2048xf32, #tpu.memory_space<vmem>>
    %dma_start3A_687 = arith.constant 0 : i32
    %dma_start3A_688 = tpu.memref_slice %arg2[%add3A_681, %dma_start3A_687] : memref<8192x2048xf32, #tpu.memory_space<hbm>> -> memref<16x2048xf32, #tpu.memory_space<hbm>>
    %dma_start3A_689 = arith.constant 0 : i32
    %dma_start3A_690 = arith.constant 0 : i32
    %dma_start3A_691 = tpu.memref_slice %arg4[%dma_start3A_682, %dma_start3A_689, %dma_start3A_690] : memref<2x16x2048xf32, #tpu.memory_space<vmem>> -> memref<1x16x2048xf32, #tpu.memory_space<vmem>>
    %dma_start3A_692 = tpu.memref_squeeze %dma_start3A_691 : memref<1x16x2048xf32, #tpu.memory_space<vmem>> -> memref<16x2048xf32, #tpu.memory_space<vmem>>
    %dma_start3A_693 = arith.constant 0 : i32
    %dma_start3A_694 = tpu.memref_slice %arg2[%add3A_681, %dma_start3A_693] : memref<8192x2048xf32, #tpu.memory_space<hbm>> -> memref<16x2048xf32, #tpu.memory_space<hbm>>
    tpu.enqueue_dma source(%dma_start3A_694 : memref<16x2048xf32, #tpu.memory_space<hbm>>) target(%dma_start3A_692 : memref<16x2048xf32, #tpu.memory_space<vmem>>) target_semaphore(%arg6 : memref<!tpu.dma_semaphore, #tpu.memory_space<semaphore_mem>>)
    %add3A_695 = arith.constant 64 : i32
    %add3A_696 = arith.addi %mul3A_2, %add3A_695 : i32
    %dma_wait3A_697 = arith.constant 0 : i32
    %dma_wait3A_698 = arith.constant 0 : i32
    %dma_wait3A_699 = arith.constant 0 : i32
    %dma_wait3A_700 = tpu.memref_slice %arg4[%dma_wait3A_697, %dma_wait3A_698, %dma_wait3A_699] : memref<2x16x2048xf32, #tpu.memory_space<vmem>> -> memref<1x16x2048xf32, #tpu.memory_space<vmem>>
    %dma_wait3A_701 = tpu.memref_squeeze %dma_wait3A_700 : memref<1x16x2048xf32, #tpu.memory_space<vmem>> -> memref<16x2048xf32, #tpu.memory_space<vmem>>
    %dma_wait3A_702 = arith.constant 0 : i32
    %dma_wait3A_703 = tpu.memref_slice %arg2[%add3A_696, %dma_wait3A_702] : memref<8192x2048xf32, #tpu.memory_space<hbm>> -> memref<16x2048xf32, #tpu.memory_space<hbm>>
    %dma_wait3A_704 = arith.constant 0 : i32
    %dma_wait3A_705 = arith.constant 0 : i32
    %dma_wait3A_706 = tpu.memref_slice %arg4[%dma_wait3A_697, %dma_wait3A_704, %dma_wait3A_705] : memref<2x16x2048xf32, #tpu.memory_space<vmem>> -> memref<1x16x2048xf32, #tpu.memory_space<vmem>>
    %dma_wait3A_707 = tpu.memref_squeeze %dma_wait3A_706 : memref<1x16x2048xf32, #tpu.memory_space<vmem>> -> memref<16x2048xf32, #tpu.memory_space<vmem>>
    %dma_wait3A_708 = arith.constant 0 : i32
    %dma_wait3A_709 = tpu.memref_slice %arg2[%add3A_696, %dma_wait3A_708] : memref<8192x2048xf32, #tpu.memory_space<hbm>> -> memref<16x2048xf32, #tpu.memory_space<hbm>>
    tpu.wait_dma2 semaphore(%arg5 : memref<!tpu.dma_semaphore, #tpu.memory_space<semaphore_mem>>) src(%dma_wait3A_709 : memref<16x2048xf32, #tpu.memory_space<hbm>>) dst(%dma_wait3A_707 : memref<16x2048xf32, #tpu.memory_space<vmem>>)
    %add3A_710 = arith.constant 64 : i32
    %add3A_711 = arith.addi %mul3A_2, %add3A_710 : i32
    %add3A_712 = arith.constant 64 : i32
    %add3A_713 = arith.addi %mul3A_2, %add3A_712 : i32
    %add3A_714 = arith.constant 64 : i32
    %add3A_715 = arith.addi %mul3A_2, %add3A_714 : i32
    %add3A_716 = arith.constant 64 : i32
    %add3A_717 = arith.addi %mul3A_2, %add3A_716 : i32
    %dma_start3A_718 = arith.constant 0 : i32
    %dma_start3A_719 = arith.constant 0 : i32
    %dma_start3A_720 = arith.constant 0 : i32
    %dma_start3A_721 = arith.constant 0 : i32
    %dma_start3A_722 = tpu.memref_slice %arg4[%dma_start3A_718, %dma_start3A_720, %dma_start3A_721] : memref<2x16x2048xf32, #tpu.memory_space<vmem>> -> memref<1x16x2048xf32, #tpu.memory_space<vmem>>
    %dma_start3A_723 = tpu.memref_squeeze %dma_start3A_722 : memref<1x16x2048xf32, #tpu.memory_space<vmem>> -> memref<16x2048xf32, #tpu.memory_space<vmem>>
    %dma_start3A_724 = arith.constant 0 : i32
    %dma_start3A_725 = tpu.memref_slice %arg3[%dma_start3A_719, %add3A_711, %dma_start3A_724] : memref<4x8192x2048xf32, #tpu.memory_space<hbm>> -> memref<1x16x2048xf32, #tpu.memory_space<hbm>>
    %dma_start3A_726 = tpu.memref_squeeze %dma_start3A_725 : memref<1x16x2048xf32, #tpu.memory_space<hbm>> -> memref<16x2048xf32, #tpu.memory_space<hbm>>
    %dma_start3A_727 = arith.constant 0 : i32
    %dma_start3A_728 = tpu.memref_slice %arg3[%dma_start3A_719, %add3A_711, %dma_start3A_727] : memref<4x8192x2048xf32, #tpu.memory_space<hbm>> -> memref<1x16x2048xf32, #tpu.memory_space<hbm>>
    %dma_start3A_729 = tpu.memref_squeeze %dma_start3A_728 : memref<1x16x2048xf32, #tpu.memory_space<hbm>> -> memref<16x2048xf32, #tpu.memory_space<hbm>>
    %dma_start3A_730 = arith.constant 0 : i32
    %dma_start3A_731 = arith.constant 0 : i32
    %dma_start3A_732 = tpu.memref_slice %arg4[%dma_start3A_718, %dma_start3A_730, %dma_start3A_731] : memref<2x16x2048xf32, #tpu.memory_space<vmem>> -> memref<1x16x2048xf32, #tpu.memory_space<vmem>>
    %dma_start3A_733 = tpu.memref_squeeze %dma_start3A_732 : memref<1x16x2048xf32, #tpu.memory_space<vmem>> -> memref<16x2048xf32, #tpu.memory_space<vmem>>
    tpu.enqueue_dma source(%dma_start3A_733 : memref<16x2048xf32, #tpu.memory_space<vmem>>) target(%dma_start3A_729 : memref<16x2048xf32, #tpu.memory_space<hbm>>) target_semaphore(%arg7 : memref<!tpu.dma_semaphore, #tpu.memory_space<semaphore_mem>>)
    %dma_start3A_734 = arith.constant 0 : i32
    %dma_start3A_735 = arith.constant 1 : i32
    %dma_start3A_736 = arith.constant 0 : i32
    %dma_start3A_737 = arith.constant 0 : i32
    %dma_start3A_738 = tpu.memref_slice %arg4[%dma_start3A_734, %dma_start3A_736, %dma_start3A_737] : memref<2x16x2048xf32, #tpu.memory_space<vmem>> -> memref<1x16x2048xf32, #tpu.memory_space<vmem>>
    %dma_start3A_739 = tpu.memref_squeeze %dma_start3A_738 : memref<1x16x2048xf32, #tpu.memory_space<vmem>> -> memref<16x2048xf32, #tpu.memory_space<vmem>>
    %dma_start3A_740 = arith.constant 0 : i32
    %dma_start3A_741 = tpu.memref_slice %arg3[%dma_start3A_735, %add3A_713, %dma_start3A_740] : memref<4x8192x2048xf32, #tpu.memory_space<hbm>> -> memref<1x16x2048xf32, #tpu.memory_space<hbm>>
    %dma_start3A_742 = tpu.memref_squeeze %dma_start3A_741 : memref<1x16x2048xf32, #tpu.memory_space<hbm>> -> memref<16x2048xf32, #tpu.memory_space<hbm>>
    %dma_start3A_743 = arith.constant 0 : i32
    %dma_start3A_744 = tpu.memref_slice %arg3[%dma_start3A_735, %add3A_713, %dma_start3A_743] : memref<4x8192x2048xf32, #tpu.memory_space<hbm>> -> memref<1x16x2048xf32, #tpu.memory_space<hbm>>
    %dma_start3A_745 = tpu.memref_squeeze %dma_start3A_744 : memref<1x16x2048xf32, #tpu.memory_space<hbm>> -> memref<16x2048xf32, #tpu.memory_space<hbm>>
    %dma_start3A_746 = arith.constant 0 : i32
    %dma_start3A_747 = arith.constant 0 : i32
    %dma_start3A_748 = tpu.memref_slice %arg4[%dma_start3A_734, %dma_start3A_746, %dma_start3A_747] : memref<2x16x2048xf32, #tpu.memory_space<vmem>> -> memref<1x16x2048xf32, #tpu.memory_space<vmem>>
    %dma_start3A_749 = tpu.memref_squeeze %dma_start3A_748 : memref<1x16x2048xf32, #tpu.memory_space<vmem>> -> memref<16x2048xf32, #tpu.memory_space<vmem>>
    tpu.enqueue_dma source(%dma_start3A_749 : memref<16x2048xf32, #tpu.memory_space<vmem>>) target(%dma_start3A_745 : memref<16x2048xf32, #tpu.memory_space<hbm>>) target_semaphore(%arg7 : memref<!tpu.dma_semaphore, #tpu.memory_space<semaphore_mem>>)
    %dma_start3A_750 = arith.constant 0 : i32
    %dma_start3A_751 = arith.constant 2 : i32
    %dma_start3A_752 = arith.constant 0 : i32
    %dma_start3A_753 = arith.constant 0 : i32
    %dma_start3A_754 = tpu.memref_slice %arg4[%dma_start3A_750, %dma_start3A_752, %dma_start3A_753] : memref<2x16x2048xf32, #tpu.memory_space<vmem>> -> memref<1x16x2048xf32, #tpu.memory_space<vmem>>
    %dma_start3A_755 = tpu.memref_squeeze %dma_start3A_754 : memref<1x16x2048xf32, #tpu.memory_space<vmem>> -> memref<16x2048xf32, #tpu.memory_space<vmem>>
    %dma_start3A_756 = arith.constant 0 : i32
    %dma_start3A_757 = tpu.memref_slice %arg3[%dma_start3A_751, %add3A_715, %dma_start3A_756] : memref<4x8192x2048xf32, #tpu.memory_space<hbm>> -> memref<1x16x2048xf32, #tpu.memory_space<hbm>>
    %dma_start3A_758 = tpu.memref_squeeze %dma_start3A_757 : memref<1x16x2048xf32, #tpu.memory_space<hbm>> -> memref<16x2048xf32, #tpu.memory_space<hbm>>
    %dma_start3A_759 = arith.constant 0 : i32
    %dma_start3A_760 = tpu.memref_slice %arg3[%dma_start3A_751, %add3A_715, %dma_start3A_759] : memref<4x8192x2048xf32, #tpu.memory_space<hbm>> -> memref<1x16x2048xf32, #tpu.memory_space<hbm>>
    %dma_start3A_761 = tpu.memref_squeeze %dma_start3A_760 : memref<1x16x2048xf32, #tpu.memory_space<hbm>> -> memref<16x2048xf32, #tpu.memory_space<hbm>>
    %dma_start3A_762 = arith.constant 0 : i32
    %dma_start3A_763 = arith.constant 0 : i32
    %dma_start3A_764 = tpu.memref_slice %arg4[%dma_start3A_750, %dma_start3A_762, %dma_start3A_763] : memref<2x16x2048xf32, #tpu.memory_space<vmem>> -> memref<1x16x2048xf32, #tpu.memory_space<vmem>>
    %dma_start3A_765 = tpu.memref_squeeze %dma_start3A_764 : memref<1x16x2048xf32, #tpu.memory_space<vmem>> -> memref<16x2048xf32, #tpu.memory_space<vmem>>
    tpu.enqueue_dma source(%dma_start3A_765 : memref<16x2048xf32, #tpu.memory_space<vmem>>) target(%dma_start3A_761 : memref<16x2048xf32, #tpu.memory_space<hbm>>) target_semaphore(%arg7 : memref<!tpu.dma_semaphore, #tpu.memory_space<semaphore_mem>>)
    %dma_start3A_766 = arith.constant 0 : i32
    %dma_start3A_767 = arith.constant 3 : i32
    %dma_start3A_768 = arith.constant 0 : i32
    %dma_start3A_769 = arith.constant 0 : i32
    %dma_start3A_770 = tpu.memref_slice %arg4[%dma_start3A_766, %dma_start3A_768, %dma_start3A_769] : memref<2x16x2048xf32, #tpu.memory_space<vmem>> -> memref<1x16x2048xf32, #tpu.memory_space<vmem>>
    %dma_start3A_771 = tpu.memref_squeeze %dma_start3A_770 : memref<1x16x2048xf32, #tpu.memory_space<vmem>> -> memref<16x2048xf32, #tpu.memory_space<vmem>>
    %dma_start3A_772 = arith.constant 0 : i32
    %dma_start3A_773 = tpu.memref_slice %arg3[%dma_start3A_767, %add3A_717, %dma_start3A_772] : memref<4x8192x2048xf32, #tpu.memory_space<hbm>> -> memref<1x16x2048xf32, #tpu.memory_space<hbm>>
    %dma_start3A_774 = tpu.memref_squeeze %dma_start3A_773 : memref<1x16x2048xf32, #tpu.memory_space<hbm>> -> memref<16x2048xf32, #tpu.memory_space<hbm>>
    %dma_start3A_775 = arith.constant 0 : i32
    %dma_start3A_776 = tpu.memref_slice %arg3[%dma_start3A_767, %add3A_717, %dma_start3A_775] : memref<4x8192x2048xf32, #tpu.memory_space<hbm>> -> memref<1x16x2048xf32, #tpu.memory_space<hbm>>
    %dma_start3A_777 = tpu.memref_squeeze %dma_start3A_776 : memref<1x16x2048xf32, #tpu.memory_space<hbm>> -> memref<16x2048xf32, #tpu.memory_space<hbm>>
    %dma_start3A_778 = arith.constant 0 : i32
    %dma_start3A_779 = arith.constant 0 : i32
    %dma_start3A_780 = tpu.memref_slice %arg4[%dma_start3A_766, %dma_start3A_778, %dma_start3A_779] : memref<2x16x2048xf32, #tpu.memory_space<vmem>> -> memref<1x16x2048xf32, #tpu.memory_space<vmem>>
    %dma_start3A_781 = tpu.memref_squeeze %dma_start3A_780 : memref<1x16x2048xf32, #tpu.memory_space<vmem>> -> memref<16x2048xf32, #tpu.memory_space<vmem>>
    tpu.enqueue_dma source(%dma_start3A_781 : memref<16x2048xf32, #tpu.memory_space<vmem>>) target(%dma_start3A_777 : memref<16x2048xf32, #tpu.memory_space<hbm>>) target_semaphore(%arg7 : memref<!tpu.dma_semaphore, #tpu.memory_space<semaphore_mem>>)
    %dma_wait3A_782 = arith.constant 0 : i32
    %dma_wait3A_783 = arith.constant 0 : i32
    %dma_wait3A_784 = arith.constant 0 : i32
    %dma_wait3A_785 = arith.constant 0 : i32
    %dma_wait3A_786 = tpu.memref_slice %arg4[%dma_wait3A_782, %dma_wait3A_784, %dma_wait3A_785] : memref<2x16x2048xf32, #tpu.memory_space<vmem>> -> memref<1x16x2048xf32, #tpu.memory_space<vmem>>
    %dma_wait3A_787 = tpu.memref_squeeze %dma_wait3A_786 : memref<1x16x2048xf32, #tpu.memory_space<vmem>> -> memref<16x2048xf32, #tpu.memory_space<vmem>>
    %dma_wait3A_788 = arith.constant 0 : i32
    %dma_wait3A_789 = tpu.memref_slice %arg3[%dma_wait3A_783, %add3A_711, %dma_wait3A_788] : memref<4x8192x2048xf32, #tpu.memory_space<hbm>> -> memref<1x16x2048xf32, #tpu.memory_space<hbm>>
    %dma_wait3A_790 = tpu.memref_squeeze %dma_wait3A_789 : memref<1x16x2048xf32, #tpu.memory_space<hbm>> -> memref<16x2048xf32, #tpu.memory_space<hbm>>
    %dma_wait3A_791 = arith.constant 0 : i32
    %dma_wait3A_792 = tpu.memref_slice %arg3[%dma_wait3A_783, %add3A_711, %dma_wait3A_791] : memref<4x8192x2048xf32, #tpu.memory_space<hbm>> -> memref<1x16x2048xf32, #tpu.memory_space<hbm>>
    %dma_wait3A_793 = tpu.memref_squeeze %dma_wait3A_792 : memref<1x16x2048xf32, #tpu.memory_space<hbm>> -> memref<16x2048xf32, #tpu.memory_space<hbm>>
    %dma_wait3A_794 = arith.constant 0 : i32
    %dma_wait3A_795 = arith.constant 0 : i32
    %dma_wait3A_796 = tpu.memref_slice %arg4[%dma_wait3A_782, %dma_wait3A_794, %dma_wait3A_795] : memref<2x16x2048xf32, #tpu.memory_space<vmem>> -> memref<1x16x2048xf32, #tpu.memory_space<vmem>>
    %dma_wait3A_797 = tpu.memref_squeeze %dma_wait3A_796 : memref<1x16x2048xf32, #tpu.memory_space<vmem>> -> memref<16x2048xf32, #tpu.memory_space<vmem>>
    tpu.wait_dma2 semaphore(%arg7 : memref<!tpu.dma_semaphore, #tpu.memory_space<semaphore_mem>>) src(%dma_wait3A_797 : memref<16x2048xf32, #tpu.memory_space<vmem>>) dst(%dma_wait3A_793 : memref<16x2048xf32, #tpu.memory_space<hbm>>)
    %dma_wait3A_798 = arith.constant 0 : i32
    %dma_wait3A_799 = arith.constant 1 : i32
    %dma_wait3A_800 = arith.constant 0 : i32
    %dma_wait3A_801 = arith.constant 0 : i32
    %dma_wait3A_802 = tpu.memref_slice %arg4[%dma_wait3A_798, %dma_wait3A_800, %dma_wait3A_801] : memref<2x16x2048xf32, #tpu.memory_space<vmem>> -> memref<1x16x2048xf32, #tpu.memory_space<vmem>>
    %dma_wait3A_803 = tpu.memref_squeeze %dma_wait3A_802 : memref<1x16x2048xf32, #tpu.memory_space<vmem>> -> memref<16x2048xf32, #tpu.memory_space<vmem>>
    %dma_wait3A_804 = arith.constant 0 : i32
    %dma_wait3A_805 = tpu.memref_slice %arg3[%dma_wait3A_799, %add3A_713, %dma_wait3A_804] : memref<4x8192x2048xf32, #tpu.memory_space<hbm>> -> memref<1x16x2048xf32, #tpu.memory_space<hbm>>
    %dma_wait3A_806 = tpu.memref_squeeze %dma_wait3A_805 : memref<1x16x2048xf32, #tpu.memory_space<hbm>> -> memref<16x2048xf32, #tpu.memory_space<hbm>>
    %dma_wait3A_807 = arith.constant 0 : i32
    %dma_wait3A_808 = tpu.memref_slice %arg3[%dma_wait3A_799, %add3A_713, %dma_wait3A_807] : memref<4x8192x2048xf32, #tpu.memory_space<hbm>> -> memref<1x16x2048xf32, #tpu.memory_space<hbm>>
    %dma_wait3A_809 = tpu.memref_squeeze %dma_wait3A_808 : memref<1x16x2048xf32, #tpu.memory_space<hbm>> -> memref<16x2048xf32, #tpu.memory_space<hbm>>
    %dma_wait3A_810 = arith.constant 0 : i32
    %dma_wait3A_811 = arith.constant 0 : i32
    %dma_wait3A_812 = tpu.memref_slice %arg4[%dma_wait3A_798, %dma_wait3A_810, %dma_wait3A_811] : memref<2x16x2048xf32, #tpu.memory_space<vmem>> -> memref<1x16x2048xf32, #tpu.memory_space<vmem>>
    %dma_wait3A_813 = tpu.memref_squeeze %dma_wait3A_812 : memref<1x16x2048xf32, #tpu.memory_space<vmem>> -> memref<16x2048xf32, #tpu.memory_space<vmem>>
    tpu.wait_dma2 semaphore(%arg7 : memref<!tpu.dma_semaphore, #tpu.memory_space<semaphore_mem>>) src(%dma_wait3A_813 : memref<16x2048xf32, #tpu.memory_space<vmem>>) dst(%dma_wait3A_809 : memref<16x2048xf32, #tpu.memory_space<hbm>>)
    %dma_wait3A_814 = arith.constant 0 : i32
    %dma_wait3A_815 = arith.constant 2 : i32
    %dma_wait3A_816 = arith.constant 0 : i32
    %dma_wait3A_817 = arith.constant 0 : i32
    %dma_wait3A_818 = tpu.memref_slice %arg4[%dma_wait3A_814, %dma_wait3A_816, %dma_wait3A_817] : memref<2x16x2048xf32, #tpu.memory_space<vmem>> -> memref<1x16x2048xf32, #tpu.memory_space<vmem>>
    %dma_wait3A_819 = tpu.memref_squeeze %dma_wait3A_818 : memref<1x16x2048xf32, #tpu.memory_space<vmem>> -> memref<16x2048xf32, #tpu.memory_space<vmem>>
    %dma_wait3A_820 = arith.constant 0 : i32
    %dma_wait3A_821 = tpu.memref_slice %arg3[%dma_wait3A_815, %add3A_715, %dma_wait3A_820] : memref<4x8192x2048xf32, #tpu.memory_space<hbm>> -> memref<1x16x2048xf32, #tpu.memory_space<hbm>>
    %dma_wait3A_822 = tpu.memref_squeeze %dma_wait3A_821 : memref<1x16x2048xf32, #tpu.memory_space<hbm>> -> memref<16x2048xf32, #tpu.memory_space<hbm>>
    %dma_wait3A_823 = arith.constant 0 : i32
    %dma_wait3A_824 = tpu.memref_slice %arg3[%dma_wait3A_815, %add3A_715, %dma_wait3A_823] : memref<4x8192x2048xf32, #tpu.memory_space<hbm>> -> memref<1x16x2048xf32, #tpu.memory_space<hbm>>
    %dma_wait3A_825 = tpu.memref_squeeze %dma_wait3A_824 : memref<1x16x2048xf32, #tpu.memory_space<hbm>> -> memref<16x2048xf32, #tpu.memory_space<hbm>>
    %dma_wait3A_826 = arith.constant 0 : i32
    %dma_wait3A_827 = arith.constant 0 : i32
    %dma_wait3A_828 = tpu.memref_slice %arg4[%dma_wait3A_814, %dma_wait3A_826, %dma_wait3A_827] : memref<2x16x2048xf32, #tpu.memory_space<vmem>> -> memref<1x16x2048xf32, #tpu.memory_space<vmem>>
    %dma_wait3A_829 = tpu.memref_squeeze %dma_wait3A_828 : memref<1x16x2048xf32, #tpu.memory_space<vmem>> -> memref<16x2048xf32, #tpu.memory_space<vmem>>
    tpu.wait_dma2 semaphore(%arg7 : memref<!tpu.dma_semaphore, #tpu.memory_space<semaphore_mem>>) src(%dma_wait3A_829 : memref<16x2048xf32, #tpu.memory_space<vmem>>) dst(%dma_wait3A_825 : memref<16x2048xf32, #tpu.memory_space<hbm>>)
    %dma_wait3A_830 = arith.constant 0 : i32
    %dma_wait3A_831 = arith.constant 3 : i32
    %dma_wait3A_832 = arith.constant 0 : i32
    %dma_wait3A_833 = arith.constant 0 : i32
    %dma_wait3A_834 = tpu.memref_slice %arg4[%dma_wait3A_830, %dma_wait3A_832, %dma_wait3A_833] : memref<2x16x2048xf32, #tpu.memory_space<vmem>> -> memref<1x16x2048xf32, #tpu.memory_space<vmem>>
    %dma_wait3A_835 = tpu.memref_squeeze %dma_wait3A_834 : memref<1x16x2048xf32, #tpu.memory_space<vmem>> -> memref<16x2048xf32, #tpu.memory_space<vmem>>
    %dma_wait3A_836 = arith.constant 0 : i32
    %dma_wait3A_837 = tpu.memref_slice %arg3[%dma_wait3A_831, %add3A_717, %dma_wait3A_836] : memref<4x8192x2048xf32, #tpu.memory_space<hbm>> -> memref<1x16x2048xf32, #tpu.memory_space<hbm>>
    %dma_wait3A_838 = tpu.memref_squeeze %dma_wait3A_837 : memref<1x16x2048xf32, #tpu.memory_space<hbm>> -> memref<16x2048xf32, #tpu.memory_space<hbm>>
    %dma_wait3A_839 = arith.constant 0 : i32
    %dma_wait3A_840 = tpu.memref_slice %arg3[%dma_wait3A_831, %add3A_717, %dma_wait3A_839] : memref<4x8192x2048xf32, #tpu.memory_space<hbm>> -> memref<1x16x2048xf32, #tpu.memory_space<hbm>>
    %dma_wait3A_841 = tpu.memref_squeeze %dma_wait3A_840 : memref<1x16x2048xf32, #tpu.memory_space<hbm>> -> memref<16x2048xf32, #tpu.memory_space<hbm>>
    %dma_wait3A_842 = arith.constant 0 : i32
    %dma_wait3A_843 = arith.constant 0 : i32
    %dma_wait3A_844 = tpu.memref_slice %arg4[%dma_wait3A_830, %dma_wait3A_842, %dma_wait3A_843] : memref<2x16x2048xf32, #tpu.memory_space<vmem>> -> memref<1x16x2048xf32, #tpu.memory_space<vmem>>
    %dma_wait3A_845 = tpu.memref_squeeze %dma_wait3A_844 : memref<1x16x2048xf32, #tpu.memory_space<vmem>> -> memref<16x2048xf32, #tpu.memory_space<vmem>>
    tpu.wait_dma2 semaphore(%arg7 : memref<!tpu.dma_semaphore, #tpu.memory_space<semaphore_mem>>) src(%dma_wait3A_845 : memref<16x2048xf32, #tpu.memory_space<vmem>>) dst(%dma_wait3A_841 : memref<16x2048xf32, #tpu.memory_space<hbm>>)
    %add3A_846 = arith.constant 96 : i32
    %add3A_847 = arith.addi %mul3A_2, %add3A_846 : i32
    %dma_start3A_848 = arith.constant 0 : i32
    %dma_start3A_849 = arith.constant 0 : i32
    %dma_start3A_850 = arith.constant 0 : i32
    %dma_start3A_851 = tpu.memref_slice %arg4[%dma_start3A_848, %dma_start3A_849, %dma_start3A_850] : memref<2x16x2048xf32, #tpu.memory_space<vmem>> -> memref<1x16x2048xf32, #tpu.memory_space<vmem>>
    %dma_start3A_852 = tpu.memref_squeeze %dma_start3A_851 : memref<1x16x2048xf32, #tpu.memory_space<vmem>> -> memref<16x2048xf32, #tpu.memory_space<vmem>>
    %dma_start3A_853 = arith.constant 0 : i32
    %dma_start3A_854 = tpu.memref_slice %arg2[%add3A_847, %dma_start3A_853] : memref<8192x2048xf32, #tpu.memory_space<hbm>> -> memref<16x2048xf32, #tpu.memory_space<hbm>>
    %dma_start3A_855 = arith.constant 0 : i32
    %dma_start3A_856 = arith.constant 0 : i32
    %dma_start3A_857 = tpu.memref_slice %arg4[%dma_start3A_848, %dma_start3A_855, %dma_start3A_856] : memref<2x16x2048xf32, #tpu.memory_space<vmem>> -> memref<1x16x2048xf32, #tpu.memory_space<vmem>>
    %dma_start3A_858 = tpu.memref_squeeze %dma_start3A_857 : memref<1x16x2048xf32, #tpu.memory_space<vmem>> -> memref<16x2048xf32, #tpu.memory_space<vmem>>
    %dma_start3A_859 = arith.constant 0 : i32
    %dma_start3A_860 = tpu.memref_slice %arg2[%add3A_847, %dma_start3A_859] : memref<8192x2048xf32, #tpu.memory_space<hbm>> -> memref<16x2048xf32, #tpu.memory_space<hbm>>
    tpu.enqueue_dma source(%dma_start3A_860 : memref<16x2048xf32, #tpu.memory_space<hbm>>) target(%dma_start3A_858 : memref<16x2048xf32, #tpu.memory_space<vmem>>) target_semaphore(%arg5 : memref<!tpu.dma_semaphore, #tpu.memory_space<semaphore_mem>>)
    %add3A_861 = arith.constant 80 : i32
    %add3A_862 = arith.addi %mul3A_2, %add3A_861 : i32
    %dma_wait3A_863 = arith.constant 1 : i32
    %dma_wait3A_864 = arith.constant 0 : i32
    %dma_wait3A_865 = arith.constant 0 : i32
    %dma_wait3A_866 = tpu.memref_slice %arg4[%dma_wait3A_863, %dma_wait3A_864, %dma_wait3A_865] : memref<2x16x2048xf32, #tpu.memory_space<vmem>> -> memref<1x16x2048xf32, #tpu.memory_space<vmem>>
    %dma_wait3A_867 = tpu.memref_squeeze %dma_wait3A_866 : memref<1x16x2048xf32, #tpu.memory_space<vmem>> -> memref<16x2048xf32, #tpu.memory_space<vmem>>
    %dma_wait3A_868 = arith.constant 0 : i32
    %dma_wait3A_869 = tpu.memref_slice %arg2[%add3A_862, %dma_wait3A_868] : memref<8192x2048xf32, #tpu.memory_space<hbm>> -> memref<16x2048xf32, #tpu.memory_space<hbm>>
    %dma_wait3A_870 = arith.constant 0 : i32
    %dma_wait3A_871 = arith.constant 0 : i32
    %dma_wait3A_872 = tpu.memref_slice %arg4[%dma_wait3A_863, %dma_wait3A_870, %dma_wait3A_871] : memref<2x16x2048xf32, #tpu.memory_space<vmem>> -> memref<1x16x2048xf32, #tpu.memory_space<vmem>>
    %dma_wait3A_873 = tpu.memref_squeeze %dma_wait3A_872 : memref<1x16x2048xf32, #tpu.memory_space<vmem>> -> memref<16x2048xf32, #tpu.memory_space<vmem>>
    %dma_wait3A_874 = arith.constant 0 : i32
    %dma_wait3A_875 = tpu.memref_slice %arg2[%add3A_862, %dma_wait3A_874] : memref<8192x2048xf32, #tpu.memory_space<hbm>> -> memref<16x2048xf32, #tpu.memory_space<hbm>>
    tpu.wait_dma2 semaphore(%arg6 : memref<!tpu.dma_semaphore, #tpu.memory_space<semaphore_mem>>) src(%dma_wait3A_875 : memref<16x2048xf32, #tpu.memory_space<hbm>>) dst(%dma_wait3A_873 : memref<16x2048xf32, #tpu.memory_space<vmem>>)
    %add3A_876 = arith.constant 80 : i32
    %add3A_877 = arith.addi %mul3A_2, %add3A_876 : i32
    %add3A_878 = arith.constant 80 : i32
    %add3A_879 = arith.addi %mul3A_2, %add3A_878 : i32
    %add3A_880 = arith.constant 80 : i32
    %add3A_881 = arith.addi %mul3A_2, %add3A_880 : i32
    %add3A_882 = arith.constant 80 : i32
    %add3A_883 = arith.addi %mul3A_2, %add3A_882 : i32
    %dma_start3A_884 = arith.constant 1 : i32
    %dma_start3A_885 = arith.constant 0 : i32
    %dma_start3A_886 = arith.constant 0 : i32
    %dma_start3A_887 = arith.constant 0 : i32
    %dma_start3A_888 = tpu.memref_slice %arg4[%dma_start3A_884, %dma_start3A_886, %dma_start3A_887] : memref<2x16x2048xf32, #tpu.memory_space<vmem>> -> memref<1x16x2048xf32, #tpu.memory_space<vmem>>
    %dma_start3A_889 = tpu.memref_squeeze %dma_start3A_888 : memref<1x16x2048xf32, #tpu.memory_space<vmem>> -> memref<16x2048xf32, #tpu.memory_space<vmem>>
    %dma_start3A_890 = arith.constant 0 : i32
    %dma_start3A_891 = tpu.memref_slice %arg3[%dma_start3A_885, %add3A_877, %dma_start3A_890] : memref<4x8192x2048xf32, #tpu.memory_space<hbm>> -> memref<1x16x2048xf32, #tpu.memory_space<hbm>>
    %dma_start3A_892 = tpu.memref_squeeze %dma_start3A_891 : memref<1x16x2048xf32, #tpu.memory_space<hbm>> -> memref<16x2048xf32, #tpu.memory_space<hbm>>
    %dma_start3A_893 = arith.constant 0 : i32
    %dma_start3A_894 = tpu.memref_slice %arg3[%dma_start3A_885, %add3A_877, %dma_start3A_893] : memref<4x8192x2048xf32, #tpu.memory_space<hbm>> -> memref<1x16x2048xf32, #tpu.memory_space<hbm>>
    %dma_start3A_895 = tpu.memref_squeeze %dma_start3A_894 : memref<1x16x2048xf32, #tpu.memory_space<hbm>> -> memref<16x2048xf32, #tpu.memory_space<hbm>>
    %dma_start3A_896 = arith.constant 0 : i32
    %dma_start3A_897 = arith.constant 0 : i32
    %dma_start3A_898 = tpu.memref_slice %arg4[%dma_start3A_884, %dma_start3A_896, %dma_start3A_897] : memref<2x16x2048xf32, #tpu.memory_space<vmem>> -> memref<1x16x2048xf32, #tpu.memory_space<vmem>>
    %dma_start3A_899 = tpu.memref_squeeze %dma_start3A_898 : memref<1x16x2048xf32, #tpu.memory_space<vmem>> -> memref<16x2048xf32, #tpu.memory_space<vmem>>
    tpu.enqueue_dma source(%dma_start3A_899 : memref<16x2048xf32, #tpu.memory_space<vmem>>) target(%dma_start3A_895 : memref<16x2048xf32, #tpu.memory_space<hbm>>) target_semaphore(%arg8 : memref<!tpu.dma_semaphore, #tpu.memory_space<semaphore_mem>>)
    %dma_start3A_900 = arith.constant 1 : i32
    %dma_start3A_901 = arith.constant 1 : i32
    %dma_start3A_902 = arith.constant 0 : i32
    %dma_start3A_903 = arith.constant 0 : i32
    %dma_start3A_904 = tpu.memref_slice %arg4[%dma_start3A_900, %dma_start3A_902, %dma_start3A_903] : memref<2x16x2048xf32, #tpu.memory_space<vmem>> -> memref<1x16x2048xf32, #tpu.memory_space<vmem>>
    %dma_start3A_905 = tpu.memref_squeeze %dma_start3A_904 : memref<1x16x2048xf32, #tpu.memory_space<vmem>> -> memref<16x2048xf32, #tpu.memory_space<vmem>>
    %dma_start3A_906 = arith.constant 0 : i32
    %dma_start3A_907 = tpu.memref_slice %arg3[%dma_start3A_901, %add3A_879, %dma_start3A_906] : memref<4x8192x2048xf32, #tpu.memory_space<hbm>> -> memref<1x16x2048xf32, #tpu.memory_space<hbm>>
    %dma_start3A_908 = tpu.memref_squeeze %dma_start3A_907 : memref<1x16x2048xf32, #tpu.memory_space<hbm>> -> memref<16x2048xf32, #tpu.memory_space<hbm>>
    %dma_start3A_909 = arith.constant 0 : i32
    %dma_start3A_910 = tpu.memref_slice %arg3[%dma_start3A_901, %add3A_879, %dma_start3A_909] : memref<4x8192x2048xf32, #tpu.memory_space<hbm>> -> memref<1x16x2048xf32, #tpu.memory_space<hbm>>
    %dma_start3A_911 = tpu.memref_squeeze %dma_start3A_910 : memref<1x16x2048xf32, #tpu.memory_space<hbm>> -> memref<16x2048xf32, #tpu.memory_space<hbm>>
    %dma_start3A_912 = arith.constant 0 : i32
    %dma_start3A_913 = arith.constant 0 : i32
    %dma_start3A_914 = tpu.memref_slice %arg4[%dma_start3A_900, %dma_start3A_912, %dma_start3A_913] : memref<2x16x2048xf32, #tpu.memory_space<vmem>> -> memref<1x16x2048xf32, #tpu.memory_space<vmem>>
    %dma_start3A_915 = tpu.memref_squeeze %dma_start3A_914 : memref<1x16x2048xf32, #tpu.memory_space<vmem>> -> memref<16x2048xf32, #tpu.memory_space<vmem>>
    tpu.enqueue_dma source(%dma_start3A_915 : memref<16x2048xf32, #tpu.memory_space<vmem>>) target(%dma_start3A_911 : memref<16x2048xf32, #tpu.memory_space<hbm>>) target_semaphore(%arg8 : memref<!tpu.dma_semaphore, #tpu.memory_space<semaphore_mem>>)
    %dma_start3A_916 = arith.constant 1 : i32
    %dma_start3A_917 = arith.constant 2 : i32
    %dma_start3A_918 = arith.constant 0 : i32
    %dma_start3A_919 = arith.constant 0 : i32
    %dma_start3A_920 = tpu.memref_slice %arg4[%dma_start3A_916, %dma_start3A_918, %dma_start3A_919] : memref<2x16x2048xf32, #tpu.memory_space<vmem>> -> memref<1x16x2048xf32, #tpu.memory_space<vmem>>
    %dma_start3A_921 = tpu.memref_squeeze %dma_start3A_920 : memref<1x16x2048xf32, #tpu.memory_space<vmem>> -> memref<16x2048xf32, #tpu.memory_space<vmem>>
    %dma_start3A_922 = arith.constant 0 : i32
    %dma_start3A_923 = tpu.memref_slice %arg3[%dma_start3A_917, %add3A_881, %dma_start3A_922] : memref<4x8192x2048xf32, #tpu.memory_space<hbm>> -> memref<1x16x2048xf32, #tpu.memory_space<hbm>>
    %dma_start3A_924 = tpu.memref_squeeze %dma_start3A_923 : memref<1x16x2048xf32, #tpu.memory_space<hbm>> -> memref<16x2048xf32, #tpu.memory_space<hbm>>
    %dma_start3A_925 = arith.constant 0 : i32
    %dma_start3A_926 = tpu.memref_slice %arg3[%dma_start3A_917, %add3A_881, %dma_start3A_925] : memref<4x8192x2048xf32, #tpu.memory_space<hbm>> -> memref<1x16x2048xf32, #tpu.memory_space<hbm>>
    %dma_start3A_927 = tpu.memref_squeeze %dma_start3A_926 : memref<1x16x2048xf32, #tpu.memory_space<hbm>> -> memref<16x2048xf32, #tpu.memory_space<hbm>>
    %dma_start3A_928 = arith.constant 0 : i32
    %dma_start3A_929 = arith.constant 0 : i32
    %dma_start3A_930 = tpu.memref_slice %arg4[%dma_start3A_916, %dma_start3A_928, %dma_start3A_929] : memref<2x16x2048xf32, #tpu.memory_space<vmem>> -> memref<1x16x2048xf32, #tpu.memory_space<vmem>>
    %dma_start3A_931 = tpu.memref_squeeze %dma_start3A_930 : memref<1x16x2048xf32, #tpu.memory_space<vmem>> -> memref<16x2048xf32, #tpu.memory_space<vmem>>
    tpu.enqueue_dma source(%dma_start3A_931 : memref<16x2048xf32, #tpu.memory_space<vmem>>) target(%dma_start3A_927 : memref<16x2048xf32, #tpu.memory_space<hbm>>) target_semaphore(%arg8 : memref<!tpu.dma_semaphore, #tpu.memory_space<semaphore_mem>>)
    %dma_start3A_932 = arith.constant 1 : i32
    %dma_start3A_933 = arith.constant 3 : i32
    %dma_start3A_934 = arith.constant 0 : i32
    %dma_start3A_935 = arith.constant 0 : i32
    %dma_start3A_936 = tpu.memref_slice %arg4[%dma_start3A_932, %dma_start3A_934, %dma_start3A_935] : memref<2x16x2048xf32, #tpu.memory_space<vmem>> -> memref<1x16x2048xf32, #tpu.memory_space<vmem>>
    %dma_start3A_937 = tpu.memref_squeeze %dma_start3A_936 : memref<1x16x2048xf32, #tpu.memory_space<vmem>> -> memref<16x2048xf32, #tpu.memory_space<vmem>>
    %dma_start3A_938 = arith.constant 0 : i32
    %dma_start3A_939 = tpu.memref_slice %arg3[%dma_start3A_933, %add3A_883, %dma_start3A_938] : memref<4x8192x2048xf32, #tpu.memory_space<hbm>> -> memref<1x16x2048xf32, #tpu.memory_space<hbm>>
    %dma_start3A_940 = tpu.memref_squeeze %dma_start3A_939 : memref<1x16x2048xf32, #tpu.memory_space<hbm>> -> memref<16x2048xf32, #tpu.memory_space<hbm>>
    %dma_start3A_941 = arith.constant 0 : i32
    %dma_start3A_942 = tpu.memref_slice %arg3[%dma_start3A_933, %add3A_883, %dma_start3A_941] : memref<4x8192x2048xf32, #tpu.memory_space<hbm>> -> memref<1x16x2048xf32, #tpu.memory_space<hbm>>
    %dma_start3A_943 = tpu.memref_squeeze %dma_start3A_942 : memref<1x16x2048xf32, #tpu.memory_space<hbm>> -> memref<16x2048xf32, #tpu.memory_space<hbm>>
    %dma_start3A_944 = arith.constant 0 : i32
    %dma_start3A_945 = arith.constant 0 : i32
    %dma_start3A_946 = tpu.memref_slice %arg4[%dma_start3A_932, %dma_start3A_944, %dma_start3A_945] : memref<2x16x2048xf32, #tpu.memory_space<vmem>> -> memref<1x16x2048xf32, #tpu.memory_space<vmem>>
    %dma_start3A_947 = tpu.memref_squeeze %dma_start3A_946 : memref<1x16x2048xf32, #tpu.memory_space<vmem>> -> memref<16x2048xf32, #tpu.memory_space<vmem>>
    tpu.enqueue_dma source(%dma_start3A_947 : memref<16x2048xf32, #tpu.memory_space<vmem>>) target(%dma_start3A_943 : memref<16x2048xf32, #tpu.memory_space<hbm>>) target_semaphore(%arg8 : memref<!tpu.dma_semaphore, #tpu.memory_space<semaphore_mem>>)
    %dma_wait3A_948 = arith.constant 1 : i32
    %dma_wait3A_949 = arith.constant 0 : i32
    %dma_wait3A_950 = arith.constant 0 : i32
    %dma_wait3A_951 = arith.constant 0 : i32
    %dma_wait3A_952 = tpu.memref_slice %arg4[%dma_wait3A_948, %dma_wait3A_950, %dma_wait3A_951] : memref<2x16x2048xf32, #tpu.memory_space<vmem>> -> memref<1x16x2048xf32, #tpu.memory_space<vmem>>
    %dma_wait3A_953 = tpu.memref_squeeze %dma_wait3A_952 : memref<1x16x2048xf32, #tpu.memory_space<vmem>> -> memref<16x2048xf32, #tpu.memory_space<vmem>>
    %dma_wait3A_954 = arith.constant 0 : i32
    %dma_wait3A_955 = tpu.memref_slice %arg3[%dma_wait3A_949, %add3A_877, %dma_wait3A_954] : memref<4x8192x2048xf32, #tpu.memory_space<hbm>> -> memref<1x16x2048xf32, #tpu.memory_space<hbm>>
    %dma_wait3A_956 = tpu.memref_squeeze %dma_wait3A_955 : memref<1x16x2048xf32, #tpu.memory_space<hbm>> -> memref<16x2048xf32, #tpu.memory_space<hbm>>
    %dma_wait3A_957 = arith.constant 0 : i32
    %dma_wait3A_958 = tpu.memref_slice %arg3[%dma_wait3A_949, %add3A_877, %dma_wait3A_957] : memref<4x8192x2048xf32, #tpu.memory_space<hbm>> -> memref<1x16x2048xf32, #tpu.memory_space<hbm>>
    %dma_wait3A_959 = tpu.memref_squeeze %dma_wait3A_958 : memref<1x16x2048xf32, #tpu.memory_space<hbm>> -> memref<16x2048xf32, #tpu.memory_space<hbm>>
    %dma_wait3A_960 = arith.constant 0 : i32
    %dma_wait3A_961 = arith.constant 0 : i32
    %dma_wait3A_962 = tpu.memref_slice %arg4[%dma_wait3A_948, %dma_wait3A_960, %dma_wait3A_961] : memref<2x16x2048xf32, #tpu.memory_space<vmem>> -> memref<1x16x2048xf32, #tpu.memory_space<vmem>>
    %dma_wait3A_963 = tpu.memref_squeeze %dma_wait3A_962 : memref<1x16x2048xf32, #tpu.memory_space<vmem>> -> memref<16x2048xf32, #tpu.memory_space<vmem>>
    tpu.wait_dma2 semaphore(%arg8 : memref<!tpu.dma_semaphore, #tpu.memory_space<semaphore_mem>>) src(%dma_wait3A_963 : memref<16x2048xf32, #tpu.memory_space<vmem>>) dst(%dma_wait3A_959 : memref<16x2048xf32, #tpu.memory_space<hbm>>)
    %dma_wait3A_964 = arith.constant 1 : i32
    %dma_wait3A_965 = arith.constant 1 : i32
    %dma_wait3A_966 = arith.constant 0 : i32
    %dma_wait3A_967 = arith.constant 0 : i32
    %dma_wait3A_968 = tpu.memref_slice %arg4[%dma_wait3A_964, %dma_wait3A_966, %dma_wait3A_967] : memref<2x16x2048xf32, #tpu.memory_space<vmem>> -> memref<1x16x2048xf32, #tpu.memory_space<vmem>>
    %dma_wait3A_969 = tpu.memref_squeeze %dma_wait3A_968 : memref<1x16x2048xf32, #tpu.memory_space<vmem>> -> memref<16x2048xf32, #tpu.memory_space<vmem>>
    %dma_wait3A_970 = arith.constant 0 : i32
    %dma_wait3A_971 = tpu.memref_slice %arg3[%dma_wait3A_965, %add3A_879, %dma_wait3A_970] : memref<4x8192x2048xf32, #tpu.memory_space<hbm>> -> memref<1x16x2048xf32, #tpu.memory_space<hbm>>
    %dma_wait3A_972 = tpu.memref_squeeze %dma_wait3A_971 : memref<1x16x2048xf32, #tpu.memory_space<hbm>> -> memref<16x2048xf32, #tpu.memory_space<hbm>>
    %dma_wait3A_973 = arith.constant 0 : i32
    %dma_wait3A_974 = tpu.memref_slice %arg3[%dma_wait3A_965, %add3A_879, %dma_wait3A_973] : memref<4x8192x2048xf32, #tpu.memory_space<hbm>> -> memref<1x16x2048xf32, #tpu.memory_space<hbm>>
    %dma_wait3A_975 = tpu.memref_squeeze %dma_wait3A_974 : memref<1x16x2048xf32, #tpu.memory_space<hbm>> -> memref<16x2048xf32, #tpu.memory_space<hbm>>
    %dma_wait3A_976 = arith.constant 0 : i32
    %dma_wait3A_977 = arith.constant 0 : i32
    %dma_wait3A_978 = tpu.memref_slice %arg4[%dma_wait3A_964, %dma_wait3A_976, %dma_wait3A_977] : memref<2x16x2048xf32, #tpu.memory_space<vmem>> -> memref<1x16x2048xf32, #tpu.memory_space<vmem>>
    %dma_wait3A_979 = tpu.memref_squeeze %dma_wait3A_978 : memref<1x16x2048xf32, #tpu.memory_space<vmem>> -> memref<16x2048xf32, #tpu.memory_space<vmem>>
    tpu.wait_dma2 semaphore(%arg8 : memref<!tpu.dma_semaphore, #tpu.memory_space<semaphore_mem>>) src(%dma_wait3A_979 : memref<16x2048xf32, #tpu.memory_space<vmem>>) dst(%dma_wait3A_975 : memref<16x2048xf32, #tpu.memory_space<hbm>>)
    %dma_wait3A_980 = arith.constant 1 : i32
    %dma_wait3A_981 = arith.constant 2 : i32
    %dma_wait3A_982 = arith.constant 0 : i32
    %dma_wait3A_983 = arith.constant 0 : i32
    %dma_wait3A_984 = tpu.memref_slice %arg4[%dma_wait3A_980, %dma_wait3A_982, %dma_wait3A_983] : memref<2x16x2048xf32, #tpu.memory_space<vmem>> -> memref<1x16x2048xf32, #tpu.memory_space<vmem>>
    %dma_wait3A_985 = tpu.memref_squeeze %dma_wait3A_984 : memref<1x16x2048xf32, #tpu.memory_space<vmem>> -> memref<16x2048xf32, #tpu.memory_space<vmem>>
    %dma_wait3A_986 = arith.constant 0 : i32
    %dma_wait3A_987 = tpu.memref_slice %arg3[%dma_wait3A_981, %add3A_881, %dma_wait3A_986] : memref<4x8192x2048xf32, #tpu.memory_space<hbm>> -> memref<1x16x2048xf32, #tpu.memory_space<hbm>>
    %dma_wait3A_988 = tpu.memref_squeeze %dma_wait3A_987 : memref<1x16x2048xf32, #tpu.memory_space<hbm>> -> memref<16x2048xf32, #tpu.memory_space<hbm>>
    %dma_wait3A_989 = arith.constant 0 : i32
    %dma_wait3A_990 = tpu.memref_slice %arg3[%dma_wait3A_981, %add3A_881, %dma_wait3A_989] : memref<4x8192x2048xf32, #tpu.memory_space<hbm>> -> memref<1x16x2048xf32, #tpu.memory_space<hbm>>
    %dma_wait3A_991 = tpu.memref_squeeze %dma_wait3A_990 : memref<1x16x2048xf32, #tpu.memory_space<hbm>> -> memref<16x2048xf32, #tpu.memory_space<hbm>>
    %dma_wait3A_992 = arith.constant 0 : i32
    %dma_wait3A_993 = arith.constant 0 : i32
    %dma_wait3A_994 = tpu.memref_slice %arg4[%dma_wait3A_980, %dma_wait3A_992, %dma_wait3A_993] : memref<2x16x2048xf32, #tpu.memory_space<vmem>> -> memref<1x16x2048xf32, #tpu.memory_space<vmem>>
    %dma_wait3A_995 = tpu.memref_squeeze %dma_wait3A_994 : memref<1x16x2048xf32, #tpu.memory_space<vmem>> -> memref<16x2048xf32, #tpu.memory_space<vmem>>
    tpu.wait_dma2 semaphore(%arg8 : memref<!tpu.dma_semaphore, #tpu.memory_space<semaphore_mem>>) src(%dma_wait3A_995 : memref<16x2048xf32, #tpu.memory_space<vmem>>) dst(%dma_wait3A_991 : memref<16x2048xf32, #tpu.memory_space<hbm>>)
    %dma_wait3A_996 = arith.constant 1 : i32
    %dma_wait3A_997 = arith.constant 3 : i32
    %dma_wait3A_998 = arith.constant 0 : i32
    %dma_wait3A_999 = arith.constant 0 : i32
    %dma_wait3A_1000 = tpu.memref_slice %arg4[%dma_wait3A_996, %dma_wait3A_998, %dma_wait3A_999] : memref<2x16x2048xf32, #tpu.memory_space<vmem>> -> memref<1x16x2048xf32, #tpu.memory_space<vmem>>
    %dma_wait3A_1001 = tpu.memref_squeeze %dma_wait3A_1000 : memref<1x16x2048xf32, #tpu.memory_space<vmem>> -> memref<16x2048xf32, #tpu.memory_space<vmem>>
    %dma_wait3A_1002 = arith.constant 0 : i32
    %dma_wait3A_1003 = tpu.memref_slice %arg3[%dma_wait3A_997, %add3A_883, %dma_wait3A_1002] : memref<4x8192x2048xf32, #tpu.memory_space<hbm>> -> memref<1x16x2048xf32, #tpu.memory_space<hbm>>
    %dma_wait3A_1004 = tpu.memref_squeeze %dma_wait3A_1003 : memref<1x16x2048xf32, #tpu.memory_space<hbm>> -> memref<16x2048xf32, #tpu.memory_space<hbm>>
    %dma_wait3A_1005 = arith.constant 0 : i32
    %dma_wait3A_1006 = tpu.memref_slice %arg3[%dma_wait3A_997, %add3A_883, %dma_wait3A_1005] : memref<4x8192x2048xf32, #tpu.memory_space<hbm>> -> memref<1x16x2048xf32, #tpu.memory_space<hbm>>
    %dma_wait3A_1007 = tpu.memref_squeeze %dma_wait3A_1006 : memref<1x16x2048xf32, #tpu.memory_space<hbm>> -> memref<16x2048xf32, #tpu.memory_space<hbm>>
    %dma_wait3A_1008 = arith.constant 0 : i32
    %dma_wait3A_1009 = arith.constant 0 : i32
    %dma_wait3A_1010 = tpu.memref_slice %arg4[%dma_wait3A_996, %dma_wait3A_1008, %dma_wait3A_1009] : memref<2x16x2048xf32, #tpu.memory_space<vmem>> -> memref<1x16x2048xf32, #tpu.memory_space<vmem>>
    %dma_wait3A_1011 = tpu.memref_squeeze %dma_wait3A_1010 : memref<1x16x2048xf32, #tpu.memory_space<vmem>> -> memref<16x2048xf32, #tpu.memory_space<vmem>>
    tpu.wait_dma2 semaphore(%arg8 : memref<!tpu.dma_semaphore, #tpu.memory_space<semaphore_mem>>) src(%dma_wait3A_1011 : memref<16x2048xf32, #tpu.memory_space<vmem>>) dst(%dma_wait3A_1007 : memref<16x2048xf32, #tpu.memory_space<hbm>>)
    %add3A_1012 = arith.constant 112 : i32
    %add3A_1013 = arith.addi %mul3A_2, %add3A_1012 : i32
    %dma_start3A_1014 = arith.constant 1 : i32
    %dma_start3A_1015 = arith.constant 0 : i32
    %dma_start3A_1016 = arith.constant 0 : i32
    %dma_start3A_1017 = tpu.memref_slice %arg4[%dma_start3A_1014, %dma_start3A_1015, %dma_start3A_1016] : memref<2x16x2048xf32, #tpu.memory_space<vmem>> -> memref<1x16x2048xf32, #tpu.memory_space<vmem>>
    %dma_start3A_1018 = tpu.memref_squeeze %dma_start3A_1017 : memref<1x16x2048xf32, #tpu.memory_space<vmem>> -> memref<16x2048xf32, #tpu.memory_space<vmem>>
    %dma_start3A_1019 = arith.constant 0 : i32
    %dma_start3A_1020 = tpu.memref_slice %arg2[%add3A_1013, %dma_start3A_1019] : memref<8192x2048xf32, #tpu.memory_space<hbm>> -> memref<16x2048xf32, #tpu.memory_space<hbm>>
    %dma_start3A_1021 = arith.constant 0 : i32
    %dma_start3A_1022 = arith.constant 0 : i32
    %dma_start3A_1023 = tpu.memref_slice %arg4[%dma_start3A_1014, %dma_start3A_1021, %dma_start3A_1022] : memref<2x16x2048xf32, #tpu.memory_space<vmem>> -> memref<1x16x2048xf32, #tpu.memory_space<vmem>>
    %dma_start3A_1024 = tpu.memref_squeeze %dma_start3A_1023 : memref<1x16x2048xf32, #tpu.memory_space<vmem>> -> memref<16x2048xf32, #tpu.memory_space<vmem>>
    %dma_start3A_1025 = arith.constant 0 : i32
    %dma_start3A_1026 = tpu.memref_slice %arg2[%add3A_1013, %dma_start3A_1025] : memref<8192x2048xf32, #tpu.memory_space<hbm>> -> memref<16x2048xf32, #tpu.memory_space<hbm>>
    tpu.enqueue_dma source(%dma_start3A_1026 : memref<16x2048xf32, #tpu.memory_space<hbm>>) target(%dma_start3A_1024 : memref<16x2048xf32, #tpu.memory_space<vmem>>) target_semaphore(%arg6 : memref<!tpu.dma_semaphore, #tpu.memory_space<semaphore_mem>>)
    %add3A_1027 = arith.constant 96 : i32
    %add3A_1028 = arith.addi %mul3A_2, %add3A_1027 : i32
    %dma_wait3A_1029 = arith.constant 0 : i32
    %dma_wait3A_1030 = arith.constant 0 : i32
    %dma_wait3A_1031 = arith.constant 0 : i32
    %dma_wait3A_1032 = tpu.memref_slice %arg4[%dma_wait3A_1029, %dma_wait3A_1030, %dma_wait3A_1031] : memref<2x16x2048xf32, #tpu.memory_space<vmem>> -> memref<1x16x2048xf32, #tpu.memory_space<vmem>>
    %dma_wait3A_1033 = tpu.memref_squeeze %dma_wait3A_1032 : memref<1x16x2048xf32, #tpu.memory_space<vmem>> -> memref<16x2048xf32, #tpu.memory_space<vmem>>
    %dma_wait3A_1034 = arith.constant 0 : i32
    %dma_wait3A_1035 = tpu.memref_slice %arg2[%add3A_1028, %dma_wait3A_1034] : memref<8192x2048xf32, #tpu.memory_space<hbm>> -> memref<16x2048xf32, #tpu.memory_space<hbm>>
    %dma_wait3A_1036 = arith.constant 0 : i32
    %dma_wait3A_1037 = arith.constant 0 : i32
    %dma_wait3A_1038 = tpu.memref_slice %arg4[%dma_wait3A_1029, %dma_wait3A_1036, %dma_wait3A_1037] : memref<2x16x2048xf32, #tpu.memory_space<vmem>> -> memref<1x16x2048xf32, #tpu.memory_space<vmem>>
    %dma_wait3A_1039 = tpu.memref_squeeze %dma_wait3A_1038 : memref<1x16x2048xf32, #tpu.memory_space<vmem>> -> memref<16x2048xf32, #tpu.memory_space<vmem>>
    %dma_wait3A_1040 = arith.constant 0 : i32
    %dma_wait3A_1041 = tpu.memref_slice %arg2[%add3A_1028, %dma_wait3A_1040] : memref<8192x2048xf32, #tpu.memory_space<hbm>> -> memref<16x2048xf32, #tpu.memory_space<hbm>>
    tpu.wait_dma2 semaphore(%arg5 : memref<!tpu.dma_semaphore, #tpu.memory_space<semaphore_mem>>) src(%dma_wait3A_1041 : memref<16x2048xf32, #tpu.memory_space<hbm>>) dst(%dma_wait3A_1039 : memref<16x2048xf32, #tpu.memory_space<vmem>>)
    %add3A_1042 = arith.constant 96 : i32
    %add3A_1043 = arith.addi %mul3A_2, %add3A_1042 : i32
    %add3A_1044 = arith.constant 96 : i32
    %add3A_1045 = arith.addi %mul3A_2, %add3A_1044 : i32
    %add3A_1046 = arith.constant 96 : i32
    %add3A_1047 = arith.addi %mul3A_2, %add3A_1046 : i32
    %add3A_1048 = arith.constant 96 : i32
    %add3A_1049 = arith.addi %mul3A_2, %add3A_1048 : i32
    %dma_start3A_1050 = arith.constant 0 : i32
    %dma_start3A_1051 = arith.constant 0 : i32
    %dma_start3A_1052 = arith.constant 0 : i32
    %dma_start3A_1053 = arith.constant 0 : i32
    %dma_start3A_1054 = tpu.memref_slice %arg4[%dma_start3A_1050, %dma_start3A_1052, %dma_start3A_1053] : memref<2x16x2048xf32, #tpu.memory_space<vmem>> -> memref<1x16x2048xf32, #tpu.memory_space<vmem>>
    %dma_start3A_1055 = tpu.memref_squeeze %dma_start3A_1054 : memref<1x16x2048xf32, #tpu.memory_space<vmem>> -> memref<16x2048xf32, #tpu.memory_space<vmem>>
    %dma_start3A_1056 = arith.constant 0 : i32
    %dma_start3A_1057 = tpu.memref_slice %arg3[%dma_start3A_1051, %add3A_1043, %dma_start3A_1056] : memref<4x8192x2048xf32, #tpu.memory_space<hbm>> -> memref<1x16x2048xf32, #tpu.memory_space<hbm>>
    %dma_start3A_1058 = tpu.memref_squeeze %dma_start3A_1057 : memref<1x16x2048xf32, #tpu.memory_space<hbm>> -> memref<16x2048xf32, #tpu.memory_space<hbm>>
    %dma_start3A_1059 = arith.constant 0 : i32
    %dma_start3A_1060 = tpu.memref_slice %arg3[%dma_start3A_1051, %add3A_1043, %dma_start3A_1059] : memref<4x8192x2048xf32, #tpu.memory_space<hbm>> -> memref<1x16x2048xf32, #tpu.memory_space<hbm>>
    %dma_start3A_1061 = tpu.memref_squeeze %dma_start3A_1060 : memref<1x16x2048xf32, #tpu.memory_space<hbm>> -> memref<16x2048xf32, #tpu.memory_space<hbm>>
    %dma_start3A_1062 = arith.constant 0 : i32
    %dma_start3A_1063 = arith.constant 0 : i32
    %dma_start3A_1064 = tpu.memref_slice %arg4[%dma_start3A_1050, %dma_start3A_1062, %dma_start3A_1063] : memref<2x16x2048xf32, #tpu.memory_space<vmem>> -> memref<1x16x2048xf32, #tpu.memory_space<vmem>>
    %dma_start3A_1065 = tpu.memref_squeeze %dma_start3A_1064 : memref<1x16x2048xf32, #tpu.memory_space<vmem>> -> memref<16x2048xf32, #tpu.memory_space<vmem>>
    tpu.enqueue_dma source(%dma_start3A_1065 : memref<16x2048xf32, #tpu.memory_space<vmem>>) target(%dma_start3A_1061 : memref<16x2048xf32, #tpu.memory_space<hbm>>) target_semaphore(%arg7 : memref<!tpu.dma_semaphore, #tpu.memory_space<semaphore_mem>>)
    %dma_start3A_1066 = arith.constant 0 : i32
    %dma_start3A_1067 = arith.constant 1 : i32
    %dma_start3A_1068 = arith.constant 0 : i32
    %dma_start3A_1069 = arith.constant 0 : i32
    %dma_start3A_1070 = tpu.memref_slice %arg4[%dma_start3A_1066, %dma_start3A_1068, %dma_start3A_1069] : memref<2x16x2048xf32, #tpu.memory_space<vmem>> -> memref<1x16x2048xf32, #tpu.memory_space<vmem>>
    %dma_start3A_1071 = tpu.memref_squeeze %dma_start3A_1070 : memref<1x16x2048xf32, #tpu.memory_space<vmem>> -> memref<16x2048xf32, #tpu.memory_space<vmem>>
    %dma_start3A_1072 = arith.constant 0 : i32
    %dma_start3A_1073 = tpu.memref_slice %arg3[%dma_start3A_1067, %add3A_1045, %dma_start3A_1072] : memref<4x8192x2048xf32, #tpu.memory_space<hbm>> -> memref<1x16x2048xf32, #tpu.memory_space<hbm>>
    %dma_start3A_1074 = tpu.memref_squeeze %dma_start3A_1073 : memref<1x16x2048xf32, #tpu.memory_space<hbm>> -> memref<16x2048xf32, #tpu.memory_space<hbm>>
    %dma_start3A_1075 = arith.constant 0 : i32
    %dma_start3A_1076 = tpu.memref_slice %arg3[%dma_start3A_1067, %add3A_1045, %dma_start3A_1075] : memref<4x8192x2048xf32, #tpu.memory_space<hbm>> -> memref<1x16x2048xf32, #tpu.memory_space<hbm>>
    %dma_start3A_1077 = tpu.memref_squeeze %dma_start3A_1076 : memref<1x16x2048xf32, #tpu.memory_space<hbm>> -> memref<16x2048xf32, #tpu.memory_space<hbm>>
    %dma_start3A_1078 = arith.constant 0 : i32
    %dma_start3A_1079 = arith.constant 0 : i32
    %dma_start3A_1080 = tpu.memref_slice %arg4[%dma_start3A_1066, %dma_start3A_1078, %dma_start3A_1079] : memref<2x16x2048xf32, #tpu.memory_space<vmem>> -> memref<1x16x2048xf32, #tpu.memory_space<vmem>>
    %dma_start3A_1081 = tpu.memref_squeeze %dma_start3A_1080 : memref<1x16x2048xf32, #tpu.memory_space<vmem>> -> memref<16x2048xf32, #tpu.memory_space<vmem>>
    tpu.enqueue_dma source(%dma_start3A_1081 : memref<16x2048xf32, #tpu.memory_space<vmem>>) target(%dma_start3A_1077 : memref<16x2048xf32, #tpu.memory_space<hbm>>) target_semaphore(%arg7 : memref<!tpu.dma_semaphore, #tpu.memory_space<semaphore_mem>>)
    %dma_start3A_1082 = arith.constant 0 : i32
    %dma_start3A_1083 = arith.constant 2 : i32
    %dma_start3A_1084 = arith.constant 0 : i32
    %dma_start3A_1085 = arith.constant 0 : i32
    %dma_start3A_1086 = tpu.memref_slice %arg4[%dma_start3A_1082, %dma_start3A_1084, %dma_start3A_1085] : memref<2x16x2048xf32, #tpu.memory_space<vmem>> -> memref<1x16x2048xf32, #tpu.memory_space<vmem>>
    %dma_start3A_1087 = tpu.memref_squeeze %dma_start3A_1086 : memref<1x16x2048xf32, #tpu.memory_space<vmem>> -> memref<16x2048xf32, #tpu.memory_space<vmem>>
    %dma_start3A_1088 = arith.constant 0 : i32
    %dma_start3A_1089 = tpu.memref_slice %arg3[%dma_start3A_1083, %add3A_1047, %dma_start3A_1088] : memref<4x8192x2048xf32, #tpu.memory_space<hbm>> -> memref<1x16x2048xf32, #tpu.memory_space<hbm>>
    %dma_start3A_1090 = tpu.memref_squeeze %dma_start3A_1089 : memref<1x16x2048xf32, #tpu.memory_space<hbm>> -> memref<16x2048xf32, #tpu.memory_space<hbm>>
    %dma_start3A_1091 = arith.constant 0 : i32
    %dma_start3A_1092 = tpu.memref_slice %arg3[%dma_start3A_1083, %add3A_1047, %dma_start3A_1091] : memref<4x8192x2048xf32, #tpu.memory_space<hbm>> -> memref<1x16x2048xf32, #tpu.memory_space<hbm>>
    %dma_start3A_1093 = tpu.memref_squeeze %dma_start3A_1092 : memref<1x16x2048xf32, #tpu.memory_space<hbm>> -> memref<16x2048xf32, #tpu.memory_space<hbm>>
    %dma_start3A_1094 = arith.constant 0 : i32
    %dma_start3A_1095 = arith.constant 0 : i32
    %dma_start3A_1096 = tpu.memref_slice %arg4[%dma_start3A_1082, %dma_start3A_1094, %dma_start3A_1095] : memref<2x16x2048xf32, #tpu.memory_space<vmem>> -> memref<1x16x2048xf32, #tpu.memory_space<vmem>>
    %dma_start3A_1097 = tpu.memref_squeeze %dma_start3A_1096 : memref<1x16x2048xf32, #tpu.memory_space<vmem>> -> memref<16x2048xf32, #tpu.memory_space<vmem>>
    tpu.enqueue_dma source(%dma_start3A_1097 : memref<16x2048xf32, #tpu.memory_space<vmem>>) target(%dma_start3A_1093 : memref<16x2048xf32, #tpu.memory_space<hbm>>) target_semaphore(%arg7 : memref<!tpu.dma_semaphore, #tpu.memory_space<semaphore_mem>>)
    %dma_start3A_1098 = arith.constant 0 : i32
    %dma_start3A_1099 = arith.constant 3 : i32
    %dma_start3A_1100 = arith.constant 0 : i32
    %dma_start3A_1101 = arith.constant 0 : i32
    %dma_start3A_1102 = tpu.memref_slice %arg4[%dma_start3A_1098, %dma_start3A_1100, %dma_start3A_1101] : memref<2x16x2048xf32, #tpu.memory_space<vmem>> -> memref<1x16x2048xf32, #tpu.memory_space<vmem>>
    %dma_start3A_1103 = tpu.memref_squeeze %dma_start3A_1102 : memref<1x16x2048xf32, #tpu.memory_space<vmem>> -> memref<16x2048xf32, #tpu.memory_space<vmem>>
    %dma_start3A_1104 = arith.constant 0 : i32
    %dma_start3A_1105 = tpu.memref_slice %arg3[%dma_start3A_1099, %add3A_1049, %dma_start3A_1104] : memref<4x8192x2048xf32, #tpu.memory_space<hbm>> -> memref<1x16x2048xf32, #tpu.memory_space<hbm>>
    %dma_start3A_1106 = tpu.memref_squeeze %dma_start3A_1105 : memref<1x16x2048xf32, #tpu.memory_space<hbm>> -> memref<16x2048xf32, #tpu.memory_space<hbm>>
    %dma_start3A_1107 = arith.constant 0 : i32
    %dma_start3A_1108 = tpu.memref_slice %arg3[%dma_start3A_1099, %add3A_1049, %dma_start3A_1107] : memref<4x8192x2048xf32, #tpu.memory_space<hbm>> -> memref<1x16x2048xf32, #tpu.memory_space<hbm>>
    %dma_start3A_1109 = tpu.memref_squeeze %dma_start3A_1108 : memref<1x16x2048xf32, #tpu.memory_space<hbm>> -> memref<16x2048xf32, #tpu.memory_space<hbm>>
    %dma_start3A_1110 = arith.constant 0 : i32
    %dma_start3A_1111 = arith.constant 0 : i32
    %dma_start3A_1112 = tpu.memref_slice %arg4[%dma_start3A_1098, %dma_start3A_1110, %dma_start3A_1111] : memref<2x16x2048xf32, #tpu.memory_space<vmem>> -> memref<1x16x2048xf32, #tpu.memory_space<vmem>>
    %dma_start3A_1113 = tpu.memref_squeeze %dma_start3A_1112 : memref<1x16x2048xf32, #tpu.memory_space<vmem>> -> memref<16x2048xf32, #tpu.memory_space<vmem>>
    tpu.enqueue_dma source(%dma_start3A_1113 : memref<16x2048xf32, #tpu.memory_space<vmem>>) target(%dma_start3A_1109 : memref<16x2048xf32, #tpu.memory_space<hbm>>) target_semaphore(%arg7 : memref<!tpu.dma_semaphore, #tpu.memory_space<semaphore_mem>>)
    %dma_wait3A_1114 = arith.constant 0 : i32
    %dma_wait3A_1115 = arith.constant 0 : i32
    %dma_wait3A_1116 = arith.constant 0 : i32
    %dma_wait3A_1117 = arith.constant 0 : i32
    %dma_wait3A_1118 = tpu.memref_slice %arg4[%dma_wait3A_1114, %dma_wait3A_1116, %dma_wait3A_1117] : memref<2x16x2048xf32, #tpu.memory_space<vmem>> -> memref<1x16x2048xf32, #tpu.memory_space<vmem>>
    %dma_wait3A_1119 = tpu.memref_squeeze %dma_wait3A_1118 : memref<1x16x2048xf32, #tpu.memory_space<vmem>> -> memref<16x2048xf32, #tpu.memory_space<vmem>>
    %dma_wait3A_1120 = arith.constant 0 : i32
    %dma_wait3A_1121 = tpu.memref_slice %arg3[%dma_wait3A_1115, %add3A_1043, %dma_wait3A_1120] : memref<4x8192x2048xf32, #tpu.memory_space<hbm>> -> memref<1x16x2048xf32, #tpu.memory_space<hbm>>
    %dma_wait3A_1122 = tpu.memref_squeeze %dma_wait3A_1121 : memref<1x16x2048xf32, #tpu.memory_space<hbm>> -> memref<16x2048xf32, #tpu.memory_space<hbm>>
    %dma_wait3A_1123 = arith.constant 0 : i32
    %dma_wait3A_1124 = tpu.memref_slice %arg3[%dma_wait3A_1115, %add3A_1043, %dma_wait3A_1123] : memref<4x8192x2048xf32, #tpu.memory_space<hbm>> -> memref<1x16x2048xf32, #tpu.memory_space<hbm>>
    %dma_wait3A_1125 = tpu.memref_squeeze %dma_wait3A_1124 : memref<1x16x2048xf32, #tpu.memory_space<hbm>> -> memref<16x2048xf32, #tpu.memory_space<hbm>>
    %dma_wait3A_1126 = arith.constant 0 : i32
    %dma_wait3A_1127 = arith.constant 0 : i32
    %dma_wait3A_1128 = tpu.memref_slice %arg4[%dma_wait3A_1114, %dma_wait3A_1126, %dma_wait3A_1127] : memref<2x16x2048xf32, #tpu.memory_space<vmem>> -> memref<1x16x2048xf32, #tpu.memory_space<vmem>>
    %dma_wait3A_1129 = tpu.memref_squeeze %dma_wait3A_1128 : memref<1x16x2048xf32, #tpu.memory_space<vmem>> -> memref<16x2048xf32, #tpu.memory_space<vmem>>
    tpu.wait_dma2 semaphore(%arg7 : memref<!tpu.dma_semaphore, #tpu.memory_space<semaphore_mem>>) src(%dma_wait3A_1129 : memref<16x2048xf32, #tpu.memory_space<vmem>>) dst(%dma_wait3A_1125 : memref<16x2048xf32, #tpu.memory_space<hbm>>)
    %dma_wait3A_1130 = arith.constant 0 : i32
    %dma_wait3A_1131 = arith.constant 1 : i32
    %dma_wait3A_1132 = arith.constant 0 : i32
    %dma_wait3A_1133 = arith.constant 0 : i32
    %dma_wait3A_1134 = tpu.memref_slice %arg4[%dma_wait3A_1130, %dma_wait3A_1132, %dma_wait3A_1133] : memref<2x16x2048xf32, #tpu.memory_space<vmem>> -> memref<1x16x2048xf32, #tpu.memory_space<vmem>>
    %dma_wait3A_1135 = tpu.memref_squeeze %dma_wait3A_1134 : memref<1x16x2048xf32, #tpu.memory_space<vmem>> -> memref<16x2048xf32, #tpu.memory_space<vmem>>
    %dma_wait3A_1136 = arith.constant 0 : i32
    %dma_wait3A_1137 = tpu.memref_slice %arg3[%dma_wait3A_1131, %add3A_1045, %dma_wait3A_1136] : memref<4x8192x2048xf32, #tpu.memory_space<hbm>> -> memref<1x16x2048xf32, #tpu.memory_space<hbm>>
    %dma_wait3A_1138 = tpu.memref_squeeze %dma_wait3A_1137 : memref<1x16x2048xf32, #tpu.memory_space<hbm>> -> memref<16x2048xf32, #tpu.memory_space<hbm>>
    %dma_wait3A_1139 = arith.constant 0 : i32
    %dma_wait3A_1140 = tpu.memref_slice %arg3[%dma_wait3A_1131, %add3A_1045, %dma_wait3A_1139] : memref<4x8192x2048xf32, #tpu.memory_space<hbm>> -> memref<1x16x2048xf32, #tpu.memory_space<hbm>>
    %dma_wait3A_1141 = tpu.memref_squeeze %dma_wait3A_1140 : memref<1x16x2048xf32, #tpu.memory_space<hbm>> -> memref<16x2048xf32, #tpu.memory_space<hbm>>
    %dma_wait3A_1142 = arith.constant 0 : i32
    %dma_wait3A_1143 = arith.constant 0 : i32
    %dma_wait3A_1144 = tpu.memref_slice %arg4[%dma_wait3A_1130, %dma_wait3A_1142, %dma_wait3A_1143] : memref<2x16x2048xf32, #tpu.memory_space<vmem>> -> memref<1x16x2048xf32, #tpu.memory_space<vmem>>
    %dma_wait3A_1145 = tpu.memref_squeeze %dma_wait3A_1144 : memref<1x16x2048xf32, #tpu.memory_space<vmem>> -> memref<16x2048xf32, #tpu.memory_space<vmem>>
    tpu.wait_dma2 semaphore(%arg7 : memref<!tpu.dma_semaphore, #tpu.memory_space<semaphore_mem>>) src(%dma_wait3A_1145 : memref<16x2048xf32, #tpu.memory_space<vmem>>) dst(%dma_wait3A_1141 : memref<16x2048xf32, #tpu.memory_space<hbm>>)
    %dma_wait3A_1146 = arith.constant 0 : i32
    %dma_wait3A_1147 = arith.constant 2 : i32
    %dma_wait3A_1148 = arith.constant 0 : i32
    %dma_wait3A_1149 = arith.constant 0 : i32
    %dma_wait3A_1150 = tpu.memref_slice %arg4[%dma_wait3A_1146, %dma_wait3A_1148, %dma_wait3A_1149] : memref<2x16x2048xf32, #tpu.memory_space<vmem>> -> memref<1x16x2048xf32, #tpu.memory_space<vmem>>
    %dma_wait3A_1151 = tpu.memref_squeeze %dma_wait3A_1150 : memref<1x16x2048xf32, #tpu.memory_space<vmem>> -> memref<16x2048xf32, #tpu.memory_space<vmem>>
    %dma_wait3A_1152 = arith.constant 0 : i32
    %dma_wait3A_1153 = tpu.memref_slice %arg3[%dma_wait3A_1147, %add3A_1047, %dma_wait3A_1152] : memref<4x8192x2048xf32, #tpu.memory_space<hbm>> -> memref<1x16x2048xf32, #tpu.memory_space<hbm>>
    %dma_wait3A_1154 = tpu.memref_squeeze %dma_wait3A_1153 : memref<1x16x2048xf32, #tpu.memory_space<hbm>> -> memref<16x2048xf32, #tpu.memory_space<hbm>>
    %dma_wait3A_1155 = arith.constant 0 : i32
    %dma_wait3A_1156 = tpu.memref_slice %arg3[%dma_wait3A_1147, %add3A_1047, %dma_wait3A_1155] : memref<4x8192x2048xf32, #tpu.memory_space<hbm>> -> memref<1x16x2048xf32, #tpu.memory_space<hbm>>
    %dma_wait3A_1157 = tpu.memref_squeeze %dma_wait3A_1156 : memref<1x16x2048xf32, #tpu.memory_space<hbm>> -> memref<16x2048xf32, #tpu.memory_space<hbm>>
    %dma_wait3A_1158 = arith.constant 0 : i32
    %dma_wait3A_1159 = arith.constant 0 : i32
    %dma_wait3A_1160 = tpu.memref_slice %arg4[%dma_wait3A_1146, %dma_wait3A_1158, %dma_wait3A_1159] : memref<2x16x2048xf32, #tpu.memory_space<vmem>> -> memref<1x16x2048xf32, #tpu.memory_space<vmem>>
    %dma_wait3A_1161 = tpu.memref_squeeze %dma_wait3A_1160 : memref<1x16x2048xf32, #tpu.memory_space<vmem>> -> memref<16x2048xf32, #tpu.memory_space<vmem>>
    tpu.wait_dma2 semaphore(%arg7 : memref<!tpu.dma_semaphore, #tpu.memory_space<semaphore_mem>>) src(%dma_wait3A_1161 : memref<16x2048xf32, #tpu.memory_space<vmem>>) dst(%dma_wait3A_1157 : memref<16x2048xf32, #tpu.memory_space<hbm>>)
    %dma_wait3A_1162 = arith.constant 0 : i32
    %dma_wait3A_1163 = arith.constant 3 : i32
    %dma_wait3A_1164 = arith.constant 0 : i32
    %dma_wait3A_1165 = arith.constant 0 : i32
    %dma_wait3A_1166 = tpu.memref_slice %arg4[%dma_wait3A_1162, %dma_wait3A_1164, %dma_wait3A_1165] : memref<2x16x2048xf32, #tpu.memory_space<vmem>> -> memref<1x16x2048xf32, #tpu.memory_space<vmem>>
    %dma_wait3A_1167 = tpu.memref_squeeze %dma_wait3A_1166 : memref<1x16x2048xf32, #tpu.memory_space<vmem>> -> memref<16x2048xf32, #tpu.memory_space<vmem>>
    %dma_wait3A_1168 = arith.constant 0 : i32
    %dma_wait3A_1169 = tpu.memref_slice %arg3[%dma_wait3A_1163, %add3A_1049, %dma_wait3A_1168] : memref<4x8192x2048xf32, #tpu.memory_space<hbm>> -> memref<1x16x2048xf32, #tpu.memory_space<hbm>>
    %dma_wait3A_1170 = tpu.memref_squeeze %dma_wait3A_1169 : memref<1x16x2048xf32, #tpu.memory_space<hbm>> -> memref<16x2048xf32, #tpu.memory_space<hbm>>
    %dma_wait3A_1171 = arith.constant 0 : i32
    %dma_wait3A_1172 = tpu.memref_slice %arg3[%dma_wait3A_1163, %add3A_1049, %dma_wait3A_1171] : memref<4x8192x2048xf32, #tpu.memory_space<hbm>> -> memref<1x16x2048xf32, #tpu.memory_space<hbm>>
    %dma_wait3A_1173 = tpu.memref_squeeze %dma_wait3A_1172 : memref<1x16x2048xf32, #tpu.memory_space<hbm>> -> memref<16x2048xf32, #tpu.memory_space<hbm>>
    %dma_wait3A_1174 = arith.constant 0 : i32
    %dma_wait3A_1175 = arith.constant 0 : i32
    %dma_wait3A_1176 = tpu.memref_slice %arg4[%dma_wait3A_1162, %dma_wait3A_1174, %dma_wait3A_1175] : memref<2x16x2048xf32, #tpu.memory_space<vmem>> -> memref<1x16x2048xf32, #tpu.memory_space<vmem>>
    %dma_wait3A_1177 = tpu.memref_squeeze %dma_wait3A_1176 : memref<1x16x2048xf32, #tpu.memory_space<vmem>> -> memref<16x2048xf32, #tpu.memory_space<vmem>>
    tpu.wait_dma2 semaphore(%arg7 : memref<!tpu.dma_semaphore, #tpu.memory_space<semaphore_mem>>) src(%dma_wait3A_1177 : memref<16x2048xf32, #tpu.memory_space<vmem>>) dst(%dma_wait3A_1173 : memref<16x2048xf32, #tpu.memory_space<hbm>>)
    %add3A_1178 = arith.constant 128 : i32
    %add3A_1179 = arith.addi %mul3A_2, %add3A_1178 : i32
    %dma_start3A_1180 = arith.constant 0 : i32
    %dma_start3A_1181 = arith.constant 0 : i32
    %dma_start3A_1182 = arith.constant 0 : i32
    %dma_start3A_1183 = tpu.memref_slice %arg4[%dma_start3A_1180, %dma_start3A_1181, %dma_start3A_1182] : memref<2x16x2048xf32, #tpu.memory_space<vmem>> -> memref<1x16x2048xf32, #tpu.memory_space<vmem>>
    %dma_start3A_1184 = tpu.memref_squeeze %dma_start3A_1183 : memref<1x16x2048xf32, #tpu.memory_space<vmem>> -> memref<16x2048xf32, #tpu.memory_space<vmem>>
    %dma_start3A_1185 = arith.constant 0 : i32
    %dma_start3A_1186 = tpu.memref_slice %arg2[%add3A_1179, %dma_start3A_1185] : memref<8192x2048xf32, #tpu.memory_space<hbm>> -> memref<16x2048xf32, #tpu.memory_space<hbm>>
    %dma_start3A_1187 = arith.constant 0 : i32
    %dma_start3A_1188 = arith.constant 0 : i32
    %dma_start3A_1189 = tpu.memref_slice %arg4[%dma_start3A_1180, %dma_start3A_1187, %dma_start3A_1188] : memref<2x16x2048xf32, #tpu.memory_space<vmem>> -> memref<1x16x2048xf32, #tpu.memory_space<vmem>>
    %dma_start3A_1190 = tpu.memref_squeeze %dma_start3A_1189 : memref<1x16x2048xf32, #tpu.memory_space<vmem>> -> memref<16x2048xf32, #tpu.memory_space<vmem>>
    %dma_start3A_1191 = arith.constant 0 : i32
    %dma_start3A_1192 = tpu.memref_slice %arg2[%add3A_1179, %dma_start3A_1191] : memref<8192x2048xf32, #tpu.memory_space<hbm>> -> memref<16x2048xf32, #tpu.memory_space<hbm>>
    tpu.enqueue_dma source(%dma_start3A_1192 : memref<16x2048xf32, #tpu.memory_space<hbm>>) target(%dma_start3A_1190 : memref<16x2048xf32, #tpu.memory_space<vmem>>) target_semaphore(%arg5 : memref<!tpu.dma_semaphore, #tpu.memory_space<semaphore_mem>>)
    %add3A_1193 = arith.constant 112 : i32
    %add3A_1194 = arith.addi %mul3A_2, %add3A_1193 : i32
    %dma_wait3A_1195 = arith.constant 1 : i32
    %dma_wait3A_1196 = arith.constant 0 : i32
    %dma_wait3A_1197 = arith.constant 0 : i32
    %dma_wait3A_1198 = tpu.memref_slice %arg4[%dma_wait3A_1195, %dma_wait3A_1196, %dma_wait3A_1197] : memref<2x16x2048xf32, #tpu.memory_space<vmem>> -> memref<1x16x2048xf32, #tpu.memory_space<vmem>>
    %dma_wait3A_1199 = tpu.memref_squeeze %dma_wait3A_1198 : memref<1x16x2048xf32, #tpu.memory_space<vmem>> -> memref<16x2048xf32, #tpu.memory_space<vmem>>
    %dma_wait3A_1200 = arith.constant 0 : i32
    %dma_wait3A_1201 = tpu.memref_slice %arg2[%add3A_1194, %dma_wait3A_1200] : memref<8192x2048xf32, #tpu.memory_space<hbm>> -> memref<16x2048xf32, #tpu.memory_space<hbm>>
    %dma_wait3A_1202 = arith.constant 0 : i32
    %dma_wait3A_1203 = arith.constant 0 : i32
    %dma_wait3A_1204 = tpu.memref_slice %arg4[%dma_wait3A_1195, %dma_wait3A_1202, %dma_wait3A_1203] : memref<2x16x2048xf32, #tpu.memory_space<vmem>> -> memref<1x16x2048xf32, #tpu.memory_space<vmem>>
    %dma_wait3A_1205 = tpu.memref_squeeze %dma_wait3A_1204 : memref<1x16x2048xf32, #tpu.memory_space<vmem>> -> memref<16x2048xf32, #tpu.memory_space<vmem>>
    %dma_wait3A_1206 = arith.constant 0 : i32
    %dma_wait3A_1207 = tpu.memref_slice %arg2[%add3A_1194, %dma_wait3A_1206] : memref<8192x2048xf32, #tpu.memory_space<hbm>> -> memref<16x2048xf32, #tpu.memory_space<hbm>>
    tpu.wait_dma2 semaphore(%arg6 : memref<!tpu.dma_semaphore, #tpu.memory_space<semaphore_mem>>) src(%dma_wait3A_1207 : memref<16x2048xf32, #tpu.memory_space<hbm>>) dst(%dma_wait3A_1205 : memref<16x2048xf32, #tpu.memory_space<vmem>>)
    %add3A_1208 = arith.constant 112 : i32
    %add3A_1209 = arith.addi %mul3A_2, %add3A_1208 : i32
    %add3A_1210 = arith.constant 112 : i32
    %add3A_1211 = arith.addi %mul3A_2, %add3A_1210 : i32
    %add3A_1212 = arith.constant 112 : i32
    %add3A_1213 = arith.addi %mul3A_2, %add3A_1212 : i32
    %add3A_1214 = arith.constant 112 : i32
    %add3A_1215 = arith.addi %mul3A_2, %add3A_1214 : i32
    %dma_start3A_1216 = arith.constant 1 : i32
    %dma_start3A_1217 = arith.constant 0 : i32
    %dma_start3A_1218 = arith.constant 0 : i32
    %dma_start3A_1219 = arith.constant 0 : i32
    %dma_start3A_1220 = tpu.memref_slice %arg4[%dma_start3A_1216, %dma_start3A_1218, %dma_start3A_1219] : memref<2x16x2048xf32, #tpu.memory_space<vmem>> -> memref<1x16x2048xf32, #tpu.memory_space<vmem>>
    %dma_start3A_1221 = tpu.memref_squeeze %dma_start3A_1220 : memref<1x16x2048xf32, #tpu.memory_space<vmem>> -> memref<16x2048xf32, #tpu.memory_space<vmem>>
    %dma_start3A_1222 = arith.constant 0 : i32
    %dma_start3A_1223 = tpu.memref_slice %arg3[%dma_start3A_1217, %add3A_1209, %dma_start3A_1222] : memref<4x8192x2048xf32, #tpu.memory_space<hbm>> -> memref<1x16x2048xf32, #tpu.memory_space<hbm>>
    %dma_start3A_1224 = tpu.memref_squeeze %dma_start3A_1223 : memref<1x16x2048xf32, #tpu.memory_space<hbm>> -> memref<16x2048xf32, #tpu.memory_space<hbm>>
    %dma_start3A_1225 = arith.constant 0 : i32
    %dma_start3A_1226 = tpu.memref_slice %arg3[%dma_start3A_1217, %add3A_1209, %dma_start3A_1225] : memref<4x8192x2048xf32, #tpu.memory_space<hbm>> -> memref<1x16x2048xf32, #tpu.memory_space<hbm>>
    %dma_start3A_1227 = tpu.memref_squeeze %dma_start3A_1226 : memref<1x16x2048xf32, #tpu.memory_space<hbm>> -> memref<16x2048xf32, #tpu.memory_space<hbm>>
    %dma_start3A_1228 = arith.constant 0 : i32
    %dma_start3A_1229 = arith.constant 0 : i32
    %dma_start3A_1230 = tpu.memref_slice %arg4[%dma_start3A_1216, %dma_start3A_1228, %dma_start3A_1229] : memref<2x16x2048xf32, #tpu.memory_space<vmem>> -> memref<1x16x2048xf32, #tpu.memory_space<vmem>>
    %dma_start3A_1231 = tpu.memref_squeeze %dma_start3A_1230 : memref<1x16x2048xf32, #tpu.memory_space<vmem>> -> memref<16x2048xf32, #tpu.memory_space<vmem>>
    tpu.enqueue_dma source(%dma_start3A_1231 : memref<16x2048xf32, #tpu.memory_space<vmem>>) target(%dma_start3A_1227 : memref<16x2048xf32, #tpu.memory_space<hbm>>) target_semaphore(%arg8 : memref<!tpu.dma_semaphore, #tpu.memory_space<semaphore_mem>>)
    %dma_start3A_1232 = arith.constant 1 : i32
    %dma_start3A_1233 = arith.constant 1 : i32
    %dma_start3A_1234 = arith.constant 0 : i32
    %dma_start3A_1235 = arith.constant 0 : i32
    %dma_start3A_1236 = tpu.memref_slice %arg4[%dma_start3A_1232, %dma_start3A_1234, %dma_start3A_1235] : memref<2x16x2048xf32, #tpu.memory_space<vmem>> -> memref<1x16x2048xf32, #tpu.memory_space<vmem>>
    %dma_start3A_1237 = tpu.memref_squeeze %dma_start3A_1236 : memref<1x16x2048xf32, #tpu.memory_space<vmem>> -> memref<16x2048xf32, #tpu.memory_space<vmem>>
    %dma_start3A_1238 = arith.constant 0 : i32
    %dma_start3A_1239 = tpu.memref_slice %arg3[%dma_start3A_1233, %add3A_1211, %dma_start3A_1238] : memref<4x8192x2048xf32, #tpu.memory_space<hbm>> -> memref<1x16x2048xf32, #tpu.memory_space<hbm>>
    %dma_start3A_1240 = tpu.memref_squeeze %dma_start3A_1239 : memref<1x16x2048xf32, #tpu.memory_space<hbm>> -> memref<16x2048xf32, #tpu.memory_space<hbm>>
    %dma_start3A_1241 = arith.constant 0 : i32
    %dma_start3A_1242 = tpu.memref_slice %arg3[%dma_start3A_1233, %add3A_1211, %dma_start3A_1241] : memref<4x8192x2048xf32, #tpu.memory_space<hbm>> -> memref<1x16x2048xf32, #tpu.memory_space<hbm>>
    %dma_start3A_1243 = tpu.memref_squeeze %dma_start3A_1242 : memref<1x16x2048xf32, #tpu.memory_space<hbm>> -> memref<16x2048xf32, #tpu.memory_space<hbm>>
    %dma_start3A_1244 = arith.constant 0 : i32
    %dma_start3A_1245 = arith.constant 0 : i32
    %dma_start3A_1246 = tpu.memref_slice %arg4[%dma_start3A_1232, %dma_start3A_1244, %dma_start3A_1245] : memref<2x16x2048xf32, #tpu.memory_space<vmem>> -> memref<1x16x2048xf32, #tpu.memory_space<vmem>>
    %dma_start3A_1247 = tpu.memref_squeeze %dma_start3A_1246 : memref<1x16x2048xf32, #tpu.memory_space<vmem>> -> memref<16x2048xf32, #tpu.memory_space<vmem>>
    tpu.enqueue_dma source(%dma_start3A_1247 : memref<16x2048xf32, #tpu.memory_space<vmem>>) target(%dma_start3A_1243 : memref<16x2048xf32, #tpu.memory_space<hbm>>) target_semaphore(%arg8 : memref<!tpu.dma_semaphore, #tpu.memory_space<semaphore_mem>>)
    %dma_start3A_1248 = arith.constant 1 : i32
    %dma_start3A_1249 = arith.constant 2 : i32
    %dma_start3A_1250 = arith.constant 0 : i32
    %dma_start3A_1251 = arith.constant 0 : i32
    %dma_start3A_1252 = tpu.memref_slice %arg4[%dma_start3A_1248, %dma_start3A_1250, %dma_start3A_1251] : memref<2x16x2048xf32, #tpu.memory_space<vmem>> -> memref<1x16x2048xf32, #tpu.memory_space<vmem>>
    %dma_start3A_1253 = tpu.memref_squeeze %dma_start3A_1252 : memref<1x16x2048xf32, #tpu.memory_space<vmem>> -> memref<16x2048xf32, #tpu.memory_space<vmem>>
    %dma_start3A_1254 = arith.constant 0 : i32
    %dma_start3A_1255 = tpu.memref_slice %arg3[%dma_start3A_1249, %add3A_1213, %dma_start3A_1254] : memref<4x8192x2048xf32, #tpu.memory_space<hbm>> -> memref<1x16x2048xf32, #tpu.memory_space<hbm>>
    %dma_start3A_1256 = tpu.memref_squeeze %dma_start3A_1255 : memref<1x16x2048xf32, #tpu.memory_space<hbm>> -> memref<16x2048xf32, #tpu.memory_space<hbm>>
    %dma_start3A_1257 = arith.constant 0 : i32
    %dma_start3A_1258 = tpu.memref_slice %arg3[%dma_start3A_1249, %add3A_1213, %dma_start3A_1257] : memref<4x8192x2048xf32, #tpu.memory_space<hbm>> -> memref<1x16x2048xf32, #tpu.memory_space<hbm>>
    %dma_start3A_1259 = tpu.memref_squeeze %dma_start3A_1258 : memref<1x16x2048xf32, #tpu.memory_space<hbm>> -> memref<16x2048xf32, #tpu.memory_space<hbm>>
    %dma_start3A_1260 = arith.constant 0 : i32
    %dma_start3A_1261 = arith.constant 0 : i32
    %dma_start3A_1262 = tpu.memref_slice %arg4[%dma_start3A_1248, %dma_start3A_1260, %dma_start3A_1261] : memref<2x16x2048xf32, #tpu.memory_space<vmem>> -> memref<1x16x2048xf32, #tpu.memory_space<vmem>>
    %dma_start3A_1263 = tpu.memref_squeeze %dma_start3A_1262 : memref<1x16x2048xf32, #tpu.memory_space<vmem>> -> memref<16x2048xf32, #tpu.memory_space<vmem>>
    tpu.enqueue_dma source(%dma_start3A_1263 : memref<16x2048xf32, #tpu.memory_space<vmem>>) target(%dma_start3A_1259 : memref<16x2048xf32, #tpu.memory_space<hbm>>) target_semaphore(%arg8 : memref<!tpu.dma_semaphore, #tpu.memory_space<semaphore_mem>>)
    %dma_start3A_1264 = arith.constant 1 : i32
    %dma_start3A_1265 = arith.constant 3 : i32
    %dma_start3A_1266 = arith.constant 0 : i32
    %dma_start3A_1267 = arith.constant 0 : i32
    %dma_start3A_1268 = tpu.memref_slice %arg4[%dma_start3A_1264, %dma_start3A_1266, %dma_start3A_1267] : memref<2x16x2048xf32, #tpu.memory_space<vmem>> -> memref<1x16x2048xf32, #tpu.memory_space<vmem>>
    %dma_start3A_1269 = tpu.memref_squeeze %dma_start3A_1268 : memref<1x16x2048xf32, #tpu.memory_space<vmem>> -> memref<16x2048xf32, #tpu.memory_space<vmem>>
    %dma_start3A_1270 = arith.constant 0 : i32
    %dma_start3A_1271 = tpu.memref_slice %arg3[%dma_start3A_1265, %add3A_1215, %dma_start3A_1270] : memref<4x8192x2048xf32, #tpu.memory_space<hbm>> -> memref<1x16x2048xf32, #tpu.memory_space<hbm>>
    %dma_start3A_1272 = tpu.memref_squeeze %dma_start3A_1271 : memref<1x16x2048xf32, #tpu.memory_space<hbm>> -> memref<16x2048xf32, #tpu.memory_space<hbm>>
    %dma_start3A_1273 = arith.constant 0 : i32
    %dma_start3A_1274 = tpu.memref_slice %arg3[%dma_start3A_1265, %add3A_1215, %dma_start3A_1273] : memref<4x8192x2048xf32, #tpu.memory_space<hbm>> -> memref<1x16x2048xf32, #tpu.memory_space<hbm>>
    %dma_start3A_1275 = tpu.memref_squeeze %dma_start3A_1274 : memref<1x16x2048xf32, #tpu.memory_space<hbm>> -> memref<16x2048xf32, #tpu.memory_space<hbm>>
    %dma_start3A_1276 = arith.constant 0 : i32
    %dma_start3A_1277 = arith.constant 0 : i32
    %dma_start3A_1278 = tpu.memref_slice %arg4[%dma_start3A_1264, %dma_start3A_1276, %dma_start3A_1277] : memref<2x16x2048xf32, #tpu.memory_space<vmem>> -> memref<1x16x2048xf32, #tpu.memory_space<vmem>>
    %dma_start3A_1279 = tpu.memref_squeeze %dma_start3A_1278 : memref<1x16x2048xf32, #tpu.memory_space<vmem>> -> memref<16x2048xf32, #tpu.memory_space<vmem>>
    tpu.enqueue_dma source(%dma_start3A_1279 : memref<16x2048xf32, #tpu.memory_space<vmem>>) target(%dma_start3A_1275 : memref<16x2048xf32, #tpu.memory_space<hbm>>) target_semaphore(%arg8 : memref<!tpu.dma_semaphore, #tpu.memory_space<semaphore_mem>>)
    %dma_wait3A_1280 = arith.constant 1 : i32
    %dma_wait3A_1281 = arith.constant 0 : i32
    %dma_wait3A_1282 = arith.constant 0 : i32
    %dma_wait3A_1283 = arith.constant 0 : i32
    %dma_wait3A_1284 = tpu.memref_slice %arg4[%dma_wait3A_1280, %dma_wait3A_1282, %dma_wait3A_1283] : memref<2x16x2048xf32, #tpu.memory_space<vmem>> -> memref<1x16x2048xf32, #tpu.memory_space<vmem>>
    %dma_wait3A_1285 = tpu.memref_squeeze %dma_wait3A_1284 : memref<1x16x2048xf32, #tpu.memory_space<vmem>> -> memref<16x2048xf32, #tpu.memory_space<vmem>>
    %dma_wait3A_1286 = arith.constant 0 : i32
    %dma_wait3A_1287 = tpu.memref_slice %arg3[%dma_wait3A_1281, %add3A_1209, %dma_wait3A_1286] : memref<4x8192x2048xf32, #tpu.memory_space<hbm>> -> memref<1x16x2048xf32, #tpu.memory_space<hbm>>
    %dma_wait3A_1288 = tpu.memref_squeeze %dma_wait3A_1287 : memref<1x16x2048xf32, #tpu.memory_space<hbm>> -> memref<16x2048xf32, #tpu.memory_space<hbm>>
    %dma_wait3A_1289 = arith.constant 0 : i32
    %dma_wait3A_1290 = tpu.memref_slice %arg3[%dma_wait3A_1281, %add3A_1209, %dma_wait3A_1289] : memref<4x8192x2048xf32, #tpu.memory_space<hbm>> -> memref<1x16x2048xf32, #tpu.memory_space<hbm>>
    %dma_wait3A_1291 = tpu.memref_squeeze %dma_wait3A_1290 : memref<1x16x2048xf32, #tpu.memory_space<hbm>> -> memref<16x2048xf32, #tpu.memory_space<hbm>>
    %dma_wait3A_1292 = arith.constant 0 : i32
    %dma_wait3A_1293 = arith.constant 0 : i32
    %dma_wait3A_1294 = tpu.memref_slice %arg4[%dma_wait3A_1280, %dma_wait3A_1292, %dma_wait3A_1293] : memref<2x16x2048xf32, #tpu.memory_space<vmem>> -> memref<1x16x2048xf32, #tpu.memory_space<vmem>>
    %dma_wait3A_1295 = tpu.memref_squeeze %dma_wait3A_1294 : memref<1x16x2048xf32, #tpu.memory_space<vmem>> -> memref<16x2048xf32, #tpu.memory_space<vmem>>
    tpu.wait_dma2 semaphore(%arg8 : memref<!tpu.dma_semaphore, #tpu.memory_space<semaphore_mem>>) src(%dma_wait3A_1295 : memref<16x2048xf32, #tpu.memory_space<vmem>>) dst(%dma_wait3A_1291 : memref<16x2048xf32, #tpu.memory_space<hbm>>)
    %dma_wait3A_1296 = arith.constant 1 : i32
    %dma_wait3A_1297 = arith.constant 1 : i32
    %dma_wait3A_1298 = arith.constant 0 : i32
    %dma_wait3A_1299 = arith.constant 0 : i32
    %dma_wait3A_1300 = tpu.memref_slice %arg4[%dma_wait3A_1296, %dma_wait3A_1298, %dma_wait3A_1299] : memref<2x16x2048xf32, #tpu.memory_space<vmem>> -> memref<1x16x2048xf32, #tpu.memory_space<vmem>>
    %dma_wait3A_1301 = tpu.memref_squeeze %dma_wait3A_1300 : memref<1x16x2048xf32, #tpu.memory_space<vmem>> -> memref<16x2048xf32, #tpu.memory_space<vmem>>
    %dma_wait3A_1302 = arith.constant 0 : i32
    %dma_wait3A_1303 = tpu.memref_slice %arg3[%dma_wait3A_1297, %add3A_1211, %dma_wait3A_1302] : memref<4x8192x2048xf32, #tpu.memory_space<hbm>> -> memref<1x16x2048xf32, #tpu.memory_space<hbm>>
    %dma_wait3A_1304 = tpu.memref_squeeze %dma_wait3A_1303 : memref<1x16x2048xf32, #tpu.memory_space<hbm>> -> memref<16x2048xf32, #tpu.memory_space<hbm>>
    %dma_wait3A_1305 = arith.constant 0 : i32
    %dma_wait3A_1306 = tpu.memref_slice %arg3[%dma_wait3A_1297, %add3A_1211, %dma_wait3A_1305] : memref<4x8192x2048xf32, #tpu.memory_space<hbm>> -> memref<1x16x2048xf32, #tpu.memory_space<hbm>>
    %dma_wait3A_1307 = tpu.memref_squeeze %dma_wait3A_1306 : memref<1x16x2048xf32, #tpu.memory_space<hbm>> -> memref<16x2048xf32, #tpu.memory_space<hbm>>
    %dma_wait3A_1308 = arith.constant 0 : i32
    %dma_wait3A_1309 = arith.constant 0 : i32
    %dma_wait3A_1310 = tpu.memref_slice %arg4[%dma_wait3A_1296, %dma_wait3A_1308, %dma_wait3A_1309] : memref<2x16x2048xf32, #tpu.memory_space<vmem>> -> memref<1x16x2048xf32, #tpu.memory_space<vmem>>
    %dma_wait3A_1311 = tpu.memref_squeeze %dma_wait3A_1310 : memref<1x16x2048xf32, #tpu.memory_space<vmem>> -> memref<16x2048xf32, #tpu.memory_space<vmem>>
    tpu.wait_dma2 semaphore(%arg8 : memref<!tpu.dma_semaphore, #tpu.memory_space<semaphore_mem>>) src(%dma_wait3A_1311 : memref<16x2048xf32, #tpu.memory_space<vmem>>) dst(%dma_wait3A_1307 : memref<16x2048xf32, #tpu.memory_space<hbm>>)
    %dma_wait3A_1312 = arith.constant 1 : i32
    %dma_wait3A_1313 = arith.constant 2 : i32
    %dma_wait3A_1314 = arith.constant 0 : i32
    %dma_wait3A_1315 = arith.constant 0 : i32
    %dma_wait3A_1316 = tpu.memref_slice %arg4[%dma_wait3A_1312, %dma_wait3A_1314, %dma_wait3A_1315] : memref<2x16x2048xf32, #tpu.memory_space<vmem>> -> memref<1x16x2048xf32, #tpu.memory_space<vmem>>
    %dma_wait3A_1317 = tpu.memref_squeeze %dma_wait3A_1316 : memref<1x16x2048xf32, #tpu.memory_space<vmem>> -> memref<16x2048xf32, #tpu.memory_space<vmem>>
    %dma_wait3A_1318 = arith.constant 0 : i32
    %dma_wait3A_1319 = tpu.memref_slice %arg3[%dma_wait3A_1313, %add3A_1213, %dma_wait3A_1318] : memref<4x8192x2048xf32, #tpu.memory_space<hbm>> -> memref<1x16x2048xf32, #tpu.memory_space<hbm>>
    %dma_wait3A_1320 = tpu.memref_squeeze %dma_wait3A_1319 : memref<1x16x2048xf32, #tpu.memory_space<hbm>> -> memref<16x2048xf32, #tpu.memory_space<hbm>>
    %dma_wait3A_1321 = arith.constant 0 : i32
    %dma_wait3A_1322 = tpu.memref_slice %arg3[%dma_wait3A_1313, %add3A_1213, %dma_wait3A_1321] : memref<4x8192x2048xf32, #tpu.memory_space<hbm>> -> memref<1x16x2048xf32, #tpu.memory_space<hbm>>
    %dma_wait3A_1323 = tpu.memref_squeeze %dma_wait3A_1322 : memref<1x16x2048xf32, #tpu.memory_space<hbm>> -> memref<16x2048xf32, #tpu.memory_space<hbm>>
    %dma_wait3A_1324 = arith.constant 0 : i32
    %dma_wait3A_1325 = arith.constant 0 : i32
    %dma_wait3A_1326 = tpu.memref_slice %arg4[%dma_wait3A_1312, %dma_wait3A_1324, %dma_wait3A_1325] : memref<2x16x2048xf32, #tpu.memory_space<vmem>> -> memref<1x16x2048xf32, #tpu.memory_space<vmem>>
    %dma_wait3A_1327 = tpu.memref_squeeze %dma_wait3A_1326 : memref<1x16x2048xf32, #tpu.memory_space<vmem>> -> memref<16x2048xf32, #tpu.memory_space<vmem>>
    tpu.wait_dma2 semaphore(%arg8 : memref<!tpu.dma_semaphore, #tpu.memory_space<semaphore_mem>>) src(%dma_wait3A_1327 : memref<16x2048xf32, #tpu.memory_space<vmem>>) dst(%dma_wait3A_1323 : memref<16x2048xf32, #tpu.memory_space<hbm>>)
    %dma_wait3A_1328 = arith.constant 1 : i32
    %dma_wait3A_1329 = arith.constant 3 : i32
    %dma_wait3A_1330 = arith.constant 0 : i32
    %dma_wait3A_1331 = arith.constant 0 : i32
    %dma_wait3A_1332 = tpu.memref_slice %arg4[%dma_wait3A_1328, %dma_wait3A_1330, %dma_wait3A_1331] : memref<2x16x2048xf32, #tpu.memory_space<vmem>> -> memref<1x16x2048xf32, #tpu.memory_space<vmem>>
    %dma_wait3A_1333 = tpu.memref_squeeze %dma_wait3A_1332 : memref<1x16x2048xf32, #tpu.memory_space<vmem>> -> memref<16x2048xf32, #tpu.memory_space<vmem>>
    %dma_wait3A_1334 = arith.constant 0 : i32
    %dma_wait3A_1335 = tpu.memref_slice %arg3[%dma_wait3A_1329, %add3A_1215, %dma_wait3A_1334] : memref<4x8192x2048xf32, #tpu.memory_space<hbm>> -> memref<1x16x2048xf32, #tpu.memory_space<hbm>>
    %dma_wait3A_1336 = tpu.memref_squeeze %dma_wait3A_1335 : memref<1x16x2048xf32, #tpu.memory_space<hbm>> -> memref<16x2048xf32, #tpu.memory_space<hbm>>
    %dma_wait3A_1337 = arith.constant 0 : i32
    %dma_wait3A_1338 = tpu.memref_slice %arg3[%dma_wait3A_1329, %add3A_1215, %dma_wait3A_1337] : memref<4x8192x2048xf32, #tpu.memory_space<hbm>> -> memref<1x16x2048xf32, #tpu.memory_space<hbm>>
    %dma_wait3A_1339 = tpu.memref_squeeze %dma_wait3A_1338 : memref<1x16x2048xf32, #tpu.memory_space<hbm>> -> memref<16x2048xf32, #tpu.memory_space<hbm>>
    %dma_wait3A_1340 = arith.constant 0 : i32
    %dma_wait3A_1341 = arith.constant 0 : i32
    %dma_wait3A_1342 = tpu.memref_slice %arg4[%dma_wait3A_1328, %dma_wait3A_1340, %dma_wait3A_1341] : memref<2x16x2048xf32, #tpu.memory_space<vmem>> -> memref<1x16x2048xf32, #tpu.memory_space<vmem>>
    %dma_wait3A_1343 = tpu.memref_squeeze %dma_wait3A_1342 : memref<1x16x2048xf32, #tpu.memory_space<vmem>> -> memref<16x2048xf32, #tpu.memory_space<vmem>>
    tpu.wait_dma2 semaphore(%arg8 : memref<!tpu.dma_semaphore, #tpu.memory_space<semaphore_mem>>) src(%dma_wait3A_1343 : memref<16x2048xf32, #tpu.memory_space<vmem>>) dst(%dma_wait3A_1339 : memref<16x2048xf32, #tpu.memory_space<hbm>>)
    %add3A_1344 = arith.constant 144 : i32
    %add3A_1345 = arith.addi %mul3A_2, %add3A_1344 : i32
    %dma_start3A_1346 = arith.constant 1 : i32
    %dma_start3A_1347 = arith.constant 0 : i32
    %dma_start3A_1348 = arith.constant 0 : i32
    %dma_start3A_1349 = tpu.memref_slice %arg4[%dma_start3A_1346, %dma_start3A_1347, %dma_start3A_1348] : memref<2x16x2048xf32, #tpu.memory_space<vmem>> -> memref<1x16x2048xf32, #tpu.memory_space<vmem>>
    %dma_start3A_1350 = tpu.memref_squeeze %dma_start3A_1349 : memref<1x16x2048xf32, #tpu.memory_space<vmem>> -> memref<16x2048xf32, #tpu.memory_space<vmem>>
    %dma_start3A_1351 = arith.constant 0 : i32
    %dma_start3A_1352 = tpu.memref_slice %arg2[%add3A_1345, %dma_start3A_1351] : memref<8192x2048xf32, #tpu.memory_space<hbm>> -> memref<16x2048xf32, #tpu.memory_space<hbm>>
    %dma_start3A_1353 = arith.constant 0 : i32
    %dma_start3A_1354 = arith.constant 0 : i32
    %dma_start3A_1355 = tpu.memref_slice %arg4[%dma_start3A_1346, %dma_start3A_1353, %dma_start3A_1354] : memref<2x16x2048xf32, #tpu.memory_space<vmem>> -> memref<1x16x2048xf32, #tpu.memory_space<vmem>>
    %dma_start3A_1356 = tpu.memref_squeeze %dma_start3A_1355 : memref<1x16x2048xf32, #tpu.memory_space<vmem>> -> memref<16x2048xf32, #tpu.memory_space<vmem>>
    %dma_start3A_1357 = arith.constant 0 : i32
    %dma_start3A_1358 = tpu.memref_slice %arg2[%add3A_1345, %dma_start3A_1357] : memref<8192x2048xf32, #tpu.memory_space<hbm>> -> memref<16x2048xf32, #tpu.memory_space<hbm>>
    tpu.enqueue_dma source(%dma_start3A_1358 : memref<16x2048xf32, #tpu.memory_space<hbm>>) target(%dma_start3A_1356 : memref<16x2048xf32, #tpu.memory_space<vmem>>) target_semaphore(%arg6 : memref<!tpu.dma_semaphore, #tpu.memory_space<semaphore_mem>>)
    %add3A_1359 = arith.constant 128 : i32
    %add3A_1360 = arith.addi %mul3A_2, %add3A_1359 : i32
    %dma_wait3A_1361 = arith.constant 0 : i32
    %dma_wait3A_1362 = arith.constant 0 : i32
    %dma_wait3A_1363 = arith.constant 0 : i32
    %dma_wait3A_1364 = tpu.memref_slice %arg4[%dma_wait3A_1361, %dma_wait3A_1362, %dma_wait3A_1363] : memref<2x16x2048xf32, #tpu.memory_space<vmem>> -> memref<1x16x2048xf32, #tpu.memory_space<vmem>>
    %dma_wait3A_1365 = tpu.memref_squeeze %dma_wait3A_1364 : memref<1x16x2048xf32, #tpu.memory_space<vmem>> -> memref<16x2048xf32, #tpu.memory_space<vmem>>
    %dma_wait3A_1366 = arith.constant 0 : i32
    %dma_wait3A_1367 = tpu.memref_slice %arg2[%add3A_1360, %dma_wait3A_1366] : memref<8192x2048xf32, #tpu.memory_space<hbm>> -> memref<16x2048xf32, #tpu.memory_space<hbm>>
    %dma_wait3A_1368 = arith.constant 0 : i32
    %dma_wait3A_1369 = arith.constant 0 : i32
    %dma_wait3A_1370 = tpu.memref_slice %arg4[%dma_wait3A_1361, %dma_wait3A_1368, %dma_wait3A_1369] : memref<2x16x2048xf32, #tpu.memory_space<vmem>> -> memref<1x16x2048xf32, #tpu.memory_space<vmem>>
    %dma_wait3A_1371 = tpu.memref_squeeze %dma_wait3A_1370 : memref<1x16x2048xf32, #tpu.memory_space<vmem>> -> memref<16x2048xf32, #tpu.memory_space<vmem>>
    %dma_wait3A_1372 = arith.constant 0 : i32
    %dma_wait3A_1373 = tpu.memref_slice %arg2[%add3A_1360, %dma_wait3A_1372] : memref<8192x2048xf32, #tpu.memory_space<hbm>> -> memref<16x2048xf32, #tpu.memory_space<hbm>>
    tpu.wait_dma2 semaphore(%arg5 : memref<!tpu.dma_semaphore, #tpu.memory_space<semaphore_mem>>) src(%dma_wait3A_1373 : memref<16x2048xf32, #tpu.memory_space<hbm>>) dst(%dma_wait3A_1371 : memref<16x2048xf32, #tpu.memory_space<vmem>>)
    %add3A_1374 = arith.constant 128 : i32
    %add3A_1375 = arith.addi %mul3A_2, %add3A_1374 : i32
    %add3A_1376 = arith.constant 128 : i32
    %add3A_1377 = arith.addi %mul3A_2, %add3A_1376 : i32
    %add3A_1378 = arith.constant 128 : i32
    %add3A_1379 = arith.addi %mul3A_2, %add3A_1378 : i32
    %add3A_1380 = arith.constant 128 : i32
    %add3A_1381 = arith.addi %mul3A_2, %add3A_1380 : i32
    %dma_start3A_1382 = arith.constant 0 : i32
    %dma_start3A_1383 = arith.constant 0 : i32
    %dma_start3A_1384 = arith.constant 0 : i32
    %dma_start3A_1385 = arith.constant 0 : i32
    %dma_start3A_1386 = tpu.memref_slice %arg4[%dma_start3A_1382, %dma_start3A_1384, %dma_start3A_1385] : memref<2x16x2048xf32, #tpu.memory_space<vmem>> -> memref<1x16x2048xf32, #tpu.memory_space<vmem>>
    %dma_start3A_1387 = tpu.memref_squeeze %dma_start3A_1386 : memref<1x16x2048xf32, #tpu.memory_space<vmem>> -> memref<16x2048xf32, #tpu.memory_space<vmem>>
    %dma_start3A_1388 = arith.constant 0 : i32
    %dma_start3A_1389 = tpu.memref_slice %arg3[%dma_start3A_1383, %add3A_1375, %dma_start3A_1388] : memref<4x8192x2048xf32, #tpu.memory_space<hbm>> -> memref<1x16x2048xf32, #tpu.memory_space<hbm>>
    %dma_start3A_1390 = tpu.memref_squeeze %dma_start3A_1389 : memref<1x16x2048xf32, #tpu.memory_space<hbm>> -> memref<16x2048xf32, #tpu.memory_space<hbm>>
    %dma_start3A_1391 = arith.constant 0 : i32
    %dma_start3A_1392 = tpu.memref_slice %arg3[%dma_start3A_1383, %add3A_1375, %dma_start3A_1391] : memref<4x8192x2048xf32, #tpu.memory_space<hbm>> -> memref<1x16x2048xf32, #tpu.memory_space<hbm>>
    %dma_start3A_1393 = tpu.memref_squeeze %dma_start3A_1392 : memref<1x16x2048xf32, #tpu.memory_space<hbm>> -> memref<16x2048xf32, #tpu.memory_space<hbm>>
    %dma_start3A_1394 = arith.constant 0 : i32
    %dma_start3A_1395 = arith.constant 0 : i32
    %dma_start3A_1396 = tpu.memref_slice %arg4[%dma_start3A_1382, %dma_start3A_1394, %dma_start3A_1395] : memref<2x16x2048xf32, #tpu.memory_space<vmem>> -> memref<1x16x2048xf32, #tpu.memory_space<vmem>>
    %dma_start3A_1397 = tpu.memref_squeeze %dma_start3A_1396 : memref<1x16x2048xf32, #tpu.memory_space<vmem>> -> memref<16x2048xf32, #tpu.memory_space<vmem>>
    tpu.enqueue_dma source(%dma_start3A_1397 : memref<16x2048xf32, #tpu.memory_space<vmem>>) target(%dma_start3A_1393 : memref<16x2048xf32, #tpu.memory_space<hbm>>) target_semaphore(%arg7 : memref<!tpu.dma_semaphore, #tpu.memory_space<semaphore_mem>>)
    %dma_start3A_1398 = arith.constant 0 : i32
    %dma_start3A_1399 = arith.constant 1 : i32
    %dma_start3A_1400 = arith.constant 0 : i32
    %dma_start3A_1401 = arith.constant 0 : i32
    %dma_start3A_1402 = tpu.memref_slice %arg4[%dma_start3A_1398, %dma_start3A_1400, %dma_start3A_1401] : memref<2x16x2048xf32, #tpu.memory_space<vmem>> -> memref<1x16x2048xf32, #tpu.memory_space<vmem>>
    %dma_start3A_1403 = tpu.memref_squeeze %dma_start3A_1402 : memref<1x16x2048xf32, #tpu.memory_space<vmem>> -> memref<16x2048xf32, #tpu.memory_space<vmem>>
    %dma_start3A_1404 = arith.constant 0 : i32
    %dma_start3A_1405 = tpu.memref_slice %arg3[%dma_start3A_1399, %add3A_1377, %dma_start3A_1404] : memref<4x8192x2048xf32, #tpu.memory_space<hbm>> -> memref<1x16x2048xf32, #tpu.memory_space<hbm>>
    %dma_start3A_1406 = tpu.memref_squeeze %dma_start3A_1405 : memref<1x16x2048xf32, #tpu.memory_space<hbm>> -> memref<16x2048xf32, #tpu.memory_space<hbm>>
    %dma_start3A_1407 = arith.constant 0 : i32
    %dma_start3A_1408 = tpu.memref_slice %arg3[%dma_start3A_1399, %add3A_1377, %dma_start3A_1407] : memref<4x8192x2048xf32, #tpu.memory_space<hbm>> -> memref<1x16x2048xf32, #tpu.memory_space<hbm>>
    %dma_start3A_1409 = tpu.memref_squeeze %dma_start3A_1408 : memref<1x16x2048xf32, #tpu.memory_space<hbm>> -> memref<16x2048xf32, #tpu.memory_space<hbm>>
    %dma_start3A_1410 = arith.constant 0 : i32
    %dma_start3A_1411 = arith.constant 0 : i32
    %dma_start3A_1412 = tpu.memref_slice %arg4[%dma_start3A_1398, %dma_start3A_1410, %dma_start3A_1411] : memref<2x16x2048xf32, #tpu.memory_space<vmem>> -> memref<1x16x2048xf32, #tpu.memory_space<vmem>>
    %dma_start3A_1413 = tpu.memref_squeeze %dma_start3A_1412 : memref<1x16x2048xf32, #tpu.memory_space<vmem>> -> memref<16x2048xf32, #tpu.memory_space<vmem>>
    tpu.enqueue_dma source(%dma_start3A_1413 : memref<16x2048xf32, #tpu.memory_space<vmem>>) target(%dma_start3A_1409 : memref<16x2048xf32, #tpu.memory_space<hbm>>) target_semaphore(%arg7 : memref<!tpu.dma_semaphore, #tpu.memory_space<semaphore_mem>>)
    %dma_start3A_1414 = arith.constant 0 : i32
    %dma_start3A_1415 = arith.constant 2 : i32
    %dma_start3A_1416 = arith.constant 0 : i32
    %dma_start3A_1417 = arith.constant 0 : i32
    %dma_start3A_1418 = tpu.memref_slice %arg4[%dma_start3A_1414, %dma_start3A_1416, %dma_start3A_1417] : memref<2x16x2048xf32, #tpu.memory_space<vmem>> -> memref<1x16x2048xf32, #tpu.memory_space<vmem>>
    %dma_start3A_1419 = tpu.memref_squeeze %dma_start3A_1418 : memref<1x16x2048xf32, #tpu.memory_space<vmem>> -> memref<16x2048xf32, #tpu.memory_space<vmem>>
    %dma_start3A_1420 = arith.constant 0 : i32
    %dma_start3A_1421 = tpu.memref_slice %arg3[%dma_start3A_1415, %add3A_1379, %dma_start3A_1420] : memref<4x8192x2048xf32, #tpu.memory_space<hbm>> -> memref<1x16x2048xf32, #tpu.memory_space<hbm>>
    %dma_start3A_1422 = tpu.memref_squeeze %dma_start3A_1421 : memref<1x16x2048xf32, #tpu.memory_space<hbm>> -> memref<16x2048xf32, #tpu.memory_space<hbm>>
    %dma_start3A_1423 = arith.constant 0 : i32
    %dma_start3A_1424 = tpu.memref_slice %arg3[%dma_start3A_1415, %add3A_1379, %dma_start3A_1423] : memref<4x8192x2048xf32, #tpu.memory_space<hbm>> -> memref<1x16x2048xf32, #tpu.memory_space<hbm>>
    %dma_start3A_1425 = tpu.memref_squeeze %dma_start3A_1424 : memref<1x16x2048xf32, #tpu.memory_space<hbm>> -> memref<16x2048xf32, #tpu.memory_space<hbm>>
    %dma_start3A_1426 = arith.constant 0 : i32
    %dma_start3A_1427 = arith.constant 0 : i32
    %dma_start3A_1428 = tpu.memref_slice %arg4[%dma_start3A_1414, %dma_start3A_1426, %dma_start3A_1427] : memref<2x16x2048xf32, #tpu.memory_space<vmem>> -> memref<1x16x2048xf32, #tpu.memory_space<vmem>>
    %dma_start3A_1429 = tpu.memref_squeeze %dma_start3A_1428 : memref<1x16x2048xf32, #tpu.memory_space<vmem>> -> memref<16x2048xf32, #tpu.memory_space<vmem>>
    tpu.enqueue_dma source(%dma_start3A_1429 : memref<16x2048xf32, #tpu.memory_space<vmem>>) target(%dma_start3A_1425 : memref<16x2048xf32, #tpu.memory_space<hbm>>) target_semaphore(%arg7 : memref<!tpu.dma_semaphore, #tpu.memory_space<semaphore_mem>>)
    %dma_start3A_1430 = arith.constant 0 : i32
    %dma_start3A_1431 = arith.constant 3 : i32
    %dma_start3A_1432 = arith.constant 0 : i32
    %dma_start3A_1433 = arith.constant 0 : i32
    %dma_start3A_1434 = tpu.memref_slice %arg4[%dma_start3A_1430, %dma_start3A_1432, %dma_start3A_1433] : memref<2x16x2048xf32, #tpu.memory_space<vmem>> -> memref<1x16x2048xf32, #tpu.memory_space<vmem>>
    %dma_start3A_1435 = tpu.memref_squeeze %dma_start3A_1434 : memref<1x16x2048xf32, #tpu.memory_space<vmem>> -> memref<16x2048xf32, #tpu.memory_space<vmem>>
    %dma_start3A_1436 = arith.constant 0 : i32
    %dma_start3A_1437 = tpu.memref_slice %arg3[%dma_start3A_1431, %add3A_1381, %dma_start3A_1436] : memref<4x8192x2048xf32, #tpu.memory_space<hbm>> -> memref<1x16x2048xf32, #tpu.memory_space<hbm>>
    %dma_start3A_1438 = tpu.memref_squeeze %dma_start3A_1437 : memref<1x16x2048xf32, #tpu.memory_space<hbm>> -> memref<16x2048xf32, #tpu.memory_space<hbm>>
    %dma_start3A_1439 = arith.constant 0 : i32
    %dma_start3A_1440 = tpu.memref_slice %arg3[%dma_start3A_1431, %add3A_1381, %dma_start3A_1439] : memref<4x8192x2048xf32, #tpu.memory_space<hbm>> -> memref<1x16x2048xf32, #tpu.memory_space<hbm>>
    %dma_start3A_1441 = tpu.memref_squeeze %dma_start3A_1440 : memref<1x16x2048xf32, #tpu.memory_space<hbm>> -> memref<16x2048xf32, #tpu.memory_space<hbm>>
    %dma_start3A_1442 = arith.constant 0 : i32
    %dma_start3A_1443 = arith.constant 0 : i32
    %dma_start3A_1444 = tpu.memref_slice %arg4[%dma_start3A_1430, %dma_start3A_1442, %dma_start3A_1443] : memref<2x16x2048xf32, #tpu.memory_space<vmem>> -> memref<1x16x2048xf32, #tpu.memory_space<vmem>>
    %dma_start3A_1445 = tpu.memref_squeeze %dma_start3A_1444 : memref<1x16x2048xf32, #tpu.memory_space<vmem>> -> memref<16x2048xf32, #tpu.memory_space<vmem>>
    tpu.enqueue_dma source(%dma_start3A_1445 : memref<16x2048xf32, #tpu.memory_space<vmem>>) target(%dma_start3A_1441 : memref<16x2048xf32, #tpu.memory_space<hbm>>) target_semaphore(%arg7 : memref<!tpu.dma_semaphore, #tpu.memory_space<semaphore_mem>>)
    %dma_wait3A_1446 = arith.constant 0 : i32
    %dma_wait3A_1447 = arith.constant 0 : i32
    %dma_wait3A_1448 = arith.constant 0 : i32
    %dma_wait3A_1449 = arith.constant 0 : i32
    %dma_wait3A_1450 = tpu.memref_slice %arg4[%dma_wait3A_1446, %dma_wait3A_1448, %dma_wait3A_1449] : memref<2x16x2048xf32, #tpu.memory_space<vmem>> -> memref<1x16x2048xf32, #tpu.memory_space<vmem>>
    %dma_wait3A_1451 = tpu.memref_squeeze %dma_wait3A_1450 : memref<1x16x2048xf32, #tpu.memory_space<vmem>> -> memref<16x2048xf32, #tpu.memory_space<vmem>>
    %dma_wait3A_1452 = arith.constant 0 : i32
    %dma_wait3A_1453 = tpu.memref_slice %arg3[%dma_wait3A_1447, %add3A_1375, %dma_wait3A_1452] : memref<4x8192x2048xf32, #tpu.memory_space<hbm>> -> memref<1x16x2048xf32, #tpu.memory_space<hbm>>
    %dma_wait3A_1454 = tpu.memref_squeeze %dma_wait3A_1453 : memref<1x16x2048xf32, #tpu.memory_space<hbm>> -> memref<16x2048xf32, #tpu.memory_space<hbm>>
    %dma_wait3A_1455 = arith.constant 0 : i32
    %dma_wait3A_1456 = tpu.memref_slice %arg3[%dma_wait3A_1447, %add3A_1375, %dma_wait3A_1455] : memref<4x8192x2048xf32, #tpu.memory_space<hbm>> -> memref<1x16x2048xf32, #tpu.memory_space<hbm>>
    %dma_wait3A_1457 = tpu.memref_squeeze %dma_wait3A_1456 : memref<1x16x2048xf32, #tpu.memory_space<hbm>> -> memref<16x2048xf32, #tpu.memory_space<hbm>>
    %dma_wait3A_1458 = arith.constant 0 : i32
    %dma_wait3A_1459 = arith.constant 0 : i32
    %dma_wait3A_1460 = tpu.memref_slice %arg4[%dma_wait3A_1446, %dma_wait3A_1458, %dma_wait3A_1459] : memref<2x16x2048xf32, #tpu.memory_space<vmem>> -> memref<1x16x2048xf32, #tpu.memory_space<vmem>>
    %dma_wait3A_1461 = tpu.memref_squeeze %dma_wait3A_1460 : memref<1x16x2048xf32, #tpu.memory_space<vmem>> -> memref<16x2048xf32, #tpu.memory_space<vmem>>
    tpu.wait_dma2 semaphore(%arg7 : memref<!tpu.dma_semaphore, #tpu.memory_space<semaphore_mem>>) src(%dma_wait3A_1461 : memref<16x2048xf32, #tpu.memory_space<vmem>>) dst(%dma_wait3A_1457 : memref<16x2048xf32, #tpu.memory_space<hbm>>)
    %dma_wait3A_1462 = arith.constant 0 : i32
    %dma_wait3A_1463 = arith.constant 1 : i32
    %dma_wait3A_1464 = arith.constant 0 : i32
    %dma_wait3A_1465 = arith.constant 0 : i32
    %dma_wait3A_1466 = tpu.memref_slice %arg4[%dma_wait3A_1462, %dma_wait3A_1464, %dma_wait3A_1465] : memref<2x16x2048xf32, #tpu.memory_space<vmem>> -> memref<1x16x2048xf32, #tpu.memory_space<vmem>>
    %dma_wait3A_1467 = tpu.memref_squeeze %dma_wait3A_1466 : memref<1x16x2048xf32, #tpu.memory_space<vmem>> -> memref<16x2048xf32, #tpu.memory_space<vmem>>
    %dma_wait3A_1468 = arith.constant 0 : i32
    %dma_wait3A_1469 = tpu.memref_slice %arg3[%dma_wait3A_1463, %add3A_1377, %dma_wait3A_1468] : memref<4x8192x2048xf32, #tpu.memory_space<hbm>> -> memref<1x16x2048xf32, #tpu.memory_space<hbm>>
    %dma_wait3A_1470 = tpu.memref_squeeze %dma_wait3A_1469 : memref<1x16x2048xf32, #tpu.memory_space<hbm>> -> memref<16x2048xf32, #tpu.memory_space<hbm>>
    %dma_wait3A_1471 = arith.constant 0 : i32
    %dma_wait3A_1472 = tpu.memref_slice %arg3[%dma_wait3A_1463, %add3A_1377, %dma_wait3A_1471] : memref<4x8192x2048xf32, #tpu.memory_space<hbm>> -> memref<1x16x2048xf32, #tpu.memory_space<hbm>>
    %dma_wait3A_1473 = tpu.memref_squeeze %dma_wait3A_1472 : memref<1x16x2048xf32, #tpu.memory_space<hbm>> -> memref<16x2048xf32, #tpu.memory_space<hbm>>
    %dma_wait3A_1474 = arith.constant 0 : i32
    %dma_wait3A_1475 = arith.constant 0 : i32
    %dma_wait3A_1476 = tpu.memref_slice %arg4[%dma_wait3A_1462, %dma_wait3A_1474, %dma_wait3A_1475] : memref<2x16x2048xf32, #tpu.memory_space<vmem>> -> memref<1x16x2048xf32, #tpu.memory_space<vmem>>
    %dma_wait3A_1477 = tpu.memref_squeeze %dma_wait3A_1476 : memref<1x16x2048xf32, #tpu.memory_space<vmem>> -> memref<16x2048xf32, #tpu.memory_space<vmem>>
    tpu.wait_dma2 semaphore(%arg7 : memref<!tpu.dma_semaphore, #tpu.memory_space<semaphore_mem>>) src(%dma_wait3A_1477 : memref<16x2048xf32, #tpu.memory_space<vmem>>) dst(%dma_wait3A_1473 : memref<16x2048xf32, #tpu.memory_space<hbm>>)
    %dma_wait3A_1478 = arith.constant 0 : i32
    %dma_wait3A_1479 = arith.constant 2 : i32
    %dma_wait3A_1480 = arith.constant 0 : i32
    %dma_wait3A_1481 = arith.constant 0 : i32
    %dma_wait3A_1482 = tpu.memref_slice %arg4[%dma_wait3A_1478, %dma_wait3A_1480, %dma_wait3A_1481] : memref<2x16x2048xf32, #tpu.memory_space<vmem>> -> memref<1x16x2048xf32, #tpu.memory_space<vmem>>
    %dma_wait3A_1483 = tpu.memref_squeeze %dma_wait3A_1482 : memref<1x16x2048xf32, #tpu.memory_space<vmem>> -> memref<16x2048xf32, #tpu.memory_space<vmem>>
    %dma_wait3A_1484 = arith.constant 0 : i32
    %dma_wait3A_1485 = tpu.memref_slice %arg3[%dma_wait3A_1479, %add3A_1379, %dma_wait3A_1484] : memref<4x8192x2048xf32, #tpu.memory_space<hbm>> -> memref<1x16x2048xf32, #tpu.memory_space<hbm>>
    %dma_wait3A_1486 = tpu.memref_squeeze %dma_wait3A_1485 : memref<1x16x2048xf32, #tpu.memory_space<hbm>> -> memref<16x2048xf32, #tpu.memory_space<hbm>>
    %dma_wait3A_1487 = arith.constant 0 : i32
    %dma_wait3A_1488 = tpu.memref_slice %arg3[%dma_wait3A_1479, %add3A_1379, %dma_wait3A_1487] : memref<4x8192x2048xf32, #tpu.memory_space<hbm>> -> memref<1x16x2048xf32, #tpu.memory_space<hbm>>
    %dma_wait3A_1489 = tpu.memref_squeeze %dma_wait3A_1488 : memref<1x16x2048xf32, #tpu.memory_space<hbm>> -> memref<16x2048xf32, #tpu.memory_space<hbm>>
    %dma_wait3A_1490 = arith.constant 0 : i32
    %dma_wait3A_1491 = arith.constant 0 : i32
    %dma_wait3A_1492 = tpu.memref_slice %arg4[%dma_wait3A_1478, %dma_wait3A_1490, %dma_wait3A_1491] : memref<2x16x2048xf32, #tpu.memory_space<vmem>> -> memref<1x16x2048xf32, #tpu.memory_space<vmem>>
    %dma_wait3A_1493 = tpu.memref_squeeze %dma_wait3A_1492 : memref<1x16x2048xf32, #tpu.memory_space<vmem>> -> memref<16x2048xf32, #tpu.memory_space<vmem>>
    tpu.wait_dma2 semaphore(%arg7 : memref<!tpu.dma_semaphore, #tpu.memory_space<semaphore_mem>>) src(%dma_wait3A_1493 : memref<16x2048xf32, #tpu.memory_space<vmem>>) dst(%dma_wait3A_1489 : memref<16x2048xf32, #tpu.memory_space<hbm>>)
    %dma_wait3A_1494 = arith.constant 0 : i32
    %dma_wait3A_1495 = arith.constant 3 : i32
    %dma_wait3A_1496 = arith.constant 0 : i32
    %dma_wait3A_1497 = arith.constant 0 : i32
    %dma_wait3A_1498 = tpu.memref_slice %arg4[%dma_wait3A_1494, %dma_wait3A_1496, %dma_wait3A_1497] : memref<2x16x2048xf32, #tpu.memory_space<vmem>> -> memref<1x16x2048xf32, #tpu.memory_space<vmem>>
    %dma_wait3A_1499 = tpu.memref_squeeze %dma_wait3A_1498 : memref<1x16x2048xf32, #tpu.memory_space<vmem>> -> memref<16x2048xf32, #tpu.memory_space<vmem>>
    %dma_wait3A_1500 = arith.constant 0 : i32
    %dma_wait3A_1501 = tpu.memref_slice %arg3[%dma_wait3A_1495, %add3A_1381, %dma_wait3A_1500] : memref<4x8192x2048xf32, #tpu.memory_space<hbm>> -> memref<1x16x2048xf32, #tpu.memory_space<hbm>>
    %dma_wait3A_1502 = tpu.memref_squeeze %dma_wait3A_1501 : memref<1x16x2048xf32, #tpu.memory_space<hbm>> -> memref<16x2048xf32, #tpu.memory_space<hbm>>
    %dma_wait3A_1503 = arith.constant 0 : i32
    %dma_wait3A_1504 = tpu.memref_slice %arg3[%dma_wait3A_1495, %add3A_1381, %dma_wait3A_1503] : memref<4x8192x2048xf32, #tpu.memory_space<hbm>> -> memref<1x16x2048xf32, #tpu.memory_space<hbm>>
    %dma_wait3A_1505 = tpu.memref_squeeze %dma_wait3A_1504 : memref<1x16x2048xf32, #tpu.memory_space<hbm>> -> memref<16x2048xf32, #tpu.memory_space<hbm>>
    %dma_wait3A_1506 = arith.constant 0 : i32
    %dma_wait3A_1507 = arith.constant 0 : i32
    %dma_wait3A_1508 = tpu.memref_slice %arg4[%dma_wait3A_1494, %dma_wait3A_1506, %dma_wait3A_1507] : memref<2x16x2048xf32, #tpu.memory_space<vmem>> -> memref<1x16x2048xf32, #tpu.memory_space<vmem>>
    %dma_wait3A_1509 = tpu.memref_squeeze %dma_wait3A_1508 : memref<1x16x2048xf32, #tpu.memory_space<vmem>> -> memref<16x2048xf32, #tpu.memory_space<vmem>>
    tpu.wait_dma2 semaphore(%arg7 : memref<!tpu.dma_semaphore, #tpu.memory_space<semaphore_mem>>) src(%dma_wait3A_1509 : memref<16x2048xf32, #tpu.memory_space<vmem>>) dst(%dma_wait3A_1505 : memref<16x2048xf32, #tpu.memory_space<hbm>>)
    %add3A_1510 = arith.constant 160 : i32
    %add3A_1511 = arith.addi %mul3A_2, %add3A_1510 : i32
    %dma_start3A_1512 = arith.constant 0 : i32
    %dma_start3A_1513 = arith.constant 0 : i32
    %dma_start3A_1514 = arith.constant 0 : i32
    %dma_start3A_1515 = tpu.memref_slice %arg4[%dma_start3A_1512, %dma_start3A_1513, %dma_start3A_1514] : memref<2x16x2048xf32, #tpu.memory_space<vmem>> -> memref<1x16x2048xf32, #tpu.memory_space<vmem>>
    %dma_start3A_1516 = tpu.memref_squeeze %dma_start3A_1515 : memref<1x16x2048xf32, #tpu.memory_space<vmem>> -> memref<16x2048xf32, #tpu.memory_space<vmem>>
    %dma_start3A_1517 = arith.constant 0 : i32
    %dma_start3A_1518 = tpu.memref_slice %arg2[%add3A_1511, %dma_start3A_1517] : memref<8192x2048xf32, #tpu.memory_space<hbm>> -> memref<16x2048xf32, #tpu.memory_space<hbm>>
    %dma_start3A_1519 = arith.constant 0 : i32
    %dma_start3A_1520 = arith.constant 0 : i32
    %dma_start3A_1521 = tpu.memref_slice %arg4[%dma_start3A_1512, %dma_start3A_1519, %dma_start3A_1520] : memref<2x16x2048xf32, #tpu.memory_space<vmem>> -> memref<1x16x2048xf32, #tpu.memory_space<vmem>>
    %dma_start3A_1522 = tpu.memref_squeeze %dma_start3A_1521 : memref<1x16x2048xf32, #tpu.memory_space<vmem>> -> memref<16x2048xf32, #tpu.memory_space<vmem>>
    %dma_start3A_1523 = arith.constant 0 : i32
    %dma_start3A_1524 = tpu.memref_slice %arg2[%add3A_1511, %dma_start3A_1523] : memref<8192x2048xf32, #tpu.memory_space<hbm>> -> memref<16x2048xf32, #tpu.memory_space<hbm>>
    tpu.enqueue_dma source(%dma_start3A_1524 : memref<16x2048xf32, #tpu.memory_space<hbm>>) target(%dma_start3A_1522 : memref<16x2048xf32, #tpu.memory_space<vmem>>) target_semaphore(%arg5 : memref<!tpu.dma_semaphore, #tpu.memory_space<semaphore_mem>>)
    %add3A_1525 = arith.constant 144 : i32
    %add3A_1526 = arith.addi %mul3A_2, %add3A_1525 : i32
    %dma_wait3A_1527 = arith.constant 1 : i32
    %dma_wait3A_1528 = arith.constant 0 : i32
    %dma_wait3A_1529 = arith.constant 0 : i32
    %dma_wait3A_1530 = tpu.memref_slice %arg4[%dma_wait3A_1527, %dma_wait3A_1528, %dma_wait3A_1529] : memref<2x16x2048xf32, #tpu.memory_space<vmem>> -> memref<1x16x2048xf32, #tpu.memory_space<vmem>>
    %dma_wait3A_1531 = tpu.memref_squeeze %dma_wait3A_1530 : memref<1x16x2048xf32, #tpu.memory_space<vmem>> -> memref<16x2048xf32, #tpu.memory_space<vmem>>
    %dma_wait3A_1532 = arith.constant 0 : i32
    %dma_wait3A_1533 = tpu.memref_slice %arg2[%add3A_1526, %dma_wait3A_1532] : memref<8192x2048xf32, #tpu.memory_space<hbm>> -> memref<16x2048xf32, #tpu.memory_space<hbm>>
    %dma_wait3A_1534 = arith.constant 0 : i32
    %dma_wait3A_1535 = arith.constant 0 : i32
    %dma_wait3A_1536 = tpu.memref_slice %arg4[%dma_wait3A_1527, %dma_wait3A_1534, %dma_wait3A_1535] : memref<2x16x2048xf32, #tpu.memory_space<vmem>> -> memref<1x16x2048xf32, #tpu.memory_space<vmem>>
    %dma_wait3A_1537 = tpu.memref_squeeze %dma_wait3A_1536 : memref<1x16x2048xf32, #tpu.memory_space<vmem>> -> memref<16x2048xf32, #tpu.memory_space<vmem>>
    %dma_wait3A_1538 = arith.constant 0 : i32
    %dma_wait3A_1539 = tpu.memref_slice %arg2[%add3A_1526, %dma_wait3A_1538] : memref<8192x2048xf32, #tpu.memory_space<hbm>> -> memref<16x2048xf32, #tpu.memory_space<hbm>>
    tpu.wait_dma2 semaphore(%arg6 : memref<!tpu.dma_semaphore, #tpu.memory_space<semaphore_mem>>) src(%dma_wait3A_1539 : memref<16x2048xf32, #tpu.memory_space<hbm>>) dst(%dma_wait3A_1537 : memref<16x2048xf32, #tpu.memory_space<vmem>>)
    %add3A_1540 = arith.constant 144 : i32
    %add3A_1541 = arith.addi %mul3A_2, %add3A_1540 : i32
    %add3A_1542 = arith.constant 144 : i32
    %add3A_1543 = arith.addi %mul3A_2, %add3A_1542 : i32
    %add3A_1544 = arith.constant 144 : i32
    %add3A_1545 = arith.addi %mul3A_2, %add3A_1544 : i32
    %add3A_1546 = arith.constant 144 : i32
    %add3A_1547 = arith.addi %mul3A_2, %add3A_1546 : i32
    %dma_start3A_1548 = arith.constant 1 : i32
    %dma_start3A_1549 = arith.constant 0 : i32
    %dma_start3A_1550 = arith.constant 0 : i32
    %dma_start3A_1551 = arith.constant 0 : i32
    %dma_start3A_1552 = tpu.memref_slice %arg4[%dma_start3A_1548, %dma_start3A_1550, %dma_start3A_1551] : memref<2x16x2048xf32, #tpu.memory_space<vmem>> -> memref<1x16x2048xf32, #tpu.memory_space<vmem>>
    %dma_start3A_1553 = tpu.memref_squeeze %dma_start3A_1552 : memref<1x16x2048xf32, #tpu.memory_space<vmem>> -> memref<16x2048xf32, #tpu.memory_space<vmem>>
    %dma_start3A_1554 = arith.constant 0 : i32
    %dma_start3A_1555 = tpu.memref_slice %arg3[%dma_start3A_1549, %add3A_1541, %dma_start3A_1554] : memref<4x8192x2048xf32, #tpu.memory_space<hbm>> -> memref<1x16x2048xf32, #tpu.memory_space<hbm>>
    %dma_start3A_1556 = tpu.memref_squeeze %dma_start3A_1555 : memref<1x16x2048xf32, #tpu.memory_space<hbm>> -> memref<16x2048xf32, #tpu.memory_space<hbm>>
    %dma_start3A_1557 = arith.constant 0 : i32
    %dma_start3A_1558 = tpu.memref_slice %arg3[%dma_start3A_1549, %add3A_1541, %dma_start3A_1557] : memref<4x8192x2048xf32, #tpu.memory_space<hbm>> -> memref<1x16x2048xf32, #tpu.memory_space<hbm>>
    %dma_start3A_1559 = tpu.memref_squeeze %dma_start3A_1558 : memref<1x16x2048xf32, #tpu.memory_space<hbm>> -> memref<16x2048xf32, #tpu.memory_space<hbm>>
    %dma_start3A_1560 = arith.constant 0 : i32
    %dma_start3A_1561 = arith.constant 0 : i32
    %dma_start3A_1562 = tpu.memref_slice %arg4[%dma_start3A_1548, %dma_start3A_1560, %dma_start3A_1561] : memref<2x16x2048xf32, #tpu.memory_space<vmem>> -> memref<1x16x2048xf32, #tpu.memory_space<vmem>>
    %dma_start3A_1563 = tpu.memref_squeeze %dma_start3A_1562 : memref<1x16x2048xf32, #tpu.memory_space<vmem>> -> memref<16x2048xf32, #tpu.memory_space<vmem>>
    tpu.enqueue_dma source(%dma_start3A_1563 : memref<16x2048xf32, #tpu.memory_space<vmem>>) target(%dma_start3A_1559 : memref<16x2048xf32, #tpu.memory_space<hbm>>) target_semaphore(%arg8 : memref<!tpu.dma_semaphore, #tpu.memory_space<semaphore_mem>>)
    %dma_start3A_1564 = arith.constant 1 : i32
    %dma_start3A_1565 = arith.constant 1 : i32
    %dma_start3A_1566 = arith.constant 0 : i32
    %dma_start3A_1567 = arith.constant 0 : i32
    %dma_start3A_1568 = tpu.memref_slice %arg4[%dma_start3A_1564, %dma_start3A_1566, %dma_start3A_1567] : memref<2x16x2048xf32, #tpu.memory_space<vmem>> -> memref<1x16x2048xf32, #tpu.memory_space<vmem>>
    %dma_start3A_1569 = tpu.memref_squeeze %dma_start3A_1568 : memref<1x16x2048xf32, #tpu.memory_space<vmem>> -> memref<16x2048xf32, #tpu.memory_space<vmem>>
    %dma_start3A_1570 = arith.constant 0 : i32
    %dma_start3A_1571 = tpu.memref_slice %arg3[%dma_start3A_1565, %add3A_1543, %dma_start3A_1570] : memref<4x8192x2048xf32, #tpu.memory_space<hbm>> -> memref<1x16x2048xf32, #tpu.memory_space<hbm>>
    %dma_start3A_1572 = tpu.memref_squeeze %dma_start3A_1571 : memref<1x16x2048xf32, #tpu.memory_space<hbm>> -> memref<16x2048xf32, #tpu.memory_space<hbm>>
    %dma_start3A_1573 = arith.constant 0 : i32
    %dma_start3A_1574 = tpu.memref_slice %arg3[%dma_start3A_1565, %add3A_1543, %dma_start3A_1573] : memref<4x8192x2048xf32, #tpu.memory_space<hbm>> -> memref<1x16x2048xf32, #tpu.memory_space<hbm>>
    %dma_start3A_1575 = tpu.memref_squeeze %dma_start3A_1574 : memref<1x16x2048xf32, #tpu.memory_space<hbm>> -> memref<16x2048xf32, #tpu.memory_space<hbm>>
    %dma_start3A_1576 = arith.constant 0 : i32
    %dma_start3A_1577 = arith.constant 0 : i32
    %dma_start3A_1578 = tpu.memref_slice %arg4[%dma_start3A_1564, %dma_start3A_1576, %dma_start3A_1577] : memref<2x16x2048xf32, #tpu.memory_space<vmem>> -> memref<1x16x2048xf32, #tpu.memory_space<vmem>>
    %dma_start3A_1579 = tpu.memref_squeeze %dma_start3A_1578 : memref<1x16x2048xf32, #tpu.memory_space<vmem>> -> memref<16x2048xf32, #tpu.memory_space<vmem>>
    tpu.enqueue_dma source(%dma_start3A_1579 : memref<16x2048xf32, #tpu.memory_space<vmem>>) target(%dma_start3A_1575 : memref<16x2048xf32, #tpu.memory_space<hbm>>) target_semaphore(%arg8 : memref<!tpu.dma_semaphore, #tpu.memory_space<semaphore_mem>>)
    %dma_start3A_1580 = arith.constant 1 : i32
    %dma_start3A_1581 = arith.constant 2 : i32
    %dma_start3A_1582 = arith.constant 0 : i32
    %dma_start3A_1583 = arith.constant 0 : i32
    %dma_start3A_1584 = tpu.memref_slice %arg4[%dma_start3A_1580, %dma_start3A_1582, %dma_start3A_1583] : memref<2x16x2048xf32, #tpu.memory_space<vmem>> -> memref<1x16x2048xf32, #tpu.memory_space<vmem>>
    %dma_start3A_1585 = tpu.memref_squeeze %dma_start3A_1584 : memref<1x16x2048xf32, #tpu.memory_space<vmem>> -> memref<16x2048xf32, #tpu.memory_space<vmem>>
    %dma_start3A_1586 = arith.constant 0 : i32
    %dma_start3A_1587 = tpu.memref_slice %arg3[%dma_start3A_1581, %add3A_1545, %dma_start3A_1586] : memref<4x8192x2048xf32, #tpu.memory_space<hbm>> -> memref<1x16x2048xf32, #tpu.memory_space<hbm>>
    %dma_start3A_1588 = tpu.memref_squeeze %dma_start3A_1587 : memref<1x16x2048xf32, #tpu.memory_space<hbm>> -> memref<16x2048xf32, #tpu.memory_space<hbm>>
    %dma_start3A_1589 = arith.constant 0 : i32
    %dma_start3A_1590 = tpu.memref_slice %arg3[%dma_start3A_1581, %add3A_1545, %dma_start3A_1589] : memref<4x8192x2048xf32, #tpu.memory_space<hbm>> -> memref<1x16x2048xf32, #tpu.memory_space<hbm>>
    %dma_start3A_1591 = tpu.memref_squeeze %dma_start3A_1590 : memref<1x16x2048xf32, #tpu.memory_space<hbm>> -> memref<16x2048xf32, #tpu.memory_space<hbm>>
    %dma_start3A_1592 = arith.constant 0 : i32
    %dma_start3A_1593 = arith.constant 0 : i32
    %dma_start3A_1594 = tpu.memref_slice %arg4[%dma_start3A_1580, %dma_start3A_1592, %dma_start3A_1593] : memref<2x16x2048xf32, #tpu.memory_space<vmem>> -> memref<1x16x2048xf32, #tpu.memory_space<vmem>>
    %dma_start3A_1595 = tpu.memref_squeeze %dma_start3A_1594 : memref<1x16x2048xf32, #tpu.memory_space<vmem>> -> memref<16x2048xf32, #tpu.memory_space<vmem>>
    tpu.enqueue_dma source(%dma_start3A_1595 : memref<16x2048xf32, #tpu.memory_space<vmem>>) target(%dma_start3A_1591 : memref<16x2048xf32, #tpu.memory_space<hbm>>) target_semaphore(%arg8 : memref<!tpu.dma_semaphore, #tpu.memory_space<semaphore_mem>>)
    %dma_start3A_1596 = arith.constant 1 : i32
    %dma_start3A_1597 = arith.constant 3 : i32
    %dma_start3A_1598 = arith.constant 0 : i32
    %dma_start3A_1599 = arith.constant 0 : i32
    %dma_start3A_1600 = tpu.memref_slice %arg4[%dma_start3A_1596, %dma_start3A_1598, %dma_start3A_1599] : memref<2x16x2048xf32, #tpu.memory_space<vmem>> -> memref<1x16x2048xf32, #tpu.memory_space<vmem>>
    %dma_start3A_1601 = tpu.memref_squeeze %dma_start3A_1600 : memref<1x16x2048xf32, #tpu.memory_space<vmem>> -> memref<16x2048xf32, #tpu.memory_space<vmem>>
    %dma_start3A_1602 = arith.constant 0 : i32
    %dma_start3A_1603 = tpu.memref_slice %arg3[%dma_start3A_1597, %add3A_1547, %dma_start3A_1602] : memref<4x8192x2048xf32, #tpu.memory_space<hbm>> -> memref<1x16x2048xf32, #tpu.memory_space<hbm>>
    %dma_start3A_1604 = tpu.memref_squeeze %dma_start3A_1603 : memref<1x16x2048xf32, #tpu.memory_space<hbm>> -> memref<16x2048xf32, #tpu.memory_space<hbm>>
    %dma_start3A_1605 = arith.constant 0 : i32
    %dma_start3A_1606 = tpu.memref_slice %arg3[%dma_start3A_1597, %add3A_1547, %dma_start3A_1605] : memref<4x8192x2048xf32, #tpu.memory_space<hbm>> -> memref<1x16x2048xf32, #tpu.memory_space<hbm>>
    %dma_start3A_1607 = tpu.memref_squeeze %dma_start3A_1606 : memref<1x16x2048xf32, #tpu.memory_space<hbm>> -> memref<16x2048xf32, #tpu.memory_space<hbm>>
    %dma_start3A_1608 = arith.constant 0 : i32
    %dma_start3A_1609 = arith.constant 0 : i32
    %dma_start3A_1610 = tpu.memref_slice %arg4[%dma_start3A_1596, %dma_start3A_1608, %dma_start3A_1609] : memref<2x16x2048xf32, #tpu.memory_space<vmem>> -> memref<1x16x2048xf32, #tpu.memory_space<vmem>>
    %dma_start3A_1611 = tpu.memref_squeeze %dma_start3A_1610 : memref<1x16x2048xf32, #tpu.memory_space<vmem>> -> memref<16x2048xf32, #tpu.memory_space<vmem>>
    tpu.enqueue_dma source(%dma_start3A_1611 : memref<16x2048xf32, #tpu.memory_space<vmem>>) target(%dma_start3A_1607 : memref<16x2048xf32, #tpu.memory_space<hbm>>) target_semaphore(%arg8 : memref<!tpu.dma_semaphore, #tpu.memory_space<semaphore_mem>>)
    %dma_wait3A_1612 = arith.constant 1 : i32
    %dma_wait3A_1613 = arith.constant 0 : i32
    %dma_wait3A_1614 = arith.constant 0 : i32
    %dma_wait3A_1615 = arith.constant 0 : i32
    %dma_wait3A_1616 = tpu.memref_slice %arg4[%dma_wait3A_1612, %dma_wait3A_1614, %dma_wait3A_1615] : memref<2x16x2048xf32, #tpu.memory_space<vmem>> -> memref<1x16x2048xf32, #tpu.memory_space<vmem>>
    %dma_wait3A_1617 = tpu.memref_squeeze %dma_wait3A_1616 : memref<1x16x2048xf32, #tpu.memory_space<vmem>> -> memref<16x2048xf32, #tpu.memory_space<vmem>>
    %dma_wait3A_1618 = arith.constant 0 : i32
    %dma_wait3A_1619 = tpu.memref_slice %arg3[%dma_wait3A_1613, %add3A_1541, %dma_wait3A_1618] : memref<4x8192x2048xf32, #tpu.memory_space<hbm>> -> memref<1x16x2048xf32, #tpu.memory_space<hbm>>
    %dma_wait3A_1620 = tpu.memref_squeeze %dma_wait3A_1619 : memref<1x16x2048xf32, #tpu.memory_space<hbm>> -> memref<16x2048xf32, #tpu.memory_space<hbm>>
    %dma_wait3A_1621 = arith.constant 0 : i32
    %dma_wait3A_1622 = tpu.memref_slice %arg3[%dma_wait3A_1613, %add3A_1541, %dma_wait3A_1621] : memref<4x8192x2048xf32, #tpu.memory_space<hbm>> -> memref<1x16x2048xf32, #tpu.memory_space<hbm>>
    %dma_wait3A_1623 = tpu.memref_squeeze %dma_wait3A_1622 : memref<1x16x2048xf32, #tpu.memory_space<hbm>> -> memref<16x2048xf32, #tpu.memory_space<hbm>>
    %dma_wait3A_1624 = arith.constant 0 : i32
    %dma_wait3A_1625 = arith.constant 0 : i32
    %dma_wait3A_1626 = tpu.memref_slice %arg4[%dma_wait3A_1612, %dma_wait3A_1624, %dma_wait3A_1625] : memref<2x16x2048xf32, #tpu.memory_space<vmem>> -> memref<1x16x2048xf32, #tpu.memory_space<vmem>>
    %dma_wait3A_1627 = tpu.memref_squeeze %dma_wait3A_1626 : memref<1x16x2048xf32, #tpu.memory_space<vmem>> -> memref<16x2048xf32, #tpu.memory_space<vmem>>
    tpu.wait_dma2 semaphore(%arg8 : memref<!tpu.dma_semaphore, #tpu.memory_space<semaphore_mem>>) src(%dma_wait3A_1627 : memref<16x2048xf32, #tpu.memory_space<vmem>>) dst(%dma_wait3A_1623 : memref<16x2048xf32, #tpu.memory_space<hbm>>)
    %dma_wait3A_1628 = arith.constant 1 : i32
    %dma_wait3A_1629 = arith.constant 1 : i32
    %dma_wait3A_1630 = arith.constant 0 : i32
    %dma_wait3A_1631 = arith.constant 0 : i32
    %dma_wait3A_1632 = tpu.memref_slice %arg4[%dma_wait3A_1628, %dma_wait3A_1630, %dma_wait3A_1631] : memref<2x16x2048xf32, #tpu.memory_space<vmem>> -> memref<1x16x2048xf32, #tpu.memory_space<vmem>>
    %dma_wait3A_1633 = tpu.memref_squeeze %dma_wait3A_1632 : memref<1x16x2048xf32, #tpu.memory_space<vmem>> -> memref<16x2048xf32, #tpu.memory_space<vmem>>
    %dma_wait3A_1634 = arith.constant 0 : i32
    %dma_wait3A_1635 = tpu.memref_slice %arg3[%dma_wait3A_1629, %add3A_1543, %dma_wait3A_1634] : memref<4x8192x2048xf32, #tpu.memory_space<hbm>> -> memref<1x16x2048xf32, #tpu.memory_space<hbm>>
    %dma_wait3A_1636 = tpu.memref_squeeze %dma_wait3A_1635 : memref<1x16x2048xf32, #tpu.memory_space<hbm>> -> memref<16x2048xf32, #tpu.memory_space<hbm>>
    %dma_wait3A_1637 = arith.constant 0 : i32
    %dma_wait3A_1638 = tpu.memref_slice %arg3[%dma_wait3A_1629, %add3A_1543, %dma_wait3A_1637] : memref<4x8192x2048xf32, #tpu.memory_space<hbm>> -> memref<1x16x2048xf32, #tpu.memory_space<hbm>>
    %dma_wait3A_1639 = tpu.memref_squeeze %dma_wait3A_1638 : memref<1x16x2048xf32, #tpu.memory_space<hbm>> -> memref<16x2048xf32, #tpu.memory_space<hbm>>
    %dma_wait3A_1640 = arith.constant 0 : i32
    %dma_wait3A_1641 = arith.constant 0 : i32
    %dma_wait3A_1642 = tpu.memref_slice %arg4[%dma_wait3A_1628, %dma_wait3A_1640, %dma_wait3A_1641] : memref<2x16x2048xf32, #tpu.memory_space<vmem>> -> memref<1x16x2048xf32, #tpu.memory_space<vmem>>
    %dma_wait3A_1643 = tpu.memref_squeeze %dma_wait3A_1642 : memref<1x16x2048xf32, #tpu.memory_space<vmem>> -> memref<16x2048xf32, #tpu.memory_space<vmem>>
    tpu.wait_dma2 semaphore(%arg8 : memref<!tpu.dma_semaphore, #tpu.memory_space<semaphore_mem>>) src(%dma_wait3A_1643 : memref<16x2048xf32, #tpu.memory_space<vmem>>) dst(%dma_wait3A_1639 : memref<16x2048xf32, #tpu.memory_space<hbm>>)
    %dma_wait3A_1644 = arith.constant 1 : i32
    %dma_wait3A_1645 = arith.constant 2 : i32
    %dma_wait3A_1646 = arith.constant 0 : i32
    %dma_wait3A_1647 = arith.constant 0 : i32
    %dma_wait3A_1648 = tpu.memref_slice %arg4[%dma_wait3A_1644, %dma_wait3A_1646, %dma_wait3A_1647] : memref<2x16x2048xf32, #tpu.memory_space<vmem>> -> memref<1x16x2048xf32, #tpu.memory_space<vmem>>
    %dma_wait3A_1649 = tpu.memref_squeeze %dma_wait3A_1648 : memref<1x16x2048xf32, #tpu.memory_space<vmem>> -> memref<16x2048xf32, #tpu.memory_space<vmem>>
    %dma_wait3A_1650 = arith.constant 0 : i32
    %dma_wait3A_1651 = tpu.memref_slice %arg3[%dma_wait3A_1645, %add3A_1545, %dma_wait3A_1650] : memref<4x8192x2048xf32, #tpu.memory_space<hbm>> -> memref<1x16x2048xf32, #tpu.memory_space<hbm>>
    %dma_wait3A_1652 = tpu.memref_squeeze %dma_wait3A_1651 : memref<1x16x2048xf32, #tpu.memory_space<hbm>> -> memref<16x2048xf32, #tpu.memory_space<hbm>>
    %dma_wait3A_1653 = arith.constant 0 : i32
    %dma_wait3A_1654 = tpu.memref_slice %arg3[%dma_wait3A_1645, %add3A_1545, %dma_wait3A_1653] : memref<4x8192x2048xf32, #tpu.memory_space<hbm>> -> memref<1x16x2048xf32, #tpu.memory_space<hbm>>
    %dma_wait3A_1655 = tpu.memref_squeeze %dma_wait3A_1654 : memref<1x16x2048xf32, #tpu.memory_space<hbm>> -> memref<16x2048xf32, #tpu.memory_space<hbm>>
    %dma_wait3A_1656 = arith.constant 0 : i32
    %dma_wait3A_1657 = arith.constant 0 : i32
    %dma_wait3A_1658 = tpu.memref_slice %arg4[%dma_wait3A_1644, %dma_wait3A_1656, %dma_wait3A_1657] : memref<2x16x2048xf32, #tpu.memory_space<vmem>> -> memref<1x16x2048xf32, #tpu.memory_space<vmem>>
    %dma_wait3A_1659 = tpu.memref_squeeze %dma_wait3A_1658 : memref<1x16x2048xf32, #tpu.memory_space<vmem>> -> memref<16x2048xf32, #tpu.memory_space<vmem>>
    tpu.wait_dma2 semaphore(%arg8 : memref<!tpu.dma_semaphore, #tpu.memory_space<semaphore_mem>>) src(%dma_wait3A_1659 : memref<16x2048xf32, #tpu.memory_space<vmem>>) dst(%dma_wait3A_1655 : memref<16x2048xf32, #tpu.memory_space<hbm>>)
    %dma_wait3A_1660 = arith.constant 1 : i32
    %dma_wait3A_1661 = arith.constant 3 : i32
    %dma_wait3A_1662 = arith.constant 0 : i32
    %dma_wait3A_1663 = arith.constant 0 : i32
    %dma_wait3A_1664 = tpu.memref_slice %arg4[%dma_wait3A_1660, %dma_wait3A_1662, %dma_wait3A_1663] : memref<2x16x2048xf32, #tpu.memory_space<vmem>> -> memref<1x16x2048xf32, #tpu.memory_space<vmem>>
    %dma_wait3A_1665 = tpu.memref_squeeze %dma_wait3A_1664 : memref<1x16x2048xf32, #tpu.memory_space<vmem>> -> memref<16x2048xf32, #tpu.memory_space<vmem>>
    %dma_wait3A_1666 = arith.constant 0 : i32
    %dma_wait3A_1667 = tpu.memref_slice %arg3[%dma_wait3A_1661, %add3A_1547, %dma_wait3A_1666] : memref<4x8192x2048xf32, #tpu.memory_space<hbm>> -> memref<1x16x2048xf32, #tpu.memory_space<hbm>>
    %dma_wait3A_1668 = tpu.memref_squeeze %dma_wait3A_1667 : memref<1x16x2048xf32, #tpu.memory_space<hbm>> -> memref<16x2048xf32, #tpu.memory_space<hbm>>
    %dma_wait3A_1669 = arith.constant 0 : i32
    %dma_wait3A_1670 = tpu.memref_slice %arg3[%dma_wait3A_1661, %add3A_1547, %dma_wait3A_1669] : memref<4x8192x2048xf32, #tpu.memory_space<hbm>> -> memref<1x16x2048xf32, #tpu.memory_space<hbm>>
    %dma_wait3A_1671 = tpu.memref_squeeze %dma_wait3A_1670 : memref<1x16x2048xf32, #tpu.memory_space<hbm>> -> memref<16x2048xf32, #tpu.memory_space<hbm>>
    %dma_wait3A_1672 = arith.constant 0 : i32
    %dma_wait3A_1673 = arith.constant 0 : i32
    %dma_wait3A_1674 = tpu.memref_slice %arg4[%dma_wait3A_1660, %dma_wait3A_1672, %dma_wait3A_1673] : memref<2x16x2048xf32, #tpu.memory_space<vmem>> -> memref<1x16x2048xf32, #tpu.memory_space<vmem>>
    %dma_wait3A_1675 = tpu.memref_squeeze %dma_wait3A_1674 : memref<1x16x2048xf32, #tpu.memory_space<vmem>> -> memref<16x2048xf32, #tpu.memory_space<vmem>>
    tpu.wait_dma2 semaphore(%arg8 : memref<!tpu.dma_semaphore, #tpu.memory_space<semaphore_mem>>) src(%dma_wait3A_1675 : memref<16x2048xf32, #tpu.memory_space<vmem>>) dst(%dma_wait3A_1671 : memref<16x2048xf32, #tpu.memory_space<hbm>>)
    %add3A_1676 = arith.constant 176 : i32
    %add3A_1677 = arith.addi %mul3A_2, %add3A_1676 : i32
    %dma_start3A_1678 = arith.constant 1 : i32
    %dma_start3A_1679 = arith.constant 0 : i32
    %dma_start3A_1680 = arith.constant 0 : i32
    %dma_start3A_1681 = tpu.memref_slice %arg4[%dma_start3A_1678, %dma_start3A_1679, %dma_start3A_1680] : memref<2x16x2048xf32, #tpu.memory_space<vmem>> -> memref<1x16x2048xf32, #tpu.memory_space<vmem>>
    %dma_start3A_1682 = tpu.memref_squeeze %dma_start3A_1681 : memref<1x16x2048xf32, #tpu.memory_space<vmem>> -> memref<16x2048xf32, #tpu.memory_space<vmem>>
    %dma_start3A_1683 = arith.constant 0 : i32
    %dma_start3A_1684 = tpu.memref_slice %arg2[%add3A_1677, %dma_start3A_1683] : memref<8192x2048xf32, #tpu.memory_space<hbm>> -> memref<16x2048xf32, #tpu.memory_space<hbm>>
    %dma_start3A_1685 = arith.constant 0 : i32
    %dma_start3A_1686 = arith.constant 0 : i32
    %dma_start3A_1687 = tpu.memref_slice %arg4[%dma_start3A_1678, %dma_start3A_1685, %dma_start3A_1686] : memref<2x16x2048xf32, #tpu.memory_space<vmem>> -> memref<1x16x2048xf32, #tpu.memory_space<vmem>>
    %dma_start3A_1688 = tpu.memref_squeeze %dma_start3A_1687 : memref<1x16x2048xf32, #tpu.memory_space<vmem>> -> memref<16x2048xf32, #tpu.memory_space<vmem>>
    %dma_start3A_1689 = arith.constant 0 : i32
    %dma_start3A_1690 = tpu.memref_slice %arg2[%add3A_1677, %dma_start3A_1689] : memref<8192x2048xf32, #tpu.memory_space<hbm>> -> memref<16x2048xf32, #tpu.memory_space<hbm>>
    tpu.enqueue_dma source(%dma_start3A_1690 : memref<16x2048xf32, #tpu.memory_space<hbm>>) target(%dma_start3A_1688 : memref<16x2048xf32, #tpu.memory_space<vmem>>) target_semaphore(%arg6 : memref<!tpu.dma_semaphore, #tpu.memory_space<semaphore_mem>>)
    %add3A_1691 = arith.constant 160 : i32
    %add3A_1692 = arith.addi %mul3A_2, %add3A_1691 : i32
    %dma_wait3A_1693 = arith.constant 0 : i32
    %dma_wait3A_1694 = arith.constant 0 : i32
    %dma_wait3A_1695 = arith.constant 0 : i32
    %dma_wait3A_1696 = tpu.memref_slice %arg4[%dma_wait3A_1693, %dma_wait3A_1694, %dma_wait3A_1695] : memref<2x16x2048xf32, #tpu.memory_space<vmem>> -> memref<1x16x2048xf32, #tpu.memory_space<vmem>>
    %dma_wait3A_1697 = tpu.memref_squeeze %dma_wait3A_1696 : memref<1x16x2048xf32, #tpu.memory_space<vmem>> -> memref<16x2048xf32, #tpu.memory_space<vmem>>
    %dma_wait3A_1698 = arith.constant 0 : i32
    %dma_wait3A_1699 = tpu.memref_slice %arg2[%add3A_1692, %dma_wait3A_1698] : memref<8192x2048xf32, #tpu.memory_space<hbm>> -> memref<16x2048xf32, #tpu.memory_space<hbm>>
    %dma_wait3A_1700 = arith.constant 0 : i32
    %dma_wait3A_1701 = arith.constant 0 : i32
    %dma_wait3A_1702 = tpu.memref_slice %arg4[%dma_wait3A_1693, %dma_wait3A_1700, %dma_wait3A_1701] : memref<2x16x2048xf32, #tpu.memory_space<vmem>> -> memref<1x16x2048xf32, #tpu.memory_space<vmem>>
    %dma_wait3A_1703 = tpu.memref_squeeze %dma_wait3A_1702 : memref<1x16x2048xf32, #tpu.memory_space<vmem>> -> memref<16x2048xf32, #tpu.memory_space<vmem>>
    %dma_wait3A_1704 = arith.constant 0 : i32
    %dma_wait3A_1705 = tpu.memref_slice %arg2[%add3A_1692, %dma_wait3A_1704] : memref<8192x2048xf32, #tpu.memory_space<hbm>> -> memref<16x2048xf32, #tpu.memory_space<hbm>>
    tpu.wait_dma2 semaphore(%arg5 : memref<!tpu.dma_semaphore, #tpu.memory_space<semaphore_mem>>) src(%dma_wait3A_1705 : memref<16x2048xf32, #tpu.memory_space<hbm>>) dst(%dma_wait3A_1703 : memref<16x2048xf32, #tpu.memory_space<vmem>>)
    %add3A_1706 = arith.constant 160 : i32
    %add3A_1707 = arith.addi %mul3A_2, %add3A_1706 : i32
    %add3A_1708 = arith.constant 160 : i32
    %add3A_1709 = arith.addi %mul3A_2, %add3A_1708 : i32
    %add3A_1710 = arith.constant 160 : i32
    %add3A_1711 = arith.addi %mul3A_2, %add3A_1710 : i32
    %add3A_1712 = arith.constant 160 : i32
    %add3A_1713 = arith.addi %mul3A_2, %add3A_1712 : i32
    %dma_start3A_1714 = arith.constant 0 : i32
    %dma_start3A_1715 = arith.constant 0 : i32
    %dma_start3A_1716 = arith.constant 0 : i32
    %dma_start3A_1717 = arith.constant 0 : i32
    %dma_start3A_1718 = tpu.memref_slice %arg4[%dma_start3A_1714, %dma_start3A_1716, %dma_start3A_1717] : memref<2x16x2048xf32, #tpu.memory_space<vmem>> -> memref<1x16x2048xf32, #tpu.memory_space<vmem>>
    %dma_start3A_1719 = tpu.memref_squeeze %dma_start3A_1718 : memref<1x16x2048xf32, #tpu.memory_space<vmem>> -> memref<16x2048xf32, #tpu.memory_space<vmem>>
    %dma_start3A_1720 = arith.constant 0 : i32
    %dma_start3A_1721 = tpu.memref_slice %arg3[%dma_start3A_1715, %add3A_1707, %dma_start3A_1720] : memref<4x8192x2048xf32, #tpu.memory_space<hbm>> -> memref<1x16x2048xf32, #tpu.memory_space<hbm>>
    %dma_start3A_1722 = tpu.memref_squeeze %dma_start3A_1721 : memref<1x16x2048xf32, #tpu.memory_space<hbm>> -> memref<16x2048xf32, #tpu.memory_space<hbm>>
    %dma_start3A_1723 = arith.constant 0 : i32
    %dma_start3A_1724 = tpu.memref_slice %arg3[%dma_start3A_1715, %add3A_1707, %dma_start3A_1723] : memref<4x8192x2048xf32, #tpu.memory_space<hbm>> -> memref<1x16x2048xf32, #tpu.memory_space<hbm>>
    %dma_start3A_1725 = tpu.memref_squeeze %dma_start3A_1724 : memref<1x16x2048xf32, #tpu.memory_space<hbm>> -> memref<16x2048xf32, #tpu.memory_space<hbm>>
    %dma_start3A_1726 = arith.constant 0 : i32
    %dma_start3A_1727 = arith.constant 0 : i32
    %dma_start3A_1728 = tpu.memref_slice %arg4[%dma_start3A_1714, %dma_start3A_1726, %dma_start3A_1727] : memref<2x16x2048xf32, #tpu.memory_space<vmem>> -> memref<1x16x2048xf32, #tpu.memory_space<vmem>>
    %dma_start3A_1729 = tpu.memref_squeeze %dma_start3A_1728 : memref<1x16x2048xf32, #tpu.memory_space<vmem>> -> memref<16x2048xf32, #tpu.memory_space<vmem>>
    tpu.enqueue_dma source(%dma_start3A_1729 : memref<16x2048xf32, #tpu.memory_space<vmem>>) target(%dma_start3A_1725 : memref<16x2048xf32, #tpu.memory_space<hbm>>) target_semaphore(%arg7 : memref<!tpu.dma_semaphore, #tpu.memory_space<semaphore_mem>>)
    %dma_start3A_1730 = arith.constant 0 : i32
    %dma_start3A_1731 = arith.constant 1 : i32
    %dma_start3A_1732 = arith.constant 0 : i32
    %dma_start3A_1733 = arith.constant 0 : i32
    %dma_start3A_1734 = tpu.memref_slice %arg4[%dma_start3A_1730, %dma_start3A_1732, %dma_start3A_1733] : memref<2x16x2048xf32, #tpu.memory_space<vmem>> -> memref<1x16x2048xf32, #tpu.memory_space<vmem>>
    %dma_start3A_1735 = tpu.memref_squeeze %dma_start3A_1734 : memref<1x16x2048xf32, #tpu.memory_space<vmem>> -> memref<16x2048xf32, #tpu.memory_space<vmem>>
    %dma_start3A_1736 = arith.constant 0 : i32
    %dma_start3A_1737 = tpu.memref_slice %arg3[%dma_start3A_1731, %add3A_1709, %dma_start3A_1736] : memref<4x8192x2048xf32, #tpu.memory_space<hbm>> -> memref<1x16x2048xf32, #tpu.memory_space<hbm>>
    %dma_start3A_1738 = tpu.memref_squeeze %dma_start3A_1737 : memref<1x16x2048xf32, #tpu.memory_space<hbm>> -> memref<16x2048xf32, #tpu.memory_space<hbm>>
    %dma_start3A_1739 = arith.constant 0 : i32
    %dma_start3A_1740 = tpu.memref_slice %arg3[%dma_start3A_1731, %add3A_1709, %dma_start3A_1739] : memref<4x8192x2048xf32, #tpu.memory_space<hbm>> -> memref<1x16x2048xf32, #tpu.memory_space<hbm>>
    %dma_start3A_1741 = tpu.memref_squeeze %dma_start3A_1740 : memref<1x16x2048xf32, #tpu.memory_space<hbm>> -> memref<16x2048xf32, #tpu.memory_space<hbm>>
    %dma_start3A_1742 = arith.constant 0 : i32
    %dma_start3A_1743 = arith.constant 0 : i32
    %dma_start3A_1744 = tpu.memref_slice %arg4[%dma_start3A_1730, %dma_start3A_1742, %dma_start3A_1743] : memref<2x16x2048xf32, #tpu.memory_space<vmem>> -> memref<1x16x2048xf32, #tpu.memory_space<vmem>>
    %dma_start3A_1745 = tpu.memref_squeeze %dma_start3A_1744 : memref<1x16x2048xf32, #tpu.memory_space<vmem>> -> memref<16x2048xf32, #tpu.memory_space<vmem>>
    tpu.enqueue_dma source(%dma_start3A_1745 : memref<16x2048xf32, #tpu.memory_space<vmem>>) target(%dma_start3A_1741 : memref<16x2048xf32, #tpu.memory_space<hbm>>) target_semaphore(%arg7 : memref<!tpu.dma_semaphore, #tpu.memory_space<semaphore_mem>>)
    %dma_start3A_1746 = arith.constant 0 : i32
    %dma_start3A_1747 = arith.constant 2 : i32
    %dma_start3A_1748 = arith.constant 0 : i32
    %dma_start3A_1749 = arith.constant 0 : i32
    %dma_start3A_1750 = tpu.memref_slice %arg4[%dma_start3A_1746, %dma_start3A_1748, %dma_start3A_1749] : memref<2x16x2048xf32, #tpu.memory_space<vmem>> -> memref<1x16x2048xf32, #tpu.memory_space<vmem>>
    %dma_start3A_1751 = tpu.memref_squeeze %dma_start3A_1750 : memref<1x16x2048xf32, #tpu.memory_space<vmem>> -> memref<16x2048xf32, #tpu.memory_space<vmem>>
    %dma_start3A_1752 = arith.constant 0 : i32
    %dma_start3A_1753 = tpu.memref_slice %arg3[%dma_start3A_1747, %add3A_1711, %dma_start3A_1752] : memref<4x8192x2048xf32, #tpu.memory_space<hbm>> -> memref<1x16x2048xf32, #tpu.memory_space<hbm>>
    %dma_start3A_1754 = tpu.memref_squeeze %dma_start3A_1753 : memref<1x16x2048xf32, #tpu.memory_space<hbm>> -> memref<16x2048xf32, #tpu.memory_space<hbm>>
    %dma_start3A_1755 = arith.constant 0 : i32
    %dma_start3A_1756 = tpu.memref_slice %arg3[%dma_start3A_1747, %add3A_1711, %dma_start3A_1755] : memref<4x8192x2048xf32, #tpu.memory_space<hbm>> -> memref<1x16x2048xf32, #tpu.memory_space<hbm>>
    %dma_start3A_1757 = tpu.memref_squeeze %dma_start3A_1756 : memref<1x16x2048xf32, #tpu.memory_space<hbm>> -> memref<16x2048xf32, #tpu.memory_space<hbm>>
    %dma_start3A_1758 = arith.constant 0 : i32
    %dma_start3A_1759 = arith.constant 0 : i32
    %dma_start3A_1760 = tpu.memref_slice %arg4[%dma_start3A_1746, %dma_start3A_1758, %dma_start3A_1759] : memref<2x16x2048xf32, #tpu.memory_space<vmem>> -> memref<1x16x2048xf32, #tpu.memory_space<vmem>>
    %dma_start3A_1761 = tpu.memref_squeeze %dma_start3A_1760 : memref<1x16x2048xf32, #tpu.memory_space<vmem>> -> memref<16x2048xf32, #tpu.memory_space<vmem>>
    tpu.enqueue_dma source(%dma_start3A_1761 : memref<16x2048xf32, #tpu.memory_space<vmem>>) target(%dma_start3A_1757 : memref<16x2048xf32, #tpu.memory_space<hbm>>) target_semaphore(%arg7 : memref<!tpu.dma_semaphore, #tpu.memory_space<semaphore_mem>>)
    %dma_start3A_1762 = arith.constant 0 : i32
    %dma_start3A_1763 = arith.constant 3 : i32
    %dma_start3A_1764 = arith.constant 0 : i32
    %dma_start3A_1765 = arith.constant 0 : i32
    %dma_start3A_1766 = tpu.memref_slice %arg4[%dma_start3A_1762, %dma_start3A_1764, %dma_start3A_1765] : memref<2x16x2048xf32, #tpu.memory_space<vmem>> -> memref<1x16x2048xf32, #tpu.memory_space<vmem>>
    %dma_start3A_1767 = tpu.memref_squeeze %dma_start3A_1766 : memref<1x16x2048xf32, #tpu.memory_space<vmem>> -> memref<16x2048xf32, #tpu.memory_space<vmem>>
    %dma_start3A_1768 = arith.constant 0 : i32
    %dma_start3A_1769 = tpu.memref_slice %arg3[%dma_start3A_1763, %add3A_1713, %dma_start3A_1768] : memref<4x8192x2048xf32, #tpu.memory_space<hbm>> -> memref<1x16x2048xf32, #tpu.memory_space<hbm>>
    %dma_start3A_1770 = tpu.memref_squeeze %dma_start3A_1769 : memref<1x16x2048xf32, #tpu.memory_space<hbm>> -> memref<16x2048xf32, #tpu.memory_space<hbm>>
    %dma_start3A_1771 = arith.constant 0 : i32
    %dma_start3A_1772 = tpu.memref_slice %arg3[%dma_start3A_1763, %add3A_1713, %dma_start3A_1771] : memref<4x8192x2048xf32, #tpu.memory_space<hbm>> -> memref<1x16x2048xf32, #tpu.memory_space<hbm>>
    %dma_start3A_1773 = tpu.memref_squeeze %dma_start3A_1772 : memref<1x16x2048xf32, #tpu.memory_space<hbm>> -> memref<16x2048xf32, #tpu.memory_space<hbm>>
    %dma_start3A_1774 = arith.constant 0 : i32
    %dma_start3A_1775 = arith.constant 0 : i32
    %dma_start3A_1776 = tpu.memref_slice %arg4[%dma_start3A_1762, %dma_start3A_1774, %dma_start3A_1775] : memref<2x16x2048xf32, #tpu.memory_space<vmem>> -> memref<1x16x2048xf32, #tpu.memory_space<vmem>>
    %dma_start3A_1777 = tpu.memref_squeeze %dma_start3A_1776 : memref<1x16x2048xf32, #tpu.memory_space<vmem>> -> memref<16x2048xf32, #tpu.memory_space<vmem>>
    tpu.enqueue_dma source(%dma_start3A_1777 : memref<16x2048xf32, #tpu.memory_space<vmem>>) target(%dma_start3A_1773 : memref<16x2048xf32, #tpu.memory_space<hbm>>) target_semaphore(%arg7 : memref<!tpu.dma_semaphore, #tpu.memory_space<semaphore_mem>>)
    %dma_wait3A_1778 = arith.constant 0 : i32
    %dma_wait3A_1779 = arith.constant 0 : i32
    %dma_wait3A_1780 = arith.constant 0 : i32
    %dma_wait3A_1781 = arith.constant 0 : i32
    %dma_wait3A_1782 = tpu.memref_slice %arg4[%dma_wait3A_1778, %dma_wait3A_1780, %dma_wait3A_1781] : memref<2x16x2048xf32, #tpu.memory_space<vmem>> -> memref<1x16x2048xf32, #tpu.memory_space<vmem>>
    %dma_wait3A_1783 = tpu.memref_squeeze %dma_wait3A_1782 : memref<1x16x2048xf32, #tpu.memory_space<vmem>> -> memref<16x2048xf32, #tpu.memory_space<vmem>>
    %dma_wait3A_1784 = arith.constant 0 : i32
    %dma_wait3A_1785 = tpu.memref_slice %arg3[%dma_wait3A_1779, %add3A_1707, %dma_wait3A_1784] : memref<4x8192x2048xf32, #tpu.memory_space<hbm>> -> memref<1x16x2048xf32, #tpu.memory_space<hbm>>
    %dma_wait3A_1786 = tpu.memref_squeeze %dma_wait3A_1785 : memref<1x16x2048xf32, #tpu.memory_space<hbm>> -> memref<16x2048xf32, #tpu.memory_space<hbm>>
    %dma_wait3A_1787 = arith.constant 0 : i32
    %dma_wait3A_1788 = tpu.memref_slice %arg3[%dma_wait3A_1779, %add3A_1707, %dma_wait3A_1787] : memref<4x8192x2048xf32, #tpu.memory_space<hbm>> -> memref<1x16x2048xf32, #tpu.memory_space<hbm>>
    %dma_wait3A_1789 = tpu.memref_squeeze %dma_wait3A_1788 : memref<1x16x2048xf32, #tpu.memory_space<hbm>> -> memref<16x2048xf32, #tpu.memory_space<hbm>>
    %dma_wait3A_1790 = arith.constant 0 : i32
    %dma_wait3A_1791 = arith.constant 0 : i32
    %dma_wait3A_1792 = tpu.memref_slice %arg4[%dma_wait3A_1778, %dma_wait3A_1790, %dma_wait3A_1791] : memref<2x16x2048xf32, #tpu.memory_space<vmem>> -> memref<1x16x2048xf32, #tpu.memory_space<vmem>>
    %dma_wait3A_1793 = tpu.memref_squeeze %dma_wait3A_1792 : memref<1x16x2048xf32, #tpu.memory_space<vmem>> -> memref<16x2048xf32, #tpu.memory_space<vmem>>
    tpu.wait_dma2 semaphore(%arg7 : memref<!tpu.dma_semaphore, #tpu.memory_space<semaphore_mem>>) src(%dma_wait3A_1793 : memref<16x2048xf32, #tpu.memory_space<vmem>>) dst(%dma_wait3A_1789 : memref<16x2048xf32, #tpu.memory_space<hbm>>)
    %dma_wait3A_1794 = arith.constant 0 : i32
    %dma_wait3A_1795 = arith.constant 1 : i32
    %dma_wait3A_1796 = arith.constant 0 : i32
    %dma_wait3A_1797 = arith.constant 0 : i32
    %dma_wait3A_1798 = tpu.memref_slice %arg4[%dma_wait3A_1794, %dma_wait3A_1796, %dma_wait3A_1797] : memref<2x16x2048xf32, #tpu.memory_space<vmem>> -> memref<1x16x2048xf32, #tpu.memory_space<vmem>>
    %dma_wait3A_1799 = tpu.memref_squeeze %dma_wait3A_1798 : memref<1x16x2048xf32, #tpu.memory_space<vmem>> -> memref<16x2048xf32, #tpu.memory_space<vmem>>
    %dma_wait3A_1800 = arith.constant 0 : i32
    %dma_wait3A_1801 = tpu.memref_slice %arg3[%dma_wait3A_1795, %add3A_1709, %dma_wait3A_1800] : memref<4x8192x2048xf32, #tpu.memory_space<hbm>> -> memref<1x16x2048xf32, #tpu.memory_space<hbm>>
    %dma_wait3A_1802 = tpu.memref_squeeze %dma_wait3A_1801 : memref<1x16x2048xf32, #tpu.memory_space<hbm>> -> memref<16x2048xf32, #tpu.memory_space<hbm>>
    %dma_wait3A_1803 = arith.constant 0 : i32
    %dma_wait3A_1804 = tpu.memref_slice %arg3[%dma_wait3A_1795, %add3A_1709, %dma_wait3A_1803] : memref<4x8192x2048xf32, #tpu.memory_space<hbm>> -> memref<1x16x2048xf32, #tpu.memory_space<hbm>>
    %dma_wait3A_1805 = tpu.memref_squeeze %dma_wait3A_1804 : memref<1x16x2048xf32, #tpu.memory_space<hbm>> -> memref<16x2048xf32, #tpu.memory_space<hbm>>
    %dma_wait3A_1806 = arith.constant 0 : i32
    %dma_wait3A_1807 = arith.constant 0 : i32
    %dma_wait3A_1808 = tpu.memref_slice %arg4[%dma_wait3A_1794, %dma_wait3A_1806, %dma_wait3A_1807] : memref<2x16x2048xf32, #tpu.memory_space<vmem>> -> memref<1x16x2048xf32, #tpu.memory_space<vmem>>
    %dma_wait3A_1809 = tpu.memref_squeeze %dma_wait3A_1808 : memref<1x16x2048xf32, #tpu.memory_space<vmem>> -> memref<16x2048xf32, #tpu.memory_space<vmem>>
    tpu.wait_dma2 semaphore(%arg7 : memref<!tpu.dma_semaphore, #tpu.memory_space<semaphore_mem>>) src(%dma_wait3A_1809 : memref<16x2048xf32, #tpu.memory_space<vmem>>) dst(%dma_wait3A_1805 : memref<16x2048xf32, #tpu.memory_space<hbm>>)
    %dma_wait3A_1810 = arith.constant 0 : i32
    %dma_wait3A_1811 = arith.constant 2 : i32
    %dma_wait3A_1812 = arith.constant 0 : i32
    %dma_wait3A_1813 = arith.constant 0 : i32
    %dma_wait3A_1814 = tpu.memref_slice %arg4[%dma_wait3A_1810, %dma_wait3A_1812, %dma_wait3A_1813] : memref<2x16x2048xf32, #tpu.memory_space<vmem>> -> memref<1x16x2048xf32, #tpu.memory_space<vmem>>
    %dma_wait3A_1815 = tpu.memref_squeeze %dma_wait3A_1814 : memref<1x16x2048xf32, #tpu.memory_space<vmem>> -> memref<16x2048xf32, #tpu.memory_space<vmem>>
    %dma_wait3A_1816 = arith.constant 0 : i32
    %dma_wait3A_1817 = tpu.memref_slice %arg3[%dma_wait3A_1811, %add3A_1711, %dma_wait3A_1816] : memref<4x8192x2048xf32, #tpu.memory_space<hbm>> -> memref<1x16x2048xf32, #tpu.memory_space<hbm>>
    %dma_wait3A_1818 = tpu.memref_squeeze %dma_wait3A_1817 : memref<1x16x2048xf32, #tpu.memory_space<hbm>> -> memref<16x2048xf32, #tpu.memory_space<hbm>>
    %dma_wait3A_1819 = arith.constant 0 : i32
    %dma_wait3A_1820 = tpu.memref_slice %arg3[%dma_wait3A_1811, %add3A_1711, %dma_wait3A_1819] : memref<4x8192x2048xf32, #tpu.memory_space<hbm>> -> memref<1x16x2048xf32, #tpu.memory_space<hbm>>
    %dma_wait3A_1821 = tpu.memref_squeeze %dma_wait3A_1820 : memref<1x16x2048xf32, #tpu.memory_space<hbm>> -> memref<16x2048xf32, #tpu.memory_space<hbm>>
    %dma_wait3A_1822 = arith.constant 0 : i32
    %dma_wait3A_1823 = arith.constant 0 : i32
    %dma_wait3A_1824 = tpu.memref_slice %arg4[%dma_wait3A_1810, %dma_wait3A_1822, %dma_wait3A_1823] : memref<2x16x2048xf32, #tpu.memory_space<vmem>> -> memref<1x16x2048xf32, #tpu.memory_space<vmem>>
    %dma_wait3A_1825 = tpu.memref_squeeze %dma_wait3A_1824 : memref<1x16x2048xf32, #tpu.memory_space<vmem>> -> memref<16x2048xf32, #tpu.memory_space<vmem>>
    tpu.wait_dma2 semaphore(%arg7 : memref<!tpu.dma_semaphore, #tpu.memory_space<semaphore_mem>>) src(%dma_wait3A_1825 : memref<16x2048xf32, #tpu.memory_space<vmem>>) dst(%dma_wait3A_1821 : memref<16x2048xf32, #tpu.memory_space<hbm>>)
    %dma_wait3A_1826 = arith.constant 0 : i32
    %dma_wait3A_1827 = arith.constant 3 : i32
    %dma_wait3A_1828 = arith.constant 0 : i32
    %dma_wait3A_1829 = arith.constant 0 : i32
    %dma_wait3A_1830 = tpu.memref_slice %arg4[%dma_wait3A_1826, %dma_wait3A_1828, %dma_wait3A_1829] : memref<2x16x2048xf32, #tpu.memory_space<vmem>> -> memref<1x16x2048xf32, #tpu.memory_space<vmem>>
    %dma_wait3A_1831 = tpu.memref_squeeze %dma_wait3A_1830 : memref<1x16x2048xf32, #tpu.memory_space<vmem>> -> memref<16x2048xf32, #tpu.memory_space<vmem>>
    %dma_wait3A_1832 = arith.constant 0 : i32
    %dma_wait3A_1833 = tpu.memref_slice %arg3[%dma_wait3A_1827, %add3A_1713, %dma_wait3A_1832] : memref<4x8192x2048xf32, #tpu.memory_space<hbm>> -> memref<1x16x2048xf32, #tpu.memory_space<hbm>>
    %dma_wait3A_1834 = tpu.memref_squeeze %dma_wait3A_1833 : memref<1x16x2048xf32, #tpu.memory_space<hbm>> -> memref<16x2048xf32, #tpu.memory_space<hbm>>
    %dma_wait3A_1835 = arith.constant 0 : i32
    %dma_wait3A_1836 = tpu.memref_slice %arg3[%dma_wait3A_1827, %add3A_1713, %dma_wait3A_1835] : memref<4x8192x2048xf32, #tpu.memory_space<hbm>> -> memref<1x16x2048xf32, #tpu.memory_space<hbm>>
    %dma_wait3A_1837 = tpu.memref_squeeze %dma_wait3A_1836 : memref<1x16x2048xf32, #tpu.memory_space<hbm>> -> memref<16x2048xf32, #tpu.memory_space<hbm>>
    %dma_wait3A_1838 = arith.constant 0 : i32
    %dma_wait3A_1839 = arith.constant 0 : i32
    %dma_wait3A_1840 = tpu.memref_slice %arg4[%dma_wait3A_1826, %dma_wait3A_1838, %dma_wait3A_1839] : memref<2x16x2048xf32, #tpu.memory_space<vmem>> -> memref<1x16x2048xf32, #tpu.memory_space<vmem>>
    %dma_wait3A_1841 = tpu.memref_squeeze %dma_wait3A_1840 : memref<1x16x2048xf32, #tpu.memory_space<vmem>> -> memref<16x2048xf32, #tpu.memory_space<vmem>>
    tpu.wait_dma2 semaphore(%arg7 : memref<!tpu.dma_semaphore, #tpu.memory_space<semaphore_mem>>) src(%dma_wait3A_1841 : memref<16x2048xf32, #tpu.memory_space<vmem>>) dst(%dma_wait3A_1837 : memref<16x2048xf32, #tpu.memory_space<hbm>>)
    %add3A_1842 = arith.constant 192 : i32
    %add3A_1843 = arith.addi %mul3A_2, %add3A_1842 : i32
    %dma_start3A_1844 = arith.constant 0 : i32
    %dma_start3A_1845 = arith.constant 0 : i32
    %dma_start3A_1846 = arith.constant 0 : i32
    %dma_start3A_1847 = tpu.memref_slice %arg4[%dma_start3A_1844, %dma_start3A_1845, %dma_start3A_1846] : memref<2x16x2048xf32, #tpu.memory_space<vmem>> -> memref<1x16x2048xf32, #tpu.memory_space<vmem>>
    %dma_start3A_1848 = tpu.memref_squeeze %dma_start3A_1847 : memref<1x16x2048xf32, #tpu.memory_space<vmem>> -> memref<16x2048xf32, #tpu.memory_space<vmem>>
    %dma_start3A_1849 = arith.constant 0 : i32
    %dma_start3A_1850 = tpu.memref_slice %arg2[%add3A_1843, %dma_start3A_1849] : memref<8192x2048xf32, #tpu.memory_space<hbm>> -> memref<16x2048xf32, #tpu.memory_space<hbm>>
    %dma_start3A_1851 = arith.constant 0 : i32
    %dma_start3A_1852 = arith.constant 0 : i32
    %dma_start3A_1853 = tpu.memref_slice %arg4[%dma_start3A_1844, %dma_start3A_1851, %dma_start3A_1852] : memref<2x16x2048xf32, #tpu.memory_space<vmem>> -> memref<1x16x2048xf32, #tpu.memory_space<vmem>>
    %dma_start3A_1854 = tpu.memref_squeeze %dma_start3A_1853 : memref<1x16x2048xf32, #tpu.memory_space<vmem>> -> memref<16x2048xf32, #tpu.memory_space<vmem>>
    %dma_start3A_1855 = arith.constant 0 : i32
    %dma_start3A_1856 = tpu.memref_slice %arg2[%add3A_1843, %dma_start3A_1855] : memref<8192x2048xf32, #tpu.memory_space<hbm>> -> memref<16x2048xf32, #tpu.memory_space<hbm>>
    tpu.enqueue_dma source(%dma_start3A_1856 : memref<16x2048xf32, #tpu.memory_space<hbm>>) target(%dma_start3A_1854 : memref<16x2048xf32, #tpu.memory_space<vmem>>) target_semaphore(%arg5 : memref<!tpu.dma_semaphore, #tpu.memory_space<semaphore_mem>>)
    %add3A_1857 = arith.constant 176 : i32
    %add3A_1858 = arith.addi %mul3A_2, %add3A_1857 : i32
    %dma_wait3A_1859 = arith.constant 1 : i32
    %dma_wait3A_1860 = arith.constant 0 : i32
    %dma_wait3A_1861 = arith.constant 0 : i32
    %dma_wait3A_1862 = tpu.memref_slice %arg4[%dma_wait3A_1859, %dma_wait3A_1860, %dma_wait3A_1861] : memref<2x16x2048xf32, #tpu.memory_space<vmem>> -> memref<1x16x2048xf32, #tpu.memory_space<vmem>>
    %dma_wait3A_1863 = tpu.memref_squeeze %dma_wait3A_1862 : memref<1x16x2048xf32, #tpu.memory_space<vmem>> -> memref<16x2048xf32, #tpu.memory_space<vmem>>
    %dma_wait3A_1864 = arith.constant 0 : i32
    %dma_wait3A_1865 = tpu.memref_slice %arg2[%add3A_1858, %dma_wait3A_1864] : memref<8192x2048xf32, #tpu.memory_space<hbm>> -> memref<16x2048xf32, #tpu.memory_space<hbm>>
    %dma_wait3A_1866 = arith.constant 0 : i32
    %dma_wait3A_1867 = arith.constant 0 : i32
    %dma_wait3A_1868 = tpu.memref_slice %arg4[%dma_wait3A_1859, %dma_wait3A_1866, %dma_wait3A_1867] : memref<2x16x2048xf32, #tpu.memory_space<vmem>> -> memref<1x16x2048xf32, #tpu.memory_space<vmem>>
    %dma_wait3A_1869 = tpu.memref_squeeze %dma_wait3A_1868 : memref<1x16x2048xf32, #tpu.memory_space<vmem>> -> memref<16x2048xf32, #tpu.memory_space<vmem>>
    %dma_wait3A_1870 = arith.constant 0 : i32
    %dma_wait3A_1871 = tpu.memref_slice %arg2[%add3A_1858, %dma_wait3A_1870] : memref<8192x2048xf32, #tpu.memory_space<hbm>> -> memref<16x2048xf32, #tpu.memory_space<hbm>>
    tpu.wait_dma2 semaphore(%arg6 : memref<!tpu.dma_semaphore, #tpu.memory_space<semaphore_mem>>) src(%dma_wait3A_1871 : memref<16x2048xf32, #tpu.memory_space<hbm>>) dst(%dma_wait3A_1869 : memref<16x2048xf32, #tpu.memory_space<vmem>>)
    %add3A_1872 = arith.constant 176 : i32
    %add3A_1873 = arith.addi %mul3A_2, %add3A_1872 : i32
    %add3A_1874 = arith.constant 176 : i32
    %add3A_1875 = arith.addi %mul3A_2, %add3A_1874 : i32
    %add3A_1876 = arith.constant 176 : i32
    %add3A_1877 = arith.addi %mul3A_2, %add3A_1876 : i32
    %add3A_1878 = arith.constant 176 : i32
    %add3A_1879 = arith.addi %mul3A_2, %add3A_1878 : i32
    %dma_start3A_1880 = arith.constant 1 : i32
    %dma_start3A_1881 = arith.constant 0 : i32
    %dma_start3A_1882 = arith.constant 0 : i32
    %dma_start3A_1883 = arith.constant 0 : i32
    %dma_start3A_1884 = tpu.memref_slice %arg4[%dma_start3A_1880, %dma_start3A_1882, %dma_start3A_1883] : memref<2x16x2048xf32, #tpu.memory_space<vmem>> -> memref<1x16x2048xf32, #tpu.memory_space<vmem>>
    %dma_start3A_1885 = tpu.memref_squeeze %dma_start3A_1884 : memref<1x16x2048xf32, #tpu.memory_space<vmem>> -> memref<16x2048xf32, #tpu.memory_space<vmem>>
    %dma_start3A_1886 = arith.constant 0 : i32
    %dma_start3A_1887 = tpu.memref_slice %arg3[%dma_start3A_1881, %add3A_1873, %dma_start3A_1886] : memref<4x8192x2048xf32, #tpu.memory_space<hbm>> -> memref<1x16x2048xf32, #tpu.memory_space<hbm>>
    %dma_start3A_1888 = tpu.memref_squeeze %dma_start3A_1887 : memref<1x16x2048xf32, #tpu.memory_space<hbm>> -> memref<16x2048xf32, #tpu.memory_space<hbm>>
    %dma_start3A_1889 = arith.constant 0 : i32
    %dma_start3A_1890 = tpu.memref_slice %arg3[%dma_start3A_1881, %add3A_1873, %dma_start3A_1889] : memref<4x8192x2048xf32, #tpu.memory_space<hbm>> -> memref<1x16x2048xf32, #tpu.memory_space<hbm>>
    %dma_start3A_1891 = tpu.memref_squeeze %dma_start3A_1890 : memref<1x16x2048xf32, #tpu.memory_space<hbm>> -> memref<16x2048xf32, #tpu.memory_space<hbm>>
    %dma_start3A_1892 = arith.constant 0 : i32
    %dma_start3A_1893 = arith.constant 0 : i32
    %dma_start3A_1894 = tpu.memref_slice %arg4[%dma_start3A_1880, %dma_start3A_1892, %dma_start3A_1893] : memref<2x16x2048xf32, #tpu.memory_space<vmem>> -> memref<1x16x2048xf32, #tpu.memory_space<vmem>>
    %dma_start3A_1895 = tpu.memref_squeeze %dma_start3A_1894 : memref<1x16x2048xf32, #tpu.memory_space<vmem>> -> memref<16x2048xf32, #tpu.memory_space<vmem>>
    tpu.enqueue_dma source(%dma_start3A_1895 : memref<16x2048xf32, #tpu.memory_space<vmem>>) target(%dma_start3A_1891 : memref<16x2048xf32, #tpu.memory_space<hbm>>) target_semaphore(%arg8 : memref<!tpu.dma_semaphore, #tpu.memory_space<semaphore_mem>>)
    %dma_start3A_1896 = arith.constant 1 : i32
    %dma_start3A_1897 = arith.constant 1 : i32
    %dma_start3A_1898 = arith.constant 0 : i32
    %dma_start3A_1899 = arith.constant 0 : i32
    %dma_start3A_1900 = tpu.memref_slice %arg4[%dma_start3A_1896, %dma_start3A_1898, %dma_start3A_1899] : memref<2x16x2048xf32, #tpu.memory_space<vmem>> -> memref<1x16x2048xf32, #tpu.memory_space<vmem>>
    %dma_start3A_1901 = tpu.memref_squeeze %dma_start3A_1900 : memref<1x16x2048xf32, #tpu.memory_space<vmem>> -> memref<16x2048xf32, #tpu.memory_space<vmem>>
    %dma_start3A_1902 = arith.constant 0 : i32
    %dma_start3A_1903 = tpu.memref_slice %arg3[%dma_start3A_1897, %add3A_1875, %dma_start3A_1902] : memref<4x8192x2048xf32, #tpu.memory_space<hbm>> -> memref<1x16x2048xf32, #tpu.memory_space<hbm>>
    %dma_start3A_1904 = tpu.memref_squeeze %dma_start3A_1903 : memref<1x16x2048xf32, #tpu.memory_space<hbm>> -> memref<16x2048xf32, #tpu.memory_space<hbm>>
    %dma_start3A_1905 = arith.constant 0 : i32
    %dma_start3A_1906 = tpu.memref_slice %arg3[%dma_start3A_1897, %add3A_1875, %dma_start3A_1905] : memref<4x8192x2048xf32, #tpu.memory_space<hbm>> -> memref<1x16x2048xf32, #tpu.memory_space<hbm>>
    %dma_start3A_1907 = tpu.memref_squeeze %dma_start3A_1906 : memref<1x16x2048xf32, #tpu.memory_space<hbm>> -> memref<16x2048xf32, #tpu.memory_space<hbm>>
    %dma_start3A_1908 = arith.constant 0 : i32
    %dma_start3A_1909 = arith.constant 0 : i32
    %dma_start3A_1910 = tpu.memref_slice %arg4[%dma_start3A_1896, %dma_start3A_1908, %dma_start3A_1909] : memref<2x16x2048xf32, #tpu.memory_space<vmem>> -> memref<1x16x2048xf32, #tpu.memory_space<vmem>>
    %dma_start3A_1911 = tpu.memref_squeeze %dma_start3A_1910 : memref<1x16x2048xf32, #tpu.memory_space<vmem>> -> memref<16x2048xf32, #tpu.memory_space<vmem>>
    tpu.enqueue_dma source(%dma_start3A_1911 : memref<16x2048xf32, #tpu.memory_space<vmem>>) target(%dma_start3A_1907 : memref<16x2048xf32, #tpu.memory_space<hbm>>) target_semaphore(%arg8 : memref<!tpu.dma_semaphore, #tpu.memory_space<semaphore_mem>>)
    %dma_start3A_1912 = arith.constant 1 : i32
    %dma_start3A_1913 = arith.constant 2 : i32
    %dma_start3A_1914 = arith.constant 0 : i32
    %dma_start3A_1915 = arith.constant 0 : i32
    %dma_start3A_1916 = tpu.memref_slice %arg4[%dma_start3A_1912, %dma_start3A_1914, %dma_start3A_1915] : memref<2x16x2048xf32, #tpu.memory_space<vmem>> -> memref<1x16x2048xf32, #tpu.memory_space<vmem>>
    %dma_start3A_1917 = tpu.memref_squeeze %dma_start3A_1916 : memref<1x16x2048xf32, #tpu.memory_space<vmem>> -> memref<16x2048xf32, #tpu.memory_space<vmem>>
    %dma_start3A_1918 = arith.constant 0 : i32
    %dma_start3A_1919 = tpu.memref_slice %arg3[%dma_start3A_1913, %add3A_1877, %dma_start3A_1918] : memref<4x8192x2048xf32, #tpu.memory_space<hbm>> -> memref<1x16x2048xf32, #tpu.memory_space<hbm>>
    %dma_start3A_1920 = tpu.memref_squeeze %dma_start3A_1919 : memref<1x16x2048xf32, #tpu.memory_space<hbm>> -> memref<16x2048xf32, #tpu.memory_space<hbm>>
    %dma_start3A_1921 = arith.constant 0 : i32
    %dma_start3A_1922 = tpu.memref_slice %arg3[%dma_start3A_1913, %add3A_1877, %dma_start3A_1921] : memref<4x8192x2048xf32, #tpu.memory_space<hbm>> -> memref<1x16x2048xf32, #tpu.memory_space<hbm>>
    %dma_start3A_1923 = tpu.memref_squeeze %dma_start3A_1922 : memref<1x16x2048xf32, #tpu.memory_space<hbm>> -> memref<16x2048xf32, #tpu.memory_space<hbm>>
    %dma_start3A_1924 = arith.constant 0 : i32
    %dma_start3A_1925 = arith.constant 0 : i32
    %dma_start3A_1926 = tpu.memref_slice %arg4[%dma_start3A_1912, %dma_start3A_1924, %dma_start3A_1925] : memref<2x16x2048xf32, #tpu.memory_space<vmem>> -> memref<1x16x2048xf32, #tpu.memory_space<vmem>>
    %dma_start3A_1927 = tpu.memref_squeeze %dma_start3A_1926 : memref<1x16x2048xf32, #tpu.memory_space<vmem>> -> memref<16x2048xf32, #tpu.memory_space<vmem>>
    tpu.enqueue_dma source(%dma_start3A_1927 : memref<16x2048xf32, #tpu.memory_space<vmem>>) target(%dma_start3A_1923 : memref<16x2048xf32, #tpu.memory_space<hbm>>) target_semaphore(%arg8 : memref<!tpu.dma_semaphore, #tpu.memory_space<semaphore_mem>>)
    %dma_start3A_1928 = arith.constant 1 : i32
    %dma_start3A_1929 = arith.constant 3 : i32
    %dma_start3A_1930 = arith.constant 0 : i32
    %dma_start3A_1931 = arith.constant 0 : i32
    %dma_start3A_1932 = tpu.memref_slice %arg4[%dma_start3A_1928, %dma_start3A_1930, %dma_start3A_1931] : memref<2x16x2048xf32, #tpu.memory_space<vmem>> -> memref<1x16x2048xf32, #tpu.memory_space<vmem>>
    %dma_start3A_1933 = tpu.memref_squeeze %dma_start3A_1932 : memref<1x16x2048xf32, #tpu.memory_space<vmem>> -> memref<16x2048xf32, #tpu.memory_space<vmem>>
    %dma_start3A_1934 = arith.constant 0 : i32
    %dma_start3A_1935 = tpu.memref_slice %arg3[%dma_start3A_1929, %add3A_1879, %dma_start3A_1934] : memref<4x8192x2048xf32, #tpu.memory_space<hbm>> -> memref<1x16x2048xf32, #tpu.memory_space<hbm>>
    %dma_start3A_1936 = tpu.memref_squeeze %dma_start3A_1935 : memref<1x16x2048xf32, #tpu.memory_space<hbm>> -> memref<16x2048xf32, #tpu.memory_space<hbm>>
    %dma_start3A_1937 = arith.constant 0 : i32
    %dma_start3A_1938 = tpu.memref_slice %arg3[%dma_start3A_1929, %add3A_1879, %dma_start3A_1937] : memref<4x8192x2048xf32, #tpu.memory_space<hbm>> -> memref<1x16x2048xf32, #tpu.memory_space<hbm>>
    %dma_start3A_1939 = tpu.memref_squeeze %dma_start3A_1938 : memref<1x16x2048xf32, #tpu.memory_space<hbm>> -> memref<16x2048xf32, #tpu.memory_space<hbm>>
    %dma_start3A_1940 = arith.constant 0 : i32
    %dma_start3A_1941 = arith.constant 0 : i32
    %dma_start3A_1942 = tpu.memref_slice %arg4[%dma_start3A_1928, %dma_start3A_1940, %dma_start3A_1941] : memref<2x16x2048xf32, #tpu.memory_space<vmem>> -> memref<1x16x2048xf32, #tpu.memory_space<vmem>>
    %dma_start3A_1943 = tpu.memref_squeeze %dma_start3A_1942 : memref<1x16x2048xf32, #tpu.memory_space<vmem>> -> memref<16x2048xf32, #tpu.memory_space<vmem>>
    tpu.enqueue_dma source(%dma_start3A_1943 : memref<16x2048xf32, #tpu.memory_space<vmem>>) target(%dma_start3A_1939 : memref<16x2048xf32, #tpu.memory_space<hbm>>) target_semaphore(%arg8 : memref<!tpu.dma_semaphore, #tpu.memory_space<semaphore_mem>>)
    %dma_wait3A_1944 = arith.constant 1 : i32
    %dma_wait3A_1945 = arith.constant 0 : i32
    %dma_wait3A_1946 = arith.constant 0 : i32
    %dma_wait3A_1947 = arith.constant 0 : i32
    %dma_wait3A_1948 = tpu.memref_slice %arg4[%dma_wait3A_1944, %dma_wait3A_1946, %dma_wait3A_1947] : memref<2x16x2048xf32, #tpu.memory_space<vmem>> -> memref<1x16x2048xf32, #tpu.memory_space<vmem>>
    %dma_wait3A_1949 = tpu.memref_squeeze %dma_wait3A_1948 : memref<1x16x2048xf32, #tpu.memory_space<vmem>> -> memref<16x2048xf32, #tpu.memory_space<vmem>>
    %dma_wait3A_1950 = arith.constant 0 : i32
    %dma_wait3A_1951 = tpu.memref_slice %arg3[%dma_wait3A_1945, %add3A_1873, %dma_wait3A_1950] : memref<4x8192x2048xf32, #tpu.memory_space<hbm>> -> memref<1x16x2048xf32, #tpu.memory_space<hbm>>
    %dma_wait3A_1952 = tpu.memref_squeeze %dma_wait3A_1951 : memref<1x16x2048xf32, #tpu.memory_space<hbm>> -> memref<16x2048xf32, #tpu.memory_space<hbm>>
    %dma_wait3A_1953 = arith.constant 0 : i32
    %dma_wait3A_1954 = tpu.memref_slice %arg3[%dma_wait3A_1945, %add3A_1873, %dma_wait3A_1953] : memref<4x8192x2048xf32, #tpu.memory_space<hbm>> -> memref<1x16x2048xf32, #tpu.memory_space<hbm>>
    %dma_wait3A_1955 = tpu.memref_squeeze %dma_wait3A_1954 : memref<1x16x2048xf32, #tpu.memory_space<hbm>> -> memref<16x2048xf32, #tpu.memory_space<hbm>>
    %dma_wait3A_1956 = arith.constant 0 : i32
    %dma_wait3A_1957 = arith.constant 0 : i32
    %dma_wait3A_1958 = tpu.memref_slice %arg4[%dma_wait3A_1944, %dma_wait3A_1956, %dma_wait3A_1957] : memref<2x16x2048xf32, #tpu.memory_space<vmem>> -> memref<1x16x2048xf32, #tpu.memory_space<vmem>>
    %dma_wait3A_1959 = tpu.memref_squeeze %dma_wait3A_1958 : memref<1x16x2048xf32, #tpu.memory_space<vmem>> -> memref<16x2048xf32, #tpu.memory_space<vmem>>
    tpu.wait_dma2 semaphore(%arg8 : memref<!tpu.dma_semaphore, #tpu.memory_space<semaphore_mem>>) src(%dma_wait3A_1959 : memref<16x2048xf32, #tpu.memory_space<vmem>>) dst(%dma_wait3A_1955 : memref<16x2048xf32, #tpu.memory_space<hbm>>)
    %dma_wait3A_1960 = arith.constant 1 : i32
    %dma_wait3A_1961 = arith.constant 1 : i32
    %dma_wait3A_1962 = arith.constant 0 : i32
    %dma_wait3A_1963 = arith.constant 0 : i32
    %dma_wait3A_1964 = tpu.memref_slice %arg4[%dma_wait3A_1960, %dma_wait3A_1962, %dma_wait3A_1963] : memref<2x16x2048xf32, #tpu.memory_space<vmem>> -> memref<1x16x2048xf32, #tpu.memory_space<vmem>>
    %dma_wait3A_1965 = tpu.memref_squeeze %dma_wait3A_1964 : memref<1x16x2048xf32, #tpu.memory_space<vmem>> -> memref<16x2048xf32, #tpu.memory_space<vmem>>
    %dma_wait3A_1966 = arith.constant 0 : i32
    %dma_wait3A_1967 = tpu.memref_slice %arg3[%dma_wait3A_1961, %add3A_1875, %dma_wait3A_1966] : memref<4x8192x2048xf32, #tpu.memory_space<hbm>> -> memref<1x16x2048xf32, #tpu.memory_space<hbm>>
    %dma_wait3A_1968 = tpu.memref_squeeze %dma_wait3A_1967 : memref<1x16x2048xf32, #tpu.memory_space<hbm>> -> memref<16x2048xf32, #tpu.memory_space<hbm>>
    %dma_wait3A_1969 = arith.constant 0 : i32
    %dma_wait3A_1970 = tpu.memref_slice %arg3[%dma_wait3A_1961, %add3A_1875, %dma_wait3A_1969] : memref<4x8192x2048xf32, #tpu.memory_space<hbm>> -> memref<1x16x2048xf32, #tpu.memory_space<hbm>>
    %dma_wait3A_1971 = tpu.memref_squeeze %dma_wait3A_1970 : memref<1x16x2048xf32, #tpu.memory_space<hbm>> -> memref<16x2048xf32, #tpu.memory_space<hbm>>
    %dma_wait3A_1972 = arith.constant 0 : i32
    %dma_wait3A_1973 = arith.constant 0 : i32
    %dma_wait3A_1974 = tpu.memref_slice %arg4[%dma_wait3A_1960, %dma_wait3A_1972, %dma_wait3A_1973] : memref<2x16x2048xf32, #tpu.memory_space<vmem>> -> memref<1x16x2048xf32, #tpu.memory_space<vmem>>
    %dma_wait3A_1975 = tpu.memref_squeeze %dma_wait3A_1974 : memref<1x16x2048xf32, #tpu.memory_space<vmem>> -> memref<16x2048xf32, #tpu.memory_space<vmem>>
    tpu.wait_dma2 semaphore(%arg8 : memref<!tpu.dma_semaphore, #tpu.memory_space<semaphore_mem>>) src(%dma_wait3A_1975 : memref<16x2048xf32, #tpu.memory_space<vmem>>) dst(%dma_wait3A_1971 : memref<16x2048xf32, #tpu.memory_space<hbm>>)
    %dma_wait3A_1976 = arith.constant 1 : i32
    %dma_wait3A_1977 = arith.constant 2 : i32
    %dma_wait3A_1978 = arith.constant 0 : i32
    %dma_wait3A_1979 = arith.constant 0 : i32
    %dma_wait3A_1980 = tpu.memref_slice %arg4[%dma_wait3A_1976, %dma_wait3A_1978, %dma_wait3A_1979] : memref<2x16x2048xf32, #tpu.memory_space<vmem>> -> memref<1x16x2048xf32, #tpu.memory_space<vmem>>
    %dma_wait3A_1981 = tpu.memref_squeeze %dma_wait3A_1980 : memref<1x16x2048xf32, #tpu.memory_space<vmem>> -> memref<16x2048xf32, #tpu.memory_space<vmem>>
    %dma_wait3A_1982 = arith.constant 0 : i32
    %dma_wait3A_1983 = tpu.memref_slice %arg3[%dma_wait3A_1977, %add3A_1877, %dma_wait3A_1982] : memref<4x8192x2048xf32, #tpu.memory_space<hbm>> -> memref<1x16x2048xf32, #tpu.memory_space<hbm>>
    %dma_wait3A_1984 = tpu.memref_squeeze %dma_wait3A_1983 : memref<1x16x2048xf32, #tpu.memory_space<hbm>> -> memref<16x2048xf32, #tpu.memory_space<hbm>>
    %dma_wait3A_1985 = arith.constant 0 : i32
    %dma_wait3A_1986 = tpu.memref_slice %arg3[%dma_wait3A_1977, %add3A_1877, %dma_wait3A_1985] : memref<4x8192x2048xf32, #tpu.memory_space<hbm>> -> memref<1x16x2048xf32, #tpu.memory_space<hbm>>
    %dma_wait3A_1987 = tpu.memref_squeeze %dma_wait3A_1986 : memref<1x16x2048xf32, #tpu.memory_space<hbm>> -> memref<16x2048xf32, #tpu.memory_space<hbm>>
    %dma_wait3A_1988 = arith.constant 0 : i32
    %dma_wait3A_1989 = arith.constant 0 : i32
    %dma_wait3A_1990 = tpu.memref_slice %arg4[%dma_wait3A_1976, %dma_wait3A_1988, %dma_wait3A_1989] : memref<2x16x2048xf32, #tpu.memory_space<vmem>> -> memref<1x16x2048xf32, #tpu.memory_space<vmem>>
    %dma_wait3A_1991 = tpu.memref_squeeze %dma_wait3A_1990 : memref<1x16x2048xf32, #tpu.memory_space<vmem>> -> memref<16x2048xf32, #tpu.memory_space<vmem>>
    tpu.wait_dma2 semaphore(%arg8 : memref<!tpu.dma_semaphore, #tpu.memory_space<semaphore_mem>>) src(%dma_wait3A_1991 : memref<16x2048xf32, #tpu.memory_space<vmem>>) dst(%dma_wait3A_1987 : memref<16x2048xf32, #tpu.memory_space<hbm>>)
    %dma_wait3A_1992 = arith.constant 1 : i32
    %dma_wait3A_1993 = arith.constant 3 : i32
    %dma_wait3A_1994 = arith.constant 0 : i32
    %dma_wait3A_1995 = arith.constant 0 : i32
    %dma_wait3A_1996 = tpu.memref_slice %arg4[%dma_wait3A_1992, %dma_wait3A_1994, %dma_wait3A_1995] : memref<2x16x2048xf32, #tpu.memory_space<vmem>> -> memref<1x16x2048xf32, #tpu.memory_space<vmem>>
    %dma_wait3A_1997 = tpu.memref_squeeze %dma_wait3A_1996 : memref<1x16x2048xf32, #tpu.memory_space<vmem>> -> memref<16x2048xf32, #tpu.memory_space<vmem>>
    %dma_wait3A_1998 = arith.constant 0 : i32
    %dma_wait3A_1999 = tpu.memref_slice %arg3[%dma_wait3A_1993, %add3A_1879, %dma_wait3A_1998] : memref<4x8192x2048xf32, #tpu.memory_space<hbm>> -> memref<1x16x2048xf32, #tpu.memory_space<hbm>>
    %dma_wait3A_2000 = tpu.memref_squeeze %dma_wait3A_1999 : memref<1x16x2048xf32, #tpu.memory_space<hbm>> -> memref<16x2048xf32, #tpu.memory_space<hbm>>
    %dma_wait3A_2001 = arith.constant 0 : i32
    %dma_wait3A_2002 = tpu.memref_slice %arg3[%dma_wait3A_1993, %add3A_1879, %dma_wait3A_2001] : memref<4x8192x2048xf32, #tpu.memory_space<hbm>> -> memref<1x16x2048xf32, #tpu.memory_space<hbm>>
    %dma_wait3A_2003 = tpu.memref_squeeze %dma_wait3A_2002 : memref<1x16x2048xf32, #tpu.memory_space<hbm>> -> memref<16x2048xf32, #tpu.memory_space<hbm>>
    %dma_wait3A_2004 = arith.constant 0 : i32
    %dma_wait3A_2005 = arith.constant 0 : i32
    %dma_wait3A_2006 = tpu.memref_slice %arg4[%dma_wait3A_1992, %dma_wait3A_2004, %dma_wait3A_2005] : memref<2x16x2048xf32, #tpu.memory_space<vmem>> -> memref<1x16x2048xf32, #tpu.memory_space<vmem>>
    %dma_wait3A_2007 = tpu.memref_squeeze %dma_wait3A_2006 : memref<1x16x2048xf32, #tpu.memory_space<vmem>> -> memref<16x2048xf32, #tpu.memory_space<vmem>>
    tpu.wait_dma2 semaphore(%arg8 : memref<!tpu.dma_semaphore, #tpu.memory_space<semaphore_mem>>) src(%dma_wait3A_2007 : memref<16x2048xf32, #tpu.memory_space<vmem>>) dst(%dma_wait3A_2003 : memref<16x2048xf32, #tpu.memory_space<hbm>>)
    %add3A_2008 = arith.constant 208 : i32
    %add3A_2009 = arith.addi %mul3A_2, %add3A_2008 : i32
    %dma_start3A_2010 = arith.constant 1 : i32
    %dma_start3A_2011 = arith.constant 0 : i32
    %dma_start3A_2012 = arith.constant 0 : i32
    %dma_start3A_2013 = tpu.memref_slice %arg4[%dma_start3A_2010, %dma_start3A_2011, %dma_start3A_2012] : memref<2x16x2048xf32, #tpu.memory_space<vmem>> -> memref<1x16x2048xf32, #tpu.memory_space<vmem>>
    %dma_start3A_2014 = tpu.memref_squeeze %dma_start3A_2013 : memref<1x16x2048xf32, #tpu.memory_space<vmem>> -> memref<16x2048xf32, #tpu.memory_space<vmem>>
    %dma_start3A_2015 = arith.constant 0 : i32
    %dma_start3A_2016 = tpu.memref_slice %arg2[%add3A_2009, %dma_start3A_2015] : memref<8192x2048xf32, #tpu.memory_space<hbm>> -> memref<16x2048xf32, #tpu.memory_space<hbm>>
    %dma_start3A_2017 = arith.constant 0 : i32
    %dma_start3A_2018 = arith.constant 0 : i32
    %dma_start3A_2019 = tpu.memref_slice %arg4[%dma_start3A_2010, %dma_start3A_2017, %dma_start3A_2018] : memref<2x16x2048xf32, #tpu.memory_space<vmem>> -> memref<1x16x2048xf32, #tpu.memory_space<vmem>>
    %dma_start3A_2020 = tpu.memref_squeeze %dma_start3A_2019 : memref<1x16x2048xf32, #tpu.memory_space<vmem>> -> memref<16x2048xf32, #tpu.memory_space<vmem>>
    %dma_start3A_2021 = arith.constant 0 : i32
    %dma_start3A_2022 = tpu.memref_slice %arg2[%add3A_2009, %dma_start3A_2021] : memref<8192x2048xf32, #tpu.memory_space<hbm>> -> memref<16x2048xf32, #tpu.memory_space<hbm>>
    tpu.enqueue_dma source(%dma_start3A_2022 : memref<16x2048xf32, #tpu.memory_space<hbm>>) target(%dma_start3A_2020 : memref<16x2048xf32, #tpu.memory_space<vmem>>) target_semaphore(%arg6 : memref<!tpu.dma_semaphore, #tpu.memory_space<semaphore_mem>>)
    %add3A_2023 = arith.constant 192 : i32
    %add3A_2024 = arith.addi %mul3A_2, %add3A_2023 : i32
    %dma_wait3A_2025 = arith.constant 0 : i32
    %dma_wait3A_2026 = arith.constant 0 : i32
    %dma_wait3A_2027 = arith.constant 0 : i32
    %dma_wait3A_2028 = tpu.memref_slice %arg4[%dma_wait3A_2025, %dma_wait3A_2026, %dma_wait3A_2027] : memref<2x16x2048xf32, #tpu.memory_space<vmem>> -> memref<1x16x2048xf32, #tpu.memory_space<vmem>>
    %dma_wait3A_2029 = tpu.memref_squeeze %dma_wait3A_2028 : memref<1x16x2048xf32, #tpu.memory_space<vmem>> -> memref<16x2048xf32, #tpu.memory_space<vmem>>
    %dma_wait3A_2030 = arith.constant 0 : i32
    %dma_wait3A_2031 = tpu.memref_slice %arg2[%add3A_2024, %dma_wait3A_2030] : memref<8192x2048xf32, #tpu.memory_space<hbm>> -> memref<16x2048xf32, #tpu.memory_space<hbm>>
    %dma_wait3A_2032 = arith.constant 0 : i32
    %dma_wait3A_2033 = arith.constant 0 : i32
    %dma_wait3A_2034 = tpu.memref_slice %arg4[%dma_wait3A_2025, %dma_wait3A_2032, %dma_wait3A_2033] : memref<2x16x2048xf32, #tpu.memory_space<vmem>> -> memref<1x16x2048xf32, #tpu.memory_space<vmem>>
    %dma_wait3A_2035 = tpu.memref_squeeze %dma_wait3A_2034 : memref<1x16x2048xf32, #tpu.memory_space<vmem>> -> memref<16x2048xf32, #tpu.memory_space<vmem>>
    %dma_wait3A_2036 = arith.constant 0 : i32
    %dma_wait3A_2037 = tpu.memref_slice %arg2[%add3A_2024, %dma_wait3A_2036] : memref<8192x2048xf32, #tpu.memory_space<hbm>> -> memref<16x2048xf32, #tpu.memory_space<hbm>>
    tpu.wait_dma2 semaphore(%arg5 : memref<!tpu.dma_semaphore, #tpu.memory_space<semaphore_mem>>) src(%dma_wait3A_2037 : memref<16x2048xf32, #tpu.memory_space<hbm>>) dst(%dma_wait3A_2035 : memref<16x2048xf32, #tpu.memory_space<vmem>>)
    %add3A_2038 = arith.constant 192 : i32
    %add3A_2039 = arith.addi %mul3A_2, %add3A_2038 : i32
    %add3A_2040 = arith.constant 192 : i32
    %add3A_2041 = arith.addi %mul3A_2, %add3A_2040 : i32
    %add3A_2042 = arith.constant 192 : i32
    %add3A_2043 = arith.addi %mul3A_2, %add3A_2042 : i32
    %add3A_2044 = arith.constant 192 : i32
    %add3A_2045 = arith.addi %mul3A_2, %add3A_2044 : i32
    %dma_start3A_2046 = arith.constant 0 : i32
    %dma_start3A_2047 = arith.constant 0 : i32
    %dma_start3A_2048 = arith.constant 0 : i32
    %dma_start3A_2049 = arith.constant 0 : i32
    %dma_start3A_2050 = tpu.memref_slice %arg4[%dma_start3A_2046, %dma_start3A_2048, %dma_start3A_2049] : memref<2x16x2048xf32, #tpu.memory_space<vmem>> -> memref<1x16x2048xf32, #tpu.memory_space<vmem>>
    %dma_start3A_2051 = tpu.memref_squeeze %dma_start3A_2050 : memref<1x16x2048xf32, #tpu.memory_space<vmem>> -> memref<16x2048xf32, #tpu.memory_space<vmem>>
    %dma_start3A_2052 = arith.constant 0 : i32
    %dma_start3A_2053 = tpu.memref_slice %arg3[%dma_start3A_2047, %add3A_2039, %dma_start3A_2052] : memref<4x8192x2048xf32, #tpu.memory_space<hbm>> -> memref<1x16x2048xf32, #tpu.memory_space<hbm>>
    %dma_start3A_2054 = tpu.memref_squeeze %dma_start3A_2053 : memref<1x16x2048xf32, #tpu.memory_space<hbm>> -> memref<16x2048xf32, #tpu.memory_space<hbm>>
    %dma_start3A_2055 = arith.constant 0 : i32
    %dma_start3A_2056 = tpu.memref_slice %arg3[%dma_start3A_2047, %add3A_2039, %dma_start3A_2055] : memref<4x8192x2048xf32, #tpu.memory_space<hbm>> -> memref<1x16x2048xf32, #tpu.memory_space<hbm>>
    %dma_start3A_2057 = tpu.memref_squeeze %dma_start3A_2056 : memref<1x16x2048xf32, #tpu.memory_space<hbm>> -> memref<16x2048xf32, #tpu.memory_space<hbm>>
    %dma_start3A_2058 = arith.constant 0 : i32
    %dma_start3A_2059 = arith.constant 0 : i32
    %dma_start3A_2060 = tpu.memref_slice %arg4[%dma_start3A_2046, %dma_start3A_2058, %dma_start3A_2059] : memref<2x16x2048xf32, #tpu.memory_space<vmem>> -> memref<1x16x2048xf32, #tpu.memory_space<vmem>>
    %dma_start3A_2061 = tpu.memref_squeeze %dma_start3A_2060 : memref<1x16x2048xf32, #tpu.memory_space<vmem>> -> memref<16x2048xf32, #tpu.memory_space<vmem>>
    tpu.enqueue_dma source(%dma_start3A_2061 : memref<16x2048xf32, #tpu.memory_space<vmem>>) target(%dma_start3A_2057 : memref<16x2048xf32, #tpu.memory_space<hbm>>) target_semaphore(%arg7 : memref<!tpu.dma_semaphore, #tpu.memory_space<semaphore_mem>>)
    %dma_start3A_2062 = arith.constant 0 : i32
    %dma_start3A_2063 = arith.constant 1 : i32
    %dma_start3A_2064 = arith.constant 0 : i32
    %dma_start3A_2065 = arith.constant 0 : i32
    %dma_start3A_2066 = tpu.memref_slice %arg4[%dma_start3A_2062, %dma_start3A_2064, %dma_start3A_2065] : memref<2x16x2048xf32, #tpu.memory_space<vmem>> -> memref<1x16x2048xf32, #tpu.memory_space<vmem>>
    %dma_start3A_2067 = tpu.memref_squeeze %dma_start3A_2066 : memref<1x16x2048xf32, #tpu.memory_space<vmem>> -> memref<16x2048xf32, #tpu.memory_space<vmem>>
    %dma_start3A_2068 = arith.constant 0 : i32
    %dma_start3A_2069 = tpu.memref_slice %arg3[%dma_start3A_2063, %add3A_2041, %dma_start3A_2068] : memref<4x8192x2048xf32, #tpu.memory_space<hbm>> -> memref<1x16x2048xf32, #tpu.memory_space<hbm>>
    %dma_start3A_2070 = tpu.memref_squeeze %dma_start3A_2069 : memref<1x16x2048xf32, #tpu.memory_space<hbm>> -> memref<16x2048xf32, #tpu.memory_space<hbm>>
    %dma_start3A_2071 = arith.constant 0 : i32
    %dma_start3A_2072 = tpu.memref_slice %arg3[%dma_start3A_2063, %add3A_2041, %dma_start3A_2071] : memref<4x8192x2048xf32, #tpu.memory_space<hbm>> -> memref<1x16x2048xf32, #tpu.memory_space<hbm>>
    %dma_start3A_2073 = tpu.memref_squeeze %dma_start3A_2072 : memref<1x16x2048xf32, #tpu.memory_space<hbm>> -> memref<16x2048xf32, #tpu.memory_space<hbm>>
    %dma_start3A_2074 = arith.constant 0 : i32
    %dma_start3A_2075 = arith.constant 0 : i32
    %dma_start3A_2076 = tpu.memref_slice %arg4[%dma_start3A_2062, %dma_start3A_2074, %dma_start3A_2075] : memref<2x16x2048xf32, #tpu.memory_space<vmem>> -> memref<1x16x2048xf32, #tpu.memory_space<vmem>>
    %dma_start3A_2077 = tpu.memref_squeeze %dma_start3A_2076 : memref<1x16x2048xf32, #tpu.memory_space<vmem>> -> memref<16x2048xf32, #tpu.memory_space<vmem>>
    tpu.enqueue_dma source(%dma_start3A_2077 : memref<16x2048xf32, #tpu.memory_space<vmem>>) target(%dma_start3A_2073 : memref<16x2048xf32, #tpu.memory_space<hbm>>) target_semaphore(%arg7 : memref<!tpu.dma_semaphore, #tpu.memory_space<semaphore_mem>>)
    %dma_start3A_2078 = arith.constant 0 : i32
    %dma_start3A_2079 = arith.constant 2 : i32
    %dma_start3A_2080 = arith.constant 0 : i32
    %dma_start3A_2081 = arith.constant 0 : i32
    %dma_start3A_2082 = tpu.memref_slice %arg4[%dma_start3A_2078, %dma_start3A_2080, %dma_start3A_2081] : memref<2x16x2048xf32, #tpu.memory_space<vmem>> -> memref<1x16x2048xf32, #tpu.memory_space<vmem>>
    %dma_start3A_2083 = tpu.memref_squeeze %dma_start3A_2082 : memref<1x16x2048xf32, #tpu.memory_space<vmem>> -> memref<16x2048xf32, #tpu.memory_space<vmem>>
    %dma_start3A_2084 = arith.constant 0 : i32
    %dma_start3A_2085 = tpu.memref_slice %arg3[%dma_start3A_2079, %add3A_2043, %dma_start3A_2084] : memref<4x8192x2048xf32, #tpu.memory_space<hbm>> -> memref<1x16x2048xf32, #tpu.memory_space<hbm>>
    %dma_start3A_2086 = tpu.memref_squeeze %dma_start3A_2085 : memref<1x16x2048xf32, #tpu.memory_space<hbm>> -> memref<16x2048xf32, #tpu.memory_space<hbm>>
    %dma_start3A_2087 = arith.constant 0 : i32
    %dma_start3A_2088 = tpu.memref_slice %arg3[%dma_start3A_2079, %add3A_2043, %dma_start3A_2087] : memref<4x8192x2048xf32, #tpu.memory_space<hbm>> -> memref<1x16x2048xf32, #tpu.memory_space<hbm>>
    %dma_start3A_2089 = tpu.memref_squeeze %dma_start3A_2088 : memref<1x16x2048xf32, #tpu.memory_space<hbm>> -> memref<16x2048xf32, #tpu.memory_space<hbm>>
    %dma_start3A_2090 = arith.constant 0 : i32
    %dma_start3A_2091 = arith.constant 0 : i32
    %dma_start3A_2092 = tpu.memref_slice %arg4[%dma_start3A_2078, %dma_start3A_2090, %dma_start3A_2091] : memref<2x16x2048xf32, #tpu.memory_space<vmem>> -> memref<1x16x2048xf32, #tpu.memory_space<vmem>>
    %dma_start3A_2093 = tpu.memref_squeeze %dma_start3A_2092 : memref<1x16x2048xf32, #tpu.memory_space<vmem>> -> memref<16x2048xf32, #tpu.memory_space<vmem>>
    tpu.enqueue_dma source(%dma_start3A_2093 : memref<16x2048xf32, #tpu.memory_space<vmem>>) target(%dma_start3A_2089 : memref<16x2048xf32, #tpu.memory_space<hbm>>) target_semaphore(%arg7 : memref<!tpu.dma_semaphore, #tpu.memory_space<semaphore_mem>>)
    %dma_start3A_2094 = arith.constant 0 : i32
    %dma_start3A_2095 = arith.constant 3 : i32
    %dma_start3A_2096 = arith.constant 0 : i32
    %dma_start3A_2097 = arith.constant 0 : i32
    %dma_start3A_2098 = tpu.memref_slice %arg4[%dma_start3A_2094, %dma_start3A_2096, %dma_start3A_2097] : memref<2x16x2048xf32, #tpu.memory_space<vmem>> -> memref<1x16x2048xf32, #tpu.memory_space<vmem>>
    %dma_start3A_2099 = tpu.memref_squeeze %dma_start3A_2098 : memref<1x16x2048xf32, #tpu.memory_space<vmem>> -> memref<16x2048xf32, #tpu.memory_space<vmem>>
    %dma_start3A_2100 = arith.constant 0 : i32
    %dma_start3A_2101 = tpu.memref_slice %arg3[%dma_start3A_2095, %add3A_2045, %dma_start3A_2100] : memref<4x8192x2048xf32, #tpu.memory_space<hbm>> -> memref<1x16x2048xf32, #tpu.memory_space<hbm>>
    %dma_start3A_2102 = tpu.memref_squeeze %dma_start3A_2101 : memref<1x16x2048xf32, #tpu.memory_space<hbm>> -> memref<16x2048xf32, #tpu.memory_space<hbm>>
    %dma_start3A_2103 = arith.constant 0 : i32
    %dma_start3A_2104 = tpu.memref_slice %arg3[%dma_start3A_2095, %add3A_2045, %dma_start3A_2103] : memref<4x8192x2048xf32, #tpu.memory_space<hbm>> -> memref<1x16x2048xf32, #tpu.memory_space<hbm>>
    %dma_start3A_2105 = tpu.memref_squeeze %dma_start3A_2104 : memref<1x16x2048xf32, #tpu.memory_space<hbm>> -> memref<16x2048xf32, #tpu.memory_space<hbm>>
    %dma_start3A_2106 = arith.constant 0 : i32
    %dma_start3A_2107 = arith.constant 0 : i32
    %dma_start3A_2108 = tpu.memref_slice %arg4[%dma_start3A_2094, %dma_start3A_2106, %dma_start3A_2107] : memref<2x16x2048xf32, #tpu.memory_space<vmem>> -> memref<1x16x2048xf32, #tpu.memory_space<vmem>>
    %dma_start3A_2109 = tpu.memref_squeeze %dma_start3A_2108 : memref<1x16x2048xf32, #tpu.memory_space<vmem>> -> memref<16x2048xf32, #tpu.memory_space<vmem>>
    tpu.enqueue_dma source(%dma_start3A_2109 : memref<16x2048xf32, #tpu.memory_space<vmem>>) target(%dma_start3A_2105 : memref<16x2048xf32, #tpu.memory_space<hbm>>) target_semaphore(%arg7 : memref<!tpu.dma_semaphore, #tpu.memory_space<semaphore_mem>>)
    %dma_wait3A_2110 = arith.constant 0 : i32
    %dma_wait3A_2111 = arith.constant 0 : i32
    %dma_wait3A_2112 = arith.constant 0 : i32
    %dma_wait3A_2113 = arith.constant 0 : i32
    %dma_wait3A_2114 = tpu.memref_slice %arg4[%dma_wait3A_2110, %dma_wait3A_2112, %dma_wait3A_2113] : memref<2x16x2048xf32, #tpu.memory_space<vmem>> -> memref<1x16x2048xf32, #tpu.memory_space<vmem>>
    %dma_wait3A_2115 = tpu.memref_squeeze %dma_wait3A_2114 : memref<1x16x2048xf32, #tpu.memory_space<vmem>> -> memref<16x2048xf32, #tpu.memory_space<vmem>>
    %dma_wait3A_2116 = arith.constant 0 : i32
    %dma_wait3A_2117 = tpu.memref_slice %arg3[%dma_wait3A_2111, %add3A_2039, %dma_wait3A_2116] : memref<4x8192x2048xf32, #tpu.memory_space<hbm>> -> memref<1x16x2048xf32, #tpu.memory_space<hbm>>
    %dma_wait3A_2118 = tpu.memref_squeeze %dma_wait3A_2117 : memref<1x16x2048xf32, #tpu.memory_space<hbm>> -> memref<16x2048xf32, #tpu.memory_space<hbm>>
    %dma_wait3A_2119 = arith.constant 0 : i32
    %dma_wait3A_2120 = tpu.memref_slice %arg3[%dma_wait3A_2111, %add3A_2039, %dma_wait3A_2119] : memref<4x8192x2048xf32, #tpu.memory_space<hbm>> -> memref<1x16x2048xf32, #tpu.memory_space<hbm>>
    %dma_wait3A_2121 = tpu.memref_squeeze %dma_wait3A_2120 : memref<1x16x2048xf32, #tpu.memory_space<hbm>> -> memref<16x2048xf32, #tpu.memory_space<hbm>>
    %dma_wait3A_2122 = arith.constant 0 : i32
    %dma_wait3A_2123 = arith.constant 0 : i32
    %dma_wait3A_2124 = tpu.memref_slice %arg4[%dma_wait3A_2110, %dma_wait3A_2122, %dma_wait3A_2123] : memref<2x16x2048xf32, #tpu.memory_space<vmem>> -> memref<1x16x2048xf32, #tpu.memory_space<vmem>>
    %dma_wait3A_2125 = tpu.memref_squeeze %dma_wait3A_2124 : memref<1x16x2048xf32, #tpu.memory_space<vmem>> -> memref<16x2048xf32, #tpu.memory_space<vmem>>
    tpu.wait_dma2 semaphore(%arg7 : memref<!tpu.dma_semaphore, #tpu.memory_space<semaphore_mem>>) src(%dma_wait3A_2125 : memref<16x2048xf32, #tpu.memory_space<vmem>>) dst(%dma_wait3A_2121 : memref<16x2048xf32, #tpu.memory_space<hbm>>)
    %dma_wait3A_2126 = arith.constant 0 : i32
    %dma_wait3A_2127 = arith.constant 1 : i32
    %dma_wait3A_2128 = arith.constant 0 : i32
    %dma_wait3A_2129 = arith.constant 0 : i32
    %dma_wait3A_2130 = tpu.memref_slice %arg4[%dma_wait3A_2126, %dma_wait3A_2128, %dma_wait3A_2129] : memref<2x16x2048xf32, #tpu.memory_space<vmem>> -> memref<1x16x2048xf32, #tpu.memory_space<vmem>>
    %dma_wait3A_2131 = tpu.memref_squeeze %dma_wait3A_2130 : memref<1x16x2048xf32, #tpu.memory_space<vmem>> -> memref<16x2048xf32, #tpu.memory_space<vmem>>
    %dma_wait3A_2132 = arith.constant 0 : i32
    %dma_wait3A_2133 = tpu.memref_slice %arg3[%dma_wait3A_2127, %add3A_2041, %dma_wait3A_2132] : memref<4x8192x2048xf32, #tpu.memory_space<hbm>> -> memref<1x16x2048xf32, #tpu.memory_space<hbm>>
    %dma_wait3A_2134 = tpu.memref_squeeze %dma_wait3A_2133 : memref<1x16x2048xf32, #tpu.memory_space<hbm>> -> memref<16x2048xf32, #tpu.memory_space<hbm>>
    %dma_wait3A_2135 = arith.constant 0 : i32
    %dma_wait3A_2136 = tpu.memref_slice %arg3[%dma_wait3A_2127, %add3A_2041, %dma_wait3A_2135] : memref<4x8192x2048xf32, #tpu.memory_space<hbm>> -> memref<1x16x2048xf32, #tpu.memory_space<hbm>>
    %dma_wait3A_2137 = tpu.memref_squeeze %dma_wait3A_2136 : memref<1x16x2048xf32, #tpu.memory_space<hbm>> -> memref<16x2048xf32, #tpu.memory_space<hbm>>
    %dma_wait3A_2138 = arith.constant 0 : i32
    %dma_wait3A_2139 = arith.constant 0 : i32
    %dma_wait3A_2140 = tpu.memref_slice %arg4[%dma_wait3A_2126, %dma_wait3A_2138, %dma_wait3A_2139] : memref<2x16x2048xf32, #tpu.memory_space<vmem>> -> memref<1x16x2048xf32, #tpu.memory_space<vmem>>
    %dma_wait3A_2141 = tpu.memref_squeeze %dma_wait3A_2140 : memref<1x16x2048xf32, #tpu.memory_space<vmem>> -> memref<16x2048xf32, #tpu.memory_space<vmem>>
    tpu.wait_dma2 semaphore(%arg7 : memref<!tpu.dma_semaphore, #tpu.memory_space<semaphore_mem>>) src(%dma_wait3A_2141 : memref<16x2048xf32, #tpu.memory_space<vmem>>) dst(%dma_wait3A_2137 : memref<16x2048xf32, #tpu.memory_space<hbm>>)
    %dma_wait3A_2142 = arith.constant 0 : i32
    %dma_wait3A_2143 = arith.constant 2 : i32
    %dma_wait3A_2144 = arith.constant 0 : i32
    %dma_wait3A_2145 = arith.constant 0 : i32
    %dma_wait3A_2146 = tpu.memref_slice %arg4[%dma_wait3A_2142, %dma_wait3A_2144, %dma_wait3A_2145] : memref<2x16x2048xf32, #tpu.memory_space<vmem>> -> memref<1x16x2048xf32, #tpu.memory_space<vmem>>
    %dma_wait3A_2147 = tpu.memref_squeeze %dma_wait3A_2146 : memref<1x16x2048xf32, #tpu.memory_space<vmem>> -> memref<16x2048xf32, #tpu.memory_space<vmem>>
    %dma_wait3A_2148 = arith.constant 0 : i32
    %dma_wait3A_2149 = tpu.memref_slice %arg3[%dma_wait3A_2143, %add3A_2043, %dma_wait3A_2148] : memref<4x8192x2048xf32, #tpu.memory_space<hbm>> -> memref<1x16x2048xf32, #tpu.memory_space<hbm>>
    %dma_wait3A_2150 = tpu.memref_squeeze %dma_wait3A_2149 : memref<1x16x2048xf32, #tpu.memory_space<hbm>> -> memref<16x2048xf32, #tpu.memory_space<hbm>>
    %dma_wait3A_2151 = arith.constant 0 : i32
    %dma_wait3A_2152 = tpu.memref_slice %arg3[%dma_wait3A_2143, %add3A_2043, %dma_wait3A_2151] : memref<4x8192x2048xf32, #tpu.memory_space<hbm>> -> memref<1x16x2048xf32, #tpu.memory_space<hbm>>
    %dma_wait3A_2153 = tpu.memref_squeeze %dma_wait3A_2152 : memref<1x16x2048xf32, #tpu.memory_space<hbm>> -> memref<16x2048xf32, #tpu.memory_space<hbm>>
    %dma_wait3A_2154 = arith.constant 0 : i32
    %dma_wait3A_2155 = arith.constant 0 : i32
    %dma_wait3A_2156 = tpu.memref_slice %arg4[%dma_wait3A_2142, %dma_wait3A_2154, %dma_wait3A_2155] : memref<2x16x2048xf32, #tpu.memory_space<vmem>> -> memref<1x16x2048xf32, #tpu.memory_space<vmem>>
    %dma_wait3A_2157 = tpu.memref_squeeze %dma_wait3A_2156 : memref<1x16x2048xf32, #tpu.memory_space<vmem>> -> memref<16x2048xf32, #tpu.memory_space<vmem>>
    tpu.wait_dma2 semaphore(%arg7 : memref<!tpu.dma_semaphore, #tpu.memory_space<semaphore_mem>>) src(%dma_wait3A_2157 : memref<16x2048xf32, #tpu.memory_space<vmem>>) dst(%dma_wait3A_2153 : memref<16x2048xf32, #tpu.memory_space<hbm>>)
    %dma_wait3A_2158 = arith.constant 0 : i32
    %dma_wait3A_2159 = arith.constant 3 : i32
    %dma_wait3A_2160 = arith.constant 0 : i32
    %dma_wait3A_2161 = arith.constant 0 : i32
    %dma_wait3A_2162 = tpu.memref_slice %arg4[%dma_wait3A_2158, %dma_wait3A_2160, %dma_wait3A_2161] : memref<2x16x2048xf32, #tpu.memory_space<vmem>> -> memref<1x16x2048xf32, #tpu.memory_space<vmem>>
    %dma_wait3A_2163 = tpu.memref_squeeze %dma_wait3A_2162 : memref<1x16x2048xf32, #tpu.memory_space<vmem>> -> memref<16x2048xf32, #tpu.memory_space<vmem>>
    %dma_wait3A_2164 = arith.constant 0 : i32
    %dma_wait3A_2165 = tpu.memref_slice %arg3[%dma_wait3A_2159, %add3A_2045, %dma_wait3A_2164] : memref<4x8192x2048xf32, #tpu.memory_space<hbm>> -> memref<1x16x2048xf32, #tpu.memory_space<hbm>>
    %dma_wait3A_2166 = tpu.memref_squeeze %dma_wait3A_2165 : memref<1x16x2048xf32, #tpu.memory_space<hbm>> -> memref<16x2048xf32, #tpu.memory_space<hbm>>
    %dma_wait3A_2167 = arith.constant 0 : i32
    %dma_wait3A_2168 = tpu.memref_slice %arg3[%dma_wait3A_2159, %add3A_2045, %dma_wait3A_2167] : memref<4x8192x2048xf32, #tpu.memory_space<hbm>> -> memref<1x16x2048xf32, #tpu.memory_space<hbm>>
    %dma_wait3A_2169 = tpu.memref_squeeze %dma_wait3A_2168 : memref<1x16x2048xf32, #tpu.memory_space<hbm>> -> memref<16x2048xf32, #tpu.memory_space<hbm>>
    %dma_wait3A_2170 = arith.constant 0 : i32
    %dma_wait3A_2171 = arith.constant 0 : i32
    %dma_wait3A_2172 = tpu.memref_slice %arg4[%dma_wait3A_2158, %dma_wait3A_2170, %dma_wait3A_2171] : memref<2x16x2048xf32, #tpu.memory_space<vmem>> -> memref<1x16x2048xf32, #tpu.memory_space<vmem>>
    %dma_wait3A_2173 = tpu.memref_squeeze %dma_wait3A_2172 : memref<1x16x2048xf32, #tpu.memory_space<vmem>> -> memref<16x2048xf32, #tpu.memory_space<vmem>>
    tpu.wait_dma2 semaphore(%arg7 : memref<!tpu.dma_semaphore, #tpu.memory_space<semaphore_mem>>) src(%dma_wait3A_2173 : memref<16x2048xf32, #tpu.memory_space<vmem>>) dst(%dma_wait3A_2169 : memref<16x2048xf32, #tpu.memory_space<hbm>>)
    %add3A_2174 = arith.constant 224 : i32
    %add3A_2175 = arith.addi %mul3A_2, %add3A_2174 : i32
    %dma_start3A_2176 = arith.constant 0 : i32
    %dma_start3A_2177 = arith.constant 0 : i32
    %dma_start3A_2178 = arith.constant 0 : i32
    %dma_start3A_2179 = tpu.memref_slice %arg4[%dma_start3A_2176, %dma_start3A_2177, %dma_start3A_2178] : memref<2x16x2048xf32, #tpu.memory_space<vmem>> -> memref<1x16x2048xf32, #tpu.memory_space<vmem>>
    %dma_start3A_2180 = tpu.memref_squeeze %dma_start3A_2179 : memref<1x16x2048xf32, #tpu.memory_space<vmem>> -> memref<16x2048xf32, #tpu.memory_space<vmem>>
    %dma_start3A_2181 = arith.constant 0 : i32
    %dma_start3A_2182 = tpu.memref_slice %arg2[%add3A_2175, %dma_start3A_2181] : memref<8192x2048xf32, #tpu.memory_space<hbm>> -> memref<16x2048xf32, #tpu.memory_space<hbm>>
    %dma_start3A_2183 = arith.constant 0 : i32
    %dma_start3A_2184 = arith.constant 0 : i32
    %dma_start3A_2185 = tpu.memref_slice %arg4[%dma_start3A_2176, %dma_start3A_2183, %dma_start3A_2184] : memref<2x16x2048xf32, #tpu.memory_space<vmem>> -> memref<1x16x2048xf32, #tpu.memory_space<vmem>>
    %dma_start3A_2186 = tpu.memref_squeeze %dma_start3A_2185 : memref<1x16x2048xf32, #tpu.memory_space<vmem>> -> memref<16x2048xf32, #tpu.memory_space<vmem>>
    %dma_start3A_2187 = arith.constant 0 : i32
    %dma_start3A_2188 = tpu.memref_slice %arg2[%add3A_2175, %dma_start3A_2187] : memref<8192x2048xf32, #tpu.memory_space<hbm>> -> memref<16x2048xf32, #tpu.memory_space<hbm>>
    tpu.enqueue_dma source(%dma_start3A_2188 : memref<16x2048xf32, #tpu.memory_space<hbm>>) target(%dma_start3A_2186 : memref<16x2048xf32, #tpu.memory_space<vmem>>) target_semaphore(%arg5 : memref<!tpu.dma_semaphore, #tpu.memory_space<semaphore_mem>>)
    %add3A_2189 = arith.constant 208 : i32
    %add3A_2190 = arith.addi %mul3A_2, %add3A_2189 : i32
    %dma_wait3A_2191 = arith.constant 1 : i32
    %dma_wait3A_2192 = arith.constant 0 : i32
    %dma_wait3A_2193 = arith.constant 0 : i32
    %dma_wait3A_2194 = tpu.memref_slice %arg4[%dma_wait3A_2191, %dma_wait3A_2192, %dma_wait3A_2193] : memref<2x16x2048xf32, #tpu.memory_space<vmem>> -> memref<1x16x2048xf32, #tpu.memory_space<vmem>>
    %dma_wait3A_2195 = tpu.memref_squeeze %dma_wait3A_2194 : memref<1x16x2048xf32, #tpu.memory_space<vmem>> -> memref<16x2048xf32, #tpu.memory_space<vmem>>
    %dma_wait3A_2196 = arith.constant 0 : i32
    %dma_wait3A_2197 = tpu.memref_slice %arg2[%add3A_2190, %dma_wait3A_2196] : memref<8192x2048xf32, #tpu.memory_space<hbm>> -> memref<16x2048xf32, #tpu.memory_space<hbm>>
    %dma_wait3A_2198 = arith.constant 0 : i32
    %dma_wait3A_2199 = arith.constant 0 : i32
    %dma_wait3A_2200 = tpu.memref_slice %arg4[%dma_wait3A_2191, %dma_wait3A_2198, %dma_wait3A_2199] : memref<2x16x2048xf32, #tpu.memory_space<vmem>> -> memref<1x16x2048xf32, #tpu.memory_space<vmem>>
    %dma_wait3A_2201 = tpu.memref_squeeze %dma_wait3A_2200 : memref<1x16x2048xf32, #tpu.memory_space<vmem>> -> memref<16x2048xf32, #tpu.memory_space<vmem>>
    %dma_wait3A_2202 = arith.constant 0 : i32
    %dma_wait3A_2203 = tpu.memref_slice %arg2[%add3A_2190, %dma_wait3A_2202] : memref<8192x2048xf32, #tpu.memory_space<hbm>> -> memref<16x2048xf32, #tpu.memory_space<hbm>>
    tpu.wait_dma2 semaphore(%arg6 : memref<!tpu.dma_semaphore, #tpu.memory_space<semaphore_mem>>) src(%dma_wait3A_2203 : memref<16x2048xf32, #tpu.memory_space<hbm>>) dst(%dma_wait3A_2201 : memref<16x2048xf32, #tpu.memory_space<vmem>>)
    %add3A_2204 = arith.constant 208 : i32
    %add3A_2205 = arith.addi %mul3A_2, %add3A_2204 : i32
    %add3A_2206 = arith.constant 208 : i32
    %add3A_2207 = arith.addi %mul3A_2, %add3A_2206 : i32
    %add3A_2208 = arith.constant 208 : i32
    %add3A_2209 = arith.addi %mul3A_2, %add3A_2208 : i32
    %add3A_2210 = arith.constant 208 : i32
    %add3A_2211 = arith.addi %mul3A_2, %add3A_2210 : i32
    %dma_start3A_2212 = arith.constant 1 : i32
    %dma_start3A_2213 = arith.constant 0 : i32
    %dma_start3A_2214 = arith.constant 0 : i32
    %dma_start3A_2215 = arith.constant 0 : i32
    %dma_start3A_2216 = tpu.memref_slice %arg4[%dma_start3A_2212, %dma_start3A_2214, %dma_start3A_2215] : memref<2x16x2048xf32, #tpu.memory_space<vmem>> -> memref<1x16x2048xf32, #tpu.memory_space<vmem>>
    %dma_start3A_2217 = tpu.memref_squeeze %dma_start3A_2216 : memref<1x16x2048xf32, #tpu.memory_space<vmem>> -> memref<16x2048xf32, #tpu.memory_space<vmem>>
    %dma_start3A_2218 = arith.constant 0 : i32
    %dma_start3A_2219 = tpu.memref_slice %arg3[%dma_start3A_2213, %add3A_2205, %dma_start3A_2218] : memref<4x8192x2048xf32, #tpu.memory_space<hbm>> -> memref<1x16x2048xf32, #tpu.memory_space<hbm>>
    %dma_start3A_2220 = tpu.memref_squeeze %dma_start3A_2219 : memref<1x16x2048xf32, #tpu.memory_space<hbm>> -> memref<16x2048xf32, #tpu.memory_space<hbm>>
    %dma_start3A_2221 = arith.constant 0 : i32
    %dma_start3A_2222 = tpu.memref_slice %arg3[%dma_start3A_2213, %add3A_2205, %dma_start3A_2221] : memref<4x8192x2048xf32, #tpu.memory_space<hbm>> -> memref<1x16x2048xf32, #tpu.memory_space<hbm>>
    %dma_start3A_2223 = tpu.memref_squeeze %dma_start3A_2222 : memref<1x16x2048xf32, #tpu.memory_space<hbm>> -> memref<16x2048xf32, #tpu.memory_space<hbm>>
    %dma_start3A_2224 = arith.constant 0 : i32
    %dma_start3A_2225 = arith.constant 0 : i32
    %dma_start3A_2226 = tpu.memref_slice %arg4[%dma_start3A_2212, %dma_start3A_2224, %dma_start3A_2225] : memref<2x16x2048xf32, #tpu.memory_space<vmem>> -> memref<1x16x2048xf32, #tpu.memory_space<vmem>>
    %dma_start3A_2227 = tpu.memref_squeeze %dma_start3A_2226 : memref<1x16x2048xf32, #tpu.memory_space<vmem>> -> memref<16x2048xf32, #tpu.memory_space<vmem>>
    tpu.enqueue_dma source(%dma_start3A_2227 : memref<16x2048xf32, #tpu.memory_space<vmem>>) target(%dma_start3A_2223 : memref<16x2048xf32, #tpu.memory_space<hbm>>) target_semaphore(%arg8 : memref<!tpu.dma_semaphore, #tpu.memory_space<semaphore_mem>>)
    %dma_start3A_2228 = arith.constant 1 : i32
    %dma_start3A_2229 = arith.constant 1 : i32
    %dma_start3A_2230 = arith.constant 0 : i32
    %dma_start3A_2231 = arith.constant 0 : i32
    %dma_start3A_2232 = tpu.memref_slice %arg4[%dma_start3A_2228, %dma_start3A_2230, %dma_start3A_2231] : memref<2x16x2048xf32, #tpu.memory_space<vmem>> -> memref<1x16x2048xf32, #tpu.memory_space<vmem>>
    %dma_start3A_2233 = tpu.memref_squeeze %dma_start3A_2232 : memref<1x16x2048xf32, #tpu.memory_space<vmem>> -> memref<16x2048xf32, #tpu.memory_space<vmem>>
    %dma_start3A_2234 = arith.constant 0 : i32
    %dma_start3A_2235 = tpu.memref_slice %arg3[%dma_start3A_2229, %add3A_2207, %dma_start3A_2234] : memref<4x8192x2048xf32, #tpu.memory_space<hbm>> -> memref<1x16x2048xf32, #tpu.memory_space<hbm>>
    %dma_start3A_2236 = tpu.memref_squeeze %dma_start3A_2235 : memref<1x16x2048xf32, #tpu.memory_space<hbm>> -> memref<16x2048xf32, #tpu.memory_space<hbm>>
    %dma_start3A_2237 = arith.constant 0 : i32
    %dma_start3A_2238 = tpu.memref_slice %arg3[%dma_start3A_2229, %add3A_2207, %dma_start3A_2237] : memref<4x8192x2048xf32, #tpu.memory_space<hbm>> -> memref<1x16x2048xf32, #tpu.memory_space<hbm>>
    %dma_start3A_2239 = tpu.memref_squeeze %dma_start3A_2238 : memref<1x16x2048xf32, #tpu.memory_space<hbm>> -> memref<16x2048xf32, #tpu.memory_space<hbm>>
    %dma_start3A_2240 = arith.constant 0 : i32
    %dma_start3A_2241 = arith.constant 0 : i32
    %dma_start3A_2242 = tpu.memref_slice %arg4[%dma_start3A_2228, %dma_start3A_2240, %dma_start3A_2241] : memref<2x16x2048xf32, #tpu.memory_space<vmem>> -> memref<1x16x2048xf32, #tpu.memory_space<vmem>>
    %dma_start3A_2243 = tpu.memref_squeeze %dma_start3A_2242 : memref<1x16x2048xf32, #tpu.memory_space<vmem>> -> memref<16x2048xf32, #tpu.memory_space<vmem>>
    tpu.enqueue_dma source(%dma_start3A_2243 : memref<16x2048xf32, #tpu.memory_space<vmem>>) target(%dma_start3A_2239 : memref<16x2048xf32, #tpu.memory_space<hbm>>) target_semaphore(%arg8 : memref<!tpu.dma_semaphore, #tpu.memory_space<semaphore_mem>>)
    %dma_start3A_2244 = arith.constant 1 : i32
    %dma_start3A_2245 = arith.constant 2 : i32
    %dma_start3A_2246 = arith.constant 0 : i32
    %dma_start3A_2247 = arith.constant 0 : i32
    %dma_start3A_2248 = tpu.memref_slice %arg4[%dma_start3A_2244, %dma_start3A_2246, %dma_start3A_2247] : memref<2x16x2048xf32, #tpu.memory_space<vmem>> -> memref<1x16x2048xf32, #tpu.memory_space<vmem>>
    %dma_start3A_2249 = tpu.memref_squeeze %dma_start3A_2248 : memref<1x16x2048xf32, #tpu.memory_space<vmem>> -> memref<16x2048xf32, #tpu.memory_space<vmem>>
    %dma_start3A_2250 = arith.constant 0 : i32
    %dma_start3A_2251 = tpu.memref_slice %arg3[%dma_start3A_2245, %add3A_2209, %dma_start3A_2250] : memref<4x8192x2048xf32, #tpu.memory_space<hbm>> -> memref<1x16x2048xf32, #tpu.memory_space<hbm>>
    %dma_start3A_2252 = tpu.memref_squeeze %dma_start3A_2251 : memref<1x16x2048xf32, #tpu.memory_space<hbm>> -> memref<16x2048xf32, #tpu.memory_space<hbm>>
    %dma_start3A_2253 = arith.constant 0 : i32
    %dma_start3A_2254 = tpu.memref_slice %arg3[%dma_start3A_2245, %add3A_2209, %dma_start3A_2253] : memref<4x8192x2048xf32, #tpu.memory_space<hbm>> -> memref<1x16x2048xf32, #tpu.memory_space<hbm>>
    %dma_start3A_2255 = tpu.memref_squeeze %dma_start3A_2254 : memref<1x16x2048xf32, #tpu.memory_space<hbm>> -> memref<16x2048xf32, #tpu.memory_space<hbm>>
    %dma_start3A_2256 = arith.constant 0 : i32
    %dma_start3A_2257 = arith.constant 0 : i32
    %dma_start3A_2258 = tpu.memref_slice %arg4[%dma_start3A_2244, %dma_start3A_2256, %dma_start3A_2257] : memref<2x16x2048xf32, #tpu.memory_space<vmem>> -> memref<1x16x2048xf32, #tpu.memory_space<vmem>>
    %dma_start3A_2259 = tpu.memref_squeeze %dma_start3A_2258 : memref<1x16x2048xf32, #tpu.memory_space<vmem>> -> memref<16x2048xf32, #tpu.memory_space<vmem>>
    tpu.enqueue_dma source(%dma_start3A_2259 : memref<16x2048xf32, #tpu.memory_space<vmem>>) target(%dma_start3A_2255 : memref<16x2048xf32, #tpu.memory_space<hbm>>) target_semaphore(%arg8 : memref<!tpu.dma_semaphore, #tpu.memory_space<semaphore_mem>>)
    %dma_start3A_2260 = arith.constant 1 : i32
    %dma_start3A_2261 = arith.constant 3 : i32
    %dma_start3A_2262 = arith.constant 0 : i32
    %dma_start3A_2263 = arith.constant 0 : i32
    %dma_start3A_2264 = tpu.memref_slice %arg4[%dma_start3A_2260, %dma_start3A_2262, %dma_start3A_2263] : memref<2x16x2048xf32, #tpu.memory_space<vmem>> -> memref<1x16x2048xf32, #tpu.memory_space<vmem>>
    %dma_start3A_2265 = tpu.memref_squeeze %dma_start3A_2264 : memref<1x16x2048xf32, #tpu.memory_space<vmem>> -> memref<16x2048xf32, #tpu.memory_space<vmem>>
    %dma_start3A_2266 = arith.constant 0 : i32
    %dma_start3A_2267 = tpu.memref_slice %arg3[%dma_start3A_2261, %add3A_2211, %dma_start3A_2266] : memref<4x8192x2048xf32, #tpu.memory_space<hbm>> -> memref<1x16x2048xf32, #tpu.memory_space<hbm>>
    %dma_start3A_2268 = tpu.memref_squeeze %dma_start3A_2267 : memref<1x16x2048xf32, #tpu.memory_space<hbm>> -> memref<16x2048xf32, #tpu.memory_space<hbm>>
    %dma_start3A_2269 = arith.constant 0 : i32
    %dma_start3A_2270 = tpu.memref_slice %arg3[%dma_start3A_2261, %add3A_2211, %dma_start3A_2269] : memref<4x8192x2048xf32, #tpu.memory_space<hbm>> -> memref<1x16x2048xf32, #tpu.memory_space<hbm>>
    %dma_start3A_2271 = tpu.memref_squeeze %dma_start3A_2270 : memref<1x16x2048xf32, #tpu.memory_space<hbm>> -> memref<16x2048xf32, #tpu.memory_space<hbm>>
    %dma_start3A_2272 = arith.constant 0 : i32
    %dma_start3A_2273 = arith.constant 0 : i32
    %dma_start3A_2274 = tpu.memref_slice %arg4[%dma_start3A_2260, %dma_start3A_2272, %dma_start3A_2273] : memref<2x16x2048xf32, #tpu.memory_space<vmem>> -> memref<1x16x2048xf32, #tpu.memory_space<vmem>>
    %dma_start3A_2275 = tpu.memref_squeeze %dma_start3A_2274 : memref<1x16x2048xf32, #tpu.memory_space<vmem>> -> memref<16x2048xf32, #tpu.memory_space<vmem>>
    tpu.enqueue_dma source(%dma_start3A_2275 : memref<16x2048xf32, #tpu.memory_space<vmem>>) target(%dma_start3A_2271 : memref<16x2048xf32, #tpu.memory_space<hbm>>) target_semaphore(%arg8 : memref<!tpu.dma_semaphore, #tpu.memory_space<semaphore_mem>>)
    %dma_wait3A_2276 = arith.constant 1 : i32
    %dma_wait3A_2277 = arith.constant 0 : i32
    %dma_wait3A_2278 = arith.constant 0 : i32
    %dma_wait3A_2279 = arith.constant 0 : i32
    %dma_wait3A_2280 = tpu.memref_slice %arg4[%dma_wait3A_2276, %dma_wait3A_2278, %dma_wait3A_2279] : memref<2x16x2048xf32, #tpu.memory_space<vmem>> -> memref<1x16x2048xf32, #tpu.memory_space<vmem>>
    %dma_wait3A_2281 = tpu.memref_squeeze %dma_wait3A_2280 : memref<1x16x2048xf32, #tpu.memory_space<vmem>> -> memref<16x2048xf32, #tpu.memory_space<vmem>>
    %dma_wait3A_2282 = arith.constant 0 : i32
    %dma_wait3A_2283 = tpu.memref_slice %arg3[%dma_wait3A_2277, %add3A_2205, %dma_wait3A_2282] : memref<4x8192x2048xf32, #tpu.memory_space<hbm>> -> memref<1x16x2048xf32, #tpu.memory_space<hbm>>
    %dma_wait3A_2284 = tpu.memref_squeeze %dma_wait3A_2283 : memref<1x16x2048xf32, #tpu.memory_space<hbm>> -> memref<16x2048xf32, #tpu.memory_space<hbm>>
    %dma_wait3A_2285 = arith.constant 0 : i32
    %dma_wait3A_2286 = tpu.memref_slice %arg3[%dma_wait3A_2277, %add3A_2205, %dma_wait3A_2285] : memref<4x8192x2048xf32, #tpu.memory_space<hbm>> -> memref<1x16x2048xf32, #tpu.memory_space<hbm>>
    %dma_wait3A_2287 = tpu.memref_squeeze %dma_wait3A_2286 : memref<1x16x2048xf32, #tpu.memory_space<hbm>> -> memref<16x2048xf32, #tpu.memory_space<hbm>>
    %dma_wait3A_2288 = arith.constant 0 : i32
    %dma_wait3A_2289 = arith.constant 0 : i32
    %dma_wait3A_2290 = tpu.memref_slice %arg4[%dma_wait3A_2276, %dma_wait3A_2288, %dma_wait3A_2289] : memref<2x16x2048xf32, #tpu.memory_space<vmem>> -> memref<1x16x2048xf32, #tpu.memory_space<vmem>>
    %dma_wait3A_2291 = tpu.memref_squeeze %dma_wait3A_2290 : memref<1x16x2048xf32, #tpu.memory_space<vmem>> -> memref<16x2048xf32, #tpu.memory_space<vmem>>
    tpu.wait_dma2 semaphore(%arg8 : memref<!tpu.dma_semaphore, #tpu.memory_space<semaphore_mem>>) src(%dma_wait3A_2291 : memref<16x2048xf32, #tpu.memory_space<vmem>>) dst(%dma_wait3A_2287 : memref<16x2048xf32, #tpu.memory_space<hbm>>)
    %dma_wait3A_2292 = arith.constant 1 : i32
    %dma_wait3A_2293 = arith.constant 1 : i32
    %dma_wait3A_2294 = arith.constant 0 : i32
    %dma_wait3A_2295 = arith.constant 0 : i32
    %dma_wait3A_2296 = tpu.memref_slice %arg4[%dma_wait3A_2292, %dma_wait3A_2294, %dma_wait3A_2295] : memref<2x16x2048xf32, #tpu.memory_space<vmem>> -> memref<1x16x2048xf32, #tpu.memory_space<vmem>>
    %dma_wait3A_2297 = tpu.memref_squeeze %dma_wait3A_2296 : memref<1x16x2048xf32, #tpu.memory_space<vmem>> -> memref<16x2048xf32, #tpu.memory_space<vmem>>
    %dma_wait3A_2298 = arith.constant 0 : i32
    %dma_wait3A_2299 = tpu.memref_slice %arg3[%dma_wait3A_2293, %add3A_2207, %dma_wait3A_2298] : memref<4x8192x2048xf32, #tpu.memory_space<hbm>> -> memref<1x16x2048xf32, #tpu.memory_space<hbm>>
    %dma_wait3A_2300 = tpu.memref_squeeze %dma_wait3A_2299 : memref<1x16x2048xf32, #tpu.memory_space<hbm>> -> memref<16x2048xf32, #tpu.memory_space<hbm>>
    %dma_wait3A_2301 = arith.constant 0 : i32
    %dma_wait3A_2302 = tpu.memref_slice %arg3[%dma_wait3A_2293, %add3A_2207, %dma_wait3A_2301] : memref<4x8192x2048xf32, #tpu.memory_space<hbm>> -> memref<1x16x2048xf32, #tpu.memory_space<hbm>>
    %dma_wait3A_2303 = tpu.memref_squeeze %dma_wait3A_2302 : memref<1x16x2048xf32, #tpu.memory_space<hbm>> -> memref<16x2048xf32, #tpu.memory_space<hbm>>
    %dma_wait3A_2304 = arith.constant 0 : i32
    %dma_wait3A_2305 = arith.constant 0 : i32
    %dma_wait3A_2306 = tpu.memref_slice %arg4[%dma_wait3A_2292, %dma_wait3A_2304, %dma_wait3A_2305] : memref<2x16x2048xf32, #tpu.memory_space<vmem>> -> memref<1x16x2048xf32, #tpu.memory_space<vmem>>
    %dma_wait3A_2307 = tpu.memref_squeeze %dma_wait3A_2306 : memref<1x16x2048xf32, #tpu.memory_space<vmem>> -> memref<16x2048xf32, #tpu.memory_space<vmem>>
    tpu.wait_dma2 semaphore(%arg8 : memref<!tpu.dma_semaphore, #tpu.memory_space<semaphore_mem>>) src(%dma_wait3A_2307 : memref<16x2048xf32, #tpu.memory_space<vmem>>) dst(%dma_wait3A_2303 : memref<16x2048xf32, #tpu.memory_space<hbm>>)
    %dma_wait3A_2308 = arith.constant 1 : i32
    %dma_wait3A_2309 = arith.constant 2 : i32
    %dma_wait3A_2310 = arith.constant 0 : i32
    %dma_wait3A_2311 = arith.constant 0 : i32
    %dma_wait3A_2312 = tpu.memref_slice %arg4[%dma_wait3A_2308, %dma_wait3A_2310, %dma_wait3A_2311] : memref<2x16x2048xf32, #tpu.memory_space<vmem>> -> memref<1x16x2048xf32, #tpu.memory_space<vmem>>
    %dma_wait3A_2313 = tpu.memref_squeeze %dma_wait3A_2312 : memref<1x16x2048xf32, #tpu.memory_space<vmem>> -> memref<16x2048xf32, #tpu.memory_space<vmem>>
    %dma_wait3A_2314 = arith.constant 0 : i32
    %dma_wait3A_2315 = tpu.memref_slice %arg3[%dma_wait3A_2309, %add3A_2209, %dma_wait3A_2314] : memref<4x8192x2048xf32, #tpu.memory_space<hbm>> -> memref<1x16x2048xf32, #tpu.memory_space<hbm>>
    %dma_wait3A_2316 = tpu.memref_squeeze %dma_wait3A_2315 : memref<1x16x2048xf32, #tpu.memory_space<hbm>> -> memref<16x2048xf32, #tpu.memory_space<hbm>>
    %dma_wait3A_2317 = arith.constant 0 : i32
    %dma_wait3A_2318 = tpu.memref_slice %arg3[%dma_wait3A_2309, %add3A_2209, %dma_wait3A_2317] : memref<4x8192x2048xf32, #tpu.memory_space<hbm>> -> memref<1x16x2048xf32, #tpu.memory_space<hbm>>
    %dma_wait3A_2319 = tpu.memref_squeeze %dma_wait3A_2318 : memref<1x16x2048xf32, #tpu.memory_space<hbm>> -> memref<16x2048xf32, #tpu.memory_space<hbm>>
    %dma_wait3A_2320 = arith.constant 0 : i32
    %dma_wait3A_2321 = arith.constant 0 : i32
    %dma_wait3A_2322 = tpu.memref_slice %arg4[%dma_wait3A_2308, %dma_wait3A_2320, %dma_wait3A_2321] : memref<2x16x2048xf32, #tpu.memory_space<vmem>> -> memref<1x16x2048xf32, #tpu.memory_space<vmem>>
    %dma_wait3A_2323 = tpu.memref_squeeze %dma_wait3A_2322 : memref<1x16x2048xf32, #tpu.memory_space<vmem>> -> memref<16x2048xf32, #tpu.memory_space<vmem>>
    tpu.wait_dma2 semaphore(%arg8 : memref<!tpu.dma_semaphore, #tpu.memory_space<semaphore_mem>>) src(%dma_wait3A_2323 : memref<16x2048xf32, #tpu.memory_space<vmem>>) dst(%dma_wait3A_2319 : memref<16x2048xf32, #tpu.memory_space<hbm>>)
    %dma_wait3A_2324 = arith.constant 1 : i32
    %dma_wait3A_2325 = arith.constant 3 : i32
    %dma_wait3A_2326 = arith.constant 0 : i32
    %dma_wait3A_2327 = arith.constant 0 : i32
    %dma_wait3A_2328 = tpu.memref_slice %arg4[%dma_wait3A_2324, %dma_wait3A_2326, %dma_wait3A_2327] : memref<2x16x2048xf32, #tpu.memory_space<vmem>> -> memref<1x16x2048xf32, #tpu.memory_space<vmem>>
    %dma_wait3A_2329 = tpu.memref_squeeze %dma_wait3A_2328 : memref<1x16x2048xf32, #tpu.memory_space<vmem>> -> memref<16x2048xf32, #tpu.memory_space<vmem>>
    %dma_wait3A_2330 = arith.constant 0 : i32
    %dma_wait3A_2331 = tpu.memref_slice %arg3[%dma_wait3A_2325, %add3A_2211, %dma_wait3A_2330] : memref<4x8192x2048xf32, #tpu.memory_space<hbm>> -> memref<1x16x2048xf32, #tpu.memory_space<hbm>>
    %dma_wait3A_2332 = tpu.memref_squeeze %dma_wait3A_2331 : memref<1x16x2048xf32, #tpu.memory_space<hbm>> -> memref<16x2048xf32, #tpu.memory_space<hbm>>
    %dma_wait3A_2333 = arith.constant 0 : i32
    %dma_wait3A_2334 = tpu.memref_slice %arg3[%dma_wait3A_2325, %add3A_2211, %dma_wait3A_2333] : memref<4x8192x2048xf32, #tpu.memory_space<hbm>> -> memref<1x16x2048xf32, #tpu.memory_space<hbm>>
    %dma_wait3A_2335 = tpu.memref_squeeze %dma_wait3A_2334 : memref<1x16x2048xf32, #tpu.memory_space<hbm>> -> memref<16x2048xf32, #tpu.memory_space<hbm>>
    %dma_wait3A_2336 = arith.constant 0 : i32
    %dma_wait3A_2337 = arith.constant 0 : i32
    %dma_wait3A_2338 = tpu.memref_slice %arg4[%dma_wait3A_2324, %dma_wait3A_2336, %dma_wait3A_2337] : memref<2x16x2048xf32, #tpu.memory_space<vmem>> -> memref<1x16x2048xf32, #tpu.memory_space<vmem>>
    %dma_wait3A_2339 = tpu.memref_squeeze %dma_wait3A_2338 : memref<1x16x2048xf32, #tpu.memory_space<vmem>> -> memref<16x2048xf32, #tpu.memory_space<vmem>>
    tpu.wait_dma2 semaphore(%arg8 : memref<!tpu.dma_semaphore, #tpu.memory_space<semaphore_mem>>) src(%dma_wait3A_2339 : memref<16x2048xf32, #tpu.memory_space<vmem>>) dst(%dma_wait3A_2335 : memref<16x2048xf32, #tpu.memory_space<hbm>>)
    %add3A_2340 = arith.constant 240 : i32
    %add3A_2341 = arith.addi %mul3A_2, %add3A_2340 : i32
    %dma_start3A_2342 = arith.constant 1 : i32
    %dma_start3A_2343 = arith.constant 0 : i32
    %dma_start3A_2344 = arith.constant 0 : i32
    %dma_start3A_2345 = tpu.memref_slice %arg4[%dma_start3A_2342, %dma_start3A_2343, %dma_start3A_2344] : memref<2x16x2048xf32, #tpu.memory_space<vmem>> -> memref<1x16x2048xf32, #tpu.memory_space<vmem>>
    %dma_start3A_2346 = tpu.memref_squeeze %dma_start3A_2345 : memref<1x16x2048xf32, #tpu.memory_space<vmem>> -> memref<16x2048xf32, #tpu.memory_space<vmem>>
    %dma_start3A_2347 = arith.constant 0 : i32
    %dma_start3A_2348 = tpu.memref_slice %arg2[%add3A_2341, %dma_start3A_2347] : memref<8192x2048xf32, #tpu.memory_space<hbm>> -> memref<16x2048xf32, #tpu.memory_space<hbm>>
    %dma_start3A_2349 = arith.constant 0 : i32
    %dma_start3A_2350 = arith.constant 0 : i32
    %dma_start3A_2351 = tpu.memref_slice %arg4[%dma_start3A_2342, %dma_start3A_2349, %dma_start3A_2350] : memref<2x16x2048xf32, #tpu.memory_space<vmem>> -> memref<1x16x2048xf32, #tpu.memory_space<vmem>>
    %dma_start3A_2352 = tpu.memref_squeeze %dma_start3A_2351 : memref<1x16x2048xf32, #tpu.memory_space<vmem>> -> memref<16x2048xf32, #tpu.memory_space<vmem>>
    %dma_start3A_2353 = arith.constant 0 : i32
    %dma_start3A_2354 = tpu.memref_slice %arg2[%add3A_2341, %dma_start3A_2353] : memref<8192x2048xf32, #tpu.memory_space<hbm>> -> memref<16x2048xf32, #tpu.memory_space<hbm>>
    tpu.enqueue_dma source(%dma_start3A_2354 : memref<16x2048xf32, #tpu.memory_space<hbm>>) target(%dma_start3A_2352 : memref<16x2048xf32, #tpu.memory_space<vmem>>) target_semaphore(%arg6 : memref<!tpu.dma_semaphore, #tpu.memory_space<semaphore_mem>>)
    %add3A_2355 = arith.constant 224 : i32
    %add3A_2356 = arith.addi %mul3A_2, %add3A_2355 : i32
    %dma_wait3A_2357 = arith.constant 0 : i32
    %dma_wait3A_2358 = arith.constant 0 : i32
    %dma_wait3A_2359 = arith.constant 0 : i32
    %dma_wait3A_2360 = tpu.memref_slice %arg4[%dma_wait3A_2357, %dma_wait3A_2358, %dma_wait3A_2359] : memref<2x16x2048xf32, #tpu.memory_space<vmem>> -> memref<1x16x2048xf32, #tpu.memory_space<vmem>>
    %dma_wait3A_2361 = tpu.memref_squeeze %dma_wait3A_2360 : memref<1x16x2048xf32, #tpu.memory_space<vmem>> -> memref<16x2048xf32, #tpu.memory_space<vmem>>
    %dma_wait3A_2362 = arith.constant 0 : i32
    %dma_wait3A_2363 = tpu.memref_slice %arg2[%add3A_2356, %dma_wait3A_2362] : memref<8192x2048xf32, #tpu.memory_space<hbm>> -> memref<16x2048xf32, #tpu.memory_space<hbm>>
    %dma_wait3A_2364 = arith.constant 0 : i32
    %dma_wait3A_2365 = arith.constant 0 : i32
    %dma_wait3A_2366 = tpu.memref_slice %arg4[%dma_wait3A_2357, %dma_wait3A_2364, %dma_wait3A_2365] : memref<2x16x2048xf32, #tpu.memory_space<vmem>> -> memref<1x16x2048xf32, #tpu.memory_space<vmem>>
    %dma_wait3A_2367 = tpu.memref_squeeze %dma_wait3A_2366 : memref<1x16x2048xf32, #tpu.memory_space<vmem>> -> memref<16x2048xf32, #tpu.memory_space<vmem>>
    %dma_wait3A_2368 = arith.constant 0 : i32
    %dma_wait3A_2369 = tpu.memref_slice %arg2[%add3A_2356, %dma_wait3A_2368] : memref<8192x2048xf32, #tpu.memory_space<hbm>> -> memref<16x2048xf32, #tpu.memory_space<hbm>>
    tpu.wait_dma2 semaphore(%arg5 : memref<!tpu.dma_semaphore, #tpu.memory_space<semaphore_mem>>) src(%dma_wait3A_2369 : memref<16x2048xf32, #tpu.memory_space<hbm>>) dst(%dma_wait3A_2367 : memref<16x2048xf32, #tpu.memory_space<vmem>>)
    %add3A_2370 = arith.constant 224 : i32
    %add3A_2371 = arith.addi %mul3A_2, %add3A_2370 : i32
    %add3A_2372 = arith.constant 224 : i32
    %add3A_2373 = arith.addi %mul3A_2, %add3A_2372 : i32
    %add3A_2374 = arith.constant 224 : i32
    %add3A_2375 = arith.addi %mul3A_2, %add3A_2374 : i32
    %add3A_2376 = arith.constant 224 : i32
    %add3A_2377 = arith.addi %mul3A_2, %add3A_2376 : i32
    %dma_start3A_2378 = arith.constant 0 : i32
    %dma_start3A_2379 = arith.constant 0 : i32
    %dma_start3A_2380 = arith.constant 0 : i32
    %dma_start3A_2381 = arith.constant 0 : i32
    %dma_start3A_2382 = tpu.memref_slice %arg4[%dma_start3A_2378, %dma_start3A_2380, %dma_start3A_2381] : memref<2x16x2048xf32, #tpu.memory_space<vmem>> -> memref<1x16x2048xf32, #tpu.memory_space<vmem>>
    %dma_start3A_2383 = tpu.memref_squeeze %dma_start3A_2382 : memref<1x16x2048xf32, #tpu.memory_space<vmem>> -> memref<16x2048xf32, #tpu.memory_space<vmem>>
    %dma_start3A_2384 = arith.constant 0 : i32
    %dma_start3A_2385 = tpu.memref_slice %arg3[%dma_start3A_2379, %add3A_2371, %dma_start3A_2384] : memref<4x8192x2048xf32, #tpu.memory_space<hbm>> -> memref<1x16x2048xf32, #tpu.memory_space<hbm>>
    %dma_start3A_2386 = tpu.memref_squeeze %dma_start3A_2385 : memref<1x16x2048xf32, #tpu.memory_space<hbm>> -> memref<16x2048xf32, #tpu.memory_space<hbm>>
    %dma_start3A_2387 = arith.constant 0 : i32
    %dma_start3A_2388 = tpu.memref_slice %arg3[%dma_start3A_2379, %add3A_2371, %dma_start3A_2387] : memref<4x8192x2048xf32, #tpu.memory_space<hbm>> -> memref<1x16x2048xf32, #tpu.memory_space<hbm>>
    %dma_start3A_2389 = tpu.memref_squeeze %dma_start3A_2388 : memref<1x16x2048xf32, #tpu.memory_space<hbm>> -> memref<16x2048xf32, #tpu.memory_space<hbm>>
    %dma_start3A_2390 = arith.constant 0 : i32
    %dma_start3A_2391 = arith.constant 0 : i32
    %dma_start3A_2392 = tpu.memref_slice %arg4[%dma_start3A_2378, %dma_start3A_2390, %dma_start3A_2391] : memref<2x16x2048xf32, #tpu.memory_space<vmem>> -> memref<1x16x2048xf32, #tpu.memory_space<vmem>>
    %dma_start3A_2393 = tpu.memref_squeeze %dma_start3A_2392 : memref<1x16x2048xf32, #tpu.memory_space<vmem>> -> memref<16x2048xf32, #tpu.memory_space<vmem>>
    tpu.enqueue_dma source(%dma_start3A_2393 : memref<16x2048xf32, #tpu.memory_space<vmem>>) target(%dma_start3A_2389 : memref<16x2048xf32, #tpu.memory_space<hbm>>) target_semaphore(%arg7 : memref<!tpu.dma_semaphore, #tpu.memory_space<semaphore_mem>>)
    %dma_start3A_2394 = arith.constant 0 : i32
    %dma_start3A_2395 = arith.constant 1 : i32
    %dma_start3A_2396 = arith.constant 0 : i32
    %dma_start3A_2397 = arith.constant 0 : i32
    %dma_start3A_2398 = tpu.memref_slice %arg4[%dma_start3A_2394, %dma_start3A_2396, %dma_start3A_2397] : memref<2x16x2048xf32, #tpu.memory_space<vmem>> -> memref<1x16x2048xf32, #tpu.memory_space<vmem>>
    %dma_start3A_2399 = tpu.memref_squeeze %dma_start3A_2398 : memref<1x16x2048xf32, #tpu.memory_space<vmem>> -> memref<16x2048xf32, #tpu.memory_space<vmem>>
    %dma_start3A_2400 = arith.constant 0 : i32
    %dma_start3A_2401 = tpu.memref_slice %arg3[%dma_start3A_2395, %add3A_2373, %dma_start3A_2400] : memref<4x8192x2048xf32, #tpu.memory_space<hbm>> -> memref<1x16x2048xf32, #tpu.memory_space<hbm>>
    %dma_start3A_2402 = tpu.memref_squeeze %dma_start3A_2401 : memref<1x16x2048xf32, #tpu.memory_space<hbm>> -> memref<16x2048xf32, #tpu.memory_space<hbm>>
    %dma_start3A_2403 = arith.constant 0 : i32
    %dma_start3A_2404 = tpu.memref_slice %arg3[%dma_start3A_2395, %add3A_2373, %dma_start3A_2403] : memref<4x8192x2048xf32, #tpu.memory_space<hbm>> -> memref<1x16x2048xf32, #tpu.memory_space<hbm>>
    %dma_start3A_2405 = tpu.memref_squeeze %dma_start3A_2404 : memref<1x16x2048xf32, #tpu.memory_space<hbm>> -> memref<16x2048xf32, #tpu.memory_space<hbm>>
    %dma_start3A_2406 = arith.constant 0 : i32
    %dma_start3A_2407 = arith.constant 0 : i32
    %dma_start3A_2408 = tpu.memref_slice %arg4[%dma_start3A_2394, %dma_start3A_2406, %dma_start3A_2407] : memref<2x16x2048xf32, #tpu.memory_space<vmem>> -> memref<1x16x2048xf32, #tpu.memory_space<vmem>>
    %dma_start3A_2409 = tpu.memref_squeeze %dma_start3A_2408 : memref<1x16x2048xf32, #tpu.memory_space<vmem>> -> memref<16x2048xf32, #tpu.memory_space<vmem>>
    tpu.enqueue_dma source(%dma_start3A_2409 : memref<16x2048xf32, #tpu.memory_space<vmem>>) target(%dma_start3A_2405 : memref<16x2048xf32, #tpu.memory_space<hbm>>) target_semaphore(%arg7 : memref<!tpu.dma_semaphore, #tpu.memory_space<semaphore_mem>>)
    %dma_start3A_2410 = arith.constant 0 : i32
    %dma_start3A_2411 = arith.constant 2 : i32
    %dma_start3A_2412 = arith.constant 0 : i32
    %dma_start3A_2413 = arith.constant 0 : i32
    %dma_start3A_2414 = tpu.memref_slice %arg4[%dma_start3A_2410, %dma_start3A_2412, %dma_start3A_2413] : memref<2x16x2048xf32, #tpu.memory_space<vmem>> -> memref<1x16x2048xf32, #tpu.memory_space<vmem>>
    %dma_start3A_2415 = tpu.memref_squeeze %dma_start3A_2414 : memref<1x16x2048xf32, #tpu.memory_space<vmem>> -> memref<16x2048xf32, #tpu.memory_space<vmem>>
    %dma_start3A_2416 = arith.constant 0 : i32
    %dma_start3A_2417 = tpu.memref_slice %arg3[%dma_start3A_2411, %add3A_2375, %dma_start3A_2416] : memref<4x8192x2048xf32, #tpu.memory_space<hbm>> -> memref<1x16x2048xf32, #tpu.memory_space<hbm>>
    %dma_start3A_2418 = tpu.memref_squeeze %dma_start3A_2417 : memref<1x16x2048xf32, #tpu.memory_space<hbm>> -> memref<16x2048xf32, #tpu.memory_space<hbm>>
    %dma_start3A_2419 = arith.constant 0 : i32
    %dma_start3A_2420 = tpu.memref_slice %arg3[%dma_start3A_2411, %add3A_2375, %dma_start3A_2419] : memref<4x8192x2048xf32, #tpu.memory_space<hbm>> -> memref<1x16x2048xf32, #tpu.memory_space<hbm>>
    %dma_start3A_2421 = tpu.memref_squeeze %dma_start3A_2420 : memref<1x16x2048xf32, #tpu.memory_space<hbm>> -> memref<16x2048xf32, #tpu.memory_space<hbm>>
    %dma_start3A_2422 = arith.constant 0 : i32
    %dma_start3A_2423 = arith.constant 0 : i32
    %dma_start3A_2424 = tpu.memref_slice %arg4[%dma_start3A_2410, %dma_start3A_2422, %dma_start3A_2423] : memref<2x16x2048xf32, #tpu.memory_space<vmem>> -> memref<1x16x2048xf32, #tpu.memory_space<vmem>>
    %dma_start3A_2425 = tpu.memref_squeeze %dma_start3A_2424 : memref<1x16x2048xf32, #tpu.memory_space<vmem>> -> memref<16x2048xf32, #tpu.memory_space<vmem>>
    tpu.enqueue_dma source(%dma_start3A_2425 : memref<16x2048xf32, #tpu.memory_space<vmem>>) target(%dma_start3A_2421 : memref<16x2048xf32, #tpu.memory_space<hbm>>) target_semaphore(%arg7 : memref<!tpu.dma_semaphore, #tpu.memory_space<semaphore_mem>>)
    %dma_start3A_2426 = arith.constant 0 : i32
    %dma_start3A_2427 = arith.constant 3 : i32
    %dma_start3A_2428 = arith.constant 0 : i32
    %dma_start3A_2429 = arith.constant 0 : i32
    %dma_start3A_2430 = tpu.memref_slice %arg4[%dma_start3A_2426, %dma_start3A_2428, %dma_start3A_2429] : memref<2x16x2048xf32, #tpu.memory_space<vmem>> -> memref<1x16x2048xf32, #tpu.memory_space<vmem>>
    %dma_start3A_2431 = tpu.memref_squeeze %dma_start3A_2430 : memref<1x16x2048xf32, #tpu.memory_space<vmem>> -> memref<16x2048xf32, #tpu.memory_space<vmem>>
    %dma_start3A_2432 = arith.constant 0 : i32
    %dma_start3A_2433 = tpu.memref_slice %arg3[%dma_start3A_2427, %add3A_2377, %dma_start3A_2432] : memref<4x8192x2048xf32, #tpu.memory_space<hbm>> -> memref<1x16x2048xf32, #tpu.memory_space<hbm>>
    %dma_start3A_2434 = tpu.memref_squeeze %dma_start3A_2433 : memref<1x16x2048xf32, #tpu.memory_space<hbm>> -> memref<16x2048xf32, #tpu.memory_space<hbm>>
    %dma_start3A_2435 = arith.constant 0 : i32
    %dma_start3A_2436 = tpu.memref_slice %arg3[%dma_start3A_2427, %add3A_2377, %dma_start3A_2435] : memref<4x8192x2048xf32, #tpu.memory_space<hbm>> -> memref<1x16x2048xf32, #tpu.memory_space<hbm>>
    %dma_start3A_2437 = tpu.memref_squeeze %dma_start3A_2436 : memref<1x16x2048xf32, #tpu.memory_space<hbm>> -> memref<16x2048xf32, #tpu.memory_space<hbm>>
    %dma_start3A_2438 = arith.constant 0 : i32
    %dma_start3A_2439 = arith.constant 0 : i32
    %dma_start3A_2440 = tpu.memref_slice %arg4[%dma_start3A_2426, %dma_start3A_2438, %dma_start3A_2439] : memref<2x16x2048xf32, #tpu.memory_space<vmem>> -> memref<1x16x2048xf32, #tpu.memory_space<vmem>>
    %dma_start3A_2441 = tpu.memref_squeeze %dma_start3A_2440 : memref<1x16x2048xf32, #tpu.memory_space<vmem>> -> memref<16x2048xf32, #tpu.memory_space<vmem>>
    tpu.enqueue_dma source(%dma_start3A_2441 : memref<16x2048xf32, #tpu.memory_space<vmem>>) target(%dma_start3A_2437 : memref<16x2048xf32, #tpu.memory_space<hbm>>) target_semaphore(%arg7 : memref<!tpu.dma_semaphore, #tpu.memory_space<semaphore_mem>>)
    %add3A_2442 = arith.constant 240 : i32
    %add3A_2443 = arith.addi %mul3A_2, %add3A_2442 : i32
    %dma_wait3A_2444 = arith.constant 1 : i32
    %dma_wait3A_2445 = arith.constant 0 : i32
    %dma_wait3A_2446 = arith.constant 0 : i32
    %dma_wait3A_2447 = tpu.memref_slice %arg4[%dma_wait3A_2444, %dma_wait3A_2445, %dma_wait3A_2446] : memref<2x16x2048xf32, #tpu.memory_space<vmem>> -> memref<1x16x2048xf32, #tpu.memory_space<vmem>>
    %dma_wait3A_2448 = tpu.memref_squeeze %dma_wait3A_2447 : memref<1x16x2048xf32, #tpu.memory_space<vmem>> -> memref<16x2048xf32, #tpu.memory_space<vmem>>
    %dma_wait3A_2449 = arith.constant 0 : i32
    %dma_wait3A_2450 = tpu.memref_slice %arg2[%add3A_2443, %dma_wait3A_2449] : memref<8192x2048xf32, #tpu.memory_space<hbm>> -> memref<16x2048xf32, #tpu.memory_space<hbm>>
    %dma_wait3A_2451 = arith.constant 0 : i32
    %dma_wait3A_2452 = arith.constant 0 : i32
    %dma_wait3A_2453 = tpu.memref_slice %arg4[%dma_wait3A_2444, %dma_wait3A_2451, %dma_wait3A_2452] : memref<2x16x2048xf32, #tpu.memory_space<vmem>> -> memref<1x16x2048xf32, #tpu.memory_space<vmem>>
    %dma_wait3A_2454 = tpu.memref_squeeze %dma_wait3A_2453 : memref<1x16x2048xf32, #tpu.memory_space<vmem>> -> memref<16x2048xf32, #tpu.memory_space<vmem>>
    %dma_wait3A_2455 = arith.constant 0 : i32
    %dma_wait3A_2456 = tpu.memref_slice %arg2[%add3A_2443, %dma_wait3A_2455] : memref<8192x2048xf32, #tpu.memory_space<hbm>> -> memref<16x2048xf32, #tpu.memory_space<hbm>>
    tpu.wait_dma2 semaphore(%arg6 : memref<!tpu.dma_semaphore, #tpu.memory_space<semaphore_mem>>) src(%dma_wait3A_2456 : memref<16x2048xf32, #tpu.memory_space<hbm>>) dst(%dma_wait3A_2454 : memref<16x2048xf32, #tpu.memory_space<vmem>>)
    %add3A_2457 = arith.constant 240 : i32
    %add3A_2458 = arith.addi %mul3A_2, %add3A_2457 : i32
    %add3A_2459 = arith.constant 240 : i32
    %add3A_2460 = arith.addi %mul3A_2, %add3A_2459 : i32
    %add3A_2461 = arith.constant 240 : i32
    %add3A_2462 = arith.addi %mul3A_2, %add3A_2461 : i32
    %add3A_2463 = arith.constant 240 : i32
    %add3A_2464 = arith.addi %mul3A_2, %add3A_2463 : i32
    %dma_start3A_2465 = arith.constant 1 : i32
    %dma_start3A_2466 = arith.constant 0 : i32
    %dma_start3A_2467 = arith.constant 0 : i32
    %dma_start3A_2468 = arith.constant 0 : i32
    %dma_start3A_2469 = tpu.memref_slice %arg4[%dma_start3A_2465, %dma_start3A_2467, %dma_start3A_2468] : memref<2x16x2048xf32, #tpu.memory_space<vmem>> -> memref<1x16x2048xf32, #tpu.memory_space<vmem>>
    %dma_start3A_2470 = tpu.memref_squeeze %dma_start3A_2469 : memref<1x16x2048xf32, #tpu.memory_space<vmem>> -> memref<16x2048xf32, #tpu.memory_space<vmem>>
    %dma_start3A_2471 = arith.constant 0 : i32
    %dma_start3A_2472 = tpu.memref_slice %arg3[%dma_start3A_2466, %add3A_2458, %dma_start3A_2471] : memref<4x8192x2048xf32, #tpu.memory_space<hbm>> -> memref<1x16x2048xf32, #tpu.memory_space<hbm>>
    %dma_start3A_2473 = tpu.memref_squeeze %dma_start3A_2472 : memref<1x16x2048xf32, #tpu.memory_space<hbm>> -> memref<16x2048xf32, #tpu.memory_space<hbm>>
    %dma_start3A_2474 = arith.constant 0 : i32
    %dma_start3A_2475 = tpu.memref_slice %arg3[%dma_start3A_2466, %add3A_2458, %dma_start3A_2474] : memref<4x8192x2048xf32, #tpu.memory_space<hbm>> -> memref<1x16x2048xf32, #tpu.memory_space<hbm>>
    %dma_start3A_2476 = tpu.memref_squeeze %dma_start3A_2475 : memref<1x16x2048xf32, #tpu.memory_space<hbm>> -> memref<16x2048xf32, #tpu.memory_space<hbm>>
    %dma_start3A_2477 = arith.constant 0 : i32
    %dma_start3A_2478 = arith.constant 0 : i32
    %dma_start3A_2479 = tpu.memref_slice %arg4[%dma_start3A_2465, %dma_start3A_2477, %dma_start3A_2478] : memref<2x16x2048xf32, #tpu.memory_space<vmem>> -> memref<1x16x2048xf32, #tpu.memory_space<vmem>>
    %dma_start3A_2480 = tpu.memref_squeeze %dma_start3A_2479 : memref<1x16x2048xf32, #tpu.memory_space<vmem>> -> memref<16x2048xf32, #tpu.memory_space<vmem>>
    tpu.enqueue_dma source(%dma_start3A_2480 : memref<16x2048xf32, #tpu.memory_space<vmem>>) target(%dma_start3A_2476 : memref<16x2048xf32, #tpu.memory_space<hbm>>) target_semaphore(%arg8 : memref<!tpu.dma_semaphore, #tpu.memory_space<semaphore_mem>>)
    %dma_start3A_2481 = arith.constant 1 : i32
    %dma_start3A_2482 = arith.constant 1 : i32
    %dma_start3A_2483 = arith.constant 0 : i32
    %dma_start3A_2484 = arith.constant 0 : i32
    %dma_start3A_2485 = tpu.memref_slice %arg4[%dma_start3A_2481, %dma_start3A_2483, %dma_start3A_2484] : memref<2x16x2048xf32, #tpu.memory_space<vmem>> -> memref<1x16x2048xf32, #tpu.memory_space<vmem>>
    %dma_start3A_2486 = tpu.memref_squeeze %dma_start3A_2485 : memref<1x16x2048xf32, #tpu.memory_space<vmem>> -> memref<16x2048xf32, #tpu.memory_space<vmem>>
    %dma_start3A_2487 = arith.constant 0 : i32
    %dma_start3A_2488 = tpu.memref_slice %arg3[%dma_start3A_2482, %add3A_2460, %dma_start3A_2487] : memref<4x8192x2048xf32, #tpu.memory_space<hbm>> -> memref<1x16x2048xf32, #tpu.memory_space<hbm>>
    %dma_start3A_2489 = tpu.memref_squeeze %dma_start3A_2488 : memref<1x16x2048xf32, #tpu.memory_space<hbm>> -> memref<16x2048xf32, #tpu.memory_space<hbm>>
    %dma_start3A_2490 = arith.constant 0 : i32
    %dma_start3A_2491 = tpu.memref_slice %arg3[%dma_start3A_2482, %add3A_2460, %dma_start3A_2490] : memref<4x8192x2048xf32, #tpu.memory_space<hbm>> -> memref<1x16x2048xf32, #tpu.memory_space<hbm>>
    %dma_start3A_2492 = tpu.memref_squeeze %dma_start3A_2491 : memref<1x16x2048xf32, #tpu.memory_space<hbm>> -> memref<16x2048xf32, #tpu.memory_space<hbm>>
    %dma_start3A_2493 = arith.constant 0 : i32
    %dma_start3A_2494 = arith.constant 0 : i32
    %dma_start3A_2495 = tpu.memref_slice %arg4[%dma_start3A_2481, %dma_start3A_2493, %dma_start3A_2494] : memref<2x16x2048xf32, #tpu.memory_space<vmem>> -> memref<1x16x2048xf32, #tpu.memory_space<vmem>>
    %dma_start3A_2496 = tpu.memref_squeeze %dma_start3A_2495 : memref<1x16x2048xf32, #tpu.memory_space<vmem>> -> memref<16x2048xf32, #tpu.memory_space<vmem>>
    tpu.enqueue_dma source(%dma_start3A_2496 : memref<16x2048xf32, #tpu.memory_space<vmem>>) target(%dma_start3A_2492 : memref<16x2048xf32, #tpu.memory_space<hbm>>) target_semaphore(%arg8 : memref<!tpu.dma_semaphore, #tpu.memory_space<semaphore_mem>>)
    %dma_start3A_2497 = arith.constant 1 : i32
    %dma_start3A_2498 = arith.constant 2 : i32
    %dma_start3A_2499 = arith.constant 0 : i32
    %dma_start3A_2500 = arith.constant 0 : i32
    %dma_start3A_2501 = tpu.memref_slice %arg4[%dma_start3A_2497, %dma_start3A_2499, %dma_start3A_2500] : memref<2x16x2048xf32, #tpu.memory_space<vmem>> -> memref<1x16x2048xf32, #tpu.memory_space<vmem>>
    %dma_start3A_2502 = tpu.memref_squeeze %dma_start3A_2501 : memref<1x16x2048xf32, #tpu.memory_space<vmem>> -> memref<16x2048xf32, #tpu.memory_space<vmem>>
    %dma_start3A_2503 = arith.constant 0 : i32
    %dma_start3A_2504 = tpu.memref_slice %arg3[%dma_start3A_2498, %add3A_2462, %dma_start3A_2503] : memref<4x8192x2048xf32, #tpu.memory_space<hbm>> -> memref<1x16x2048xf32, #tpu.memory_space<hbm>>
    %dma_start3A_2505 = tpu.memref_squeeze %dma_start3A_2504 : memref<1x16x2048xf32, #tpu.memory_space<hbm>> -> memref<16x2048xf32, #tpu.memory_space<hbm>>
    %dma_start3A_2506 = arith.constant 0 : i32
    %dma_start3A_2507 = tpu.memref_slice %arg3[%dma_start3A_2498, %add3A_2462, %dma_start3A_2506] : memref<4x8192x2048xf32, #tpu.memory_space<hbm>> -> memref<1x16x2048xf32, #tpu.memory_space<hbm>>
    %dma_start3A_2508 = tpu.memref_squeeze %dma_start3A_2507 : memref<1x16x2048xf32, #tpu.memory_space<hbm>> -> memref<16x2048xf32, #tpu.memory_space<hbm>>
    %dma_start3A_2509 = arith.constant 0 : i32
    %dma_start3A_2510 = arith.constant 0 : i32
    %dma_start3A_2511 = tpu.memref_slice %arg4[%dma_start3A_2497, %dma_start3A_2509, %dma_start3A_2510] : memref<2x16x2048xf32, #tpu.memory_space<vmem>> -> memref<1x16x2048xf32, #tpu.memory_space<vmem>>
    %dma_start3A_2512 = tpu.memref_squeeze %dma_start3A_2511 : memref<1x16x2048xf32, #tpu.memory_space<vmem>> -> memref<16x2048xf32, #tpu.memory_space<vmem>>
    tpu.enqueue_dma source(%dma_start3A_2512 : memref<16x2048xf32, #tpu.memory_space<vmem>>) target(%dma_start3A_2508 : memref<16x2048xf32, #tpu.memory_space<hbm>>) target_semaphore(%arg8 : memref<!tpu.dma_semaphore, #tpu.memory_space<semaphore_mem>>)
    %dma_start3A_2513 = arith.constant 1 : i32
    %dma_start3A_2514 = arith.constant 3 : i32
    %dma_start3A_2515 = arith.constant 0 : i32
    %dma_start3A_2516 = arith.constant 0 : i32
    %dma_start3A_2517 = tpu.memref_slice %arg4[%dma_start3A_2513, %dma_start3A_2515, %dma_start3A_2516] : memref<2x16x2048xf32, #tpu.memory_space<vmem>> -> memref<1x16x2048xf32, #tpu.memory_space<vmem>>
    %dma_start3A_2518 = tpu.memref_squeeze %dma_start3A_2517 : memref<1x16x2048xf32, #tpu.memory_space<vmem>> -> memref<16x2048xf32, #tpu.memory_space<vmem>>
    %dma_start3A_2519 = arith.constant 0 : i32
    %dma_start3A_2520 = tpu.memref_slice %arg3[%dma_start3A_2514, %add3A_2464, %dma_start3A_2519] : memref<4x8192x2048xf32, #tpu.memory_space<hbm>> -> memref<1x16x2048xf32, #tpu.memory_space<hbm>>
    %dma_start3A_2521 = tpu.memref_squeeze %dma_start3A_2520 : memref<1x16x2048xf32, #tpu.memory_space<hbm>> -> memref<16x2048xf32, #tpu.memory_space<hbm>>
    %dma_start3A_2522 = arith.constant 0 : i32
    %dma_start3A_2523 = tpu.memref_slice %arg3[%dma_start3A_2514, %add3A_2464, %dma_start3A_2522] : memref<4x8192x2048xf32, #tpu.memory_space<hbm>> -> memref<1x16x2048xf32, #tpu.memory_space<hbm>>
    %dma_start3A_2524 = tpu.memref_squeeze %dma_start3A_2523 : memref<1x16x2048xf32, #tpu.memory_space<hbm>> -> memref<16x2048xf32, #tpu.memory_space<hbm>>
    %dma_start3A_2525 = arith.constant 0 : i32
    %dma_start3A_2526 = arith.constant 0 : i32
    %dma_start3A_2527 = tpu.memref_slice %arg4[%dma_start3A_2513, %dma_start3A_2525, %dma_start3A_2526] : memref<2x16x2048xf32, #tpu.memory_space<vmem>> -> memref<1x16x2048xf32, #tpu.memory_space<vmem>>
    %dma_start3A_2528 = tpu.memref_squeeze %dma_start3A_2527 : memref<1x16x2048xf32, #tpu.memory_space<vmem>> -> memref<16x2048xf32, #tpu.memory_space<vmem>>
    tpu.enqueue_dma source(%dma_start3A_2528 : memref<16x2048xf32, #tpu.memory_space<vmem>>) target(%dma_start3A_2524 : memref<16x2048xf32, #tpu.memory_space<hbm>>) target_semaphore(%arg8 : memref<!tpu.dma_semaphore, #tpu.memory_space<semaphore_mem>>)
    %dma_wait3A_2529 = arith.constant 0 : i32
    %dma_wait3A_2530 = arith.constant 0 : i32
    %dma_wait3A_2531 = arith.constant 0 : i32
    %dma_wait3A_2532 = arith.constant 0 : i32
    %dma_wait3A_2533 = tpu.memref_slice %arg4[%dma_wait3A_2529, %dma_wait3A_2531, %dma_wait3A_2532] : memref<2x16x2048xf32, #tpu.memory_space<vmem>> -> memref<1x16x2048xf32, #tpu.memory_space<vmem>>
    %dma_wait3A_2534 = tpu.memref_squeeze %dma_wait3A_2533 : memref<1x16x2048xf32, #tpu.memory_space<vmem>> -> memref<16x2048xf32, #tpu.memory_space<vmem>>
    %dma_wait3A_2535 = arith.constant 0 : i32
    %dma_wait3A_2536 = tpu.memref_slice %arg3[%dma_wait3A_2530, %add3A_2371, %dma_wait3A_2535] : memref<4x8192x2048xf32, #tpu.memory_space<hbm>> -> memref<1x16x2048xf32, #tpu.memory_space<hbm>>
    %dma_wait3A_2537 = tpu.memref_squeeze %dma_wait3A_2536 : memref<1x16x2048xf32, #tpu.memory_space<hbm>> -> memref<16x2048xf32, #tpu.memory_space<hbm>>
    %dma_wait3A_2538 = arith.constant 0 : i32
    %dma_wait3A_2539 = tpu.memref_slice %arg3[%dma_wait3A_2530, %add3A_2371, %dma_wait3A_2538] : memref<4x8192x2048xf32, #tpu.memory_space<hbm>> -> memref<1x16x2048xf32, #tpu.memory_space<hbm>>
    %dma_wait3A_2540 = tpu.memref_squeeze %dma_wait3A_2539 : memref<1x16x2048xf32, #tpu.memory_space<hbm>> -> memref<16x2048xf32, #tpu.memory_space<hbm>>
    %dma_wait3A_2541 = arith.constant 0 : i32
    %dma_wait3A_2542 = arith.constant 0 : i32
    %dma_wait3A_2543 = tpu.memref_slice %arg4[%dma_wait3A_2529, %dma_wait3A_2541, %dma_wait3A_2542] : memref<2x16x2048xf32, #tpu.memory_space<vmem>> -> memref<1x16x2048xf32, #tpu.memory_space<vmem>>
    %dma_wait3A_2544 = tpu.memref_squeeze %dma_wait3A_2543 : memref<1x16x2048xf32, #tpu.memory_space<vmem>> -> memref<16x2048xf32, #tpu.memory_space<vmem>>
    tpu.wait_dma2 semaphore(%arg7 : memref<!tpu.dma_semaphore, #tpu.memory_space<semaphore_mem>>) src(%dma_wait3A_2544 : memref<16x2048xf32, #tpu.memory_space<vmem>>) dst(%dma_wait3A_2540 : memref<16x2048xf32, #tpu.memory_space<hbm>>)
    %dma_wait3A_2545 = arith.constant 0 : i32
    %dma_wait3A_2546 = arith.constant 1 : i32
    %dma_wait3A_2547 = arith.constant 0 : i32
    %dma_wait3A_2548 = arith.constant 0 : i32
    %dma_wait3A_2549 = tpu.memref_slice %arg4[%dma_wait3A_2545, %dma_wait3A_2547, %dma_wait3A_2548] : memref<2x16x2048xf32, #tpu.memory_space<vmem>> -> memref<1x16x2048xf32, #tpu.memory_space<vmem>>
    %dma_wait3A_2550 = tpu.memref_squeeze %dma_wait3A_2549 : memref<1x16x2048xf32, #tpu.memory_space<vmem>> -> memref<16x2048xf32, #tpu.memory_space<vmem>>
    %dma_wait3A_2551 = arith.constant 0 : i32
    %dma_wait3A_2552 = tpu.memref_slice %arg3[%dma_wait3A_2546, %add3A_2373, %dma_wait3A_2551] : memref<4x8192x2048xf32, #tpu.memory_space<hbm>> -> memref<1x16x2048xf32, #tpu.memory_space<hbm>>
    %dma_wait3A_2553 = tpu.memref_squeeze %dma_wait3A_2552 : memref<1x16x2048xf32, #tpu.memory_space<hbm>> -> memref<16x2048xf32, #tpu.memory_space<hbm>>
    %dma_wait3A_2554 = arith.constant 0 : i32
    %dma_wait3A_2555 = tpu.memref_slice %arg3[%dma_wait3A_2546, %add3A_2373, %dma_wait3A_2554] : memref<4x8192x2048xf32, #tpu.memory_space<hbm>> -> memref<1x16x2048xf32, #tpu.memory_space<hbm>>
    %dma_wait3A_2556 = tpu.memref_squeeze %dma_wait3A_2555 : memref<1x16x2048xf32, #tpu.memory_space<hbm>> -> memref<16x2048xf32, #tpu.memory_space<hbm>>
    %dma_wait3A_2557 = arith.constant 0 : i32
    %dma_wait3A_2558 = arith.constant 0 : i32
    %dma_wait3A_2559 = tpu.memref_slice %arg4[%dma_wait3A_2545, %dma_wait3A_2557, %dma_wait3A_2558] : memref<2x16x2048xf32, #tpu.memory_space<vmem>> -> memref<1x16x2048xf32, #tpu.memory_space<vmem>>
    %dma_wait3A_2560 = tpu.memref_squeeze %dma_wait3A_2559 : memref<1x16x2048xf32, #tpu.memory_space<vmem>> -> memref<16x2048xf32, #tpu.memory_space<vmem>>
    tpu.wait_dma2 semaphore(%arg7 : memref<!tpu.dma_semaphore, #tpu.memory_space<semaphore_mem>>) src(%dma_wait3A_2560 : memref<16x2048xf32, #tpu.memory_space<vmem>>) dst(%dma_wait3A_2556 : memref<16x2048xf32, #tpu.memory_space<hbm>>)
    %dma_wait3A_2561 = arith.constant 0 : i32
    %dma_wait3A_2562 = arith.constant 2 : i32
    %dma_wait3A_2563 = arith.constant 0 : i32
    %dma_wait3A_2564 = arith.constant 0 : i32
    %dma_wait3A_2565 = tpu.memref_slice %arg4[%dma_wait3A_2561, %dma_wait3A_2563, %dma_wait3A_2564] : memref<2x16x2048xf32, #tpu.memory_space<vmem>> -> memref<1x16x2048xf32, #tpu.memory_space<vmem>>
    %dma_wait3A_2566 = tpu.memref_squeeze %dma_wait3A_2565 : memref<1x16x2048xf32, #tpu.memory_space<vmem>> -> memref<16x2048xf32, #tpu.memory_space<vmem>>
    %dma_wait3A_2567 = arith.constant 0 : i32
    %dma_wait3A_2568 = tpu.memref_slice %arg3[%dma_wait3A_2562, %add3A_2375, %dma_wait3A_2567] : memref<4x8192x2048xf32, #tpu.memory_space<hbm>> -> memref<1x16x2048xf32, #tpu.memory_space<hbm>>
    %dma_wait3A_2569 = tpu.memref_squeeze %dma_wait3A_2568 : memref<1x16x2048xf32, #tpu.memory_space<hbm>> -> memref<16x2048xf32, #tpu.memory_space<hbm>>
    %dma_wait3A_2570 = arith.constant 0 : i32
    %dma_wait3A_2571 = tpu.memref_slice %arg3[%dma_wait3A_2562, %add3A_2375, %dma_wait3A_2570] : memref<4x8192x2048xf32, #tpu.memory_space<hbm>> -> memref<1x16x2048xf32, #tpu.memory_space<hbm>>
    %dma_wait3A_2572 = tpu.memref_squeeze %dma_wait3A_2571 : memref<1x16x2048xf32, #tpu.memory_space<hbm>> -> memref<16x2048xf32, #tpu.memory_space<hbm>>
    %dma_wait3A_2573 = arith.constant 0 : i32
    %dma_wait3A_2574 = arith.constant 0 : i32
    %dma_wait3A_2575 = tpu.memref_slice %arg4[%dma_wait3A_2561, %dma_wait3A_2573, %dma_wait3A_2574] : memref<2x16x2048xf32, #tpu.memory_space<vmem>> -> memref<1x16x2048xf32, #tpu.memory_space<vmem>>
    %dma_wait3A_2576 = tpu.memref_squeeze %dma_wait3A_2575 : memref<1x16x2048xf32, #tpu.memory_space<vmem>> -> memref<16x2048xf32, #tpu.memory_space<vmem>>
    tpu.wait_dma2 semaphore(%arg7 : memref<!tpu.dma_semaphore, #tpu.memory_space<semaphore_mem>>) src(%dma_wait3A_2576 : memref<16x2048xf32, #tpu.memory_space<vmem>>) dst(%dma_wait3A_2572 : memref<16x2048xf32, #tpu.memory_space<hbm>>)
    %dma_wait3A_2577 = arith.constant 0 : i32
    %dma_wait3A_2578 = arith.constant 3 : i32
    %dma_wait3A_2579 = arith.constant 0 : i32
    %dma_wait3A_2580 = arith.constant 0 : i32
    %dma_wait3A_2581 = tpu.memref_slice %arg4[%dma_wait3A_2577, %dma_wait3A_2579, %dma_wait3A_2580] : memref<2x16x2048xf32, #tpu.memory_space<vmem>> -> memref<1x16x2048xf32, #tpu.memory_space<vmem>>
    %dma_wait3A_2582 = tpu.memref_squeeze %dma_wait3A_2581 : memref<1x16x2048xf32, #tpu.memory_space<vmem>> -> memref<16x2048xf32, #tpu.memory_space<vmem>>
    %dma_wait3A_2583 = arith.constant 0 : i32
    %dma_wait3A_2584 = tpu.memref_slice %arg3[%dma_wait3A_2578, %add3A_2377, %dma_wait3A_2583] : memref<4x8192x2048xf32, #tpu.memory_space<hbm>> -> memref<1x16x2048xf32, #tpu.memory_space<hbm>>
    %dma_wait3A_2585 = tpu.memref_squeeze %dma_wait3A_2584 : memref<1x16x2048xf32, #tpu.memory_space<hbm>> -> memref<16x2048xf32, #tpu.memory_space<hbm>>
    %dma_wait3A_2586 = arith.constant 0 : i32
    %dma_wait3A_2587 = tpu.memref_slice %arg3[%dma_wait3A_2578, %add3A_2377, %dma_wait3A_2586] : memref<4x8192x2048xf32, #tpu.memory_space<hbm>> -> memref<1x16x2048xf32, #tpu.memory_space<hbm>>
    %dma_wait3A_2588 = tpu.memref_squeeze %dma_wait3A_2587 : memref<1x16x2048xf32, #tpu.memory_space<hbm>> -> memref<16x2048xf32, #tpu.memory_space<hbm>>
    %dma_wait3A_2589 = arith.constant 0 : i32
    %dma_wait3A_2590 = arith.constant 0 : i32
    %dma_wait3A_2591 = tpu.memref_slice %arg4[%dma_wait3A_2577, %dma_wait3A_2589, %dma_wait3A_2590] : memref<2x16x2048xf32, #tpu.memory_space<vmem>> -> memref<1x16x2048xf32, #tpu.memory_space<vmem>>
    %dma_wait3A_2592 = tpu.memref_squeeze %dma_wait3A_2591 : memref<1x16x2048xf32, #tpu.memory_space<vmem>> -> memref<16x2048xf32, #tpu.memory_space<vmem>>
    tpu.wait_dma2 semaphore(%arg7 : memref<!tpu.dma_semaphore, #tpu.memory_space<semaphore_mem>>) src(%dma_wait3A_2592 : memref<16x2048xf32, #tpu.memory_space<vmem>>) dst(%dma_wait3A_2588 : memref<16x2048xf32, #tpu.memory_space<hbm>>)
    %dma_wait3A_2593 = arith.constant 1 : i32
    %dma_wait3A_2594 = arith.constant 0 : i32
    %dma_wait3A_2595 = arith.constant 0 : i32
    %dma_wait3A_2596 = arith.constant 0 : i32
    %dma_wait3A_2597 = tpu.memref_slice %arg4[%dma_wait3A_2593, %dma_wait3A_2595, %dma_wait3A_2596] : memref<2x16x2048xf32, #tpu.memory_space<vmem>> -> memref<1x16x2048xf32, #tpu.memory_space<vmem>>
    %dma_wait3A_2598 = tpu.memref_squeeze %dma_wait3A_2597 : memref<1x16x2048xf32, #tpu.memory_space<vmem>> -> memref<16x2048xf32, #tpu.memory_space<vmem>>
    %dma_wait3A_2599 = arith.constant 0 : i32
    %dma_wait3A_2600 = tpu.memref_slice %arg3[%dma_wait3A_2594, %add3A_2458, %dma_wait3A_2599] : memref<4x8192x2048xf32, #tpu.memory_space<hbm>> -> memref<1x16x2048xf32, #tpu.memory_space<hbm>>
    %dma_wait3A_2601 = tpu.memref_squeeze %dma_wait3A_2600 : memref<1x16x2048xf32, #tpu.memory_space<hbm>> -> memref<16x2048xf32, #tpu.memory_space<hbm>>
    %dma_wait3A_2602 = arith.constant 0 : i32
    %dma_wait3A_2603 = tpu.memref_slice %arg3[%dma_wait3A_2594, %add3A_2458, %dma_wait3A_2602] : memref<4x8192x2048xf32, #tpu.memory_space<hbm>> -> memref<1x16x2048xf32, #tpu.memory_space<hbm>>
    %dma_wait3A_2604 = tpu.memref_squeeze %dma_wait3A_2603 : memref<1x16x2048xf32, #tpu.memory_space<hbm>> -> memref<16x2048xf32, #tpu.memory_space<hbm>>
    %dma_wait3A_2605 = arith.constant 0 : i32
    %dma_wait3A_2606 = arith.constant 0 : i32
    %dma_wait3A_2607 = tpu.memref_slice %arg4[%dma_wait3A_2593, %dma_wait3A_2605, %dma_wait3A_2606] : memref<2x16x2048xf32, #tpu.memory_space<vmem>> -> memref<1x16x2048xf32, #tpu.memory_space<vmem>>
    %dma_wait3A_2608 = tpu.memref_squeeze %dma_wait3A_2607 : memref<1x16x2048xf32, #tpu.memory_space<vmem>> -> memref<16x2048xf32, #tpu.memory_space<vmem>>
    tpu.wait_dma2 semaphore(%arg8 : memref<!tpu.dma_semaphore, #tpu.memory_space<semaphore_mem>>) src(%dma_wait3A_2608 : memref<16x2048xf32, #tpu.memory_space<vmem>>) dst(%dma_wait3A_2604 : memref<16x2048xf32, #tpu.memory_space<hbm>>)
    %dma_wait3A_2609 = arith.constant 1 : i32
    %dma_wait3A_2610 = arith.constant 1 : i32
    %dma_wait3A_2611 = arith.constant 0 : i32
    %dma_wait3A_2612 = arith.constant 0 : i32
    %dma_wait3A_2613 = tpu.memref_slice %arg4[%dma_wait3A_2609, %dma_wait3A_2611, %dma_wait3A_2612] : memref<2x16x2048xf32, #tpu.memory_space<vmem>> -> memref<1x16x2048xf32, #tpu.memory_space<vmem>>
    %dma_wait3A_2614 = tpu.memref_squeeze %dma_wait3A_2613 : memref<1x16x2048xf32, #tpu.memory_space<vmem>> -> memref<16x2048xf32, #tpu.memory_space<vmem>>
    %dma_wait3A_2615 = arith.constant 0 : i32
    %dma_wait3A_2616 = tpu.memref_slice %arg3[%dma_wait3A_2610, %add3A_2460, %dma_wait3A_2615] : memref<4x8192x2048xf32, #tpu.memory_space<hbm>> -> memref<1x16x2048xf32, #tpu.memory_space<hbm>>
    %dma_wait3A_2617 = tpu.memref_squeeze %dma_wait3A_2616 : memref<1x16x2048xf32, #tpu.memory_space<hbm>> -> memref<16x2048xf32, #tpu.memory_space<hbm>>
    %dma_wait3A_2618 = arith.constant 0 : i32
    %dma_wait3A_2619 = tpu.memref_slice %arg3[%dma_wait3A_2610, %add3A_2460, %dma_wait3A_2618] : memref<4x8192x2048xf32, #tpu.memory_space<hbm>> -> memref<1x16x2048xf32, #tpu.memory_space<hbm>>
    %dma_wait3A_2620 = tpu.memref_squeeze %dma_wait3A_2619 : memref<1x16x2048xf32, #tpu.memory_space<hbm>> -> memref<16x2048xf32, #tpu.memory_space<hbm>>
    %dma_wait3A_2621 = arith.constant 0 : i32
    %dma_wait3A_2622 = arith.constant 0 : i32
    %dma_wait3A_2623 = tpu.memref_slice %arg4[%dma_wait3A_2609, %dma_wait3A_2621, %dma_wait3A_2622] : memref<2x16x2048xf32, #tpu.memory_space<vmem>> -> memref<1x16x2048xf32, #tpu.memory_space<vmem>>
    %dma_wait3A_2624 = tpu.memref_squeeze %dma_wait3A_2623 : memref<1x16x2048xf32, #tpu.memory_space<vmem>> -> memref<16x2048xf32, #tpu.memory_space<vmem>>
    tpu.wait_dma2 semaphore(%arg8 : memref<!tpu.dma_semaphore, #tpu.memory_space<semaphore_mem>>) src(%dma_wait3A_2624 : memref<16x2048xf32, #tpu.memory_space<vmem>>) dst(%dma_wait3A_2620 : memref<16x2048xf32, #tpu.memory_space<hbm>>)
    %dma_wait3A_2625 = arith.constant 1 : i32
    %dma_wait3A_2626 = arith.constant 2 : i32
    %dma_wait3A_2627 = arith.constant 0 : i32
    %dma_wait3A_2628 = arith.constant 0 : i32
    %dma_wait3A_2629 = tpu.memref_slice %arg4[%dma_wait3A_2625, %dma_wait3A_2627, %dma_wait3A_2628] : memref<2x16x2048xf32, #tpu.memory_space<vmem>> -> memref<1x16x2048xf32, #tpu.memory_space<vmem>>
    %dma_wait3A_2630 = tpu.memref_squeeze %dma_wait3A_2629 : memref<1x16x2048xf32, #tpu.memory_space<vmem>> -> memref<16x2048xf32, #tpu.memory_space<vmem>>
    %dma_wait3A_2631 = arith.constant 0 : i32
    %dma_wait3A_2632 = tpu.memref_slice %arg3[%dma_wait3A_2626, %add3A_2462, %dma_wait3A_2631] : memref<4x8192x2048xf32, #tpu.memory_space<hbm>> -> memref<1x16x2048xf32, #tpu.memory_space<hbm>>
    %dma_wait3A_2633 = tpu.memref_squeeze %dma_wait3A_2632 : memref<1x16x2048xf32, #tpu.memory_space<hbm>> -> memref<16x2048xf32, #tpu.memory_space<hbm>>
    %dma_wait3A_2634 = arith.constant 0 : i32
    %dma_wait3A_2635 = tpu.memref_slice %arg3[%dma_wait3A_2626, %add3A_2462, %dma_wait3A_2634] : memref<4x8192x2048xf32, #tpu.memory_space<hbm>> -> memref<1x16x2048xf32, #tpu.memory_space<hbm>>
    %dma_wait3A_2636 = tpu.memref_squeeze %dma_wait3A_2635 : memref<1x16x2048xf32, #tpu.memory_space<hbm>> -> memref<16x2048xf32, #tpu.memory_space<hbm>>
    %dma_wait3A_2637 = arith.constant 0 : i32
    %dma_wait3A_2638 = arith.constant 0 : i32
    %dma_wait3A_2639 = tpu.memref_slice %arg4[%dma_wait3A_2625, %dma_wait3A_2637, %dma_wait3A_2638] : memref<2x16x2048xf32, #tpu.memory_space<vmem>> -> memref<1x16x2048xf32, #tpu.memory_space<vmem>>
    %dma_wait3A_2640 = tpu.memref_squeeze %dma_wait3A_2639 : memref<1x16x2048xf32, #tpu.memory_space<vmem>> -> memref<16x2048xf32, #tpu.memory_space<vmem>>
    tpu.wait_dma2 semaphore(%arg8 : memref<!tpu.dma_semaphore, #tpu.memory_space<semaphore_mem>>) src(%dma_wait3A_2640 : memref<16x2048xf32, #tpu.memory_space<vmem>>) dst(%dma_wait3A_2636 : memref<16x2048xf32, #tpu.memory_space<hbm>>)
    %dma_wait3A_2641 = arith.constant 1 : i32
    %dma_wait3A_2642 = arith.constant 3 : i32
    %dma_wait3A_2643 = arith.constant 0 : i32
    %dma_wait3A_2644 = arith.constant 0 : i32
    %dma_wait3A_2645 = tpu.memref_slice %arg4[%dma_wait3A_2641, %dma_wait3A_2643, %dma_wait3A_2644] : memref<2x16x2048xf32, #tpu.memory_space<vmem>> -> memref<1x16x2048xf32, #tpu.memory_space<vmem>>
    %dma_wait3A_2646 = tpu.memref_squeeze %dma_wait3A_2645 : memref<1x16x2048xf32, #tpu.memory_space<vmem>> -> memref<16x2048xf32, #tpu.memory_space<vmem>>
    %dma_wait3A_2647 = arith.constant 0 : i32
    %dma_wait3A_2648 = tpu.memref_slice %arg3[%dma_wait3A_2642, %add3A_2464, %dma_wait3A_2647] : memref<4x8192x2048xf32, #tpu.memory_space<hbm>> -> memref<1x16x2048xf32, #tpu.memory_space<hbm>>
    %dma_wait3A_2649 = tpu.memref_squeeze %dma_wait3A_2648 : memref<1x16x2048xf32, #tpu.memory_space<hbm>> -> memref<16x2048xf32, #tpu.memory_space<hbm>>
    %dma_wait3A_2650 = arith.constant 0 : i32
    %dma_wait3A_2651 = tpu.memref_slice %arg3[%dma_wait3A_2642, %add3A_2464, %dma_wait3A_2650] : memref<4x8192x2048xf32, #tpu.memory_space<hbm>> -> memref<1x16x2048xf32, #tpu.memory_space<hbm>>
    %dma_wait3A_2652 = tpu.memref_squeeze %dma_wait3A_2651 : memref<1x16x2048xf32, #tpu.memory_space<hbm>> -> memref<16x2048xf32, #tpu.memory_space<hbm>>
    %dma_wait3A_2653 = arith.constant 0 : i32
    %dma_wait3A_2654 = arith.constant 0 : i32
    %dma_wait3A_2655 = tpu.memref_slice %arg4[%dma_wait3A_2641, %dma_wait3A_2653, %dma_wait3A_2654] : memref<2x16x2048xf32, #tpu.memory_space<vmem>> -> memref<1x16x2048xf32, #tpu.memory_space<vmem>>
    %dma_wait3A_2656 = tpu.memref_squeeze %dma_wait3A_2655 : memref<1x16x2048xf32, #tpu.memory_space<vmem>> -> memref<16x2048xf32, #tpu.memory_space<vmem>>
    tpu.wait_dma2 semaphore(%arg8 : memref<!tpu.dma_semaphore, #tpu.memory_space<semaphore_mem>>) src(%dma_wait3A_2656 : memref<16x2048xf32, #tpu.memory_space<vmem>>) dst(%dma_wait3A_2652 : memref<16x2048xf32, #tpu.memory_space<hbm>>)
    return
  }
}

</mosaic_0001>

<sc_bundles>
// kernel: kernel.3.cloned.1.call-start
scs
__scs_entry_jumppad:
0x0: {  	(pc) =	sbr.rel $0x88, $3  }
0x1: {  	(tag) =	ssettag $0x0;
	lr =	simm.s32 $0x1  }
0x2: {  	[smem:$0x3FA0] =	sst lr;
	_ =	strace $0xD0000000  }
0x3: {  	_ = 	snop  }
0x4: {  	_ = 	snop  }
0x5: {  	_ = 	snop  }
0x6: {  	_ = 	snop  }
0x7: {  	_ = 	snop  }
__scs_overlays_trampoline_lowered:
0x8: {  	[smem:$0x3FAF] =	sst s0  }
0x9: {  	[smem:$0x3FB0] =	sst s1  }
0xa: {  	[smem:$0x3FB1] =	sst s2  }
0xb: {  	[smem:$0x3FB2] =	sst s3  }
0xc: {  	[smem:$0x3FB3] =	sst s4  }
0xd: {  	[smem:$0x3FB4] =	sst s5  }
0xe: {  	[smem:$0x3FB5] =	sst s6  }
0xf: {  	[smem:$0x3FB6] =	sst s7  }
0x10: {  	[smem:$0x3FB7] =	sst s8  }
0x11: {  	[smem:$0x3FB8] =	sst s9;
	s0 =	simm.s32 @!p0 $0x0  }
0x12: {  	s1 =	sld [smem:$0x3F9E];
	s0 =	simm.s32 @p0 $0x1  }
0x13: {  	[smem:$0x3FB9] =	sst s0;
	s0 =	simm.s32 @!p1 $0x0  }
0x14: {  	s2 =	sld [smem:$0x3F9D];
	s0 =	simm.s32 @p1 $0x1  }
0x15: {  	[smem:$0x3FBA] =	sst s0;
	s0 =	simm.s32 @!p2 $0x0  }
0x16: {  	s3 =	sld [smem:$0x3FDB];
	s0 =	simm.s32 @p2 $0x1  }
0x17: {  	s4 =	simm.s32 $0x1BF5;
	[smem:$0x3FBC] =	sst s0  }
0x18: {  	s0 =	sld [smem:$0x3F9F];
	_ =	swait.ge [sflag:s4], $0x0  }
0x19: {  	s7 =	sld [smem:$0x3FA0]  }
0x1a: {  	s8 =	sadd.s32 $0xFFFFE003, lr  }
0x1b: {  	s9 =	sadd.s32 $0xFFFFFEF7, lr;
	s5 =	simm.s32 $0xFFFFFFFF;
	p2 =	slt.u32 s8, $0xFFFFF086  }
0x1c: {  	p1 =	slt.u32 s9, $0xF7A;
	s5 =	simm.s32 @!p2 $0x0  }
0x1d: {  	s5 =	simm.s32 @p1 $0x1;
	p0 =	seq.s32 s7, s2  }
0x1e: {  	s7 =	smul.u32 @!p0 $0xF7A, s2;
	p2 =	seq.s32 @!p0 s5, $0x0  }
0x1f: {  	s9 =	smul.u32 $0xF7A, s1;
	s8 =	simm.s32 @!p0 $0x1BF5;
	p2 =	por !p2, p0  }
0x20: {  	[sflag:s8] =	ssyncset.s32 @!p0 $0xFFFFF086;
	s6 =	sadd.s32 @!p0 s3, s7;
	s7 =	simm.s32 @!p0 $0x108  }
0x21: {  	s3 =	sadd.s32 s3, s9;
	s6 =	sadd.s32 @!p0 $0x88, s6;
	s7 =	simm.s32 @p2 $0x1082  }
0x22: {  	[simem:s7], [sflag:s8] =	dma.local @!p0 [hbm:s6], $0xF7A  }
0x23: {  	s9 =	sor.u32 $0xD0000000, s2;
	s6 =	simm.s32 $0x108;
	_ =	swait.ge @!p0 [sflag:s8], $0x0  }
0x24: {  	s3 =	sadd.s32 $0x88, s3;
	s6 =	simm.s32 @!p1 $0x1082;
	[sflag:s4] =	ssyncset.s32 $0xFFFFF086  }
0x25: {  	[simem:s6], [sflag:s4] =	dma.local [hbm:s3], $0xF7A  }
0x26: {  	[smem:$0x3FA0] =	sst s1;
	(tag) =	ssettag s2;
	_ =	strace s9  }
0x27: {  	s1 =	sld [smem:$0x3FB0]  }
0x28: {  	s2 =	sld [smem:$0x3FB1]  }
0x29: {  	s4 =	sld [smem:$0x3FB3]  }
0x2a: {  	p0 =	seq.s32 s5, $0x0;
	s5 =	sld [smem:$0x3FB4]  }
0x2b: {  	s6 =	sld [smem:$0x3FB5]  }
0x2c: {  	s7 =	sld [smem:$0x3FB6]  }
0x2d: {  	s3 =	simm.s32 $0x108;
	s8 =	sld [smem:$0x3FB7]  }
0x2e: {  	s3 =	simm.s32 @!p0 $0x1082;
	s9 =	sld [smem:$0x3FB8]  }
0x2f: {  	lr =	sadd.s32 s0, s3;
	s0 =	sld [smem:$0x3FAF]  }
0x30: {  	s3 =	sld [smem:$0x3FB2]  }
0x31: {  	[smem:$0x3FBB] =	sst s10  }
0x32: {  	s10 =	sld [smem:$0x3FB9];
	_ =	sdelay $0x3  }
0x33: {  	p0 =	seq.s32 s10, $0x1;
	s10 =	sld [smem:$0x3FBB];
	_ =	sdelay $0x3  }
0x34: {  	[smem:$0x3FBB] =	sst s10  }
0x35: {  	s10 =	sld [smem:$0x3FBA];
	_ =	sdelay $0x3  }
0x36: {  	p1 =	seq.s32 s10, $0x1;
	s10 =	sld [smem:$0x3FBB];
	_ =	sdelay $0x3  }
0x37: {  	[smem:$0x3FBB] =	sst s10  }
0x38: {  	s10 =	sld [smem:$0x3FBC]  }
0x39: {  	_ = 	snop;
	(pc) =	sbr.ind lr, $3  }
0x3a: {  	_ = 	snop  }
0x3b: {  	_ = 	snop  }
0x3c: {  	p2 =	seq.s32 s10, $0x1;
	s10 =	sld [smem:$0x3FBB]  }
0x3d: {  	_ =	shalt  }
0x3e: {  	_ =	shalt  }
0x3f: {  	_ =	shalt  }
0x40: {  	_ =	shalt  }
0x41: {  	_ =	shalt  }
0x42: {  	_ =	shalt  }
0x43: {  	_ =	shalt  }
0x44: {  	_ =	shalt  }
0x45: {  	_ =	shalt  }
0x46: {  	_ =	shalt  }
0x47: {  	_ =	shalt  }
0x48: {  	_ =	shalt  }
0x49: {  	_ =	shalt  }
0x4a: {  	_ =	shalt  }
0x4b: {  	_ =	shalt  }
0x4c: {  	_ =	shalt  }
0x4d: {  	_ =	shalt  }
0x4e: {  	_ =	shalt  }
0x4f: {  	_ =	shalt  }
0x50: {  	_ =	shalt  }
0x51: {  	_ =	shalt  }
0x52: {  	_ =	shalt  }
0x53: {  	_ =	shalt  }
0x54: {  	_ =	shalt  }
0x55: {  	_ =	shalt  }
0x56: {  	_ =	shalt  }
0x57: {  	_ =	shalt  }
0x58: {  	_ =	shalt  }
0x59: {  	_ =	shalt  }
0x5a: {  	_ =	shalt  }
0x5b: {  	_ =	shalt  }
0x5c: {  	_ =	shalt  }
0x5d: {  	_ =	shalt  }
0x5e: {  	_ =	shalt  }
0x5f: {  	_ =	shalt  }
0x60: {  	_ =	shalt  }
0x61: {  	_ =	shalt  }
0x62: {  	_ =	shalt  }
0x63: {  	_ =	shalt  }
0x64: {  	_ =	shalt  }
0x65: {  	_ =	shalt  }
0x66: {  	_ =	shalt  }
0x67: {  	_ =	shalt  }
0x68: {  	_ =	shalt  }
0x69: {  	_ =	shalt  }
0x6a: {  	_ =	shalt  }
0x6b: {  	_ =	shalt  }
0x6c: {  	_ =	shalt  }
0x6d: {  	_ =	shalt  }
0x6e: {  	_ =	shalt  }
0x6f: {  	_ =	shalt  }
0x70: {  	_ =	shalt  }
0x71: {  	_ =	shalt  }
0x72: {  	_ =	shalt  }
0x73: {  	_ =	shalt  }
0x74: {  	_ =	shalt  }
0x75: {  	_ =	shalt  }
0x76: {  	_ =	shalt  }
0x77: {  	_ =	shalt  }
0x78: {  	_ =	shalt  }
0x79: {  	_ =	shalt  }
0x7a: {  	_ =	shalt  }
0x7b: {  	_ =	shalt  }
0x7c: {  	_ =	shalt  }
0x7d: {  	_ =	shalt  }
0x7e: {  	_ =	shalt  }
0x7f: {  	_ =	shalt  }
0x80: {  	_ =	shalt  }
0x81: {  	_ =	shalt  }
0x82: {  	_ =	shalt  }
0x83: {  	_ =	shalt  }
0x84: {  	_ =	shalt  }
0x85: {  	_ =	shalt  }
0x86: {  	_ =	shalt  }
0x87: {  	_ =	shalt  }
.Lfunc_end0:
.L_simem_size_0:
called_computation_lowered:
.L_overlay_start_0:
0x88: {  	s2 =	sld [smem:$0x3FD9]  }
0x89: {  	s3 =	sld [smem:$0x3FFE];
	_ =	sdelay $0x1  }
0x8a: {  	s1 =	srdreg.scid  }
0x8b: {  	s0 =	sand.u32 $0x1, s1  }
0x8c: {  	s18 =	sshll.u32 s0, $0xA;
	s2 =	sadd.s32 s3, s2  }
0x8d: {  	s2 =	sadd.s32 s2, s18  }
0x8e: {  	[smem:$0x3FC7] =	sst s2  }
0x8f: {  	_ = 	snop  }
0x90: {  	s2 =	sld [smem:$0x3FC9]  }
0x91: {  	s19 =	sld [smem:$0x3FD0];
	(tm) =	ssettm $0x1  }
0x92: {  	s4 =	sld [smem:$0x3FFB];
	_ =	sdelay $0x3  }
0x93: {  	_ =	strace s4  }
0x94: {  	s4 =	sld [smem:$0x3FFC];
	_ =	sdelay $0x3  }
0x95: {  	_ =	strace s4  }
0x96: {  	s4 =	sld [smem:$0x3FFD];
	_ =	sdelay $0x3  }
0x97: {  	_ =	strace s4  }
0x98: {  	_ =	strace $0x8FFFFFFF  }
0x99: {  	s20 =	sld [smem:$0x3FDB];
	_ =	sdelay $0x1  }
0x9a: {  	s5 =	simm.s32 $_scs_section_size  }
0x9b: {  	s6 =	simm.s32 $_size__tile_overlayer_lowered;
	s7 =	simm.s32 $_tile_overlayer_lowered  }
0x9c: {  	s23 =	simm.s32 $0x1BFF;
	s22 =	sshll.u32 s7, $0x1;
	s4 =	sadd.s32 s5, s20  }
0x9d: {  	s8 =	simm.s32 $0x0;
	s21 =	sshll.u32 s6, $0x1;
	s6 =	sadd.s32 s22, s4  }
0x9e: {  	[timem:s8], [sflag:s23] =	dma.local [hbm:s6], s21  }
0x9f: {  	_ =	swait.ge [sflag:s23], s21  }
0xa0: {  	s5 =	ssub.s32 $0x0, s21;
	[sflag:s23] =	ssyncset.done $0x0  }
0xa1: {  	[sflag:s23] =	ssyncadd.s32 s5;
	_ =	sdelay $0x1  }
0xa2: {  	s24 =	simm.s32 $0x1B8B  }
0xa3: {  	_ =	swait.ge [sflag:s24], $0x1  }
0xa4: {  	[sflag:s24] =	ssyncset.done $0x0  }
0xa5: {  	s25 =	simm.s32 $0x1B8E;
	[sflag:s24] =	ssyncadd.s32 $0xFFFFFFFF  }
0xa6: {  	s26 =	simm.s32 $execute0_lowered;
	[smem:$0x3FD2] =	sst s25  }
0xa7: {  	s5 =	sshll.u32 s26, $0x1;
	_ =	strace $0x80000046;
	[dreg:$0x1] =	wrdreg $0xFFFFFFFF  }
0xa8: {  	s28 =	simm.s32 $_size_execute0_lowered;
	s4 =	sadd.s32 s4, s5;
	[dreg:$0x0] =	wrdreg $0x0  }
0xa9: {  	s5 =	sshll.u32 s28, $0x1;
	[dreg:$0x2] =	wrdreg s4  }
0xaa: {  	[dreg:$0x3] =	wrdreg s5  }
0xab: {  	[dreg:$0x4] =	wrdreg $0xC0  }
0xac: {  	_ =	task [dreg:s8], $0x5FFFF  }
0xad: {  	[dreg:$0x1] =	wrdreg $0xFFFFFFFF  }
0xae: {  	[dreg:$0x0] =	wrdreg $0x60  }
0xaf: {  	[dreg:$0x2] =	wrdreg s2  }
0xb0: {  	[dreg:$0x3] =	wrdreg s19  }
0xb1: {  	[dreg:$0x4] =	wrdreg $0x9  }
0xb2: {  	_ =	task.clear_ibuf [dreg:s8], $0x5FFFF;
	_ =	strace $0x90000046  }
0xb3: {  	s29 =	simm.s32 $0x9;
	_ =	strace $0x80000048  }
0xb4: {  	_ =	swait.ge [sflag:s29], $0x1  }
0xb5: {  	[sflag:s29] =	ssyncadd.s32 $0xFFFFFFFF  }
0xb6: {  	_ =	strace $0x90000048  }
0xb7: {  	_ =	sfence  }
0xb8: {  	s30 =	sld [smem:$0x0];
	_ =	sdelay $0x2  }
0xb9: {  	s31 =	sshll.u32 s1, $0xD;
	s1 =	sshrl.u32 s1, $0x2  }
0xba: {  	s3 =	sand.u32 $0x4000, s31;
	s1 =	sadd.s32 s1, s30  }
0xbb: {  	s0 =	sor.u32 s3, s0;
	s1 =	sshll.u32 s1, $0x11  }
0xbc: {  	s0 =	sor.u32 s1, s0  }
0xbd: {  	s0 =	sadd.s32 $0x8F2B, s0  }
0xbe: {  	[sflag:s0] =	ssyncadd.remote.s32 $0x1  }
0xbf: {  	_ =	sfence.sel $0xFFFF  }
0xc0: {  	[dreg:$0x0] =	wrdreg $0xFFFFFFFF;
	(pc) =	sbr.abs _section_cstart, $3  }
0xc1: {  	[dreg:$0x1] =	wrdreg $0xFFFFFFFF  }
0xc2: {  	_ =	task.clear_ibuf [dreg:s8], $0x2FFFF;
	_ =	strace $0x9FFFFFFF  }
0xc3: {  	(tm) =	ssettm $0x7FFFFFFF  }
tec
execute0_lowered:
.L_overlay_start_1:
0x0: {  	(tag) =	ssettag $0x1  }
0x1: {  	s3 =	rddreg [dreg:$0x0];
	s1 =	srdreg.scid  }
0x2: {  	s0 =	rddreg [dreg:$0x1];
	s4 =	stileid.u32;
	s5 =	sand.u32 $0x1, s1  }
0x3: {  	s2 =	simm.s32 $0x0;
	s19 =	sshll.u32 s4, $0x11;
	s20 =	sshll.u32 s5, $0x10  }
0x4: {  	[smem:$0x7FF] =	sst s2;
	s4 =	sor.u32 s20, s19  }
0x5: {  	_ =	strace $0x80000047;
	s1 =	sadd.s32 s3, s4;
	s6 =	sor.u32 $0x1000, s4  }
0x6: {  	s31 =	sadd.s32 s0, s4;
	[dreg:$0x3] =	wrdreg s1;
	s21 =	sadd.s32 s3, s6  }
0x7: {  	s22 =	sadd.s32 $0x200000, s31;
	[dreg:$0x4] =	wrdreg s21  }
0x8: {  	s23 =	sadd.s32 $0x400000, s31;
	[dreg:$0x5] =	wrdreg s22  }
0x9: {  	s7 =	sor.u32 $0x2000, s4;
	s24 =	sadd.s32 $0x600000, s31;
	[dreg:$0x6] =	wrdreg s23  }
0xa: {  	s25 =	sadd.s32 s3, s7;
	[dreg:$0x7] =	wrdreg s24  }
0xb: {  	s26 =	sadd.s32 s0, s6;
	[dreg:$0x8] =	wrdreg s25  }
0xc: {  	s6 =	sadd.s32 $0x201000, s31;
	[dreg:$0x9] =	wrdreg s26  }
0xd: {  	s8 =	sadd.s32 $0x401000, s31;
	[dreg:$0xa] =	wrdreg s6  }
0xe: {  	s10 =	sor.u32 $0x3000, s4;
	s9 =	sadd.s32 $0x601000, s31;
	[dreg:$0xb] =	wrdreg s8  }
0xf: {  	s11 =	sadd.s32 s3, s10;
	[dreg:$0xc] =	wrdreg s9  }
0x10: {  	s12 =	sadd.s32 s0, s7;
	[dreg:$0xd] =	wrdreg s11  }
0x11: {  	s13 =	sadd.s32 $0x202000, s31;
	[dreg:$0xe] =	wrdreg s12  }
0x12: {  	s14 =	sadd.s32 $0x402000, s31;
	[dreg:$0xf] =	wrdreg s13  }
0x13: {  	s16 =	sor.u32 $0x4000, s4;
	s15 =	sadd.s32 $0x602000, s31;
	[dreg:$0x10] =	wrdreg s14  }
0x14: {  	s17 =	sadd.s32 s3, s16;
	[dreg:$0x11] =	wrdreg s15  }
0x15: {  	s18 =	sadd.s32 s0, s10;
	[dreg:$0x12] =	wrdreg s17  }
0x16: {  	s19 =	sadd.s32 $0x203000, s31;
	[dreg:$0x13] =	wrdreg s18  }
0x17: {  	s20 =	sadd.s32 $0x403000, s31;
	[dreg:$0x14] =	wrdreg s19  }
0x18: {  	s7 =	sadd.s32 $0x604000, s31;
	[dreg:$0x15] =	wrdreg s20  }
0x19: {  	[dreg:$0x1b] =	wrdreg s7  }
0x1a: {  	s21 =	sadd.s32 $0x603000, s31;
	s1 =	rddreg [dreg:$0x3]  }
0x1b: {  	s24 =	sadd.s32 s0, s16;
	[dreg:$0x16] =	wrdreg s21  }
0x1c: {  	s25 =	sadd.s32 $0x204000, s31;
	[dreg:$0x18] =	wrdreg s24  }
0x1d: {  	s26 =	sadd.s32 $0x404000, s31;
	[dreg:$0x19] =	wrdreg s25  }
0x1e: {  	s11 =	sadd.s32 $0x205000, s31;
	[dreg:$0x1a] =	wrdreg s26  }
0x1f: {  	s12 =	sadd.s32 $0x405000, s31;
	[dreg:$0x1e] =	wrdreg s11  }
0x20: {  	s13 =	sadd.s32 $0x605000, s31;
	[dreg:$0x1f] =	wrdreg s12  }
0x21: {  	s17 =	sadd.s32 $0x206000, s31;
	[smem:$0x7E2] =	sst s13  }
0x22: {  	s18 =	sadd.s32 $0x406000, s31;
	[smem:$0x7E5] =	sst s17  }
0x23: {  	s22 =	sor.u32 $0x5000, s4;
	s19 =	sadd.s32 $0x606000, s31;
	[smem:$0x7E6] =	sst s18  }
0x24: {  	s8 =	sor.u32 $0x6000, s4;
	s23 =	sadd.s32 s3, s22;
	[smem:$0x7E7] =	sst s19  }
0x25: {  	s9 =	sadd.s32 s3, s8;
	[dreg:$0x17] =	wrdreg s23  }
0x26: {  	s14 =	sor.u32 $0x7000, s4;
	s10 =	sadd.s32 s0, s22;
	[dreg:$0x1c] =	wrdreg s9  }
0x27: {  	s15 =	sadd.s32 s3, s14;
	[dreg:$0x1d] =	wrdreg s10  }
0x28: {  	s20 =	sor.u32 $0x8000, s4;
	s16 =	sadd.s32 s0, s8;
	[smem:$0x7E3] =	sst s15  }
0x29: {  	s21 =	sadd.s32 s3, s20;
	[smem:$0x7E4] =	sst s16  }
0x2a: {  	s22 =	sadd.s32 s0, s14;
	[smem:$0x7E8] =	sst s21  }
0x2b: {  	s24 =	sadd.s32 $0x407000, s31;
	[smem:$0x7E9] =	sst s22  }
0x2c: {  	p0 =	por $0x0, $0x0;
	s25 =	sadd.s32 $0x607000, s31;
	[smem:$0x7EB] =	sst s24  }
0x2d: {  	s5 =	ssub.s32 $0x2, s5;
	s11 =	sadd.s32 $0x408000, s31;
	[smem:$0x7EC] =	sst s25  }
0x2e: {  	s28 =	sadd.s32 $0x20B000, s31;
	s12 =	sadd.s32 $0x608000, s31;
	[smem:$0x7F0] =	sst s11  }
0x2f: {  	s29 =	sadd.s32 $0x40B000, s31;
	s17 =	sadd.s32 $0x409000, s31;
	[smem:$0x7F1] =	sst s12  }
0x30: {  	s30 =	sadd.s32 $0x60B000, s31;
	s18 =	sadd.s32 $0x609000, s31;
	[smem:$0x7F5] =	sst s17  }
0x31: {  	s26 =	sor.u32 $0x9000, s4;
	s23 =	sadd.s32 $0x207000, s31;
	[smem:$0x7F6] =	sst s18  }
0x32: {  	s6 =	sadd.s32 $0x20F000, s31;
	s8 =	sadd.s32 s3, s26;
	[smem:$0x7EA] =	sst s23  }
0x33: {  	s7 =	sadd.s32 $0x40F000, s31;
	s9 =	sadd.s32 s0, s20;
	[smem:$0x7ED] =	sst s8  }
0x34: {  	s13 =	sor.u32 $0xA000, s4;
	s10 =	sadd.s32 $0x208000, s31;
	[smem:$0x7EE] =	sst s9  }
0x35: {  	s19 =	sor.u32 $0xB000, s4;
	s14 =	sadd.s32 s3, s13;
	[smem:$0x7EF] =	sst s10  }
0x36: {  	s15 =	sadd.s32 s0, s26;
	s16 =	sadd.s32 $0x209000, s31;
	[smem:$0x7F2] =	sst s14  }
0x37: {  	s20 =	sadd.s32 s3, s19;
	s21 =	sadd.s32 s0, s13;
	[smem:$0x7F3] =	sst s15  }
0x38: {  	s22 =	sadd.s32 $0x20A000, s31;
	s24 =	sadd.s32 $0x60A000, s31;
	[smem:$0x7F4] =	sst s16  }
0x39: {  	s25 =	sor.u32 $0xC000, s4;
	s11 =	sor.u32 $0xD000, s4;
	[smem:$0x7F7] =	sst s20  }
0x3a: {  	s13 =	sor.u32 $0xE000, s4;
	s17 =	sadd.s32 $0x20D000, s31;
	[smem:$0x7F8] =	sst s21  }
0x3b: {  	[smem:$0x7F9] =	sst s22;
	s23 =	sadd.s32 $0x40A000, s31;
	s8 =	sshrl.u32 s5, $0x1  }
0x3c: {  	[smem:$0x7FB] =	sst s24;
	s9 =	sadd.s32 s3, s25;
	s10 =	sadd.s32 s0, s19  }
0x3d: {  	s26 =	sadd.s32 s3, s11;
	s22 =	sadd.s32 s0, s25;
	s24 =	sadd.s32 $0x40C000, s31  }
0x3e: {  	s25 =	sadd.s32 $0x60C000, s31;
	s21 =	sadd.s32 s3, s13;
	s16 =	sadd.s32 s0, s11  }
0x3f: {  	s15 =	sor.u32 $0xF000, s4;
	s19 =	sadd.s32 $0x40D000, s31;
	s12 =	ssub.s32 s5, s8  }
0x40: {  	s20 =	sadd.s32 $0x60D000, s31;
	[smem:$0x7FA] =	sst s23;
	s18 =	smax.u32 s12, $0x1  }
0x41: {  	s11 =	sadd.s32 $0x60E000, s31;
	[smem:$0x7FC] =	sst s9;
	p1 =	sne.s32 s18, $0x1  }
.Ltmp0:
0x42: {  	s4 =	simm.s32 $0x3;
	[smem:$0x7FD] =	sst s10;
	(pc) =	sbr.rel @!p1 .LBB2_5-.Ltmp0, $4  }
0x43: {  	s23 =	sadd.s32 $0x20C000, s31;
	s14 =	sadd.s32 s3, s15;
	s8 =	sadd.s32 s0, s13  }
0x44: {  	s9 =	sadd.s32 $0x20E000, s31;
	s10 =	sadd.s32 $0x40E000, s31;
	s5 =	sadd.s32 s0, s15  }
0x45: {  	s13 =	simm.s32 $0x8000;
	s15 =	simm.s32 $0x2;
	s3 =	simm.s32 $0x4  }
0x46: {  	s12 =	sadd.s32 $0x60F000, s31;
	s0 =	sadd.s32 $0xFFFFFFFF, s18;
	s18 =	simm.s32 $0x1  }
0x47: {  	[smem:$0x7E0] =	sst s0  }
0x48: {  	[tilespmem:s2], [sflag:$0x1] =	stream.linear.gather [hbm4b:s1+s2], $0x8000, $0x38;
	[tilespmem:$0x10000] =	vst v63  }
0x49: {  	s0 =	rddreg [dreg:$0x4]  }
0x4a: {  	[tilespmem:s13], [sflag:$0x2] =	stream.linear.gather [hbm4b:s0+s2], $0x8000, $0x38;
	[tilespmem:$0x10000] =	vst v63  }
0x4b: {  	_ =	swait.ge [sflag:s18], $0x8000  }
0x4c: {  	[sflag:s18] =	ssyncset.done $0x0  }
0x4d: {  	[sflag:s18] =	ssyncadd.s32 $0xFFFF8000  }
0x4e: {  	[hbm4b:s31+s2] =	stream.linear.scatter [tilespmem:s2], [sflag:$0x3], $0x8000, $0x38;
	[tilespmem:$0x10000] =	vst v63  }
0x4f: {  	s0 =	rddreg [dreg:$0x5]  }
0x50: {  	[hbm4b:s0+s2] =	stream.linear.scatter [tilespmem:s2], [sflag:$0x3], $0x8000, $0x38;
	[tilespmem:$0x10000] =	vst v63  }
0x51: {  	s1 =	rddreg [dreg:$0x6]  }
0x52: {  	[hbm4b:s1+s2] =	stream.linear.scatter [tilespmem:s2], [sflag:$0x3], $0x8000, $0x38;
	[tilespmem:$0x10000] =	vst v63  }
0x53: {  	s0 =	rddreg [dreg:$0x7]  }
0x54: {  	[hbm4b:s0+s2] =	stream.linear.scatter [tilespmem:s2], [sflag:$0x3], $0x8000, $0x38;
	[tilespmem:$0x10000] =	vst v63  }
0x55: {  	_ =	swait.ge [sflag:s4], $0x8000  }
0x56: {  	[sflag:s4] =	ssyncset.done $0x0  }
0x57: {  	[sflag:s4] =	ssyncadd.s32 $0xFFFF8000  }
0x58: {  	_ =	swait.ge [sflag:s4], $0x8000  }
0x59: {  	[sflag:s4] =	ssyncset.done $0x0  }
0x5a: {  	[sflag:s4] =	ssyncadd.s32 $0xFFFF8000  }
0x5b: {  	_ =	swait.ge [sflag:s4], $0x8000  }
0x5c: {  	[sflag:s4] =	ssyncset.done $0x0  }
0x5d: {  	[sflag:s4] =	ssyncadd.s32 $0xFFFF8000  }
0x5e: {  	_ =	swait.ge [sflag:s4], $0x8000  }
0x5f: {  	[sflag:s4] =	ssyncset.done $0x0  }
0x60: {  	s1 =	rddreg [dreg:$0x8];
	[sflag:s4] =	ssyncadd.s32 $0xFFFF8000  }
0x61: {  	[tilespmem:s2], [sflag:$0x1] =	stream.linear.gather [hbm4b:s1+s2], $0x8000, $0x38;
	[tilespmem:$0x10000] =	vst v63  }
0x62: {  	_ =	swait.ge [sflag:s15], $0x8000  }
0x63: {  	[sflag:s15] =	ssyncset.done $0x0  }
0x64: {  	s0 =	rddreg [dreg:$0x9];
	[sflag:s15] =	ssyncadd.s32 $0xFFFF8000  }
0x65: {  	[hbm4b:s0+s2] =	stream.linear.scatter [tilespmem:s13], [sflag:$0x4], $0x8000, $0x38;
	[tilespmem:$0x10000] =	vst v63  }
0x66: {  	s1 =	rddreg [dreg:$0xa]  }
0x67: {  	[hbm4b:s1+s2] =	stream.linear.scatter [tilespmem:s13], [sflag:$0x4], $0x8000, $0x38;
	[tilespmem:$0x10000] =	vst v63  }
0x68: {  	s0 =	rddreg [dreg:$0xb]  }
0x69: {  	[hbm4b:s0+s2] =	stream.linear.scatter [tilespmem:s13], [sflag:$0x4], $0x8000, $0x38;
	[tilespmem:$0x10000] =	vst v63  }
0x6a: {  	s1 =	rddreg [dreg:$0xc]  }
0x6b: {  	[hbm4b:s1+s2] =	stream.linear.scatter [tilespmem:s13], [sflag:$0x4], $0x8000, $0x38;
	[tilespmem:$0x10000] =	vst v63  }
0x6c: {  	_ =	swait.ge [sflag:s3], $0x8000  }
0x6d: {  	[sflag:s3] =	ssyncset.done $0x0  }
0x6e: {  	[sflag:s3] =	ssyncadd.s32 $0xFFFF8000  }
0x6f: {  	_ =	swait.ge [sflag:s3], $0x8000  }
0x70: {  	[sflag:s3] =	ssyncset.done $0x0  }
0x71: {  	[sflag:s3] =	ssyncadd.s32 $0xFFFF8000  }
0x72: {  	_ =	swait.ge [sflag:s3], $0x8000  }
0x73: {  	[sflag:s3] =	ssyncset.done $0x0  }
0x74: {  	[sflag:s3] =	ssyncadd.s32 $0xFFFF8000  }
0x75: {  	_ =	swait.ge [sflag:s3], $0x8000  }
0x76: {  	[sflag:s3] =	ssyncset.done $0x0  }
0x77: {  	s1 =	rddreg [dreg:$0xd];
	[sflag:s3] =	ssyncadd.s32 $0xFFFF8000  }
0x78: {  	[tilespmem:s13], [sflag:$0x2] =	stream.linear.gather [hbm4b:s1+s2], $0x8000, $0x38;
	[tilespmem:$0x10000] =	vst v63  }
0x79: {  	_ =	swait.ge [sflag:s18], $0x8000  }
0x7a: {  	[sflag:s18] =	ssyncset.done $0x0  }
0x7b: {  	s0 =	rddreg [dreg:$0xe];
	[sflag:s18] =	ssyncadd.s32 $0xFFFF8000  }
0x7c: {  	[hbm4b:s0+s2] =	stream.linear.scatter [tilespmem:s2], [sflag:$0x3], $0x8000, $0x38;
	[tilespmem:$0x10000] =	vst v63  }
0x7d: {  	s1 =	rddreg [dreg:$0xf]  }
0x7e: {  	[hbm4b:s1+s2] =	stream.linear.scatter [tilespmem:s2], [sflag:$0x3], $0x8000, $0x38;
	[tilespmem:$0x10000] =	vst v63  }
0x7f: {  	s0 =	rddreg [dreg:$0x10]  }
0x80: {  	[hbm4b:s0+s2] =	stream.linear.scatter [tilespmem:s2], [sflag:$0x3], $0x8000, $0x38;
	[tilespmem:$0x10000] =	vst v63  }
0x81: {  	s1 =	rddreg [dreg:$0x11]  }
0x82: {  	[hbm4b:s1+s2] =	stream.linear.scatter [tilespmem:s2], [sflag:$0x3], $0x8000, $0x38;
	[tilespmem:$0x10000] =	vst v63  }
0x83: {  	_ =	swait.ge [sflag:s4], $0x8000  }
0x84: {  	[sflag:s4] =	ssyncset.done $0x0  }
0x85: {  	[sflag:s4] =	ssyncadd.s32 $0xFFFF8000  }
0x86: {  	_ =	swait.ge [sflag:s4], $0x8000  }
0x87: {  	[sflag:s4] =	ssyncset.done $0x0  }
0x88: {  	[sflag:s4] =	ssyncadd.s32 $0xFFFF8000  }
0x89: {  	_ =	swait.ge [sflag:s4], $0x8000  }
0x8a: {  	[sflag:s4] =	ssyncset.done $0x0  }
0x8b: {  	[sflag:s4] =	ssyncadd.s32 $0xFFFF8000  }
0x8c: {  	_ =	swait.ge [sflag:s4], $0x8000  }
0x8d: {  	[sflag:s4] =	ssyncset.done $0x0  }
0x8e: {  	s1 =	rddreg [dreg:$0x12];
	[sflag:s4] =	ssyncadd.s32 $0xFFFF8000  }
0x8f: {  	[tilespmem:s2], [sflag:$0x1] =	stream.linear.gather [hbm4b:s1+s2], $0x8000, $0x38;
	[tilespmem:$0x10000] =	vst v63  }
0x90: {  	_ =	swait.ge [sflag:s15], $0x8000  }
0x91: {  	[sflag:s15] =	ssyncset.done $0x0  }
0x92: {  	s0 =	rddreg [dreg:$0x13];
	[sflag:s15] =	ssyncadd.s32 $0xFFFF8000  }
0x93: {  	[hbm4b:s0+s2] =	stream.linear.scatter [tilespmem:s13], [sflag:$0x4], $0x8000, $0x38;
	[tilespmem:$0x10000] =	vst v63  }
0x94: {  	s1 =	rddreg [dreg:$0x14]  }
0x95: {  	[hbm4b:s1+s2] =	stream.linear.scatter [tilespmem:s13], [sflag:$0x4], $0x8000, $0x38;
	[tilespmem:$0x10000] =	vst v63  }
0x96: {  	s0 =	rddreg [dreg:$0x15]  }
0x97: {  	[hbm4b:s0+s2] =	stream.linear.scatter [tilespmem:s13], [sflag:$0x4], $0x8000, $0x38;
	[tilespmem:$0x10000] =	vst v63  }
0x98: {  	s1 =	rddreg [dreg:$0x16]  }
0x99: {  	[hbm4b:s1+s2] =	stream.linear.scatter [tilespmem:s13], [sflag:$0x4], $0x8000, $0x38;
	[tilespmem:$0x10000] =	vst v63  }
0x9a: {  	_ =	swait.ge [sflag:s3], $0x8000  }
0x9b: {  	[sflag:s3] =	ssyncset.done $0x0  }
0x9c: {  	[sflag:s3] =	ssyncadd.s32 $0xFFFF8000  }
0x9d: {  	_ =	swait.ge [sflag:s3], $0x8000  }
0x9e: {  	[sflag:s3] =	ssyncset.done $0x0  }
0x9f: {  	[sflag:s3] =	ssyncadd.s32 $0xFFFF8000  }
0xa0: {  	_ =	swait.ge [sflag:s3], $0x8000  }
0xa1: {  	[sflag:s3] =	ssyncset.done $0x0  }
0xa2: {  	[sflag:s3] =	ssyncadd.s32 $0xFFFF8000  }
0xa3: {  	_ =	swait.ge [sflag:s3], $0x8000  }
0xa4: {  	[sflag:s3] =	ssyncset.done $0x0  }
0xa5: {  	s1 =	rddreg [dreg:$0x17];
	[sflag:s3] =	ssyncadd.s32 $0xFFFF8000  }
0xa6: {  	[tilespmem:s13], [sflag:$0x2] =	stream.linear.gather [hbm4b:s1+s2], $0x8000, $0x38;
	[tilespmem:$0x10000] =	vst v63  }
0xa7: {  	_ =	swait.ge [sflag:s18], $0x8000  }
0xa8: {  	[sflag:s18] =	ssyncset.done $0x0  }
0xa9: {  	s0 =	rddreg [dreg:$0x18];
	[sflag:s18] =	ssyncadd.s32 $0xFFFF8000  }
0xaa: {  	[hbm4b:s0+s2] =	stream.linear.scatter [tilespmem:s2], [sflag:$0x3], $0x8000, $0x38;
	[tilespmem:$0x10000] =	vst v63  }
0xab: {  	s1 =	rddreg [dreg:$0x19]  }
0xac: {  	[hbm4b:s1+s2] =	stream.linear.scatter [tilespmem:s2], [sflag:$0x3], $0x8000, $0x38;
	[tilespmem:$0x10000] =	vst v63  }
0xad: {  	s0 =	rddreg [dreg:$0x1a]  }
0xae: {  	[hbm4b:s0+s2] =	stream.linear.scatter [tilespmem:s2], [sflag:$0x3], $0x8000, $0x38;
	[tilespmem:$0x10000] =	vst v63  }
0xaf: {  	s1 =	rddreg [dreg:$0x1b]  }
0xb0: {  	[hbm4b:s1+s2] =	stream.linear.scatter [tilespmem:s2], [sflag:$0x3], $0x8000, $0x38;
	[tilespmem:$0x10000] =	vst v63  }
0xb1: {  	_ =	swait.ge [sflag:s4], $0x8000  }
0xb2: {  	[sflag:s4] =	ssyncset.done $0x0  }
0xb3: {  	[sflag:s4] =	ssyncadd.s32 $0xFFFF8000  }
0xb4: {  	_ =	swait.ge [sflag:s4], $0x8000  }
0xb5: {  	[sflag:s4] =	ssyncset.done $0x0  }
0xb6: {  	[sflag:s4] =	ssyncadd.s32 $0xFFFF8000  }
0xb7: {  	_ =	swait.ge [sflag:s4], $0x8000  }
0xb8: {  	[sflag:s4] =	ssyncset.done $0x0  }
0xb9: {  	[sflag:s4] =	ssyncadd.s32 $0xFFFF8000  }
0xba: {  	_ =	swait.ge [sflag:s4], $0x8000  }
0xbb: {  	[sflag:s4] =	ssyncset.done $0x0  }
0xbc: {  	s1 =	rddreg [dreg:$0x1c];
	[sflag:s4] =	ssyncadd.s32 $0xFFFF8000  }
0xbd: {  	[tilespmem:s2], [sflag:$0x1] =	stream.linear.gather [hbm4b:s1+s2], $0x8000, $0x38;
	[tilespmem:$0x10000] =	vst v63  }
0xbe: {  	_ =	swait.ge [sflag:s15], $0x8000  }
0xbf: {  	s0 =	rddreg [dreg:$0x1d];
	[sflag:s15] =	ssyncset.done $0x0  }
0xc0: {  	s1 =	rddreg [dreg:$0x1e];
	[sflag:s15] =	ssyncadd.s32 $0xFFFF8000  }
0xc1: {  	[hbm4b:s0+s2] =	stream.linear.scatter [tilespmem:s13], [sflag:$0x4], $0x8000, $0x38;
	[tilespmem:$0x10000] =	vst v63  }
0xc2: {  	s0 =	rddreg [dreg:$0x1f]  }
0xc3: {  	[hbm4b:s1+s2] =	stream.linear.scatter [tilespmem:s13], [sflag:$0x4], $0x8000, $0x38;
	[tilespmem:$0x10000] =	vst v63  }
0xc4: {  	s1 =	sld [smem:$0x7E2]  }
0xc5: {  	[hbm4b:s0+s2] =	stream.linear.scatter [tilespmem:s13], [sflag:$0x4], $0x8000, $0x38;
	[tilespmem:$0x10000] =	vst v63  }
0xc6: {  	_ = 	snop  }
0xc7: {  	[hbm4b:s1+s2] =	stream.linear.scatter [tilespmem:s13], [sflag:$0x4], $0x8000, $0x38;
	[tilespmem:$0x10000] =	vst v63  }
0xc8: {  	_ =	swait.ge [sflag:s3], $0x8000  }
0xc9: {  	[sflag:s3] =	ssyncset.done $0x0  }
0xca: {  	[sflag:s3] =	ssyncadd.s32 $0xFFFF8000  }
0xcb: {  	_ =	swait.ge [sflag:s3], $0x8000  }
0xcc: {  	[sflag:s3] =	ssyncset.done $0x0  }
0xcd: {  	[sflag:s3] =	ssyncadd.s32 $0xFFFF8000  }
0xce: {  	_ =	swait.ge [sflag:s3], $0x8000  }
0xcf: {  	[sflag:s3] =	ssyncset.done $0x0  }
0xd0: {  	[sflag:s3] =	ssyncadd.s32 $0xFFFF8000  }
0xd1: {  	_ =	swait.ge [sflag:s3], $0x8000  }
0xd2: {  	s1 =	sld [smem:$0x7E3]  }
0xd3: {  	[sflag:s3] =	ssyncset.done $0x0  }
0xd4: {  	[sflag:s3] =	ssyncadd.s32 $0xFFFF8000  }
0xd5: {  	[tilespmem:s13], [sflag:$0x2] =	stream.linear.gather [hbm4b:s1+s2], $0x8000, $0x38;
	[tilespmem:$0x10000] =	vst v63  }
0xd6: {  	_ =	swait.ge [sflag:s18], $0x8000  }
0xd7: {  	s0 =	sld [smem:$0x7E4]  }
0xd8: {  	[sflag:s18] =	ssyncset.done $0x0  }
0xd9: {  	s1 =	sld [smem:$0x7E5];
	[sflag:s18] =	ssyncadd.s32 $0xFFFF8000  }
0xda: {  	[hbm4b:s0+s2] =	stream.linear.scatter [tilespmem:s2], [sflag:$0x3], $0x8000, $0x38;
	[tilespmem:$0x10000] =	vst v63  }
0xdb: {  	s0 =	sld [smem:$0x7E6]  }
0xdc: {  	[hbm4b:s1+s2] =	stream.linear.scatter [tilespmem:s2], [sflag:$0x3], $0x8000, $0x38;
	[tilespmem:$0x10000] =	vst v63  }
0xdd: {  	s1 =	sld [smem:$0x7E7]  }
0xde: {  	[hbm4b:s0+s2] =	stream.linear.scatter [tilespmem:s2], [sflag:$0x3], $0x8000, $0x38;
	[tilespmem:$0x10000] =	vst v63  }
0xdf: {  	_ = 	snop  }
0xe0: {  	[hbm4b:s1+s2] =	stream.linear.scatter [tilespmem:s2], [sflag:$0x3], $0x8000, $0x38;
	[tilespmem:$0x10000] =	vst v63  }
0xe1: {  	_ =	swait.ge [sflag:s4], $0x8000  }
0xe2: {  	[sflag:s4] =	ssyncset.done $0x0  }
0xe3: {  	[sflag:s4] =	ssyncadd.s32 $0xFFFF8000  }
0xe4: {  	_ =	swait.ge [sflag:s4], $0x8000  }
0xe5: {  	[sflag:s4] =	ssyncset.done $0x0  }
0xe6: {  	[sflag:s4] =	ssyncadd.s32 $0xFFFF8000  }
0xe7: {  	_ =	swait.ge [sflag:s4], $0x8000  }
0xe8: {  	[sflag:s4] =	ssyncset.done $0x0  }
0xe9: {  	[sflag:s4] =	ssyncadd.s32 $0xFFFF8000  }
0xea: {  	_ =	swait.ge [sflag:s4], $0x8000  }
0xeb: {  	s1 =	sld [smem:$0x7E8]  }
0xec: {  	[sflag:s4] =	ssyncset.done $0x0  }
0xed: {  	[sflag:s4] =	ssyncadd.s32 $0xFFFF8000  }
0xee: {  	[tilespmem:s2], [sflag:$0x1] =	stream.linear.gather [hbm4b:s1+s2], $0x8000, $0x38;
	[tilespmem:$0x10000] =	vst v63  }
0xef: {  	_ =	swait.ge [sflag:s15], $0x8000  }
0xf0: {  	s0 =	sld [smem:$0x7E9]  }
0xf1: {  	[sflag:s15] =	ssyncset.done $0x0  }
0xf2: {  	s1 =	sld [smem:$0x7EA];
	[sflag:s15] =	ssyncadd.s32 $0xFFFF8000  }
0xf3: {  	[hbm4b:s0+s2] =	stream.linear.scatter [tilespmem:s13], [sflag:$0x4], $0x8000, $0x38;
	[tilespmem:$0x10000] =	vst v63  }
0xf4: {  	s0 =	sld [smem:$0x7EB]  }
0xf5: {  	[hbm4b:s1+s2] =	stream.linear.scatter [tilespmem:s13], [sflag:$0x4], $0x8000, $0x38;
	[tilespmem:$0x10000] =	vst v63  }
0xf6: {  	s1 =	sld [smem:$0x7EC]  }
0xf7: {  	[hbm4b:s0+s2] =	stream.linear.scatter [tilespmem:s13], [sflag:$0x4], $0x8000, $0x38;
	[tilespmem:$0x10000] =	vst v63  }
0xf8: {  	_ = 	snop  }
0xf9: {  	[hbm4b:s1+s2] =	stream.linear.scatter [tilespmem:s13], [sflag:$0x4], $0x8000, $0x38;
	[tilespmem:$0x10000] =	vst v63  }
0xfa: {  	_ =	swait.ge [sflag:s3], $0x8000  }
0xfb: {  	[sflag:s3] =	ssyncset.done $0x0  }
0xfc: {  	[sflag:s3] =	ssyncadd.s32 $0xFFFF8000  }
0xfd: {  	_ =	swait.ge [sflag:s3], $0x8000  }
0xfe: {  	[sflag:s3] =	ssyncset.done $0x0  }
0xff: {  	[sflag:s3] =	ssyncadd.s32 $0xFFFF8000  }
0x100: {  	_ =	swait.ge [sflag:s3], $0x8000  }
0x101: {  	[sflag:s3] =	ssyncset.done $0x0  }
0x102: {  	[sflag:s3] =	ssyncadd.s32 $0xFFFF8000  }
0x103: {  	_ =	swait.ge [sflag:s3], $0x8000  }
0x104: {  	s1 =	sld [smem:$0x7ED]  }
0x105: {  	[sflag:s3] =	ssyncset.done $0x0  }
0x106: {  	[sflag:s3] =	ssyncadd.s32 $0xFFFF8000  }
0x107: {  	[tilespmem:s13], [sflag:$0x2] =	stream.linear.gather [hbm4b:s1+s2], $0x8000, $0x38;
	[tilespmem:$0x10000] =	vst v63  }
0x108: {  	_ =	swait.ge [sflag:s18], $0x8000  }
0x109: {  	s0 =	sld [smem:$0x7EE]  }
0x10a: {  	[sflag:s18] =	ssyncset.done $0x0  }
0x10b: {  	s1 =	sld [smem:$0x7EF];
	[sflag:s18] =	ssyncadd.s32 $0xFFFF8000  }
0x10c: {  	[hbm4b:s0+s2] =	stream.linear.scatter [tilespmem:s2], [sflag:$0x3], $0x8000, $0x38;
	[tilespmem:$0x10000] =	vst v63  }
0x10d: {  	s0 =	sld [smem:$0x7F0]  }
0x10e: {  	[hbm4b:s1+s2] =	stream.linear.scatter [tilespmem:s2], [sflag:$0x3], $0x8000, $0x38;
	[tilespmem:$0x10000] =	vst v63  }
0x10f: {  	s1 =	sld [smem:$0x7F1]  }
0x110: {  	[hbm4b:s0+s2] =	stream.linear.scatter [tilespmem:s2], [sflag:$0x3], $0x8000, $0x38;
	[tilespmem:$0x10000] =	vst v63  }
0x111: {  	_ = 	snop  }
0x112: {  	[hbm4b:s1+s2] =	stream.linear.scatter [tilespmem:s2], [sflag:$0x3], $0x8000, $0x38;
	[tilespmem:$0x10000] =	vst v63  }
0x113: {  	_ =	swait.ge [sflag:s4], $0x8000  }
0x114: {  	[sflag:s4] =	ssyncset.done $0x0  }
0x115: {  	[sflag:s4] =	ssyncadd.s32 $0xFFFF8000  }
0x116: {  	_ =	swait.ge [sflag:s4], $0x8000  }
0x117: {  	[sflag:s4] =	ssyncset.done $0x0  }
0x118: {  	[sflag:s4] =	ssyncadd.s32 $0xFFFF8000  }
0x119: {  	_ =	swait.ge [sflag:s4], $0x8000  }
0x11a: {  	[sflag:s4] =	ssyncset.done $0x0  }
0x11b: {  	[sflag:s4] =	ssyncadd.s32 $0xFFFF8000  }
0x11c: {  	_ =	swait.ge [sflag:s4], $0x8000  }
0x11d: {  	s1 =	sld [smem:$0x7F2]  }
0x11e: {  	[sflag:s4] =	ssyncset.done $0x0  }
0x11f: {  	[sflag:s4] =	ssyncadd.s32 $0xFFFF8000  }
0x120: {  	[tilespmem:s2], [sflag:$0x1] =	stream.linear.gather [hbm4b:s1+s2], $0x8000, $0x38;
	[tilespmem:$0x10000] =	vst v63  }
0x121: {  	_ =	swait.ge [sflag:s15], $0x8000  }
0x122: {  	s0 =	sld [smem:$0x7F3]  }
0x123: {  	[sflag:s15] =	ssyncset.done $0x0  }
0x124: {  	s1 =	sld [smem:$0x7F4];
	[sflag:s15] =	ssyncadd.s32 $0xFFFF8000  }
0x125: {  	[hbm4b:s0+s2] =	stream.linear.scatter [tilespmem:s13], [sflag:$0x4], $0x8000, $0x38;
	[tilespmem:$0x10000] =	vst v63  }
0x126: {  	s0 =	sld [smem:$0x7F5]  }
0x127: {  	[hbm4b:s1+s2] =	stream.linear.scatter [tilespmem:s13], [sflag:$0x4], $0x8000, $0x38;
	[tilespmem:$0x10000] =	vst v63  }
0x128: {  	s1 =	sld [smem:$0x7F6]  }
0x129: {  	[hbm4b:s0+s2] =	stream.linear.scatter [tilespmem:s13], [sflag:$0x4], $0x8000, $0x38;
	[tilespmem:$0x10000] =	vst v63  }
0x12a: {  	_ = 	snop  }
0x12b: {  	[hbm4b:s1+s2] =	stream.linear.scatter [tilespmem:s13], [sflag:$0x4], $0x8000, $0x38;
	[tilespmem:$0x10000] =	vst v63  }
0x12c: {  	_ =	swait.ge [sflag:s3], $0x8000  }
0x12d: {  	[sflag:s3] =	ssyncset.done $0x0  }
0x12e: {  	[sflag:s3] =	ssyncadd.s32 $0xFFFF8000  }
0x12f: {  	_ =	swait.ge [sflag:s3], $0x8000  }
0x130: {  	[sflag:s3] =	ssyncset.done $0x0  }
0x131: {  	[sflag:s3] =	ssyncadd.s32 $0xFFFF8000  }
0x132: {  	_ =	swait.ge [sflag:s3], $0x8000  }
0x133: {  	[sflag:s3] =	ssyncset.done $0x0  }
0x134: {  	[sflag:s3] =	ssyncadd.s32 $0xFFFF8000  }
0x135: {  	_ =	swait.ge [sflag:s3], $0x8000  }
0x136: {  	s1 =	sld [smem:$0x7F7]  }
0x137: {  	[sflag:s3] =	ssyncset.done $0x0  }
0x138: {  	[sflag:s3] =	ssyncadd.s32 $0xFFFF8000  }
0x139: {  	[tilespmem:s13], [sflag:$0x2] =	stream.linear.gather [hbm4b:s1+s2], $0x8000, $0x38;
	[tilespmem:$0x10000] =	vst v63  }
0x13a: {  	_ =	swait.ge [sflag:s18], $0x8000  }
0x13b: {  	s0 =	sld [smem:$0x7F8]  }
0x13c: {  	[sflag:s18] =	ssyncset.done $0x0  }
0x13d: {  	s1 =	sld [smem:$0x7F9];
	[sflag:s18] =	ssyncadd.s32 $0xFFFF8000  }
0x13e: {  	[hbm4b:s0+s2] =	stream.linear.scatter [tilespmem:s2], [sflag:$0x3], $0x8000, $0x38;
	[tilespmem:$0x10000] =	vst v63  }
0x13f: {  	s0 =	sld [smem:$0x7FA]  }
0x140: {  	[hbm4b:s1+s2] =	stream.linear.scatter [tilespmem:s2], [sflag:$0x3], $0x8000, $0x38;
	[tilespmem:$0x10000] =	vst v63  }
0x141: {  	s1 =	sld [smem:$0x7FB]  }
0x142: {  	[hbm4b:s0+s2] =	stream.linear.scatter [tilespmem:s2], [sflag:$0x3], $0x8000, $0x38;
	[tilespmem:$0x10000] =	vst v63  }
0x143: {  	_ = 	snop  }
0x144: {  	[hbm4b:s1+s2] =	stream.linear.scatter [tilespmem:s2], [sflag:$0x3], $0x8000, $0x38;
	[tilespmem:$0x10000] =	vst v63  }
0x145: {  	_ =	swait.ge [sflag:s4], $0x8000  }
0x146: {  	[sflag:s4] =	ssyncset.done $0x0  }
0x147: {  	[sflag:s4] =	ssyncadd.s32 $0xFFFF8000  }
0x148: {  	_ =	swait.ge [sflag:s4], $0x8000  }
0x149: {  	[sflag:s4] =	ssyncset.done $0x0  }
0x14a: {  	[sflag:s4] =	ssyncadd.s32 $0xFFFF8000  }
0x14b: {  	_ =	swait.ge [sflag:s4], $0x8000  }
0x14c: {  	[sflag:s4] =	ssyncset.done $0x0  }
0x14d: {  	[sflag:s4] =	ssyncadd.s32 $0xFFFF8000  }
0x14e: {  	_ =	swait.ge [sflag:s4], $0x8000  }
0x14f: {  	s1 =	sld [smem:$0x7FC]  }
0x150: {  	[sflag:s4] =	ssyncset.done $0x0  }
0x151: {  	[sflag:s4] =	ssyncadd.s32 $0xFFFF8000  }
0x152: {  	[tilespmem:s2], [sflag:$0x1] =	stream.linear.gather [hbm4b:s1+s2], $0x8000, $0x38;
	[tilespmem:$0x10000] =	vst v63  }
0x153: {  	_ =	swait.ge [sflag:s15], $0x8000  }
0x154: {  	s1 =	sld [smem:$0x7FD]  }
0x155: {  	[sflag:s15] =	ssyncset.done $0x0  }
0x156: {  	[sflag:s15] =	ssyncadd.s32 $0xFFFF8000  }
0x157: {  	[hbm4b:s1+s2] =	stream.linear.scatter [tilespmem:s13], [sflag:$0x4], $0x8000, $0x38;
	[tilespmem:$0x10000] =	vst v63  }
0x158: {  	_ = 	snop  }
0x159: {  	[hbm4b:s28+s2] =	stream.linear.scatter [tilespmem:s13], [sflag:$0x4], $0x8000, $0x38;
	[tilespmem:$0x10000] =	vst v63  }
0x15a: {  	_ = 	snop  }
0x15b: {  	[hbm4b:s29+s2] =	stream.linear.scatter [tilespmem:s13], [sflag:$0x4], $0x8000, $0x38;
	[tilespmem:$0x10000] =	vst v63  }
0x15c: {  	_ = 	snop  }
0x15d: {  	[hbm4b:s30+s2] =	stream.linear.scatter [tilespmem:s13], [sflag:$0x4], $0x8000, $0x38;
	[tilespmem:$0x10000] =	vst v63  }
0x15e: {  	_ =	swait.ge [sflag:s3], $0x8000  }
0x15f: {  	[sflag:s3] =	ssyncset.done $0x0  }
0x160: {  	[sflag:s3] =	ssyncadd.s32 $0xFFFF8000  }
0x161: {  	_ =	swait.ge [sflag:s3], $0x8000  }
0x162: {  	[sflag:s3] =	ssyncset.done $0x0  }
0x163: {  	[sflag:s3] =	ssyncadd.s32 $0xFFFF8000  }
0x164: {  	_ =	swait.ge [sflag:s3], $0x8000  }
0x165: {  	[sflag:s3] =	ssyncset.done $0x0  }
0x166: {  	[sflag:s3] =	ssyncadd.s32 $0xFFFF8000  }
0x167: {  	_ =	swait.ge [sflag:s3], $0x8000  }
0x168: {  	[sflag:s3] =	ssyncset.done $0x0  }
0x169: {  	[sflag:s3] =	ssyncadd.s32 $0xFFFF8000  }
0x16a: {  	[tilespmem:s13], [sflag:$0x2] =	stream.linear.gather [hbm4b:s26+s2], $0x8000, $0x38;
	[tilespmem:$0x10000] =	vst v63  }
0x16b: {  	_ =	swait.ge [sflag:s18], $0x8000  }
0x16c: {  	[sflag:s18] =	ssyncset.done $0x0  }
0x16d: {  	[sflag:s18] =	ssyncadd.s32 $0xFFFF8000  }
0x16e: {  	[hbm4b:s22+s2] =	stream.linear.scatter [tilespmem:s2], [sflag:$0x3], $0x8000, $0x38;
	[tilespmem:$0x10000] =	vst v63  }
0x16f: {  	_ = 	snop  }
0x170: {  	[hbm4b:s23+s2] =	stream.linear.scatter [tilespmem:s2], [sflag:$0x3], $0x8000, $0x38;
	[tilespmem:$0x10000] =	vst v63  }
0x171: {  	_ = 	snop  }
0x172: {  	[hbm4b:s24+s2] =	stream.linear.scatter [tilespmem:s2], [sflag:$0x3], $0x8000, $0x38;
	[tilespmem:$0x10000] =	vst v63  }
0x173: {  	_ = 	snop  }
0x174: {  	[hbm4b:s25+s2] =	stream.linear.scatter [tilespmem:s2], [sflag:$0x3], $0x8000, $0x38;
	[tilespmem:$0x10000] =	vst v63  }
0x175: {  	_ =	swait.ge [sflag:s4], $0x8000  }
0x176: {  	[sflag:s4] =	ssyncset.done $0x0  }
0x177: {  	[sflag:s4] =	ssyncadd.s32 $0xFFFF8000  }
0x178: {  	_ =	swait.ge [sflag:s4], $0x8000  }
0x179: {  	[sflag:s4] =	ssyncset.done $0x0  }
0x17a: {  	[sflag:s4] =	ssyncadd.s32 $0xFFFF8000  }
0x17b: {  	_ =	swait.ge [sflag:s4], $0x8000  }
0x17c: {  	[sflag:s4] =	ssyncset.done $0x0  }
0x17d: {  	[sflag:s4] =	ssyncadd.s32 $0xFFFF8000  }
0x17e: {  	_ =	swait.ge [sflag:s4], $0x8000  }
0x17f: {  	[sflag:s4] =	ssyncset.done $0x0  }
0x180: {  	[sflag:s4] =	ssyncadd.s32 $0xFFFF8000  }
0x181: {  	[tilespmem:s2], [sflag:$0x1] =	stream.linear.gather [hbm4b:s21+s2], $0x8000, $0x38;
	[tilespmem:$0x10000] =	vst v63  }
0x182: {  	_ =	swait.ge [sflag:s15], $0x8000  }
0x183: {  	[sflag:s15] =	ssyncset.done $0x0  }
0x184: {  	[sflag:s15] =	ssyncadd.s32 $0xFFFF8000  }
0x185: {  	[hbm4b:s16+s2] =	stream.linear.scatter [tilespmem:s13], [sflag:$0x4], $0x8000, $0x38;
	[tilespmem:$0x10000] =	vst v63  }
0x186: {  	_ = 	snop  }
0x187: {  	[hbm4b:s17+s2] =	stream.linear.scatter [tilespmem:s13], [sflag:$0x4], $0x8000, $0x38;
	[tilespmem:$0x10000] =	vst v63  }
0x188: {  	_ = 	snop  }
0x189: {  	[hbm4b:s19+s2] =	stream.linear.scatter [tilespmem:s13], [sflag:$0x4], $0x8000, $0x38;
	[tilespmem:$0x10000] =	vst v63  }
0x18a: {  	_ = 	snop  }
0x18b: {  	[hbm4b:s20+s2] =	stream.linear.scatter [tilespmem:s13], [sflag:$0x4], $0x8000, $0x38;
	[tilespmem:$0x10000] =	vst v63  }
0x18c: {  	_ =	swait.ge [sflag:s3], $0x8000  }
0x18d: {  	[sflag:s3] =	ssyncset.done $0x0  }
0x18e: {  	[sflag:s3] =	ssyncadd.s32 $0xFFFF8000  }
0x18f: {  	_ =	swait.ge [sflag:s3], $0x8000  }
0x190: {  	[sflag:s3] =	ssyncset.done $0x0  }
0x191: {  	[sflag:s3] =	ssyncadd.s32 $0xFFFF8000  }
0x192: {  	_ =	swait.ge [sflag:s3], $0x8000  }
0x193: {  	[sflag:s3] =	ssyncset.done $0x0  }
0x194: {  	[sflag:s3] =	ssyncadd.s32 $0xFFFF8000  }
0x195: {  	_ =	swait.ge [sflag:s3], $0x8000  }
0x196: {  	[sflag:s3] =	ssyncset.done $0x0  }
0x197: {  	[sflag:s3] =	ssyncadd.s32 $0xFFFF8000  }
0x198: {  	[tilespmem:s13], [sflag:$0x2] =	stream.linear.gather [hbm4b:s14+s2], $0x8000, $0x38;
	[tilespmem:$0x10000] =	vst v63  }
0x199: {  	_ =	swait.ge [sflag:s18], $0x8000  }
0x19a: {  	[sflag:s18] =	ssyncset.done $0x0  }
0x19b: {  	[sflag:s18] =	ssyncadd.s32 $0xFFFF8000  }
0x19c: {  	[hbm4b:s8+s2] =	stream.linear.scatter [tilespmem:s2], [sflag:$0x3], $0x8000, $0x38;
	[tilespmem:$0x10000] =	vst v63  }
0x19d: {  	_ = 	snop  }
0x19e: {  	[hbm4b:s9+s2] =	stream.linear.scatter [tilespmem:s2], [sflag:$0x3], $0x8000, $0x38;
	[tilespmem:$0x10000] =	vst v63  }
0x19f: {  	_ = 	snop  }
0x1a0: {  	[hbm4b:s10+s2] =	stream.linear.scatter [tilespmem:s2], [sflag:$0x3], $0x8000, $0x38;
	[tilespmem:$0x10000] =	vst v63  }
0x1a1: {  	_ = 	snop  }
0x1a2: {  	[hbm4b:s11+s2] =	stream.linear.scatter [tilespmem:s2], [sflag:$0x3], $0x8000, $0x38;
	[tilespmem:$0x10000] =	vst v63  }
0x1a3: {  	_ =	swait.ge [sflag:s15], $0x8000  }
0x1a4: {  	[sflag:s15] =	ssyncset.done $0x0  }
0x1a5: {  	[sflag:s15] =	ssyncadd.s32 $0xFFFF8000  }
0x1a6: {  	[hbm4b:s5+s2] =	stream.linear.scatter [tilespmem:s13], [sflag:$0x4], $0x8000, $0x38;
	[tilespmem:$0x10000] =	vst v63  }
0x1a7: {  	_ = 	snop  }
0x1a8: {  	[hbm4b:s6+s2] =	stream.linear.scatter [tilespmem:s13], [sflag:$0x4], $0x8000, $0x38;
	[tilespmem:$0x10000] =	vst v63  }
0x1a9: {  	_ = 	snop  }
0x1aa: {  	[hbm4b:s7+s2] =	stream.linear.scatter [tilespmem:s13], [sflag:$0x4], $0x8000, $0x38;
	[tilespmem:$0x10000] =	vst v63  }
0x1ab: {  	_ = 	snop  }
0x1ac: {  	[hbm4b:s12+s2] =	stream.linear.scatter [tilespmem:s13], [sflag:$0x4], $0x8000, $0x38;
	[tilespmem:$0x10000] =	vst v63  }
0x1ad: {  	_ =	swait.ge [sflag:s4], $0x8000  }
0x1ae: {  	[sflag:s4] =	ssyncset.done $0x0  }
0x1af: {  	[sflag:s4] =	ssyncadd.s32 $0xFFFF8000  }
0x1b0: {  	_ =	swait.ge [sflag:s4], $0x8000  }
0x1b1: {  	[sflag:s4] =	ssyncset.done $0x0  }
0x1b2: {  	[sflag:s4] =	ssyncadd.s32 $0xFFFF8000  }
0x1b3: {  	_ =	swait.ge [sflag:s4], $0x8000  }
0x1b4: {  	[sflag:s4] =	ssyncset.done $0x0  }
0x1b5: {  	[sflag:s4] =	ssyncadd.s32 $0xFFFF8000  }
0x1b6: {  	_ =	swait.ge [sflag:s4], $0x8000  }
0x1b7: {  	[sflag:s4] =	ssyncset.done $0x0  }
0x1b8: {  	[sflag:s4] =	ssyncadd.s32 $0xFFFF8000  }
0x1b9: {  	_ =	swait.ge [sflag:s3], $0x8000  }
0x1ba: {  	[sflag:s3] =	ssyncset.done $0x0  }
0x1bb: {  	[sflag:s3] =	ssyncadd.s32 $0xFFFF8000  }
0x1bc: {  	_ =	swait.ge [sflag:s3], $0x8000  }
0x1bd: {  	[sflag:s3] =	ssyncset.done $0x0  }
0x1be: {  	[sflag:s3] =	ssyncadd.s32 $0xFFFF8000  }
0x1bf: {  	_ =	swait.ge [sflag:s3], $0x8000  }
0x1c0: {  	s1 =	sld [smem:$0x7E0];
	_ =	sdelay $0x2  }
0x1c1: {  	p1 =	sne.s32 s1, $0x1  }
.Ltmp1:
0x1c2: {  	[sflag:s3] =	ssyncset.done $0x0;
	(pc) =	sbr.rel @!p1 .LBB2_2-.Ltmp1, $4  }
0x1c3: {  	[sflag:s3] =	ssyncadd.s32 $0xFFFF8000  }
0x1c4: {  	_ =	swait.ge [sflag:s3], $0x8000  }
0x1c5: {  	s0 =	sadd.s32 $0xFFFFFFFF, s1;
	s1 =	rddreg [dreg:$0x3]  }
0x1c6: {  	p0 =	por $0x1, $0x1;
	[sflag:s3] =	ssyncset.done $0x0;
	[smem:$0x7E1] =	sst s31  }
.LBB2_3:
0x1c7: {  	[sflag:s3] =	ssyncadd.s32 $0xFFFF8000;
	s31 =	smov.u32 s30;
	s30 =	smov.u32 s29  }
0x1c8: {  	s29 =	smov.u32 s28;
	s28 =	smov.u32 s26;
	s26 =	smov.u32 s25  }
0x1c9: {  	s25 =	smov.u32 s24;
	s24 =	smov.u32 s23;
	s23 =	smov.u32 s22  }
0x1ca: {  	s22 =	smov.u32 s21;
	s21 =	smov.u32 s20;
	s20 =	smov.u32 s19  }
0x1cb: {  	s19 =	smov.u32 s17;
	s17 =	smov.u32 s16;
	s16 =	smov.u32 s14  }
0x1cc: {  	s14 =	smov.u32 s12;
	s12 =	smov.u32 s11;
	s11 =	smov.u32 s10  }
0x1cd: {  	s10 =	smov.u32 s9;
	s9 =	smov.u32 s8;
	s8 =	smov.u32 s7  }
0x1ce: {  	[tilespmem:s2], [sflag:$0x1] =	stream.linear.gather [hbm4b:s1+s2], $0x8000, $0x38;
	[tilespmem:$0x10000] =	vst v63  }
0x1cf: {  	s7 =	smov.u32 s6;
	s6 =	smov.u32 s5;
	s5 =	rddreg [dreg:$0x4]  }
0x1d0: {  	[tilespmem:s13], [sflag:$0x2] =	stream.linear.gather [hbm4b:s5+s2], $0x8000, $0x38;
	[tilespmem:$0x10000] =	vst v63  }
0x1d1: {  	_ =	swait.ge [sflag:s18], $0x8000  }
0x1d2: {  	s5 =	sld [smem:$0x7E1]  }
0x1d3: {  	[sflag:s18] =	ssyncset.done $0x0  }
0x1d4: {  	[sflag:s18] =	ssyncadd.s32 $0xFFFF8000  }
0x1d5: {  	[hbm4b:s5+s2] =	stream.linear.scatter [tilespmem:s2], [sflag:$0x3], $0x8000, $0x38;
	[tilespmem:$0x10000] =	vst v63  }
0x1d6: {  	s1 =	rddreg [dreg:$0x5]  }
0x1d7: {  	[hbm4b:s1+s2] =	stream.linear.scatter [tilespmem:s2], [sflag:$0x3], $0x8000, $0x38;
	[tilespmem:$0x10000] =	vst v63  }
0x1d8: {  	s5 =	rddreg [dreg:$0x6]  }
0x1d9: {  	[hbm4b:s5+s2] =	stream.linear.scatter [tilespmem:s2], [sflag:$0x3], $0x8000, $0x38;
	[tilespmem:$0x10000] =	vst v63  }
0x1da: {  	s1 =	rddreg [dreg:$0x7]  }
0x1db: {  	[hbm4b:s1+s2] =	stream.linear.scatter [tilespmem:s2], [sflag:$0x3], $0x8000, $0x38;
	[tilespmem:$0x10000] =	vst v63  }
0x1dc: {  	_ =	swait.ge [sflag:s4], $0x8000  }
0x1dd: {  	[sflag:s4] =	ssyncset.done $0x0  }
0x1de: {  	[sflag:s4] =	ssyncadd.s32 $0xFFFF8000  }
0x1df: {  	_ =	swait.ge [sflag:s4], $0x8000  }
0x1e0: {  	[sflag:s4] =	ssyncset.done $0x0  }
0x1e1: {  	[sflag:s4] =	ssyncadd.s32 $0xFFFF8000  }
0x1e2: {  	_ =	swait.ge [sflag:s4], $0x8000  }
0x1e3: {  	[sflag:s4] =	ssyncset.done $0x0  }
0x1e4: {  	[sflag:s4] =	ssyncadd.s32 $0xFFFF8000  }
0x1e5: {  	_ =	swait.ge [sflag:s4], $0x8000  }
0x1e6: {  	[sflag:s4] =	ssyncset.done $0x0  }
0x1e7: {  	s5 =	rddreg [dreg:$0x8];
	[sflag:s4] =	ssyncadd.s32 $0xFFFF8000  }
0x1e8: {  	[tilespmem:s2], [sflag:$0x1] =	stream.linear.gather [hbm4b:s5+s2], $0x8000, $0x38;
	[tilespmem:$0x10000] =	vst v63  }
0x1e9: {  	_ =	swait.ge [sflag:s15], $0x8000  }
0x1ea: {  	[sflag:s15] =	ssyncset.done $0x0  }
0x1eb: {  	s1 =	rddreg [dreg:$0x9];
	[sflag:s15] =	ssyncadd.s32 $0xFFFF8000  }
0x1ec: {  	[hbm4b:s1+s2] =	stream.linear.scatter [tilespmem:s13], [sflag:$0x4], $0x8000, $0x38;
	[tilespmem:$0x10000] =	vst v63  }
0x1ed: {  	s5 =	rddreg [dreg:$0xa]  }
0x1ee: {  	[hbm4b:s5+s2] =	stream.linear.scatter [tilespmem:s13], [sflag:$0x4], $0x8000, $0x38;
	[tilespmem:$0x10000] =	vst v63  }
0x1ef: {  	s1 =	rddreg [dreg:$0xb]  }
0x1f0: {  	[hbm4b:s1+s2] =	stream.linear.scatter [tilespmem:s13], [sflag:$0x4], $0x8000, $0x38;
	[tilespmem:$0x10000] =	vst v63  }
0x1f1: {  	s5 =	rddreg [dreg:$0xc]  }
0x1f2: {  	[hbm4b:s5+s2] =	stream.linear.scatter [tilespmem:s13], [sflag:$0x4], $0x8000, $0x38;
	[tilespmem:$0x10000] =	vst v63  }
0x1f3: {  	_ =	swait.ge [sflag:s3], $0x8000  }
0x1f4: {  	[sflag:s3] =	ssyncset.done $0x0  }
0x1f5: {  	[sflag:s3] =	ssyncadd.s32 $0xFFFF8000  }
0x1f6: {  	_ =	swait.ge [sflag:s3], $0x8000  }
0x1f7: {  	[sflag:s3] =	ssyncset.done $0x0  }
0x1f8: {  	[sflag:s3] =	ssyncadd.s32 $0xFFFF8000  }
0x1f9: {  	_ =	swait.ge [sflag:s3], $0x8000  }
0x1fa: {  	[sflag:s3] =	ssyncset.done $0x0  }
0x1fb: {  	[sflag:s3] =	ssyncadd.s32 $0xFFFF8000  }
0x1fc: {  	_ =	swait.ge [sflag:s3], $0x8000  }
0x1fd: {  	[sflag:s3] =	ssyncset.done $0x0  }
0x1fe: {  	s5 =	rddreg [dreg:$0xd];
	[sflag:s3] =	ssyncadd.s32 $0xFFFF8000  }
0x1ff: {  	[tilespmem:s13], [sflag:$0x2] =	stream.linear.gather [hbm4b:s5+s2], $0x8000, $0x38;
	[tilespmem:$0x10000] =	vst v63  }
0x200: {  	_ =	swait.ge [sflag:s18], $0x8000  }
0x201: {  	[sflag:s18] =	ssyncset.done $0x0  }
0x202: {  	s1 =	rddreg [dreg:$0xe];
	[sflag:s18] =	ssyncadd.s32 $0xFFFF8000  }
0x203: {  	[hbm4b:s1+s2] =	stream.linear.scatter [tilespmem:s2], [sflag:$0x3], $0x8000, $0x38;
	[tilespmem:$0x10000] =	vst v63  }
0x204: {  	s5 =	rddreg [dreg:$0xf]  }
0x205: {  	[hbm4b:s5+s2] =	stream.linear.scatter [tilespmem:s2], [sflag:$0x3], $0x8000, $0x38;
	[tilespmem:$0x10000] =	vst v63  }
0x206: {  	s1 =	rddreg [dreg:$0x10]  }
0x207: {  	[hbm4b:s1+s2] =	stream.linear.scatter [tilespmem:s2], [sflag:$0x3], $0x8000, $0x38;
	[tilespmem:$0x10000] =	vst v63  }
0x208: {  	s5 =	rddreg [dreg:$0x11]  }
0x209: {  	[hbm4b:s5+s2] =	stream.linear.scatter [tilespmem:s2], [sflag:$0x3], $0x8000, $0x38;
	[tilespmem:$0x10000] =	vst v63  }
0x20a: {  	_ =	swait.ge [sflag:s4], $0x8000  }
0x20b: {  	[sflag:s4] =	ssyncset.done $0x0  }
0x20c: {  	[sflag:s4] =	ssyncadd.s32 $0xFFFF8000  }
0x20d: {  	_ =	swait.ge [sflag:s4], $0x8000  }
0x20e: {  	[sflag:s4] =	ssyncset.done $0x0  }
0x20f: {  	[sflag:s4] =	ssyncadd.s32 $0xFFFF8000  }
0x210: {  	_ =	swait.ge [sflag:s4], $0x8000  }
0x211: {  	[sflag:s4] =	ssyncset.done $0x0  }
0x212: {  	[sflag:s4] =	ssyncadd.s32 $0xFFFF8000  }
0x213: {  	_ =	swait.ge [sflag:s4], $0x8000  }
0x214: {  	[sflag:s4] =	ssyncset.done $0x0  }
0x215: {  	s5 =	rddreg [dreg:$0x12];
	[sflag:s4] =	ssyncadd.s32 $0xFFFF8000  }
0x216: {  	[tilespmem:s2], [sflag:$0x1] =	stream.linear.gather [hbm4b:s5+s2], $0x8000, $0x38;
	[tilespmem:$0x10000] =	vst v63  }
0x217: {  	_ =	swait.ge [sflag:s15], $0x8000  }
0x218: {  	[sflag:s15] =	ssyncset.done $0x0  }
0x219: {  	s1 =	rddreg [dreg:$0x13];
	[sflag:s15] =	ssyncadd.s32 $0xFFFF8000  }
0x21a: {  	[hbm4b:s1+s2] =	stream.linear.scatter [tilespmem:s13], [sflag:$0x4], $0x8000, $0x38;
	[tilespmem:$0x10000] =	vst v63  }
0x21b: {  	s5 =	rddreg [dreg:$0x14]  }
0x21c: {  	[hbm4b:s5+s2] =	stream.linear.scatter [tilespmem:s13], [sflag:$0x4], $0x8000, $0x38;
	[tilespmem:$0x10000] =	vst v63  }
0x21d: {  	s1 =	rddreg [dreg:$0x15]  }
0x21e: {  	[hbm4b:s1+s2] =	stream.linear.scatter [tilespmem:s13], [sflag:$0x4], $0x8000, $0x38;
	[tilespmem:$0x10000] =	vst v63  }
0x21f: {  	s5 =	rddreg [dreg:$0x16]  }
0x220: {  	[hbm4b:s5+s2] =	stream.linear.scatter [tilespmem:s13], [sflag:$0x4], $0x8000, $0x38;
	[tilespmem:$0x10000] =	vst v63  }
0x221: {  	_ =	swait.ge [sflag:s3], $0x8000  }
0x222: {  	[sflag:s3] =	ssyncset.done $0x0  }
0x223: {  	[sflag:s3] =	ssyncadd.s32 $0xFFFF8000  }
0x224: {  	_ =	swait.ge [sflag:s3], $0x8000  }
0x225: {  	[sflag:s3] =	ssyncset.done $0x0  }
0x226: {  	[sflag:s3] =	ssyncadd.s32 $0xFFFF8000  }
0x227: {  	_ =	swait.ge [sflag:s3], $0x8000  }
0x228: {  	[sflag:s3] =	ssyncset.done $0x0  }
0x229: {  	[sflag:s3] =	ssyncadd.s32 $0xFFFF8000  }
0x22a: {  	_ =	swait.ge [sflag:s3], $0x8000  }
0x22b: {  	[sflag:s3] =	ssyncset.done $0x0  }
0x22c: {  	s5 =	rddreg [dreg:$0x17];
	[sflag:s3] =	ssyncadd.s32 $0xFFFF8000  }
0x22d: {  	[tilespmem:s13], [sflag:$0x2] =	stream.linear.gather [hbm4b:s5+s2], $0x8000, $0x38;
	[tilespmem:$0x10000] =	vst v63  }
0x22e: {  	_ =	swait.ge [sflag:s18], $0x8000  }
0x22f: {  	[sflag:s18] =	ssyncset.done $0x0  }
0x230: {  	s1 =	rddreg [dreg:$0x18];
	[sflag:s18] =	ssyncadd.s32 $0xFFFF8000  }
0x231: {  	[hbm4b:s1+s2] =	stream.linear.scatter [tilespmem:s2], [sflag:$0x3], $0x8000, $0x38;
	[tilespmem:$0x10000] =	vst v63  }
0x232: {  	s5 =	rddreg [dreg:$0x19]  }
0x233: {  	[hbm4b:s5+s2] =	stream.linear.scatter [tilespmem:s2], [sflag:$0x3], $0x8000, $0x38;
	[tilespmem:$0x10000] =	vst v63  }
0x234: {  	s1 =	rddreg [dreg:$0x1a]  }
0x235: {  	[hbm4b:s1+s2] =	stream.linear.scatter [tilespmem:s2], [sflag:$0x3], $0x8000, $0x38;
	[tilespmem:$0x10000] =	vst v63  }
0x236: {  	s5 =	rddreg [dreg:$0x1b]  }
0x237: {  	[hbm4b:s5+s2] =	stream.linear.scatter [tilespmem:s2], [sflag:$0x3], $0x8000, $0x38;
	[tilespmem:$0x10000] =	vst v63  }
0x238: {  	_ =	swait.ge [sflag:s4], $0x8000  }
0x239: {  	[sflag:s4] =	ssyncset.done $0x0  }
0x23a: {  	[sflag:s4] =	ssyncadd.s32 $0xFFFF8000  }
0x23b: {  	_ =	swait.ge [sflag:s4], $0x8000  }
0x23c: {  	[sflag:s4] =	ssyncset.done $0x0  }
0x23d: {  	[sflag:s4] =	ssyncadd.s32 $0xFFFF8000  }
0x23e: {  	_ =	swait.ge [sflag:s4], $0x8000  }
0x23f: {  	[sflag:s4] =	ssyncset.done $0x0  }
0x240: {  	[sflag:s4] =	ssyncadd.s32 $0xFFFF8000  }
0x241: {  	_ =	swait.ge [sflag:s4], $0x8000  }
0x242: {  	[sflag:s4] =	ssyncset.done $0x0  }
0x243: {  	s5 =	rddreg [dreg:$0x1c];
	[sflag:s4] =	ssyncadd.s32 $0xFFFF8000  }
0x244: {  	[tilespmem:s2], [sflag:$0x1] =	stream.linear.gather [hbm4b:s5+s2], $0x8000, $0x38;
	[tilespmem:$0x10000] =	vst v63  }
0x245: {  	_ =	swait.ge [sflag:s15], $0x8000  }
0x246: {  	s1 =	rddreg [dreg:$0x1d];
	[sflag:s15] =	ssyncset.done $0x0  }
0x247: {  	s5 =	rddreg [dreg:$0x1e];
	[sflag:s15] =	ssyncadd.s32 $0xFFFF8000  }
0x248: {  	[hbm4b:s1+s2] =	stream.linear.scatter [tilespmem:s13], [sflag:$0x4], $0x8000, $0x38;
	[tilespmem:$0x10000] =	vst v63  }
0x249: {  	s1 =	rddreg [dreg:$0x1f]  }
0x24a: {  	[hbm4b:s5+s2] =	stream.linear.scatter [tilespmem:s13], [sflag:$0x4], $0x8000, $0x38;
	[tilespmem:$0x10000] =	vst v63  }
0x24b: {  	s5 =	sld [smem:$0x7E2]  }
0x24c: {  	[hbm4b:s1+s2] =	stream.linear.scatter [tilespmem:s13], [sflag:$0x4], $0x8000, $0x38;
	[tilespmem:$0x10000] =	vst v63  }
0x24d: {  	_ = 	snop  }
0x24e: {  	[hbm4b:s5+s2] =	stream.linear.scatter [tilespmem:s13], [sflag:$0x4], $0x8000, $0x38;
	[tilespmem:$0x10000] =	vst v63  }
0x24f: {  	_ =	swait.ge [sflag:s3], $0x8000  }
0x250: {  	[sflag:s3] =	ssyncset.done $0x0  }
0x251: {  	[sflag:s3] =	ssyncadd.s32 $0xFFFF8000  }
0x252: {  	_ =	swait.ge [sflag:s3], $0x8000  }
0x253: {  	[sflag:s3] =	ssyncset.done $0x0  }
0x254: {  	[sflag:s3] =	ssyncadd.s32 $0xFFFF8000  }
0x255: {  	_ =	swait.ge [sflag:s3], $0x8000  }
0x256: {  	[sflag:s3] =	ssyncset.done $0x0  }
0x257: {  	[sflag:s3] =	ssyncadd.s32 $0xFFFF8000  }
0x258: {  	_ =	swait.ge [sflag:s3], $0x8000  }
0x259: {  	s5 =	sld [smem:$0x7E3]  }
0x25a: {  	[sflag:s3] =	ssyncset.done $0x0  }
0x25b: {  	[sflag:s3] =	ssyncadd.s32 $0xFFFF8000  }
0x25c: {  	[tilespmem:s13], [sflag:$0x2] =	stream.linear.gather [hbm4b:s5+s2], $0x8000, $0x38;
	[tilespmem:$0x10000] =	vst v63  }
0x25d: {  	_ =	swait.ge [sflag:s18], $0x8000  }
0x25e: {  	s1 =	sld [smem:$0x7E4]  }
0x25f: {  	[sflag:s18] =	ssyncset.done $0x0  }
0x260: {  	s5 =	sld [smem:$0x7E5];
	[sflag:s18] =	ssyncadd.s32 $0xFFFF8000  }
0x261: {  	[hbm4b:s1+s2] =	stream.linear.scatter [tilespmem:s2], [sflag:$0x3], $0x8000, $0x38;
	[tilespmem:$0x10000] =	vst v63  }
0x262: {  	s1 =	sld [smem:$0x7E6]  }
0x263: {  	[hbm4b:s5+s2] =	stream.linear.scatter [tilespmem:s2], [sflag:$0x3], $0x8000, $0x38;
	[tilespmem:$0x10000] =	vst v63  }
0x264: {  	s5 =	sld [smem:$0x7E7]  }
0x265: {  	[hbm4b:s1+s2] =	stream.linear.scatter [tilespmem:s2], [sflag:$0x3], $0x8000, $0x38;
	[tilespmem:$0x10000] =	vst v63  }
0x266: {  	_ = 	snop  }
0x267: {  	[hbm4b:s5+s2] =	stream.linear.scatter [tilespmem:s2], [sflag:$0x3], $0x8000, $0x38;
	[tilespmem:$0x10000] =	vst v63  }
0x268: {  	_ =	swait.ge [sflag:s4], $0x8000  }
0x269: {  	[sflag:s4] =	ssyncset.done $0x0  }
0x26a: {  	[sflag:s4] =	ssyncadd.s32 $0xFFFF8000  }
0x26b: {  	_ =	swait.ge [sflag:s4], $0x8000  }
0x26c: {  	[sflag:s4] =	ssyncset.done $0x0  }
0x26d: {  	[sflag:s4] =	ssyncadd.s32 $0xFFFF8000  }
0x26e: {  	_ =	swait.ge [sflag:s4], $0x8000  }
0x26f: {  	[sflag:s4] =	ssyncset.done $0x0  }
0x270: {  	[sflag:s4] =	ssyncadd.s32 $0xFFFF8000  }
0x271: {  	_ =	swait.ge [sflag:s4], $0x8000  }
0x272: {  	s5 =	sld [smem:$0x7E8]  }
0x273: {  	[sflag:s4] =	ssyncset.done $0x0  }
0x274: {  	[sflag:s4] =	ssyncadd.s32 $0xFFFF8000  }
0x275: {  	[tilespmem:s2], [sflag:$0x1] =	stream.linear.gather [hbm4b:s5+s2], $0x8000, $0x38;
	[tilespmem:$0x10000] =	vst v63  }
0x276: {  	_ =	swait.ge [sflag:s15], $0x8000  }
0x277: {  	s1 =	sld [smem:$0x7E9]  }
0x278: {  	[sflag:s15] =	ssyncset.done $0x0  }
0x279: {  	s5 =	sld [smem:$0x7EA];
	[sflag:s15] =	ssyncadd.s32 $0xFFFF8000  }
0x27a: {  	[hbm4b:s1+s2] =	stream.linear.scatter [tilespmem:s13], [sflag:$0x4], $0x8000, $0x38;
	[tilespmem:$0x10000] =	vst v63  }
0x27b: {  	s1 =	sld [smem:$0x7EB]  }
0x27c: {  	[hbm4b:s5+s2] =	stream.linear.scatter [tilespmem:s13], [sflag:$0x4], $0x8000, $0x38;
	[tilespmem:$0x10000] =	vst v63  }
0x27d: {  	s5 =	sld [smem:$0x7EC]  }
0x27e: {  	[hbm4b:s1+s2] =	stream.linear.scatter [tilespmem:s13], [sflag:$0x4], $0x8000, $0x38;
	[tilespmem:$0x10000] =	vst v63  }
0x27f: {  	_ = 	snop  }
0x280: {  	[hbm4b:s5+s2] =	stream.linear.scatter [tilespmem:s13], [sflag:$0x4], $0x8000, $0x38;
	[tilespmem:$0x10000] =	vst v63  }
0x281: {  	_ =	swait.ge [sflag:s3], $0x8000  }
0x282: {  	[sflag:s3] =	ssyncset.done $0x0  }
0x283: {  	[sflag:s3] =	ssyncadd.s32 $0xFFFF8000  }
0x284: {  	_ =	swait.ge [sflag:s3], $0x8000  }
0x285: {  	[sflag:s3] =	ssyncset.done $0x0  }
0x286: {  	[sflag:s3] =	ssyncadd.s32 $0xFFFF8000  }
0x287: {  	_ =	swait.ge [sflag:s3], $0x8000  }
0x288: {  	[sflag:s3] =	ssyncset.done $0x0  }
0x289: {  	[sflag:s3] =	ssyncadd.s32 $0xFFFF8000  }
0x28a: {  	_ =	swait.ge [sflag:s3], $0x8000  }
0x28b: {  	s5 =	sld [smem:$0x7ED]  }
0x28c: {  	[sflag:s3] =	ssyncset.done $0x0  }
0x28d: {  	[sflag:s3] =	ssyncadd.s32 $0xFFFF8000  }
0x28e: {  	[tilespmem:s13], [sflag:$0x2] =	stream.linear.gather [hbm4b:s5+s2], $0x8000, $0x38;
	[tilespmem:$0x10000] =	vst v63  }
0x28f: {  	_ =	swait.ge [sflag:s18], $0x8000  }
0x290: {  	s1 =	sld [smem:$0x7EE]  }
0x291: {  	[sflag:s18] =	ssyncset.done $0x0  }
0x292: {  	s5 =	sld [smem:$0x7EF];
	[sflag:s18] =	ssyncadd.s32 $0xFFFF8000  }
0x293: {  	[hbm4b:s1+s2] =	stream.linear.scatter [tilespmem:s2], [sflag:$0x3], $0x8000, $0x38;
	[tilespmem:$0x10000] =	vst v63  }
0x294: {  	s1 =	sld [smem:$0x7F0]  }
0x295: {  	[hbm4b:s5+s2] =	stream.linear.scatter [tilespmem:s2], [sflag:$0x3], $0x8000, $0x38;
	[tilespmem:$0x10000] =	vst v63  }
0x296: {  	s5 =	sld [smem:$0x7F1]  }
0x297: {  	[hbm4b:s1+s2] =	stream.linear.scatter [tilespmem:s2], [sflag:$0x3], $0x8000, $0x38;
	[tilespmem:$0x10000] =	vst v63  }
0x298: {  	_ = 	snop  }
0x299: {  	[hbm4b:s5+s2] =	stream.linear.scatter [tilespmem:s2], [sflag:$0x3], $0x8000, $0x38;
	[tilespmem:$0x10000] =	vst v63  }
0x29a: {  	_ =	swait.ge [sflag:s4], $0x8000  }
0x29b: {  	[sflag:s4] =	ssyncset.done $0x0  }
0x29c: {  	[sflag:s4] =	ssyncadd.s32 $0xFFFF8000  }
0x29d: {  	_ =	swait.ge [sflag:s4], $0x8000  }
0x29e: {  	[sflag:s4] =	ssyncset.done $0x0  }
0x29f: {  	[sflag:s4] =	ssyncadd.s32 $0xFFFF8000  }
0x2a0: {  	_ =	swait.ge [sflag:s4], $0x8000  }
0x2a1: {  	[sflag:s4] =	ssyncset.done $0x0  }
0x2a2: {  	[sflag:s4] =	ssyncadd.s32 $0xFFFF8000  }
0x2a3: {  	_ =	swait.ge [sflag:s4], $0x8000  }
0x2a4: {  	s5 =	sld [smem:$0x7F2]  }
0x2a5: {  	[sflag:s4] =	ssyncset.done $0x0  }
0x2a6: {  	[sflag:s4] =	ssyncadd.s32 $0xFFFF8000  }
0x2a7: {  	[tilespmem:s2], [sflag:$0x1] =	stream.linear.gather [hbm4b:s5+s2], $0x8000, $0x38;
	[tilespmem:$0x10000] =	vst v63  }
0x2a8: {  	_ =	swait.ge [sflag:s15], $0x8000  }
0x2a9: {  	s1 =	sld [smem:$0x7F3]  }
0x2aa: {  	[sflag:s15] =	ssyncset.done $0x0  }
0x2ab: {  	s5 =	sld [smem:$0x7F4];
	[sflag:s15] =	ssyncadd.s32 $0xFFFF8000  }
0x2ac: {  	[hbm4b:s1+s2] =	stream.linear.scatter [tilespmem:s13], [sflag:$0x4], $0x8000, $0x38;
	[tilespmem:$0x10000] =	vst v63  }
0x2ad: {  	s1 =	sld [smem:$0x7F5]  }
0x2ae: {  	[hbm4b:s5+s2] =	stream.linear.scatter [tilespmem:s13], [sflag:$0x4], $0x8000, $0x38;
	[tilespmem:$0x10000] =	vst v63  }
0x2af: {  	s5 =	sld [smem:$0x7F6]  }
0x2b0: {  	[hbm4b:s1+s2] =	stream.linear.scatter [tilespmem:s13], [sflag:$0x4], $0x8000, $0x38;
	[tilespmem:$0x10000] =	vst v63  }
0x2b1: {  	_ = 	snop  }
0x2b2: {  	[hbm4b:s5+s2] =	stream.linear.scatter [tilespmem:s13], [sflag:$0x4], $0x8000, $0x38;
	[tilespmem:$0x10000] =	vst v63  }
0x2b3: {  	_ =	swait.ge [sflag:s3], $0x8000  }
0x2b4: {  	[sflag:s3] =	ssyncset.done $0x0  }
0x2b5: {  	[sflag:s3] =	ssyncadd.s32 $0xFFFF8000  }
0x2b6: {  	_ =	swait.ge [sflag:s3], $0x8000  }
0x2b7: {  	[sflag:s3] =	ssyncset.done $0x0  }
0x2b8: {  	[sflag:s3] =	ssyncadd.s32 $0xFFFF8000  }
0x2b9: {  	_ =	swait.ge [sflag:s3], $0x8000  }
0x2ba: {  	[sflag:s3] =	ssyncset.done $0x0  }
0x2bb: {  	[sflag:s3] =	ssyncadd.s32 $0xFFFF8000  }
0x2bc: {  	_ =	swait.ge [sflag:s3], $0x8000  }
0x2bd: {  	s5 =	sld [smem:$0x7F7]  }
0x2be: {  	[sflag:s3] =	ssyncset.done $0x0  }
0x2bf: {  	[sflag:s3] =	ssyncadd.s32 $0xFFFF8000  }
0x2c0: {  	[tilespmem:s13], [sflag:$0x2] =	stream.linear.gather [hbm4b:s5+s2], $0x8000, $0x38;
	[tilespmem:$0x10000] =	vst v63  }
0x2c1: {  	_ =	swait.ge [sflag:s18], $0x8000  }
0x2c2: {  	s1 =	sld [smem:$0x7F8]  }
0x2c3: {  	[sflag:s18] =	ssyncset.done $0x0  }
0x2c4: {  	s5 =	sld [smem:$0x7F9];
	[sflag:s18] =	ssyncadd.s32 $0xFFFF8000  }
0x2c5: {  	[hbm4b:s1+s2] =	stream.linear.scatter [tilespmem:s2], [sflag:$0x3], $0x8000, $0x38;
	[tilespmem:$0x10000] =	vst v63  }
0x2c6: {  	s1 =	sld [smem:$0x7FA]  }
0x2c7: {  	[hbm4b:s5+s2] =	stream.linear.scatter [tilespmem:s2], [sflag:$0x3], $0x8000, $0x38;
	[tilespmem:$0x10000] =	vst v63  }
0x2c8: {  	s5 =	sld [smem:$0x7FB]  }
0x2c9: {  	[hbm4b:s1+s2] =	stream.linear.scatter [tilespmem:s2], [sflag:$0x3], $0x8000, $0x38;
	[tilespmem:$0x10000] =	vst v63  }
0x2ca: {  	_ = 	snop  }
0x2cb: {  	[hbm4b:s5+s2] =	stream.linear.scatter [tilespmem:s2], [sflag:$0x3], $0x8000, $0x38;
	[tilespmem:$0x10000] =	vst v63  }
0x2cc: {  	_ =	swait.ge [sflag:s4], $0x8000  }
0x2cd: {  	[sflag:s4] =	ssyncset.done $0x0  }
0x2ce: {  	[sflag:s4] =	ssyncadd.s32 $0xFFFF8000  }
0x2cf: {  	_ =	swait.ge [sflag:s4], $0x8000  }
0x2d0: {  	[sflag:s4] =	ssyncset.done $0x0  }
0x2d1: {  	[sflag:s4] =	ssyncadd.s32 $0xFFFF8000  }
0x2d2: {  	_ =	swait.ge [sflag:s4], $0x8000  }
0x2d3: {  	[sflag:s4] =	ssyncset.done $0x0  }
0x2d4: {  	s5 =	smov.u32 s6;
	[sflag:s4] =	ssyncadd.s32 $0xFFFF8000  }
0x2d5: {  	s6 =	smov.u32 s7;
	s7 =	smov.u32 s8;
	_ =	swait.ge [sflag:s4], $0x8000  }
0x2d6: {  	s8 =	smov.u32 s9;
	s9 =	smov.u32 s10;
	s1 =	sld [smem:$0x7FC]  }
0x2d7: {  	s10 =	smov.u32 s11;
	s11 =	smov.u32 s12;
	[sflag:s4] =	ssyncset.done $0x0  }
0x2d8: {  	s12 =	smov.u32 s14;
	s14 =	smov.u32 s16;
	[sflag:s4] =	ssyncadd.s32 $0xFFFF8000  }
0x2d9: {  	[tilespmem:s2], [sflag:$0x1] =	stream.linear.gather [hbm4b:s1+s2], $0x8000, $0x38;
	[tilespmem:$0x10000] =	vst v63  }
0x2da: {  	s16 =	smov.u32 s17;
	s17 =	smov.u32 s19;
	_ =	swait.ge [sflag:s15], $0x8000  }
0x2db: {  	s19 =	smov.u32 s20;
	s20 =	smov.u32 s21;
	s1 =	sld [smem:$0x7FD]  }
0x2dc: {  	s21 =	smov.u32 s22;
	s22 =	smov.u32 s23;
	[sflag:s15] =	ssyncset.done $0x0  }
0x2dd: {  	s23 =	smov.u32 s24;
	s24 =	smov.u32 s25;
	[sflag:s15] =	ssyncadd.s32 $0xFFFF8000  }
0x2de: {  	[hbm4b:s1+s2] =	stream.linear.scatter [tilespmem:s13], [sflag:$0x4], $0x8000, $0x38;
	[tilespmem:$0x10000] =	vst v63  }
0x2df: {  	s25 =	smov.u32 s26;
	s26 =	smov.u32 s28;
	s28 =	smov.u32 s29  }
0x2e0: {  	[hbm4b:s28+s2] =	stream.linear.scatter [tilespmem:s13], [sflag:$0x4], $0x8000, $0x38;
	[tilespmem:$0x10000] =	vst v63  }
0x2e1: {  	s29 =	smov.u32 s30  }
0x2e2: {  	[hbm4b:s29+s2] =	stream.linear.scatter [tilespmem:s13], [sflag:$0x4], $0x8000, $0x38;
	[tilespmem:$0x10000] =	vst v63  }
0x2e3: {  	_ = 	snop  }
0x2e4: {  	[hbm4b:s31+s2] =	stream.linear.scatter [tilespmem:s13], [sflag:$0x4], $0x8000, $0x38;
	[tilespmem:$0x10000] =	vst v63  }
0x2e5: {  	_ =	swait.ge [sflag:s3], $0x8000  }
0x2e6: {  	[sflag:s3] =	ssyncset.done $0x0  }
0x2e7: {  	[sflag:s3] =	ssyncadd.s32 $0xFFFF8000  }
0x2e8: {  	_ =	swait.ge [sflag:s3], $0x8000  }
0x2e9: {  	[sflag:s3] =	ssyncset.done $0x0  }
0x2ea: {  	[sflag:s3] =	ssyncadd.s32 $0xFFFF8000  }
0x2eb: {  	_ =	swait.ge [sflag:s3], $0x8000  }
0x2ec: {  	[sflag:s3] =	ssyncset.done $0x0  }
0x2ed: {  	[sflag:s3] =	ssyncadd.s32 $0xFFFF8000  }
0x2ee: {  	_ =	swait.ge [sflag:s3], $0x8000  }
0x2ef: {  	[sflag:s3] =	ssyncset.done $0x0  }
0x2f0: {  	[sflag:s3] =	ssyncadd.s32 $0xFFFF8000  }
0x2f1: {  	[tilespmem:s13], [sflag:$0x2] =	stream.linear.gather [hbm4b:s26+s2], $0x8000, $0x38;
	[tilespmem:$0x10000] =	vst v63  }
0x2f2: {  	_ =	swait.ge [sflag:s18], $0x8000  }
0x2f3: {  	[sflag:s18] =	ssyncset.done $0x0  }
0x2f4: {  	[sflag:s18] =	ssyncadd.s32 $0xFFFF8000  }
0x2f5: {  	[hbm4b:s22+s2] =	stream.linear.scatter [tilespmem:s2], [sflag:$0x3], $0x8000, $0x38;
	[tilespmem:$0x10000] =	vst v63  }
0x2f6: {  	_ = 	snop  }
0x2f7: {  	[hbm4b:s23+s2] =	stream.linear.scatter [tilespmem:s2], [sflag:$0x3], $0x8000, $0x38;
	[tilespmem:$0x10000] =	vst v63  }
0x2f8: {  	_ = 	snop  }
0x2f9: {  	[hbm4b:s24+s2] =	stream.linear.scatter [tilespmem:s2], [sflag:$0x3], $0x8000, $0x38;
	[tilespmem:$0x10000] =	vst v63  }
0x2fa: {  	_ = 	snop  }
0x2fb: {  	[hbm4b:s25+s2] =	stream.linear.scatter [tilespmem:s2], [sflag:$0x3], $0x8000, $0x38;
	[tilespmem:$0x10000] =	vst v63  }
0x2fc: {  	_ =	swait.ge [sflag:s4], $0x8000  }
0x2fd: {  	[sflag:s4] =	ssyncset.done $0x0  }
0x2fe: {  	[sflag:s4] =	ssyncadd.s32 $0xFFFF8000  }
0x2ff: {  	_ =	swait.ge [sflag:s4], $0x8000  }
0x300: {  	[sflag:s4] =	ssyncset.done $0x0  }
0x301: {  	[sflag:s4] =	ssyncadd.s32 $0xFFFF8000  }
0x302: {  	_ =	swait.ge [sflag:s4], $0x8000  }
0x303: {  	[sflag:s4] =	ssyncset.done $0x0  }
0x304: {  	[sflag:s4] =	ssyncadd.s32 $0xFFFF8000  }
0x305: {  	_ =	swait.ge [sflag:s4], $0x8000  }
0x306: {  	[sflag:s4] =	ssyncset.done $0x0  }
0x307: {  	[sflag:s4] =	ssyncadd.s32 $0xFFFF8000  }
0x308: {  	[tilespmem:s2], [sflag:$0x1] =	stream.linear.gather [hbm4b:s21+s2], $0x8000, $0x38;
	[tilespmem:$0x10000] =	vst v63  }
0x309: {  	_ =	swait.ge [sflag:s15], $0x8000  }
0x30a: {  	[sflag:s15] =	ssyncset.done $0x0  }
0x30b: {  	[sflag:s15] =	ssyncadd.s32 $0xFFFF8000  }
0x30c: {  	[hbm4b:s16+s2] =	stream.linear.scatter [tilespmem:s13], [sflag:$0x4], $0x8000, $0x38;
	[tilespmem:$0x10000] =	vst v63  }
0x30d: {  	_ = 	snop  }
0x30e: {  	[hbm4b:s17+s2] =	stream.linear.scatter [tilespmem:s13], [sflag:$0x4], $0x8000, $0x38;
	[tilespmem:$0x10000] =	vst v63  }
0x30f: {  	_ = 	snop  }
0x310: {  	[hbm4b:s19+s2] =	stream.linear.scatter [tilespmem:s13], [sflag:$0x4], $0x8000, $0x38;
	[tilespmem:$0x10000] =	vst v63  }
0x311: {  	_ = 	snop  }
0x312: {  	[hbm4b:s20+s2] =	stream.linear.scatter [tilespmem:s13], [sflag:$0x4], $0x8000, $0x38;
	[tilespmem:$0x10000] =	vst v63  }
0x313: {  	_ =	swait.ge [sflag:s3], $0x8000  }
0x314: {  	[sflag:s3] =	ssyncset.done $0x0  }
0x315: {  	[sflag:s3] =	ssyncadd.s32 $0xFFFF8000  }
0x316: {  	_ =	swait.ge [sflag:s3], $0x8000  }
0x317: {  	[sflag:s3] =	ssyncset.done $0x0  }
0x318: {  	[sflag:s3] =	ssyncadd.s32 $0xFFFF8000  }
0x319: {  	_ =	swait.ge [sflag:s3], $0x8000  }
0x31a: {  	[sflag:s3] =	ssyncset.done $0x0  }
0x31b: {  	[sflag:s3] =	ssyncadd.s32 $0xFFFF8000  }
0x31c: {  	_ =	swait.ge [sflag:s3], $0x8000  }
0x31d: {  	[sflag:s3] =	ssyncset.done $0x0  }
0x31e: {  	[sflag:s3] =	ssyncadd.s32 $0xFFFF8000  }
0x31f: {  	[tilespmem:s13], [sflag:$0x2] =	stream.linear.gather [hbm4b:s14+s2], $0x8000, $0x38;
	[tilespmem:$0x10000] =	vst v63  }
0x320: {  	_ =	swait.ge [sflag:s18], $0x8000  }
0x321: {  	[sflag:s18] =	ssyncset.done $0x0  }
0x322: {  	[sflag:s18] =	ssyncadd.s32 $0xFFFF8000  }
0x323: {  	[hbm4b:s8+s2] =	stream.linear.scatter [tilespmem:s2], [sflag:$0x3], $0x8000, $0x38;
	[tilespmem:$0x10000] =	vst v63  }
0x324: {  	_ = 	snop  }
0x325: {  	[hbm4b:s9+s2] =	stream.linear.scatter [tilespmem:s2], [sflag:$0x3], $0x8000, $0x38;
	[tilespmem:$0x10000] =	vst v63  }
0x326: {  	_ = 	snop  }
0x327: {  	[hbm4b:s10+s2] =	stream.linear.scatter [tilespmem:s2], [sflag:$0x3], $0x8000, $0x38;
	[tilespmem:$0x10000] =	vst v63  }
0x328: {  	_ = 	snop  }
0x329: {  	[hbm4b:s11+s2] =	stream.linear.scatter [tilespmem:s2], [sflag:$0x3], $0x8000, $0x38;
	[tilespmem:$0x10000] =	vst v63  }
0x32a: {  	_ =	swait.ge [sflag:s15], $0x8000  }
0x32b: {  	[sflag:s15] =	ssyncset.done $0x0  }
0x32c: {  	[sflag:s15] =	ssyncadd.s32 $0xFFFF8000  }
0x32d: {  	[hbm4b:s5+s2] =	stream.linear.scatter [tilespmem:s13], [sflag:$0x4], $0x8000, $0x38;
	[tilespmem:$0x10000] =	vst v63  }
0x32e: {  	_ = 	snop  }
0x32f: {  	[hbm4b:s6+s2] =	stream.linear.scatter [tilespmem:s13], [sflag:$0x4], $0x8000, $0x38;
	[tilespmem:$0x10000] =	vst v63  }
0x330: {  	_ = 	snop  }
0x331: {  	[hbm4b:s7+s2] =	stream.linear.scatter [tilespmem:s13], [sflag:$0x4], $0x8000, $0x38;
	[tilespmem:$0x10000] =	vst v63  }
0x332: {  	_ = 	snop  }
0x333: {  	[hbm4b:s12+s2] =	stream.linear.scatter [tilespmem:s13], [sflag:$0x4], $0x8000, $0x38;
	[tilespmem:$0x10000] =	vst v63  }
0x334: {  	_ =	swait.ge [sflag:s4], $0x8000  }
0x335: {  	[sflag:s4] =	ssyncset.done $0x0  }
0x336: {  	[sflag:s4] =	ssyncadd.s32 $0xFFFF8000  }
0x337: {  	_ =	swait.ge [sflag:s4], $0x8000  }
0x338: {  	[sflag:s4] =	ssyncset.done $0x0  }
0x339: {  	[sflag:s4] =	ssyncadd.s32 $0xFFFF8000  }
0x33a: {  	_ =	swait.ge [sflag:s4], $0x8000  }
0x33b: {  	[sflag:s4] =	ssyncset.done $0x0  }
0x33c: {  	[sflag:s4] =	ssyncadd.s32 $0xFFFF8000  }
0x33d: {  	_ =	swait.ge [sflag:s4], $0x8000  }
0x33e: {  	[sflag:s4] =	ssyncset.done $0x0  }
0x33f: {  	[sflag:s4] =	ssyncadd.s32 $0xFFFF8000  }
0x340: {  	_ =	swait.ge [sflag:s3], $0x8000  }
0x341: {  	[sflag:s3] =	ssyncset.done $0x0  }
0x342: {  	[sflag:s3] =	ssyncadd.s32 $0xFFFF8000  }
0x343: {  	_ =	swait.ge [sflag:s3], $0x8000  }
0x344: {  	[sflag:s3] =	ssyncset.done $0x0  }
0x345: {  	p1 =	sne.s32 s0, $0x1;
	[sflag:s3] =	ssyncadd.s32 $0xFFFF8000  }
.Ltmp2:
0x346: {  	_ =	swait.ge [sflag:s3], $0x8000;
	(pc) =	sbr.rel @p1 .LBB2_3-.Ltmp2, $4  }
0x347: {  	[sflag:s3] =	ssyncset.done $0x0  }
0x348: {  	[sflag:s3] =	ssyncadd.s32 $0xFFFF8000  }
0x349: {  	s0 =	sadd.s32 $0xFFFFFFFF, s0;
	_ =	swait.ge [sflag:s3], $0x8000  }
0x34a: {  	s30 =	smov.u32 s31;
	s1 =	rddreg [dreg:$0x3];
	[sflag:s3] =	ssyncset.done $0x0  }
0x34b: {  	s31 =	sld [smem:$0x7E1]  }
.LBB2_5:
0x34c: {  	[sflag:s3] =	ssyncadd.s32 @p0 $0xFFFF8000  }
0x34d: {  	[tilespmem:s2], [sflag:$0x1] =	stream.linear.gather [hbm4b:s1+s2], $0x8000, $0x38;
	[tilespmem:$0x10000] =	vst v63  }
0x34e: {  	s0 =	rddreg [dreg:$0x4]  }
0x34f: {  	[tilespmem:s13], [sflag:$0x2] =	stream.linear.gather [hbm4b:s0+s2], $0x8000, $0x38;
	[tilespmem:$0x10000] =	vst v63  }
0x350: {  	_ =	swait.ge [sflag:s18], $0x8000  }
0x351: {  	[sflag:s18] =	ssyncset.done $0x0  }
0x352: {  	[sflag:s18] =	ssyncadd.s32 $0xFFFF8000  }
0x353: {  	[hbm4b:s31+s2] =	stream.linear.scatter [tilespmem:s2], [sflag:$0x3], $0x8000, $0x38;
	[tilespmem:$0x10000] =	vst v63  }
0x354: {  	s0 =	rddreg [dreg:$0x5]  }
0x355: {  	[hbm4b:s0+s2] =	stream.linear.scatter [tilespmem:s2], [sflag:$0x3], $0x8000, $0x38;
	[tilespmem:$0x10000] =	vst v63  }
0x356: {  	s1 =	rddreg [dreg:$0x6]  }
0x357: {  	[hbm4b:s1+s2] =	stream.linear.scatter [tilespmem:s2], [sflag:$0x3], $0x8000, $0x38;
	[tilespmem:$0x10000] =	vst v63  }
0x358: {  	s31 =	rddreg [dreg:$0x7]  }
0x359: {  	[hbm4b:s31+s2] =	stream.linear.scatter [tilespmem:s2], [sflag:$0x3], $0x8000, $0x38;
	[tilespmem:$0x10000] =	vst v63  }
0x35a: {  	_ =	swait.ge [sflag:s4], $0x8000  }
0x35b: {  	[sflag:s4] =	ssyncset.done $0x0  }
0x35c: {  	[sflag:s4] =	ssyncadd.s32 $0xFFFF8000  }
0x35d: {  	_ =	swait.ge [sflag:s4], $0x8000  }
0x35e: {  	[sflag:s4] =	ssyncset.done $0x0  }
0x35f: {  	[sflag:s4] =	ssyncadd.s32 $0xFFFF8000  }
0x360: {  	_ =	swait.ge [sflag:s4], $0x8000  }
0x361: {  	[sflag:s4] =	ssyncset.done $0x0  }
0x362: {  	[sflag:s4] =	ssyncadd.s32 $0xFFFF8000  }
0x363: {  	_ =	swait.ge [sflag:s4], $0x8000  }
0x364: {  	[sflag:s4] =	ssyncset.done $0x0  }
0x365: {  	s31 =	rddreg [dreg:$0x8];
	[sflag:s4] =	ssyncadd.s32 $0xFFFF8000  }
0x366: {  	[tilespmem:s2], [sflag:$0x1] =	stream.linear.gather [hbm4b:s31+s2], $0x8000, $0x38;
	[tilespmem:$0x10000] =	vst v63  }
0x367: {  	_ =	swait.ge [sflag:s15], $0x8000  }
0x368: {  	[sflag:s15] =	ssyncset.done $0x0  }
0x369: {  	s1 =	rddreg [dreg:$0x9];
	[sflag:s15] =	ssyncadd.s32 $0xFFFF8000  }
0x36a: {  	[hbm4b:s1+s2] =	stream.linear.scatter [tilespmem:s13], [sflag:$0x4], $0x8000, $0x38;
	[tilespmem:$0x10000] =	vst v63  }
0x36b: {  	s31 =	rddreg [dreg:$0xa]  }
0x36c: {  	[hbm4b:s31+s2] =	stream.linear.scatter [tilespmem:s13], [sflag:$0x4], $0x8000, $0x38;
	[tilespmem:$0x10000] =	vst v63  }
0x36d: {  	s0 =	rddreg [dreg:$0xb]  }
0x36e: {  	[hbm4b:s0+s2] =	stream.linear.scatter [tilespmem:s13], [sflag:$0x4], $0x8000, $0x38;
	[tilespmem:$0x10000] =	vst v63  }
0x36f: {  	s31 =	rddreg [dreg:$0xc]  }
0x370: {  	[hbm4b:s31+s2] =	stream.linear.scatter [tilespmem:s13], [sflag:$0x4], $0x8000, $0x38;
	[tilespmem:$0x10000] =	vst v63  }
0x371: {  	_ =	swait.ge [sflag:s3], $0x8000  }
0x372: {  	[sflag:s3] =	ssyncset.done $0x0  }
0x373: {  	[sflag:s3] =	ssyncadd.s32 $0xFFFF8000  }
0x374: {  	_ =	swait.ge [sflag:s3], $0x8000  }
0x375: {  	[sflag:s3] =	ssyncset.done $0x0  }
0x376: {  	[sflag:s3] =	ssyncadd.s32 $0xFFFF8000  }
0x377: {  	_ =	swait.ge [sflag:s3], $0x8000  }
0x378: {  	[sflag:s3] =	ssyncset.done $0x0  }
0x379: {  	[sflag:s3] =	ssyncadd.s32 $0xFFFF8000  }
0x37a: {  	_ =	swait.ge [sflag:s3], $0x8000  }
0x37b: {  	[sflag:s3] =	ssyncset.done $0x0  }
0x37c: {  	s31 =	rddreg [dreg:$0xd];
	[sflag:s3] =	ssyncadd.s32 $0xFFFF8000  }
0x37d: {  	[tilespmem:s13], [sflag:$0x2] =	stream.linear.gather [hbm4b:s31+s2], $0x8000, $0x38;
	[tilespmem:$0x10000] =	vst v63  }
0x37e: {  	_ =	swait.ge [sflag:s18], $0x8000  }
0x37f: {  	[sflag:s18] =	ssyncset.done $0x0  }
0x380: {  	s1 =	rddreg [dreg:$0xe];
	[sflag:s18] =	ssyncadd.s32 $0xFFFF8000  }
0x381: {  	[hbm4b:s1+s2] =	stream.linear.scatter [tilespmem:s2], [sflag:$0x3], $0x8000, $0x38;
	[tilespmem:$0x10000] =	vst v63  }
0x382: {  	s31 =	rddreg [dreg:$0xf]  }
0x383: {  	[hbm4b:s31+s2] =	stream.linear.scatter [tilespmem:s2], [sflag:$0x3], $0x8000, $0x38;
	[tilespmem:$0x10000] =	vst v63  }
0x384: {  	s0 =	rddreg [dreg:$0x10]  }
0x385: {  	[hbm4b:s0+s2] =	stream.linear.scatter [tilespmem:s2], [sflag:$0x3], $0x8000, $0x38;
	[tilespmem:$0x10000] =	vst v63  }
0x386: {  	s31 =	rddreg [dreg:$0x11]  }
0x387: {  	[hbm4b:s31+s2] =	stream.linear.scatter [tilespmem:s2], [sflag:$0x3], $0x8000, $0x38;
	[tilespmem:$0x10000] =	vst v63  }
0x388: {  	_ =	swait.ge [sflag:s4], $0x8000  }
0x389: {  	[sflag:s4] =	ssyncset.done $0x0  }
0x38a: {  	[sflag:s4] =	ssyncadd.s32 $0xFFFF8000  }
0x38b: {  	_ =	swait.ge [sflag:s4], $0x8000  }
0x38c: {  	[sflag:s4] =	ssyncset.done $0x0  }
0x38d: {  	[sflag:s4] =	ssyncadd.s32 $0xFFFF8000  }
0x38e: {  	_ =	swait.ge [sflag:s4], $0x8000  }
0x38f: {  	[sflag:s4] =	ssyncset.done $0x0  }
0x390: {  	[sflag:s4] =	ssyncadd.s32 $0xFFFF8000  }
0x391: {  	_ =	swait.ge [sflag:s4], $0x8000  }
0x392: {  	[sflag:s4] =	ssyncset.done $0x0  }
0x393: {  	s31 =	rddreg [dreg:$0x12];
	[sflag:s4] =	ssyncadd.s32 $0xFFFF8000  }
0x394: {  	[tilespmem:s2], [sflag:$0x1] =	stream.linear.gather [hbm4b:s31+s2], $0x8000, $0x38;
	[tilespmem:$0x10000] =	vst v63  }
0x395: {  	_ =	swait.ge [sflag:s15], $0x8000  }
0x396: {  	[sflag:s15] =	ssyncset.done $0x0  }
0x397: {  	s1 =	rddreg [dreg:$0x13];
	[sflag:s15] =	ssyncadd.s32 $0xFFFF8000  }
0x398: {  	[hbm4b:s1+s2] =	stream.linear.scatter [tilespmem:s13], [sflag:$0x4], $0x8000, $0x38;
	[tilespmem:$0x10000] =	vst v63  }
0x399: {  	s31 =	rddreg [dreg:$0x14]  }
0x39a: {  	[hbm4b:s31+s2] =	stream.linear.scatter [tilespmem:s13], [sflag:$0x4], $0x8000, $0x38;
	[tilespmem:$0x10000] =	vst v63  }
0x39b: {  	s0 =	rddreg [dreg:$0x15]  }
0x39c: {  	[hbm4b:s0+s2] =	stream.linear.scatter [tilespmem:s13], [sflag:$0x4], $0x8000, $0x38;
	[tilespmem:$0x10000] =	vst v63  }
0x39d: {  	s31 =	rddreg [dreg:$0x16]  }
0x39e: {  	[hbm4b:s31+s2] =	stream.linear.scatter [tilespmem:s13], [sflag:$0x4], $0x8000, $0x38;
	[tilespmem:$0x10000] =	vst v63  }
0x39f: {  	_ =	swait.ge [sflag:s3], $0x8000  }
0x3a0: {  	[sflag:s3] =	ssyncset.done $0x0  }
0x3a1: {  	[sflag:s3] =	ssyncadd.s32 $0xFFFF8000  }
0x3a2: {  	_ =	swait.ge [sflag:s3], $0x8000  }
0x3a3: {  	[sflag:s3] =	ssyncset.done $0x0  }
0x3a4: {  	[sflag:s3] =	ssyncadd.s32 $0xFFFF8000  }
0x3a5: {  	_ =	swait.ge [sflag:s3], $0x8000  }
0x3a6: {  	[sflag:s3] =	ssyncset.done $0x0  }
0x3a7: {  	[sflag:s3] =	ssyncadd.s32 $0xFFFF8000  }
0x3a8: {  	_ =	swait.ge [sflag:s3], $0x8000  }
0x3a9: {  	[sflag:s3] =	ssyncset.done $0x0  }
0x3aa: {  	s31 =	rddreg [dreg:$0x17];
	[sflag:s3] =	ssyncadd.s32 $0xFFFF8000  }
0x3ab: {  	[tilespmem:s13], [sflag:$0x2] =	stream.linear.gather [hbm4b:s31+s2], $0x8000, $0x38;
	[tilespmem:$0x10000] =	vst v63  }
0x3ac: {  	_ =	swait.ge [sflag:s18], $0x8000  }
0x3ad: {  	[sflag:s18] =	ssyncset.done $0x0  }
0x3ae: {  	s1 =	rddreg [dreg:$0x18];
	[sflag:s18] =	ssyncadd.s32 $0xFFFF8000  }
0x3af: {  	[hbm4b:s1+s2] =	stream.linear.scatter [tilespmem:s2], [sflag:$0x3], $0x8000, $0x38;
	[tilespmem:$0x10000] =	vst v63  }
0x3b0: {  	s31 =	rddreg [dreg:$0x19]  }
0x3b1: {  	[hbm4b:s31+s2] =	stream.linear.scatter [tilespmem:s2], [sflag:$0x3], $0x8000, $0x38;
	[tilespmem:$0x10000] =	vst v63  }
0x3b2: {  	s0 =	rddreg [dreg:$0x1a]  }
0x3b3: {  	[hbm4b:s0+s2] =	stream.linear.scatter [tilespmem:s2], [sflag:$0x3], $0x8000, $0x38;
	[tilespmem:$0x10000] =	vst v63  }
0x3b4: {  	s31 =	rddreg [dreg:$0x1b]  }
0x3b5: {  	[hbm4b:s31+s2] =	stream.linear.scatter [tilespmem:s2], [sflag:$0x3], $0x8000, $0x38;
	[tilespmem:$0x10000] =	vst v63  }
0x3b6: {  	_ =	swait.ge [sflag:s4], $0x8000  }
0x3b7: {  	[sflag:s4] =	ssyncset.done $0x0  }
0x3b8: {  	[sflag:s4] =	ssyncadd.s32 $0xFFFF8000  }
0x3b9: {  	_ =	swait.ge [sflag:s4], $0x8000  }
0x3ba: {  	[sflag:s4] =	ssyncset.done $0x0  }
0x3bb: {  	[sflag:s4] =	ssyncadd.s32 $0xFFFF8000  }
0x3bc: {  	_ =	swait.ge [sflag:s4], $0x8000  }
0x3bd: {  	[sflag:s4] =	ssyncset.done $0x0  }
0x3be: {  	[sflag:s4] =	ssyncadd.s32 $0xFFFF8000  }
0x3bf: {  	_ =	swait.ge [sflag:s4], $0x8000  }
0x3c0: {  	[sflag:s4] =	ssyncset.done $0x0  }
0x3c1: {  	s31 =	rddreg [dreg:$0x1c];
	[sflag:s4] =	ssyncadd.s32 $0xFFFF8000  }
0x3c2: {  	[tilespmem:s2], [sflag:$0x1] =	stream.linear.gather [hbm4b:s31+s2], $0x8000, $0x38;
	[tilespmem:$0x10000] =	vst v63  }
0x3c3: {  	_ =	swait.ge [sflag:s15], $0x8000  }
0x3c4: {  	s1 =	rddreg [dreg:$0x1d];
	[sflag:s15] =	ssyncset.done $0x0  }
0x3c5: {  	s31 =	rddreg [dreg:$0x1e];
	[sflag:s15] =	ssyncadd.s32 $0xFFFF8000  }
0x3c6: {  	[hbm4b:s1+s2] =	stream.linear.scatter [tilespmem:s13], [sflag:$0x4], $0x8000, $0x38;
	[tilespmem:$0x10000] =	vst v63  }
0x3c7: {  	s0 =	rddreg [dreg:$0x1f]  }
0x3c8: {  	[hbm4b:s31+s2] =	stream.linear.scatter [tilespmem:s13], [sflag:$0x4], $0x8000, $0x38;
	[tilespmem:$0x10000] =	vst v63  }
0x3c9: {  	s31 =	sld [smem:$0x7E2]  }
0x3ca: {  	[hbm4b:s0+s2] =	stream.linear.scatter [tilespmem:s13], [sflag:$0x4], $0x8000, $0x38;
	[tilespmem:$0x10000] =	vst v63  }
0x3cb: {  	_ = 	snop  }
0x3cc: {  	[hbm4b:s31+s2] =	stream.linear.scatter [tilespmem:s13], [sflag:$0x4], $0x8000, $0x38;
	[tilespmem:$0x10000] =	vst v63  }
0x3cd: {  	_ =	swait.ge [sflag:s3], $0x8000  }
0x3ce: {  	[sflag:s3] =	ssyncset.done $0x0  }
0x3cf: {  	[sflag:s3] =	ssyncadd.s32 $0xFFFF8000  }
0x3d0: {  	_ =	swait.ge [sflag:s3], $0x8000  }
0x3d1: {  	[sflag:s3] =	ssyncset.done $0x0  }
0x3d2: {  	[sflag:s3] =	ssyncadd.s32 $0xFFFF8000  }
0x3d3: {  	_ =	swait.ge [sflag:s3], $0x8000  }
0x3d4: {  	[sflag:s3] =	ssyncset.done $0x0  }
0x3d5: {  	[sflag:s3] =	ssyncadd.s32 $0xFFFF8000  }
0x3d6: {  	_ =	swait.ge [sflag:s3], $0x8000  }
0x3d7: {  	s31 =	sld [smem:$0x7E3]  }
0x3d8: {  	[sflag:s3] =	ssyncset.done $0x0  }
0x3d9: {  	[sflag:s3] =	ssyncadd.s32 $0xFFFF8000  }
0x3da: {  	[tilespmem:s13], [sflag:$0x2] =	stream.linear.gather [hbm4b:s31+s2], $0x8000, $0x38;
	[tilespmem:$0x10000] =	vst v63  }
0x3db: {  	_ =	swait.ge [sflag:s18], $0x8000  }
0x3dc: {  	s1 =	sld [smem:$0x7E4]  }
0x3dd: {  	[sflag:s18] =	ssyncset.done $0x0  }
0x3de: {  	s31 =	sld [smem:$0x7E5];
	[sflag:s18] =	ssyncadd.s32 $0xFFFF8000  }
0x3df: {  	[hbm4b:s1+s2] =	stream.linear.scatter [tilespmem:s2], [sflag:$0x3], $0x8000, $0x38;
	[tilespmem:$0x10000] =	vst v63  }
0x3e0: {  	s0 =	sld [smem:$0x7E6]  }
0x3e1: {  	[hbm4b:s31+s2] =	stream.linear.scatter [tilespmem:s2], [sflag:$0x3], $0x8000, $0x38;
	[tilespmem:$0x10000] =	vst v63  }
0x3e2: {  	s31 =	sld [smem:$0x7E7]  }
0x3e3: {  	[hbm4b:s0+s2] =	stream.linear.scatter [tilespmem:s2], [sflag:$0x3], $0x8000, $0x38;
	[tilespmem:$0x10000] =	vst v63  }
0x3e4: {  	_ = 	snop  }
0x3e5: {  	[hbm4b:s31+s2] =	stream.linear.scatter [tilespmem:s2], [sflag:$0x3], $0x8000, $0x38;
	[tilespmem:$0x10000] =	vst v63  }
0x3e6: {  	_ =	swait.ge [sflag:s4], $0x8000  }
0x3e7: {  	[sflag:s4] =	ssyncset.done $0x0  }
0x3e8: {  	[sflag:s4] =	ssyncadd.s32 $0xFFFF8000  }
0x3e9: {  	_ =	swait.ge [sflag:s4], $0x8000  }
0x3ea: {  	[sflag:s4] =	ssyncset.done $0x0  }
0x3eb: {  	[sflag:s4] =	ssyncadd.s32 $0xFFFF8000  }
0x3ec: {  	_ =	swait.ge [sflag:s4], $0x8000  }
0x3ed: {  	[sflag:s4] =	ssyncset.done $0x0  }
0x3ee: {  	[sflag:s4] =	ssyncadd.s32 $0xFFFF8000  }
0x3ef: {  	_ =	swait.ge [sflag:s4], $0x8000  }
0x3f0: {  	s31 =	sld [smem:$0x7E8]  }
0x3f1: {  	[sflag:s4] =	ssyncset.done $0x0  }
0x3f2: {  	[sflag:s4] =	ssyncadd.s32 $0xFFFF8000  }
0x3f3: {  	[tilespmem:s2], [sflag:$0x1] =	stream.linear.gather [hbm4b:s31+s2], $0x8000, $0x38;
	[tilespmem:$0x10000] =	vst v63  }
0x3f4: {  	_ =	swait.ge [sflag:s15], $0x8000  }
0x3f5: {  	s1 =	sld [smem:$0x7E9]  }
0x3f6: {  	[sflag:s15] =	ssyncset.done $0x0  }
0x3f7: {  	s31 =	sld [smem:$0x7EA];
	[sflag:s15] =	ssyncadd.s32 $0xFFFF8000  }
0x3f8: {  	[hbm4b:s1+s2] =	stream.linear.scatter [tilespmem:s13], [sflag:$0x4], $0x8000, $0x38;
	[tilespmem:$0x10000] =	vst v63  }
0x3f9: {  	s0 =	sld [smem:$0x7EB]  }
0x3fa: {  	[hbm4b:s31+s2] =	stream.linear.scatter [tilespmem:s13], [sflag:$0x4], $0x8000, $0x38;
	[tilespmem:$0x10000] =	vst v63  }
0x3fb: {  	s31 =	sld [smem:$0x7EC]  }
0x3fc: {  	[hbm4b:s0+s2] =	stream.linear.scatter [tilespmem:s13], [sflag:$0x4], $0x8000, $0x38;
	[tilespmem:$0x10000] =	vst v63  }
0x3fd: {  	_ = 	snop  }
0x3fe: {  	[hbm4b:s31+s2] =	stream.linear.scatter [tilespmem:s13], [sflag:$0x4], $0x8000, $0x38;
	[tilespmem:$0x10000] =	vst v63  }
0x3ff: {  	_ =	swait.ge [sflag:s3], $0x8000  }
0x400: {  	[sflag:s3] =	ssyncset.done $0x0  }
0x401: {  	[sflag:s3] =	ssyncadd.s32 $0xFFFF8000  }
0x402: {  	_ =	swait.ge [sflag:s3], $0x8000  }
0x403: {  	[sflag:s3] =	ssyncset.done $0x0  }
0x404: {  	[sflag:s3] =	ssyncadd.s32 $0xFFFF8000  }
0x405: {  	_ =	swait.ge [sflag:s3], $0x8000  }
0x406: {  	[sflag:s3] =	ssyncset.done $0x0  }
0x407: {  	[sflag:s3] =	ssyncadd.s32 $0xFFFF8000  }
0x408: {  	_ =	swait.ge [sflag:s3], $0x8000  }
0x409: {  	s31 =	sld [smem:$0x7ED]  }
0x40a: {  	[sflag:s3] =	ssyncset.done $0x0  }
0x40b: {  	[sflag:s3] =	ssyncadd.s32 $0xFFFF8000  }
0x40c: {  	[tilespmem:s13], [sflag:$0x2] =	stream.linear.gather [hbm4b:s31+s2], $0x8000, $0x38;
	[tilespmem:$0x10000] =	vst v63  }
0x40d: {  	_ =	swait.ge [sflag:s18], $0x8000  }
0x40e: {  	s1 =	sld [smem:$0x7EE]  }
0x40f: {  	[sflag:s18] =	ssyncset.done $0x0  }
0x410: {  	s31 =	sld [smem:$0x7EF];
	[sflag:s18] =	ssyncadd.s32 $0xFFFF8000  }
0x411: {  	[hbm4b:s1+s2] =	stream.linear.scatter [tilespmem:s2], [sflag:$0x3], $0x8000, $0x38;
	[tilespmem:$0x10000] =	vst v63  }
0x412: {  	s0 =	sld [smem:$0x7F0]  }
0x413: {  	[hbm4b:s31+s2] =	stream.linear.scatter [tilespmem:s2], [sflag:$0x3], $0x8000, $0x38;
	[tilespmem:$0x10000] =	vst v63  }
0x414: {  	s31 =	sld [smem:$0x7F1]  }
0x415: {  	[hbm4b:s0+s2] =	stream.linear.scatter [tilespmem:s2], [sflag:$0x3], $0x8000, $0x38;
	[tilespmem:$0x10000] =	vst v63  }
0x416: {  	_ = 	snop  }
0x417: {  	[hbm4b:s31+s2] =	stream.linear.scatter [tilespmem:s2], [sflag:$0x3], $0x8000, $0x38;
	[tilespmem:$0x10000] =	vst v63  }
0x418: {  	_ =	swait.ge [sflag:s4], $0x8000  }
0x419: {  	[sflag:s4] =	ssyncset.done $0x0  }
0x41a: {  	[sflag:s4] =	ssyncadd.s32 $0xFFFF8000  }
0x41b: {  	_ =	swait.ge [sflag:s4], $0x8000  }
0x41c: {  	[sflag:s4] =	ssyncset.done $0x0  }
0x41d: {  	[sflag:s4] =	ssyncadd.s32 $0xFFFF8000  }
0x41e: {  	_ =	swait.ge [sflag:s4], $0x8000  }
0x41f: {  	[sflag:s4] =	ssyncset.done $0x0  }
0x420: {  	[sflag:s4] =	ssyncadd.s32 $0xFFFF8000  }
0x421: {  	_ =	swait.ge [sflag:s4], $0x8000  }
0x422: {  	s31 =	sld [smem:$0x7F2]  }
0x423: {  	[sflag:s4] =	ssyncset.done $0x0  }
0x424: {  	[sflag:s4] =	ssyncadd.s32 $0xFFFF8000  }
0x425: {  	[tilespmem:s2], [sflag:$0x1] =	stream.linear.gather [hbm4b:s31+s2], $0x8000, $0x38;
	[tilespmem:$0x10000] =	vst v63  }
0x426: {  	_ =	swait.ge [sflag:s15], $0x8000  }
0x427: {  	s1 =	sld [smem:$0x7F3]  }
0x428: {  	[sflag:s15] =	ssyncset.done $0x0  }
0x429: {  	s31 =	sld [smem:$0x7F4];
	[sflag:s15] =	ssyncadd.s32 $0xFFFF8000  }
0x42a: {  	[hbm4b:s1+s2] =	stream.linear.scatter [tilespmem:s13], [sflag:$0x4], $0x8000, $0x38;
	[tilespmem:$0x10000] =	vst v63  }
0x42b: {  	s0 =	sld [smem:$0x7F5]  }
0x42c: {  	[hbm4b:s31+s2] =	stream.linear.scatter [tilespmem:s13], [sflag:$0x4], $0x8000, $0x38;
	[tilespmem:$0x10000] =	vst v63  }
0x42d: {  	s31 =	sld [smem:$0x7F6]  }
0x42e: {  	[hbm4b:s0+s2] =	stream.linear.scatter [tilespmem:s13], [sflag:$0x4], $0x8000, $0x38;
	[tilespmem:$0x10000] =	vst v63  }
0x42f: {  	_ = 	snop  }
0x430: {  	[hbm4b:s31+s2] =	stream.linear.scatter [tilespmem:s13], [sflag:$0x4], $0x8000, $0x38;
	[tilespmem:$0x10000] =	vst v63  }
0x431: {  	_ =	swait.ge [sflag:s3], $0x8000  }
0x432: {  	[sflag:s3] =	ssyncset.done $0x0  }
0x433: {  	[sflag:s3] =	ssyncadd.s32 $0xFFFF8000  }
0x434: {  	_ =	swait.ge [sflag:s3], $0x8000  }
0x435: {  	[sflag:s3] =	ssyncset.done $0x0  }
0x436: {  	[sflag:s3] =	ssyncadd.s32 $0xFFFF8000  }
0x437: {  	_ =	swait.ge [sflag:s3], $0x8000  }
0x438: {  	[sflag:s3] =	ssyncset.done $0x0  }
0x439: {  	[sflag:s3] =	ssyncadd.s32 $0xFFFF8000  }
0x43a: {  	_ =	swait.ge [sflag:s3], $0x8000  }
0x43b: {  	s31 =	sld [smem:$0x7F7]  }
0x43c: {  	[sflag:s3] =	ssyncset.done $0x0  }
0x43d: {  	[sflag:s3] =	ssyncadd.s32 $0xFFFF8000  }
0x43e: {  	[tilespmem:s13], [sflag:$0x2] =	stream.linear.gather [hbm4b:s31+s2], $0x8000, $0x38;
	[tilespmem:$0x10000] =	vst v63  }
0x43f: {  	_ =	swait.ge [sflag:s18], $0x8000  }
0x440: {  	s1 =	sld [smem:$0x7F8]  }
0x441: {  	[sflag:s18] =	ssyncset.done $0x0  }
0x442: {  	s31 =	sld [smem:$0x7F9];
	[sflag:s18] =	ssyncadd.s32 $0xFFFF8000  }
0x443: {  	[hbm4b:s1+s2] =	stream.linear.scatter [tilespmem:s2], [sflag:$0x3], $0x8000, $0x38;
	[tilespmem:$0x10000] =	vst v63  }
0x444: {  	s0 =	sld [smem:$0x7FA]  }
0x445: {  	[hbm4b:s31+s2] =	stream.linear.scatter [tilespmem:s2], [sflag:$0x3], $0x8000, $0x38;
	[tilespmem:$0x10000] =	vst v63  }
0x446: {  	s31 =	sld [smem:$0x7FB]  }
0x447: {  	[hbm4b:s0+s2] =	stream.linear.scatter [tilespmem:s2], [sflag:$0x3], $0x8000, $0x38;
	[tilespmem:$0x10000] =	vst v63  }
0x448: {  	_ = 	snop  }
0x449: {  	[hbm4b:s31+s2] =	stream.linear.scatter [tilespmem:s2], [sflag:$0x3], $0x8000, $0x38;
	[tilespmem:$0x10000] =	vst v63  }
0x44a: {  	_ =	swait.ge [sflag:s4], $0x8000  }
0x44b: {  	[sflag:s4] =	ssyncset.done $0x0  }
0x44c: {  	[sflag:s4] =	ssyncadd.s32 $0xFFFF8000  }
0x44d: {  	_ =	swait.ge [sflag:s4], $0x8000  }
0x44e: {  	[sflag:s4] =	ssyncset.done $0x0  }
0x44f: {  	[sflag:s4] =	ssyncadd.s32 $0xFFFF8000  }
0x450: {  	_ =	swait.ge [sflag:s4], $0x8000  }
0x451: {  	[sflag:s4] =	ssyncset.done $0x0  }
0x452: {  	[sflag:s4] =	ssyncadd.s32 $0xFFFF8000  }
0x453: {  	_ =	swait.ge [sflag:s4], $0x8000  }
0x454: {  	s31 =	sld [smem:$0x7FC]  }
0x455: {  	[sflag:s4] =	ssyncset.done $0x0  }
0x456: {  	[sflag:s4] =	ssyncadd.s32 $0xFFFF8000  }
0x457: {  	[tilespmem:s2], [sflag:$0x1] =	stream.linear.gather [hbm4b:s31+s2], $0x8000, $0x38;
	[tilespmem:$0x10000] =	vst v63  }
0x458: {  	_ =	swait.ge [sflag:s15], $0x8000  }
0x459: {  	s1 =	sld [smem:$0x7FD]  }
0x45a: {  	[sflag:s15] =	ssyncset.done $0x0  }
0x45b: {  	[sflag:s15] =	ssyncadd.s32 $0xFFFF8000  }
0x45c: {  	[hbm4b:s1+s2] =	stream.linear.scatter [tilespmem:s13], [sflag:$0x4], $0x8000, $0x38;
	[tilespmem:$0x10000] =	vst v63  }
0x45d: {  	_ = 	snop  }
0x45e: {  	[hbm4b:s28+s2] =	stream.linear.scatter [tilespmem:s13], [sflag:$0x4], $0x8000, $0x38;
	[tilespmem:$0x10000] =	vst v63  }
0x45f: {  	_ = 	snop  }
0x460: {  	[hbm4b:s29+s2] =	stream.linear.scatter [tilespmem:s13], [sflag:$0x4], $0x8000, $0x38;
	[tilespmem:$0x10000] =	vst v63  }
0x461: {  	_ = 	snop  }
0x462: {  	[hbm4b:s30+s2] =	stream.linear.scatter [tilespmem:s13], [sflag:$0x4], $0x8000, $0x38;
	[tilespmem:$0x10000] =	vst v63  }
0x463: {  	_ =	swait.ge [sflag:s3], $0x8000  }
0x464: {  	[sflag:s3] =	ssyncset.done $0x0  }
0x465: {  	[sflag:s3] =	ssyncadd.s32 $0xFFFF8000  }
0x466: {  	_ =	swait.ge [sflag:s3], $0x8000  }
0x467: {  	[sflag:s3] =	ssyncset.done $0x0  }
0x468: {  	[sflag:s3] =	ssyncadd.s32 $0xFFFF8000  }
0x469: {  	_ =	swait.ge [sflag:s3], $0x8000  }
0x46a: {  	[sflag:s3] =	ssyncset.done $0x0  }
0x46b: {  	[sflag:s3] =	ssyncadd.s32 $0xFFFF8000  }
0x46c: {  	_ =	swait.ge [sflag:s3], $0x8000  }
0x46d: {  	[sflag:s3] =	ssyncset.done $0x0  }
0x46e: {  	[sflag:s3] =	ssyncadd.s32 $0xFFFF8000  }
0x46f: {  	[tilespmem:s13], [sflag:$0x2] =	stream.linear.gather [hbm4b:s26+s2], $0x8000, $0x38;
	[tilespmem:$0x10000] =	vst v63  }
0x470: {  	_ =	swait.ge [sflag:s18], $0x8000  }
0x471: {  	[sflag:s18] =	ssyncset.done $0x0  }
0x472: {  	[sflag:s18] =	ssyncadd.s32 $0xFFFF8000  }
0x473: {  	[hbm4b:s22+s2] =	stream.linear.scatter [tilespmem:s2], [sflag:$0x3], $0x8000, $0x38;
	[tilespmem:$0x10000] =	vst v63  }
0x474: {  	_ = 	snop  }
0x475: {  	[hbm4b:s23+s2] =	stream.linear.scatter [tilespmem:s2], [sflag:$0x3], $0x8000, $0x38;
	[tilespmem:$0x10000] =	vst v63  }
0x476: {  	_ = 	snop  }
0x477: {  	[hbm4b:s24+s2] =	stream.linear.scatter [tilespmem:s2], [sflag:$0x3], $0x8000, $0x38;
	[tilespmem:$0x10000] =	vst v63  }
0x478: {  	_ = 	snop  }
0x479: {  	[hbm4b:s25+s2] =	stream.linear.scatter [tilespmem:s2], [sflag:$0x3], $0x8000, $0x38;
	[tilespmem:$0x10000] =	vst v63  }
0x47a: {  	_ =	swait.ge [sflag:s4], $0x8000  }
0x47b: {  	[sflag:s4] =	ssyncset.done $0x0  }
0x47c: {  	[sflag:s4] =	ssyncadd.s32 $0xFFFF8000  }
0x47d: {  	_ =	swait.ge [sflag:s4], $0x8000  }
0x47e: {  	[sflag:s4] =	ssyncset.done $0x0  }
0x47f: {  	[sflag:s4] =	ssyncadd.s32 $0xFFFF8000  }
0x480: {  	_ =	swait.ge [sflag:s4], $0x8000  }
0x481: {  	[sflag:s4] =	ssyncset.done $0x0  }
0x482: {  	[sflag:s4] =	ssyncadd.s32 $0xFFFF8000  }
0x483: {  	_ =	swait.ge [sflag:s4], $0x8000  }
0x484: {  	[sflag:s4] =	ssyncset.done $0x0  }
0x485: {  	[sflag:s4] =	ssyncadd.s32 $0xFFFF8000  }
0x486: {  	[tilespmem:s2], [sflag:$0x1] =	stream.linear.gather [hbm4b:s21+s2], $0x8000, $0x38;
	[tilespmem:$0x10000] =	vst v63  }
0x487: {  	_ =	swait.ge [sflag:s15], $0x8000  }
0x488: {  	[sflag:s15] =	ssyncset.done $0x0  }
0x489: {  	[sflag:s15] =	ssyncadd.s32 $0xFFFF8000  }
0x48a: {  	[hbm4b:s16+s2] =	stream.linear.scatter [tilespmem:s13], [sflag:$0x4], $0x8000, $0x38;
	[tilespmem:$0x10000] =	vst v63  }
0x48b: {  	_ = 	snop  }
0x48c: {  	[hbm4b:s17+s2] =	stream.linear.scatter [tilespmem:s13], [sflag:$0x4], $0x8000, $0x38;
	[tilespmem:$0x10000] =	vst v63  }
0x48d: {  	_ = 	snop  }
0x48e: {  	[hbm4b:s19+s2] =	stream.linear.scatter [tilespmem:s13], [sflag:$0x4], $0x8000, $0x38;
	[tilespmem:$0x10000] =	vst v63  }
0x48f: {  	_ = 	snop  }
0x490: {  	[hbm4b:s20+s2] =	stream.linear.scatter [tilespmem:s13], [sflag:$0x4], $0x8000, $0x38;
	[tilespmem:$0x10000] =	vst v63  }
0x491: {  	_ =	swait.ge [sflag:s3], $0x8000  }
0x492: {  	[sflag:s3] =	ssyncset.done $0x0  }
0x493: {  	[sflag:s3] =	ssyncadd.s32 $0xFFFF8000  }
0x494: {  	_ =	swait.ge [sflag:s3], $0x8000  }
0x495: {  	[sflag:s3] =	ssyncset.done $0x0  }
0x496: {  	[sflag:s3] =	ssyncadd.s32 $0xFFFF8000  }
0x497: {  	_ =	swait.ge [sflag:s3], $0x8000  }
0x498: {  	[sflag:s3] =	ssyncset.done $0x0  }
0x499: {  	[sflag:s3] =	ssyncadd.s32 $0xFFFF8000  }
0x49a: {  	_ =	swait.ge [sflag:s3], $0x8000  }
0x49b: {  	[sflag:s3] =	ssyncset.done $0x0  }
0x49c: {  	[sflag:s3] =	ssyncadd.s32 $0xFFFF8000  }
0x49d: {  	[tilespmem:s13], [sflag:$0x2] =	stream.linear.gather [hbm4b:s14+s2], $0x8000, $0x38;
	[tilespmem:$0x10000] =	vst v63  }
0x49e: {  	_ =	swait.ge [sflag:s18], $0x8000  }
0x49f: {  	[sflag:s18] =	ssyncset.done $0x0  }
0x4a0: {  	[sflag:s18] =	ssyncadd.s32 $0xFFFF8000  }
0x4a1: {  	[hbm4b:s8+s2] =	stream.linear.scatter [tilespmem:s2], [sflag:$0x3], $0x8000, $0x38;
	[tilespmem:$0x10000] =	vst v63  }
0x4a2: {  	_ = 	snop  }
0x4a3: {  	[hbm4b:s9+s2] =	stream.linear.scatter [tilespmem:s2], [sflag:$0x3], $0x8000, $0x38;
	[tilespmem:$0x10000] =	vst v63  }
0x4a4: {  	_ = 	snop  }
0x4a5: {  	[hbm4b:s10+s2] =	stream.linear.scatter [tilespmem:s2], [sflag:$0x3], $0x8000, $0x38;
	[tilespmem:$0x10000] =	vst v63  }
0x4a6: {  	_ = 	snop  }
0x4a7: {  	[hbm4b:s11+s2] =	stream.linear.scatter [tilespmem:s2], [sflag:$0x3], $0x8000, $0x38;
	[tilespmem:$0x10000] =	vst v63  }
0x4a8: {  	_ =	swait.ge [sflag:s15], $0x8000  }
0x4a9: {  	[sflag:s15] =	ssyncset.done $0x0  }
0x4aa: {  	[sflag:s15] =	ssyncadd.s32 $0xFFFF8000  }
0x4ab: {  	[hbm4b:s5+s2] =	stream.linear.scatter [tilespmem:s13], [sflag:$0x4], $0x8000, $0x38;
	[tilespmem:$0x10000] =	vst v63  }
0x4ac: {  	_ = 	snop  }
0x4ad: {  	[hbm4b:s6+s2] =	stream.linear.scatter [tilespmem:s13], [sflag:$0x4], $0x8000, $0x38;
	[tilespmem:$0x10000] =	vst v63  }
0x4ae: {  	_ = 	snop  }
0x4af: {  	[hbm4b:s7+s2] =	stream.linear.scatter [tilespmem:s13], [sflag:$0x4], $0x8000, $0x38;
	[tilespmem:$0x10000] =	vst v63  }
0x4b0: {  	_ = 	snop  }
0x4b1: {  	[hbm4b:s12+s2] =	stream.linear.scatter [tilespmem:s13], [sflag:$0x4], $0x8000, $0x38;
	[tilespmem:$0x10000] =	vst v63  }
0x4b2: {  	_ =	swait.ge [sflag:s4], $0x8000  }
0x4b3: {  	[sflag:s4] =	ssyncset.done $0x0  }
0x4b4: {  	[sflag:s4] =	ssyncadd.s32 $0xFFFF8000  }
0x4b5: {  	_ =	swait.ge [sflag:s4], $0x8000  }
0x4b6: {  	[sflag:s4] =	ssyncset.done $0x0  }
0x4b7: {  	[sflag:s4] =	ssyncadd.s32 $0xFFFF8000  }
0x4b8: {  	_ =	swait.ge [sflag:s4], $0x8000  }
0x4b9: {  	[sflag:s4] =	ssyncset.done $0x0  }
0x4ba: {  	[sflag:s4] =	ssyncadd.s32 $0xFFFF8000  }
0x4bb: {  	_ =	swait.ge [sflag:s4], $0x8000  }
0x4bc: {  	[sflag:s4] =	ssyncset.done $0x0  }
0x4bd: {  	[sflag:s4] =	ssyncadd.s32 $0xFFFF8000  }
0x4be: {  	_ =	swait.ge [sflag:s3], $0x8000  }
0x4bf: {  	[sflag:s3] =	ssyncset.done $0x0  }
0x4c0: {  	[sflag:s3] =	ssyncadd.s32 $0xFFFF8000  }
0x4c1: {  	_ =	swait.ge [sflag:s3], $0x8000  }
0x4c2: {  	[sflag:s3] =	ssyncset.done $0x0  }
0x4c3: {  	[sflag:s3] =	ssyncadd.s32 $0xFFFF8000  }
0x4c4: {  	_ =	swait.ge [sflag:s3], $0x8000  }
0x4c5: {  	[sflag:s3] =	ssyncset.done $0x0  }
0x4c6: {  	[sflag:s3] =	ssyncadd.s32 $0xFFFF8000  }
0x4c7: {  	_ =	swait.ge [sflag:s3], $0x8000  }
0x4c8: {  	[sflag:s3] =	ssyncset.done $0x0  }
0x4c9: {  	[sflag:s3] =	ssyncadd.s32 $0xFFFF8000  }
0x4ca: {  	_ =	sfence.sel $0x180000  }
0x4cb: {  	[bflag:$0x0] =	sbarrier.arrive $0xFFFF  }
0x4cc: {  	_ =	strace $0x90000047  }
0x4cd: {  	s31 =	stileid.u32;
	[bflag:$0x2] =	sbarrier.arrive $0xFFFF  }
0x4ce: {  	p0 =	sne.s32 s31, $0x0;
	s0 =	rddreg [dreg:$0x2]  }
0x4cf: {  	s0 =	sadd.s32 @!p0 $0x100000, s0  }
0x4d0: {  	[sflag:s0] =	ssyncadd.tile.s32 @!p0 $0x1;
	_ =	shalt  }
.LBB2_2:
.Ltmp3:
0x4d1: {  	(pc) =	sbr.rel .LBB2_5-.Ltmp3, $2  }
0x4d2: {  	_ =	sdelay $0x2  }
0x4d3: {  	s31 =	sld [smem:$0x7E1]  }
.Lfunc_end2:
_tile_overlayer_lowered:
.L_overlay_start_2:
0x4d4: {  	(tag) =	ssettag $0x2  }
0x4d5: {  	s0 =	rddreg [dreg:$0x0];
	s2 =	stileid.u32  }
0x4d6: {  	s1 =	rddreg [dreg:$0x1];
	p0 =	sne.s32 s2, $0x0  }
0x4d7: {  	s3 =	rddreg [dreg:$0x2];
	[bflag:$0x3] =	sbarrier.arrive $0xFFFF;
	s2 =	simm.s32 @!p0 $0x1C05  }
0x4d8: {  	[timem:s3], [sflag:s2] =	dma.local @!p0 [hbm:s0], s1  }
0x4d9: {  	s0 =	simm.s32 @!p0 $0x5  }
0x4da: {  	_ =	swait.ge @!p0 [sflag:s0], s1  }
0x4db: {  	s1 =	ssub.s32 @!p0 $0x0, s1;
	[sflag:s0] =	ssyncset.done @!p0 $0x0  }
0x4dc: {  	[sflag:s0] =	ssyncadd.s32 @!p0 s1  }
0x4dd: {  	[bflag:$0x3] =	sbarrier.arrive $0xFFFF  }
0x4de: {  	_ =	shalt  }

</sc_bundles>
